<compile_context>
chip_gen: v7x
topology: tpu7x:2x2x1
jax: 0.10.2.dev20260603
libtpu: 0.0.44.dev20260713+nightly
codegen_flags: <defaults>
</compile_context>

<pallas_src>
import functools

import jax
import jax.numpy as jnp
from jax import lax
from jax.experimental import pallas as pl
from jax.experimental.pallas import tpu as pltpu
from jax.experimental.pallas import tpu_sc as plsc

B, N, D = 4, 2048, 768
K = 8
P = 1024
H = 128
EPS = 1e-8
BN = B * N
RB = 256
NB = N // RB
NW = 32
NPW = BN // NW
NEG = float("-inf")


def _topk_body(sim_ref, o_ref):
    b = pl.program_id(0)
    n = pl.program_id(1)
    sim = sim_ref[...]
    r0 = n * RB
    row_ids = r0 + lax.broadcasted_iota(jnp.int32, (RB, 1), 0)
    col_ids = lax.broadcasted_iota(jnp.int32, (RB, N), 1)
    sim = jnp.where(col_ids == row_ids, NEG, sim)
    lane8 = lax.broadcasted_iota(jnp.int32, (RB, K), 1)
    out = jnp.zeros((RB, K), jnp.int32)
    for k in range(K):
        m = jnp.max(sim, axis=1, keepdims=True)
        cand = jnp.where(sim == m, col_ids, N)
        a = jnp.min(cand, axis=1, keepdims=True)
        sim = jnp.where(col_ids == a, NEG, sim)
        out = jnp.where(lane8 == k, a + b * N, out)
    o_ref[...] = out


def _topk(sim2d):
    return pl.pallas_call(
        _topk_body,
        grid=(B, NB),
        in_specs=[
            pl.BlockSpec((RB, N), lambda b, n: (b * NB + n, 0)),
        ],
        out_specs=pl.BlockSpec((RB, K), lambda b, n: (b * NB + n, 0)),
        out_shape=jax.ShapeDtypeStruct((BN, K), jnp.int32),
    )(sim2d)


def _sc_agg_body(topkf_hbm, tokens_hbm, agg_hbm, maskf_hbm,
                 degsum_hbm, topk_v, slab_topk_v, idx_v, maskf_v, invdeg_v,
                 rows0_v, rows1_v, slab_v, stage_v, g0, g1, out_sem):
    wid = lax.axis_index("s") * 2 + lax.axis_index("c")
    base_node = wid * NPW
    pltpu.sync_copy(topkf_hbm, topk_v)
    pltpu.sync_copy(topkf_hbm.at[pl.ds(base_node * K, NPW * K)], slab_topk_v)
    pltpu.sync_copy(topkf_hbm.at[pl.ds(base_node * K, NPW * K)], idx_v)

    def _full(v):
        return jnp.full((16,), v, jnp.int32)

    def phase1(g, degsum):
        i_loc = g * 16 + lax.iota(jnp.int32, 16)
        i_glob = i_loc + base_node
        deg = jnp.zeros((16,), jnp.float32)
        for s in range(K):
            js = plsc.load_gather(slab_topk_v, [i_loc * K + s])
            mut = jnp.zeros((16,), jnp.bool_)
            for t in range(K):
                vt = plsc.load_gather(topk_v, [js * K + t])
                mut = mut | (vt == i_glob)
            mf = mut.astype(jnp.float32)
            deg = deg + mf
            plsc.store_scatter(maskf_v, [i_loc * K + s], mf)
        inv = 1.0 / jnp.maximum(deg, 1.0)
        plsc.store_scatter(invdeg_v, [i_loc], inv)
        return degsum + deg

    degsum = lax.fori_loop(0, NPW // 16, phase1, jnp.zeros((16,), jnp.float32))
    stage_v[...] = degsum
    pltpu.sync_copy(stage_v, degsum_hbm.at[wid])
    pltpu.sync_copy(maskf_v, maskf_hbm.at[pl.ds(base_node * K, NPW * K)])

    gsems = (g0, g1)
    rows = (rows0_v, rows1_v)

    def fire(node, slot):
        pltpu.make_async_copy(
            tokens_hbm.at[idx_v.at[pl.ds(node * K, K)]], rows[slot],
            gsems[slot]
        ).start()

    for u in range(2):
        fire(u, u)

    def phase2(n2, carry):
        for u in range(2):
            node = n2 * 2 + u
            pltpu.make_async_copy(
                tokens_hbm.at[idx_v.at[pl.ds(node * K, K)]], rows[u],
                gsems[u]
            ).wait()
            w = [plsc.load_gather(maskf_v, [_full(0) + (node * K + s)])
                 for s in range(K)]
            inv = plsc.load_gather(invdeg_v, [_full(0) + node])

            def chunk4(c4, carry2):
                for cc in range(4):
                    sl = pl.ds((c4 * 4 + cc) * 16, 16)
                    acc = rows[u][0, sl] * w[0]
                    for s in range(1, K):
                        acc = acc + rows[u][s, sl] * w[s]
                    slab_v[u, sl] = acc * inv
                return carry2

            lax.fori_loop(0, D // 64, chunk4, jnp.int32(0))

            @pl.when(node + 2 < NPW)
            def _():
                fire(node + 2, u)

            pltpu.make_async_copy(
                slab_v.at[u], agg_hbm.at[base_node + node], out_sem
            ).start()
        for u in range(2):
            pltpu.make_async_copy(
                slab_v.at[u], agg_hbm.at[0], out_sem
            ).wait()
        return carry

    lax.fori_loop(0, NPW // 2, phase2, jnp.int32(0))


def _sc_agg(topk_g, tokens2d):
    mesh = plsc.VectorSubcoreMesh(core_axis_name="c", subcore_axis_name="s")
    f = pl.kernel(
        _sc_agg_body,
        compiler_params=pltpu.CompilerParams(needs_layout_passes=False),
        out_type=[
            jax.ShapeDtypeStruct((BN, D), jnp.float32),
            jax.ShapeDtypeStruct((BN * K,), jnp.float32),
            jax.ShapeDtypeStruct((NW, 16), jnp.float32),
        ],
        mesh=mesh,
        scratch_types=[
            pltpu.VMEM((BN * K,), jnp.int32),
            pltpu.VMEM((NPW * K,), jnp.int32),
            pltpu.VMEM((NPW * K,), jnp.int32),
            pltpu.VMEM((NPW * K,), jnp.float32),
            pltpu.VMEM((NPW,), jnp.float32),
            pltpu.VMEM((K, D), jnp.float32),
            pltpu.VMEM((K, D), jnp.float32),
            pltpu.VMEM((2, D), jnp.float32),
            pltpu.VMEM((16,), jnp.float32),
            pltpu.SemaphoreType.DMA,
            pltpu.SemaphoreType.DMA,
            pltpu.SemaphoreType.DMA,
        ],
    )
    return f(topk_g.reshape(BN * K), tokens2d)


def _erf(x):
    t = 1.0 / (1.0 + 0.3275911 * jnp.abs(x))
    y = t * (0.254829592 + t * (-0.284496736 + t * (1.421413741
        + t * (-1.453152027 + t * 1.061405429))))
    e = 1.0 - y * jnp.exp(-x * x)
    return jnp.sign(x) * e


def _mlp_body(tok_ref, agg_ref, w1a_ref, w1b_ref, b1_ref, w2_ref,
              b2_ref, assign_ref, pooled_ref, gss_ref, ent_ref,
              g_scr, ent_scr):
    n = pl.program_id(1)
    tok = tok_ref[...]
    ag = agg_ref[...]
    pre = (lax.dot_general(tok, w1a_ref[...], (((1,), (0,)), ((), ())),
                           preferred_element_type=jnp.float32)
           + lax.dot_general(ag, w1b_ref[...], (((1,), (0,)), ((), ())),
                             preferred_element_type=jnp.float32)
           + b1_ref[...])
    h = 0.5 * pre * (1.0 + lax.erf(pre * 0.7071067811865476))
    logits = lax.dot_general(h, w2_ref[...], (((1,), (0,)), ((), ())),
                             preferred_element_type=jnp.float32) + b2_ref[...]
    m = jnp.max(logits, axis=1, keepdims=True)
    e = jnp.exp(logits - m)
    s = jnp.sum(e, axis=1, keepdims=True)
    assign = e / s
    assign_ref[...] = assign

    pooled_part = lax.dot_general(assign, tok, (((0,), (0,)), ((), ())),
                                  preferred_element_type=jnp.float32)
    gram = lax.dot_general(assign, assign, (((0,), (0,)), ((), ())),
                           preferred_element_type=jnp.float32)
    ent_part = jnp.sum(assign * jnp.log(assign + EPS))

    @pl.when(n == 0)
    def _():
        pooled_ref[0] = pooled_part
        g_scr[...] = gram
        ent_scr[0] = ent_part

    @pl.when(n != 0)
    def _():
        pooled_ref[0] += pooled_part
        g_scr[...] += gram
        ent_scr[0] += ent_part

    @pl.when(n == NB - 1)
    def _():
        g = g_scr[...]
        gss_ref[0] = jnp.full((1, 128), jnp.sum(g * g))
        ent_ref[0] = jnp.full((1, 128), ent_scr[0])


def _mlp(tokens2d, agg, w1a, w1b, b1r, w2, b2r):
    return pl.pallas_call(
        _mlp_body,
        grid=(B, NB),
        in_specs=[
            pl.BlockSpec((RB, D), lambda b, n: (b * NB + n, 0)),
            pl.BlockSpec((RB, D), lambda b, n: (b * NB + n, 0)),
            pl.BlockSpec((D, H), lambda b, n: (0, 0)),
            pl.BlockSpec((D, H), lambda b, n: (0, 0)),
            pl.BlockSpec((1, H), lambda b, n: (0, 0)),
            pl.BlockSpec((H, P), lambda b, n: (0, 0)),
            pl.BlockSpec((1, P), lambda b, n: (0, 0)),
        ],
        out_specs=[
            pl.BlockSpec((RB, P), lambda b, n: (b * NB + n, 0)),
            pl.BlockSpec((1, P, D), lambda b, n: (b, 0, 0)),
            pl.BlockSpec((1, 1, 128), lambda b, n: (b, 0, 0)),
            pl.BlockSpec((1, 1, 128), lambda b, n: (b, 0, 0)),
        ],
        out_shape=[
            jax.ShapeDtypeStruct((BN, P), jnp.float32),
            jax.ShapeDtypeStruct((B, P, D), jnp.float32),
            jax.ShapeDtypeStruct((B, 1, 128), jnp.float32),
            jax.ShapeDtypeStruct((B, 1, 128), jnp.float32),
        ],
        scratch_shapes=[
            pltpu.VMEM((P, P), jnp.float32),
            pltpu.SMEM((1,), jnp.float32),
        ],
    )(tokens2d, agg, w1a, w1b, b1r, w2, b2r)


def _sc_cross_body(topkf_hbm, maskf_hbm, assign_hbm, cross_hbm,
                   idx_v, maskf_v, rows0_v, rows1_v, self_v, stage_v,
                   g0, g1):
    wid = lax.axis_index("s") * 2 + lax.axis_index("c")
    base_node = wid * NPW
    pltpu.sync_copy(topkf_hbm.at[pl.ds(base_node * K, NPW * K)], idx_v)
    pltpu.sync_copy(maskf_hbm.at[pl.ds(base_node * K, NPW * K)], maskf_v)

    def _full(v):
        return jnp.full((16,), v, jnp.int32)

    gsems = (g0, g1)
    rows = (rows0_v, rows1_v)

    def fire(node, slot):
        pltpu.make_async_copy(
            assign_hbm.at[idx_v.at[pl.ds(node * K, K)]], rows[slot],
            gsems[slot]
        ).start()
        pltpu.make_async_copy(
            assign_hbm.at[base_node + node], self_v.at[slot], gsems[slot]
        ).start()

    def drain(node, slot):
        pltpu.make_async_copy(
            assign_hbm.at[idx_v.at[pl.ds(node * K, K)]], rows[slot],
            gsems[slot]
        ).wait()
        pltpu.make_async_copy(
            assign_hbm.at[base_node + node], self_v.at[slot], gsems[slot]
        ).wait()

    for u in range(2):
        fire(u, u)

    def main(n2, cacc):
        for u in range(2):
            node = n2 * 2 + u
            drain(node, u)
            w = [plsc.load_gather(maskf_v, [_full(0) + (node * K + s)])
                 for s in range(K)]

            def chunk4(c4, acc2):
                for cc in range(4):
                    sl = pl.ds((c4 * 4 + cc) * 16, 16)
                    wsum = rows[u][0, sl] * w[0]
                    for s in range(1, K):
                        wsum = wsum + rows[u][s, sl] * w[s]
                    acc2 = acc2 + wsum * self_v[u, sl]
                return acc2

            cacc = lax.fori_loop(0, P // 64, chunk4, cacc)

            @pl.when(node + 2 < NPW)
            def _():
                fire(node + 2, u)

        return cacc

    cacc = lax.fori_loop(0, NPW // 2, main, jnp.zeros((16,), jnp.float32))
    stage_v[...] = cacc
    pltpu.sync_copy(stage_v, cross_hbm.at[wid])


def _sc_cross(topk_g, maskf, assign):
    mesh = plsc.VectorSubcoreMesh(core_axis_name="c", subcore_axis_name="s")
    f = pl.kernel(
        _sc_cross_body,
        compiler_params=pltpu.CompilerParams(needs_layout_passes=False),
        out_type=[jax.ShapeDtypeStruct((NW, 16), jnp.float32)],
        mesh=mesh,
        scratch_types=[
            pltpu.VMEM((NPW * K,), jnp.int32),
            pltpu.VMEM((NPW * K,), jnp.float32),
            pltpu.VMEM((K, P), jnp.float32),
            pltpu.VMEM((K, P), jnp.float32),
            pltpu.VMEM((2, P), jnp.float32),
            pltpu.VMEM((16,), jnp.float32),
            pltpu.SemaphoreType.DMA,
            pltpu.SemaphoreType.DMA,
        ],
    )
    return f(topk_g.reshape(BN * K), maskf, assign)[0]


def _sort_body(t_ref, tc_ref, tv_ref, pooled_ref, otok_ref, ot_ref):
    t = t_ref[0]
    tcol = tc_ref[0]
    frow = jnp.broadcast_to(t, (P, P))
    ecol = jnp.broadcast_to(tcol, (P, P))
    iq = lax.broadcasted_iota(jnp.int32, (P, P), 0)
    ip = lax.broadcasted_iota(jnp.int32, (P, P), 1)
    cmp = ((ecol < frow) | ((ecol == frow) & (iq < ip))).astype(jnp.float32)
    rank = jnp.sum(cmp, axis=0, keepdims=True)
    onehot = (iq.astype(jnp.float32) == jnp.broadcast_to(rank, (P, P))
              ).astype(jnp.float32)
    otok_ref[0] = lax.dot_general(onehot, pooled_ref[0],
                                  (((1,), (0,)), ((), ())),
                                  precision=lax.Precision.HIGHEST,
                                  preferred_element_type=jnp.float32)
    ot_ref[0] = jnp.sum(onehot * jnp.broadcast_to(tv_ref[0], (P, P)),
                        axis=1, keepdims=True)


def _sort(key_t, val_t, pooled_raw):
    return pl.pallas_call(
        _sort_body,
        grid=(B,),
        in_specs=[
            pl.BlockSpec((1, 1, P), lambda b: (b, 0, 0)),
            pl.BlockSpec((1, P, 1), lambda b: (b, 0, 0)),
            pl.BlockSpec((1, 1, P), lambda b: (b, 0, 0)),
            pl.BlockSpec((1, P, D), lambda b: (b, 0, 0)),
        ],
        out_specs=[
            pl.BlockSpec((1, P, D), lambda b: (b, 0, 0)),
            pl.BlockSpec((1, P, 1), lambda b: (b, 0, 0)),
        ],
        out_shape=[
            jax.ShapeDtypeStruct((B, P, D), jnp.float32),
            jax.ShapeDtypeStruct((B, P, 1), jnp.float32),
        ],
    )(key_t.reshape(B, 1, P), key_t.reshape(B, P, 1),
      val_t.reshape(B, 1, P), pooled_raw)


def kernel(tokens, timestamps, W1, b1, W2, b2):
    tokens2d = tokens.reshape(BN, D)
    w1a = W1[:D]
    w1b = W1[D:]
    b1r = b1.reshape(1, H)
    b2r = b2.reshape(1, P)

    tn = tokens / (jnp.linalg.norm(tokens, axis=-1, keepdims=True) + EPS)
    sim = jnp.einsum('bnd,bmd->bnm', tn, tn)
    topk_g = _topk(sim.reshape(BN, N))
    tk = topk_g.reshape(B, N, K) - (jnp.arange(B) * N)[:, None, None]
    agg, maskf, degsum = _sc_agg(topk_g, tokens2d)
    assign, pooled_raw, gss, ent = _mlp(
        tokens2d, agg, w1a, w1b, b1r, w2=W2, b2r=b2r)
    cross = _sc_cross(topk_g, maskf, assign)

    bi = jnp.arange(B)[:, None, None]
    ri = jnp.arange(N)[None, :, None]
    adj = jnp.zeros((B, N, N), dtype=bool).at[bi, ri, tk].set(True)
    adj = (adj & jnp.swapaxes(adj, 1, 2)).astype(jnp.float32)
    degree = jnp.maximum(adj.sum(axis=-1, keepdims=True), 1.0)
    aggd = jnp.einsum('bnm,bmd->bnd', adj / degree, tokens)
    feats = jnp.concatenate([tokens, aggd], axis=-1)
    hk = jax.nn.gelu(feats @ W1 + b1, approximate=False)
    assign_key = jax.nn.softmax((hk @ W2 + b2) / 1.0, axis=-1)
    key_t = jnp.einsum('bnp,bn->bp', assign_key, timestamps)
    pooled_t = jnp.einsum('bnp,bn->bp', assign.reshape(B, N, P), timestamps)
    ptok_s, pt_s = _sort(key_t, pooled_t, pooled_raw)

    edges = jnp.sum(degsum)
    link_loss = (jnp.sum(gss[:, 0, 0]) - 2.0 * jnp.sum(cross) + edges) \
        / jnp.float32(B * N * N)
    entropy = -jnp.sum(ent[:, 0, 0]) / jnp.float32(B * N)
    return ptok_s, pt_s.reshape(B, P), link_loss, entropy

# --- scband reference (transcript-rebuilt; emitter-appended) ---
"""Pipeline reference for scband-ghttokenizer-11553462026733 (READ-ONLY COPY).

The authoritative reference and input builder live on the scoring server;
editing this copy changes nothing except your own understanding.
"""

import jax, jax.numpy as jnp
import numpy as np

B, N, D = 4, 2048, 768
K_NN = 8
NUM_POOLED = 1024  # ceil(2048 * 0.5)
ASSIGN_HIDDEN = 128
EPS = 1e-08
TEMP = 1.0


def setup_inputs(seed: int = 0) -> dict:
    key = jax.random.key(seed)
    ks = jax.random.split(key, 6)
    tokens = jax.random.normal(ks[0], (B, N, D), dtype=jnp.float32)
    timestamps = jax.random.uniform(ks[1], (B, N), dtype=jnp.float32)
    W1 = jax.random.normal(ks[2], (2 * D, ASSIGN_HIDDEN), dtype=jnp.float32) * 0.02
    b1 = jnp.zeros((ASSIGN_HIDDEN,), dtype=jnp.float32)
    W2 = jax.random.normal(ks[3], (ASSIGN_HIDDEN, NUM_POOLED), dtype=jnp.float32) * 0.02
    b2 = jnp.zeros((NUM_POOLED,), dtype=jnp.float32)
    return {"tokens": tokens, "timestamps": timestamps, "W1": W1, "b1": b1, "W2": W2, "b2": b2}


def _build_adjacency(tokens):
    # GHTGraphBuilder: mutual kNN on cosine similarity, no self loops
    tn = tokens / (jnp.linalg.norm(tokens, axis=-1, keepdims=True) + EPS)
    sim = jnp.einsum('bnd,bmd->bnm', tn, tn)
    diag = jnp.eye(N, dtype=bool)
    sim = jnp.where(diag[None, :, :], -jnp.inf, sim)
    k = min(K_NN, N - 1)
    _, topk_idx = jax.lax.top_k(sim, k)  # [B, N, k]
    bi = jnp.arange(B)[:, None, None]
    ri = jnp.arange(N)[None, :, None]
    adj = jnp.zeros((B, N, N), dtype=bool).at[bi, ri, topk_idx].set(True)
    adj = adj & jnp.swapaxes(adj, 1, 2)  # mutual
    return adj.astype(jnp.float32)


def _pooling(tokens, adjacency, timestamps, W1, b1, W2, b2):
    # GHTSemanticPooling with use_gnn=True
    degree = jnp.maximum(adjacency.sum(axis=-1, keepdims=True), 1.0)
    adj_norm = adjacency / degree
    agg = jnp.einsum('bnm,bmd->bnd', adj_norm, tokens)
    features = jnp.concatenate([tokens, agg], axis=-1)  # [B, N, 2D]
    h = jax.nn.gelu(features @ W1 + b1, approximate=False)
    logits = h @ W2 + b2  # [B, N, NUM_POOLED]
    assign = jax.nn.softmax(logits / TEMP, axis=-1)
    pooled_tokens = jnp.einsum('bnp,bnd->bpd', assign, tokens)  # [B, P, D]
    pooled_t = jnp.einsum('bnp,bn->bp', assign, timestamps)  # [B, P]
    sort_idx = jnp.argsort(pooled_t, axis=-1)
    pooled_tokens = jnp.take_along_axis(pooled_tokens, sort_idx[..., None], axis=1)
    pooled_t = jnp.take_along_axis(pooled_t, sort_idx, axis=1)
    assign_st = jnp.einsum('bnp,bmp->bnm', assign, assign)
    link_loss = jnp.mean((assign_st - adjacency) ** 2)
    entropy = -jnp.mean(jnp.sum(assign * jnp.log(assign + EPS), axis=-1))
    return pooled_tokens, pooled_t, link_loss, entropy


def reference(tokens, timestamps, W1, b1, W2, b2):
    adjacency = _build_adjacency(tokens)
    pooled_tokens, pooled_t, link_loss, entropy = _pooling(tokens, adjacency, timestamps, W1, b1, W2, b2)
    return (pooled_tokens, pooled_t, link_loss, entropy)

if __name__ == "__main__":
    import jax
    _d = setup_inputs()
    print(jax.jit(kernel)(*tuple(_d.values())))

</pallas_src>

<mosaic_0001>
#map = affine_map<(d0, d1) -> (0)>
#map1 = affine_map<(d0, d1) -> (0, 0)>
module attributes {stable_mosaic.version = 14 : i64} {
  func.func @_sc_cross_body(%arg0: i32, %arg1: i32, %arg2: memref<65536xi32, #tpu.memory_space<hbm>>, %arg3: memref<65536xf32, #tpu.memory_space<hbm>>, %arg4: memref<8192x1024xf32, #tpu.memory_space<hbm>>, %arg5: memref<32x16xf32, #tpu.memory_space<hbm>>, %arg6: memref<2048xi32, #tpu.memory_space<vmem>>, %arg7: memref<2048xf32, #tpu.memory_space<vmem>>, %arg8: memref<8x1024xf32, #tpu.memory_space<vmem>>, %arg9: memref<8x1024xf32, #tpu.memory_space<vmem>>, %arg10: memref<2x1024xf32, #tpu.memory_space<vmem>>, %arg11: memref<16xf32, #tpu.memory_space<vmem>>, %arg12: memref<!tpu.dma_semaphore, #tpu.memory_space<semaphore_mem>>, %arg13: memref<!tpu.dma_semaphore, #tpu.memory_space<semaphore_mem>>) attributes {dimension_semantics = [#tpu.dimension_semantics<core_parallel>, #tpu.dimension_semantics<subcore_parallel>], iteration_bounds = array<i64: 2, 16>, scalar_prefetch = 0 : i64, scratch_operands = 8 : i64, tpu.core_type = #tpu.core_type<sc_vector_subcore>, window_params = [{transform_indices = #map}, {transform_indices = #map}, {transform_indices = #map1}, {transform_indices = #map1}]} {
    %mul3A = arith.constant 2 : i32
    %mul3A_0 = arith.muli %arg1, %mul3A : i32
    %add3A = arith.addi %mul3A_0, %arg0 : i32
    %mul3A_1 = arith.constant 256 : i32
    %mul3A_2 = arith.muli %add3A, %mul3A_1 : i32
    %mul3A_3 = arith.constant 8 : i32
    %mul3A_4 = arith.muli %mul3A_2, %mul3A_3 : i32
    "tpu.region"() ({
      %run_scoped3A = tpu.sem_alloc : memref<!tpu.dma_semaphore, #tpu.memory_space<semaphore_mem>>
      %dma_start3A_53 = tpu.memref_slice %arg2[%mul3A_4] : memref<65536xi32, #tpu.memory_space<hbm>> -> memref<2048xi32, #tpu.memory_space<hbm>>
      %dma_start3A_54 = tpu.memref_slice %arg2[%mul3A_4] : memref<65536xi32, #tpu.memory_space<hbm>> -> memref<2048xi32, #tpu.memory_space<hbm>>
      tpu.enqueue_dma source(%dma_start3A_54 : memref<2048xi32, #tpu.memory_space<hbm>>) target(%arg6 : memref<2048xi32, #tpu.memory_space<vmem>>) target_semaphore(%run_scoped3A : memref<!tpu.dma_semaphore, #tpu.memory_space<semaphore_mem>>)
      %dma_wait3A = tpu.memref_slice %arg2[%mul3A_4] : memref<65536xi32, #tpu.memory_space<hbm>> -> memref<2048xi32, #tpu.memory_space<hbm>>
      %dma_wait3A_55 = tpu.memref_slice %arg2[%mul3A_4] : memref<65536xi32, #tpu.memory_space<hbm>> -> memref<2048xi32, #tpu.memory_space<hbm>>
      tpu.wait_dma2 semaphore(%run_scoped3A : memref<!tpu.dma_semaphore, #tpu.memory_space<semaphore_mem>>) src(%dma_wait3A_55 : memref<2048xi32, #tpu.memory_space<hbm>>) dst(%arg6 : memref<2048xi32, #tpu.memory_space<vmem>>)
      tpu.yield
    }) : () -> ()
    %mul3A_5 = arith.constant 8 : i32
    %mul3A_6 = arith.muli %mul3A_2, %mul3A_5 : i32
    "tpu.region"() ({
      %run_scoped3A = tpu.sem_alloc : memref<!tpu.dma_semaphore, #tpu.memory_space<semaphore_mem>>
      %dma_start3A_53 = tpu.memref_slice %arg3[%mul3A_6] : memref<65536xf32, #tpu.memory_space<hbm>> -> memref<2048xf32, #tpu.memory_space<hbm>>
      %dma_start3A_54 = tpu.memref_slice %arg3[%mul3A_6] : memref<65536xf32, #tpu.memory_space<hbm>> -> memref<2048xf32, #tpu.memory_space<hbm>>
      tpu.enqueue_dma source(%dma_start3A_54 : memref<2048xf32, #tpu.memory_space<hbm>>) target(%arg7 : memref<2048xf32, #tpu.memory_space<vmem>>) target_semaphore(%run_scoped3A : memref<!tpu.dma_semaphore, #tpu.memory_space<semaphore_mem>>)
      %dma_wait3A = tpu.memref_slice %arg3[%mul3A_6] : memref<65536xf32, #tpu.memory_space<hbm>> -> memref<2048xf32, #tpu.memory_space<hbm>>
      %dma_wait3A_55 = tpu.memref_slice %arg3[%mul3A_6] : memref<65536xf32, #tpu.memory_space<hbm>> -> memref<2048xf32, #tpu.memory_space<hbm>>
      tpu.wait_dma2 semaphore(%run_scoped3A : memref<!tpu.dma_semaphore, #tpu.memory_space<semaphore_mem>>) src(%dma_wait3A_55 : memref<2048xf32, #tpu.memory_space<hbm>>) dst(%arg7 : memref<2048xf32, #tpu.memory_space<vmem>>)
      tpu.yield
    }) : () -> ()
    %dma_start3A = arith.constant 0 : i32
    %dma_start3A_7 = tpu.memref_slice %arg6[%dma_start3A] : memref<2048xi32, #tpu.memory_space<vmem>> -> memref<8xi32, #tpu.memory_space<vmem>>
    %dma_start3A_8 = arith.constant 0 : i32
    %dma_start3A_9 = arith.constant 0 : i32
    %dma_start3A_10 = tpu.memref_slice %arg4[%dma_start3A_8, %dma_start3A_9] : memref<8192x1024xf32, #tpu.memory_space<hbm>> -> memref<8192x1024xf32, #tpu.memory_space<hbm>>
    tpu.enqueue_indirect_dma source(%dma_start3A_10 : memref<8192x1024xf32, #tpu.memory_space<hbm>>) target(%arg8 : memref<8x1024xf32, #tpu.memory_space<vmem>>) offsets(%dma_start3A_7 : memref<8xi32, #tpu.memory_space<vmem>>) semaphore(%arg12 : memref<!tpu.dma_semaphore, #tpu.memory_space<semaphore_mem>>)
    %add3A_11 = arith.constant 0 : i32
    %add3A_12 = arith.addi %mul3A_2, %add3A_11 : i32
    %dma_start3A_13 = arith.constant 0 : i32
    %dma_start3A_14 = arith.constant 0 : i32
    %dma_start3A_15 = tpu.memref_slice %arg10[%dma_start3A_13, %dma_start3A_14] : memref<2x1024xf32, #tpu.memory_space<vmem>> -> memref<1x1024xf32, #tpu.memory_space<vmem>>
    %dma_start3A_16 = tpu.memref_squeeze %dma_start3A_15 : memref<1x1024xf32, #tpu.memory_space<vmem>> -> memref<1024xf32, #tpu.memory_space<vmem>>
    %dma_start3A_17 = arith.constant 0 : i32
    %dma_start3A_18 = tpu.memref_slice %arg4[%add3A_12, %dma_start3A_17] : memref<8192x1024xf32, #tpu.memory_space<hbm>> -> memref<1x1024xf32, #tpu.memory_space<hbm>>
    %dma_start3A_19 = tpu.memref_squeeze %dma_start3A_18 : memref<1x1024xf32, #tpu.memory_space<hbm>> -> memref<1024xf32, #tpu.memory_space<hbm>>
    %dma_start3A_20 = arith.constant 0 : i32
    %dma_start3A_21 = tpu.memref_slice %arg10[%dma_start3A_13, %dma_start3A_20] : memref<2x1024xf32, #tpu.memory_space<vmem>> -> memref<1x1024xf32, #tpu.memory_space<vmem>>
    %dma_start3A_22 = tpu.memref_squeeze %dma_start3A_21 : memref<1x1024xf32, #tpu.memory_space<vmem>> -> memref<1024xf32, #tpu.memory_space<vmem>>
    %dma_start3A_23 = arith.constant 0 : i32
    %dma_start3A_24 = tpu.memref_slice %arg4[%add3A_12, %dma_start3A_23] : memref<8192x1024xf32, #tpu.memory_space<hbm>> -> memref<1x1024xf32, #tpu.memory_space<hbm>>
    %dma_start3A_25 = tpu.memref_squeeze %dma_start3A_24 : memref<1x1024xf32, #tpu.memory_space<hbm>> -> memref<1024xf32, #tpu.memory_space<hbm>>
    tpu.enqueue_dma source(%dma_start3A_25 : memref<1024xf32, #tpu.memory_space<hbm>>) target(%dma_start3A_22 : memref<1024xf32, #tpu.memory_space<vmem>>) target_semaphore(%arg12 : memref<!tpu.dma_semaphore, #tpu.memory_space<semaphore_mem>>)
    %dma_start3A_26 = arith.constant 8 : i32
    %dma_start3A_27 = tpu.memref_slice %arg6[%dma_start3A_26] : memref<2048xi32, #tpu.memory_space<vmem>> -> memref<8xi32, #tpu.memory_space<vmem>>
    %dma_start3A_28 = arith.constant 0 : i32
    %dma_start3A_29 = arith.constant 0 : i32
    %dma_start3A_30 = tpu.memref_slice %arg4[%dma_start3A_28, %dma_start3A_29] : memref<8192x1024xf32, #tpu.memory_space<hbm>> -> memref<8192x1024xf32, #tpu.memory_space<hbm>>
    tpu.enqueue_indirect_dma source(%dma_start3A_30 : memref<8192x1024xf32, #tpu.memory_space<hbm>>) target(%arg9 : memref<8x1024xf32, #tpu.memory_space<vmem>>) offsets(%dma_start3A_27 : memref<8xi32, #tpu.memory_space<vmem>>) semaphore(%arg13 : memref<!tpu.dma_semaphore, #tpu.memory_space<semaphore_mem>>)
    %add3A_31 = arith.constant 1 : i32
    %add3A_32 = arith.addi %mul3A_2, %add3A_31 : i32
    %dma_start3A_33 = arith.constant 1 : i32
    %dma_start3A_34 = arith.constant 0 : i32
    %dma_start3A_35 = tpu.memref_slice %arg10[%dma_start3A_33, %dma_start3A_34] : memref<2x1024xf32, #tpu.memory_space<vmem>> -> memref<1x1024xf32, #tpu.memory_space<vmem>>
    %dma_start3A_36 = tpu.memref_squeeze %dma_start3A_35 : memref<1x1024xf32, #tpu.memory_space<vmem>> -> memref<1024xf32, #tpu.memory_space<vmem>>
    %dma_start3A_37 = arith.constant 0 : i32
    %dma_start3A_38 = tpu.memref_slice %arg4[%add3A_32, %dma_start3A_37] : memref<8192x1024xf32, #tpu.memory_space<hbm>> -> memref<1x1024xf32, #tpu.memory_space<hbm>>
    %dma_start3A_39 = tpu.memref_squeeze %dma_start3A_38 : memref<1x1024xf32, #tpu.memory_space<hbm>> -> memref<1024xf32, #tpu.memory_space<hbm>>
    %dma_start3A_40 = arith.constant 0 : i32
    %dma_start3A_41 = tpu.memref_slice %arg10[%dma_start3A_33, %dma_start3A_40] : memref<2x1024xf32, #tpu.memory_space<vmem>> -> memref<1x1024xf32, #tpu.memory_space<vmem>>
    %dma_start3A_42 = tpu.memref_squeeze %dma_start3A_41 : memref<1x1024xf32, #tpu.memory_space<vmem>> -> memref<1024xf32, #tpu.memory_space<vmem>>
    %dma_start3A_43 = arith.constant 0 : i32
    %dma_start3A_44 = tpu.memref_slice %arg4[%add3A_32, %dma_start3A_43] : memref<8192x1024xf32, #tpu.memory_space<hbm>> -> memref<1x1024xf32, #tpu.memory_space<hbm>>
    %dma_start3A_45 = tpu.memref_squeeze %dma_start3A_44 : memref<1x1024xf32, #tpu.memory_space<hbm>> -> memref<1024xf32, #tpu.memory_space<hbm>>
    tpu.enqueue_dma source(%dma_start3A_45 : memref<1024xf32, #tpu.memory_space<hbm>>) target(%dma_start3A_42 : memref<1024xf32, #tpu.memory_space<vmem>>) target_semaphore(%arg13 : memref<!tpu.dma_semaphore, #tpu.memory_space<semaphore_mem>>)
    %broadcast_in_dim3A = arith.constant 0.000000e+00 : f32
    %broadcast_in_dim3A_46 = vector.broadcast %broadcast_in_dim3A : f32 to vector<16xf32>
    %scan3A = arith.constant 0 : i32
    %scan3A_47 = arith.constant 128 : i32
    %scan3A_48 = arith.addi %scan3A, %scan3A_47 : i32
    %scan3A_49 = arith.constant 1 : i32
    %scan3A_50 = scf.for %scan3A_53 = %scan3A to %scan3A_48 step %scan3A_49 iter_args(%scan3A_54 = %broadcast_in_dim3A_46) -> (vector<16xf32>)  : i32 {
      %mul3A_55 = arith.constant 2 : i32
      %mul3A_56 = arith.muli %scan3A_53, %mul3A_55 : i32
      %add3A_57 = arith.constant 0 : i32
      %add3A_58 = arith.addi %mul3A_56, %add3A_57 : i32
      %mul3A_59 = arith.constant 8 : i32
      %mul3A_60 = arith.muli %add3A_58, %mul3A_59 : i32
      %dma_wait3A = tpu.memref_slice %arg6[%mul3A_60] : memref<2048xi32, #tpu.memory_space<vmem>> -> memref<8xi32, #tpu.memory_space<vmem>>
      %dma_wait3A_61 = arith.constant 0 : i32
      %dma_wait3A_62 = arith.constant 0 : i32
      %dma_wait3A_63 = tpu.memref_slice %arg4[%dma_wait3A_61, %dma_wait3A_62] : memref<8192x1024xf32, #tpu.memory_space<hbm>> -> memref<8192x1024xf32, #tpu.memory_space<hbm>>
      tpu.wait_indirect_dma semaphore(%arg12 : memref<!tpu.dma_semaphore, #tpu.memory_space<semaphore_mem>>) src(%dma_wait3A_63 : memref<8192x1024xf32, #tpu.memory_space<hbm>>) dst(%arg8 : memref<8x1024xf32, #tpu.memory_space<vmem>>)
      %add3A_64 = arith.addi %mul3A_2, %add3A_58 : i32
      %dma_wait3A_65 = arith.constant 0 : i32
      %dma_wait3A_66 = arith.constant 0 : i32
      %dma_wait3A_67 = tpu.memref_slice %arg10[%dma_wait3A_65, %dma_wait3A_66] : memref<2x1024xf32, #tpu.memory_space<vmem>> -> memref<1x1024xf32, #tpu.memory_space<vmem>>
      %dma_wait3A_68 = tpu.memref_squeeze %dma_wait3A_67 : memref<1x1024xf32, #tpu.memory_space<vmem>> -> memref<1024xf32, #tpu.memory_space<vmem>>
      %dma_wait3A_69 = arith.constant 0 : i32
      %dma_wait3A_70 = tpu.memref_slice %arg4[%add3A_64, %dma_wait3A_69] : memref<8192x1024xf32, #tpu.memory_space<hbm>> -> memref<1x1024xf32, #tpu.memory_space<hbm>>
      %dma_wait3A_71 = tpu.memref_squeeze %dma_wait3A_70 : memref<1x1024xf32, #tpu.memory_space<hbm>> -> memref<1024xf32, #tpu.memory_space<hbm>>
      %dma_wait3A_72 = arith.constant 0 : i32
      %dma_wait3A_73 = tpu.memref_slice %arg10[%dma_wait3A_65, %dma_wait3A_72] : memref<2x1024xf32, #tpu.memory_space<vmem>> -> memref<1x1024xf32, #tpu.memory_space<vmem>>
      %dma_wait3A_74 = tpu.memref_squeeze %dma_wait3A_73 : memref<1x1024xf32, #tpu.memory_space<vmem>> -> memref<1024xf32, #tpu.memory_space<vmem>>
      %dma_wait3A_75 = arith.constant 0 : i32
      %dma_wait3A_76 = tpu.memref_slice %arg4[%add3A_64, %dma_wait3A_75] : memref<8192x1024xf32, #tpu.memory_space<hbm>> -> memref<1x1024xf32, #tpu.memory_space<hbm>>
      %dma_wait3A_77 = tpu.memref_squeeze %dma_wait3A_76 : memref<1x1024xf32, #tpu.memory_space<hbm>> -> memref<1024xf32, #tpu.memory_space<hbm>>
      tpu.wait_dma2 semaphore(%arg12 : memref<!tpu.dma_semaphore, #tpu.memory_space<semaphore_mem>>) src(%dma_wait3A_77 : memref<1024xf32, #tpu.memory_space<hbm>>) dst(%dma_wait3A_74 : memref<1024xf32, #tpu.memory_space<vmem>>)
      %broadcast_in_dim3A_78 = arith.constant 0 : i32
      %broadcast_in_dim3A_79 = vector.broadcast %broadcast_in_dim3A_78 : i32 to vector<16xi32>
      %mul3A_80 = arith.constant 8 : i32
      %mul3A_81 = arith.muli %add3A_58, %mul3A_80 : i32
      %add3A_82 = arith.constant 0 : i32
      %add3A_83 = arith.addi %mul3A_81, %add3A_82 : i32
      %add3A_84 = vector.broadcast %add3A_83 : i32 to vector<16xi32>
      %add3A_85 = arith.addi %broadcast_in_dim3A_79, %add3A_84 : vector<16xi32>
      %gather3A = tpu.vector_load_idx %arg7[%add3A_85] : memref<2048xf32, #tpu.memory_space<vmem>>[vector<16xi32>], vector<16xf32>,
      %broadcast_in_dim3A_86 = arith.constant 0 : i32
      %broadcast_in_dim3A_87 = vector.broadcast %broadcast_in_dim3A_86 : i32 to vector<16xi32>
      %mul3A_88 = arith.constant 8 : i32
      %mul3A_89 = arith.muli %add3A_58, %mul3A_88 : i32
      %add3A_90 = arith.constant 1 : i32
      %add3A_91 = arith.addi %mul3A_89, %add3A_90 : i32
      %add3A_92 = vector.broadcast %add3A_91 : i32 to vector<16xi32>
      %add3A_93 = arith.addi %broadcast_in_dim3A_87, %add3A_92 : vector<16xi32>
      %gather3A_94 = tpu.vector_load_idx %arg7[%add3A_93] : memref<2048xf32, #tpu.memory_space<vmem>>[vector<16xi32>], vector<16xf32>,
      %broadcast_in_dim3A_95 = arith.constant 0 : i32
      %broadcast_in_dim3A_96 = vector.broadcast %broadcast_in_dim3A_95 : i32 to vector<16xi32>
      %mul3A_97 = arith.constant 8 : i32
      %mul3A_98 = arith.muli %add3A_58, %mul3A_97 : i32
      %add3A_99 = arith.constant 2 : i32
      %add3A_100 = arith.addi %mul3A_98, %add3A_99 : i32
      %add3A_101 = vector.broadcast %add3A_100 : i32 to vector<16xi32>
      %add3A_102 = arith.addi %broadcast_in_dim3A_96, %add3A_101 : vector<16xi32>
      %gather3A_103 = tpu.vector_load_idx %arg7[%add3A_102] : memref<2048xf32, #tpu.memory_space<vmem>>[vector<16xi32>], vector<16xf32>,
      %broadcast_in_dim3A_104 = arith.constant 0 : i32
      %broadcast_in_dim3A_105 = vector.broadcast %broadcast_in_dim3A_104 : i32 to vector<16xi32>
      %mul3A_106 = arith.constant 8 : i32
      %mul3A_107 = arith.muli %add3A_58, %mul3A_106 : i32
      %add3A_108 = arith.constant 3 : i32
      %add3A_109 = arith.addi %mul3A_107, %add3A_108 : i32
      %add3A_110 = vector.broadcast %add3A_109 : i32 to vector<16xi32>
      %add3A_111 = arith.addi %broadcast_in_dim3A_105, %add3A_110 : vector<16xi32>
      %gather3A_112 = tpu.vector_load_idx %arg7[%add3A_111] : memref<2048xf32, #tpu.memory_space<vmem>>[vector<16xi32>], vector<16xf32>,
      %broadcast_in_dim3A_113 = arith.constant 0 : i32
      %broadcast_in_dim3A_114 = vector.broadcast %broadcast_in_dim3A_113 : i32 to vector<16xi32>
      %mul3A_115 = arith.constant 8 : i32
      %mul3A_116 = arith.muli %add3A_58, %mul3A_115 : i32
      %add3A_117 = arith.constant 4 : i32
      %add3A_118 = arith.addi %mul3A_116, %add3A_117 : i32
      %add3A_119 = vector.broadcast %add3A_118 : i32 to vector<16xi32>
      %add3A_120 = arith.addi %broadcast_in_dim3A_114, %add3A_119 : vector<16xi32>
      %gather3A_121 = tpu.vector_load_idx %arg7[%add3A_120] : memref<2048xf32, #tpu.memory_space<vmem>>[vector<16xi32>], vector<16xf32>,
      %broadcast_in_dim3A_122 = arith.constant 0 : i32
      %broadcast_in_dim3A_123 = vector.broadcast %broadcast_in_dim3A_122 : i32 to vector<16xi32>
      %mul3A_124 = arith.constant 8 : i32
      %mul3A_125 = arith.muli %add3A_58, %mul3A_124 : i32
      %add3A_126 = arith.constant 5 : i32
      %add3A_127 = arith.addi %mul3A_125, %add3A_126 : i32
      %add3A_128 = vector.broadcast %add3A_127 : i32 to vector<16xi32>
      %add3A_129 = arith.addi %broadcast_in_dim3A_123, %add3A_128 : vector<16xi32>
      %gather3A_130 = tpu.vector_load_idx %arg7[%add3A_129] : memref<2048xf32, #tpu.memory_space<vmem>>[vector<16xi32>], vector<16xf32>,
      %broadcast_in_dim3A_131 = arith.constant 0 : i32
      %broadcast_in_dim3A_132 = vector.broadcast %broadcast_in_dim3A_131 : i32 to vector<16xi32>
      %mul3A_133 = arith.constant 8 : i32
      %mul3A_134 = arith.muli %add3A_58, %mul3A_133 : i32
      %add3A_135 = arith.constant 6 : i32
      %add3A_136 = arith.addi %mul3A_134, %add3A_135 : i32
      %add3A_137 = vector.broadcast %add3A_136 : i32 to vector<16xi32>
      %add3A_138 = arith.addi %broadcast_in_dim3A_132, %add3A_137 : vector<16xi32>
      %gather3A_139 = tpu.vector_load_idx %arg7[%add3A_138] : memref<2048xf32, #tpu.memory_space<vmem>>[vector<16xi32>], vector<16xf32>,
      %broadcast_in_dim3A_140 = arith.constant 0 : i32
      %broadcast_in_dim3A_141 = vector.broadcast %broadcast_in_dim3A_140 : i32 to vector<16xi32>
      %mul3A_142 = arith.constant 8 : i32
      %mul3A_143 = arith.muli %add3A_58, %mul3A_142 : i32
      %add3A_144 = arith.constant 7 : i32
      %add3A_145 = arith.addi %mul3A_143, %add3A_144 : i32
      %add3A_146 = vector.broadcast %add3A_145 : i32 to vector<16xi32>
      %add3A_147 = arith.addi %broadcast_in_dim3A_141, %add3A_146 : vector<16xi32>
      %gather3A_148 = tpu.vector_load_idx %arg7[%add3A_147] : memref<2048xf32, #tpu.memory_space<vmem>>[vector<16xi32>], vector<16xf32>,
      %scan3A_149 = arith.constant 0 : i32
      %scan3A_150 = arith.constant 16 : i32
      %scan3A_151 = arith.addi %scan3A_149, %scan3A_150 : i32
      %scan3A_152 = arith.constant 1 : i32
      %scan3A_153 = scf.for %scan3A_268 = %scan3A_149 to %scan3A_151 step %scan3A_152 iter_args(%scan3A_269 = %scan3A_54) -> (vector<16xf32>)  : i32 {
        %mul3A_270 = arith.constant 4 : i32
        %mul3A_271 = arith.muli %scan3A_268, %mul3A_270 : i32
        %add3A_272 = arith.constant 0 : i32
        %add3A_273 = arith.addi %mul3A_271, %add3A_272 : i32
        %mul3A_274 = arith.constant 16 : i32
        %mul3A_275 = arith.muli %add3A_273, %mul3A_274 : i32
        %get3A = arith.constant 0 : i32
        %get3A_276 = arith.index_cast %get3A : i32 to index
        %get3A_277 = arith.index_cast %mul3A_275 : i32 to index
        %get3A_278 = tpu.vector_load %arg8[%get3A_276, %get3A_277] {strides = array<i32>} : memref<8x1024xf32, #tpu.memory_space<vmem>>, vector<16xf32>,
        %mul3A_279 = arith.mulf %get3A_278, %gather3A : vector<16xf32>
        %get3A_280 = arith.constant 1 : i32
        %get3A_281 = arith.index_cast %get3A_280 : i32 to index
        %get3A_282 = arith.index_cast %mul3A_275 : i32 to index
        %get3A_283 = tpu.vector_load %arg8[%get3A_281, %get3A_282] {strides = array<i32>} : memref<8x1024xf32, #tpu.memory_space<vmem>>, vector<16xf32>,
        %mul3A_284 = arith.mulf %get3A_283, %gather3A_94 : vector<16xf32>
        %add3A_285 = arith.addf %mul3A_279, %mul3A_284 : vector<16xf32>
        %get3A_286 = arith.constant 2 : i32
        %get3A_287 = arith.index_cast %get3A_286 : i32 to index
        %get3A_288 = arith.index_cast %mul3A_275 : i32 to index
        %get3A_289 = tpu.vector_load %arg8[%get3A_287, %get3A_288] {strides = array<i32>} : memref<8x1024xf32, #tpu.memory_space<vmem>>, vector<16xf32>,
        %mul3A_290 = arith.mulf %get3A_289, %gather3A_103 : vector<16xf32>
        %add3A_291 = arith.addf %add3A_285, %mul3A_290 : vector<16xf32>
        %get3A_292 = arith.constant 3 : i32
        %get3A_293 = arith.index_cast %get3A_292 : i32 to index
        %get3A_294 = arith.index_cast %mul3A_275 : i32 to index
        %get3A_295 = tpu.vector_load %arg8[%get3A_293, %get3A_294] {strides = array<i32>} : memref<8x1024xf32, #tpu.memory_space<vmem>>, vector<16xf32>,
        %mul3A_296 = arith.mulf %get3A_295, %gather3A_112 : vector<16xf32>
        %add3A_297 = arith.addf %add3A_291, %mul3A_296 : vector<16xf32>
        %get3A_298 = arith.constant 4 : i32
        %get3A_299 = arith.index_cast %get3A_298 : i32 to index
        %get3A_300 = arith.index_cast %mul3A_275 : i32 to index
        %get3A_301 = tpu.vector_load %arg8[%get3A_299, %get3A_300] {strides = array<i32>} : memref<8x1024xf32, #tpu.memory_space<vmem>>, vector<16xf32>,
        %mul3A_302 = arith.mulf %get3A_301, %gather3A_121 : vector<16xf32>
        %add3A_303 = arith.addf %add3A_297, %mul3A_302 : vector<16xf32>
        %get3A_304 = arith.constant 5 : i32
        %get3A_305 = arith.index_cast %get3A_304 : i32 to index
        %get3A_306 = arith.index_cast %mul3A_275 : i32 to index
        %get3A_307 = tpu.vector_load %arg8[%get3A_305, %get3A_306] {strides = array<i32>} : memref<8x1024xf32, #tpu.memory_space<vmem>>, vector<16xf32>,
        %mul3A_308 = arith.mulf %get3A_307, %gather3A_130 : vector<16xf32>
        %add3A_309 = arith.addf %add3A_303, %mul3A_308 : vector<16xf32>
        %get3A_310 = arith.constant 6 : i32
        %get3A_311 = arith.index_cast %get3A_310 : i32 to index
        %get3A_312 = arith.index_cast %mul3A_275 : i32 to index
        %get3A_313 = tpu.vector_load %arg8[%get3A_311, %get3A_312] {strides = array<i32>} : memref<8x1024xf32, #tpu.memory_space<vmem>>, vector<16xf32>,
        %mul3A_314 = arith.mulf %get3A_313, %gather3A_139 : vector<16xf32>
        %add3A_315 = arith.addf %add3A_309, %mul3A_314 : vector<16xf32>
        %get3A_316 = arith.constant 7 : i32
        %get3A_317 = arith.index_cast %get3A_316 : i32 to index
        %get3A_318 = arith.index_cast %mul3A_275 : i32 to index
        %get3A_319 = tpu.vector_load %arg8[%get3A_317, %get3A_318] {strides = array<i32>} : memref<8x1024xf32, #tpu.memory_space<vmem>>, vector<16xf32>,
        %mul3A_320 = arith.mulf %get3A_319, %gather3A_148 : vector<16xf32>
        %add3A_321 = arith.addf %add3A_315, %mul3A_320 : vector<16xf32>
        %get3A_322 = arith.constant 0 : i32
        %get3A_323 = arith.index_cast %get3A_322 : i32 to index
        %get3A_324 = arith.index_cast %mul3A_275 : i32 to index
        %get3A_325 = tpu.vector_load %arg10[%get3A_323, %get3A_324] {strides = array<i32>} : memref<2x1024xf32, #tpu.memory_space<vmem>>, vector<16xf32>,
        %mul3A_326 = arith.mulf %add3A_321, %get3A_325 : vector<16xf32>
        %add3A_327 = arith.addf %scan3A_269, %mul3A_326 : vector<16xf32>
        %mul3A_328 = arith.constant 4 : i32
        %mul3A_329 = arith.muli %scan3A_268, %mul3A_328 : i32
        %add3A_330 = arith.constant 1 : i32
        %add3A_331 = arith.addi %mul3A_329, %add3A_330 : i32
        %mul3A_332 = arith.constant 16 : i32
        %mul3A_333 = arith.muli %add3A_331, %mul3A_332 : i32
        %get3A_334 = arith.constant 0 : i32
        %get3A_335 = arith.index_cast %get3A_334 : i32 to index
        %get3A_336 = arith.index_cast %mul3A_333 : i32 to index
        %get3A_337 = tpu.vector_load %arg8[%get3A_335, %get3A_336] {strides = array<i32>} : memref<8x1024xf32, #tpu.memory_space<vmem>>, vector<16xf32>,
        %mul3A_338 = arith.mulf %get3A_337, %gather3A : vector<16xf32>
        %get3A_339 = arith.constant 1 : i32
        %get3A_340 = arith.index_cast %get3A_339 : i32 to index
        %get3A_341 = arith.index_cast %mul3A_333 : i32 to index
        %get3A_342 = tpu.vector_load %arg8[%get3A_340, %get3A_341] {strides = array<i32>} : memref<8x1024xf32, #tpu.memory_space<vmem>>, vector<16xf32>,
        %mul3A_343 = arith.mulf %get3A_342, %gather3A_94 : vector<16xf32>
        %add3A_344 = arith.addf %mul3A_338, %mul3A_343 : vector<16xf32>
        %get3A_345 = arith.constant 2 : i32
        %get3A_346 = arith.index_cast %get3A_345 : i32 to index
        %get3A_347 = arith.index_cast %mul3A_333 : i32 to index
        %get3A_348 = tpu.vector_load %arg8[%get3A_346, %get3A_347] {strides = array<i32>} : memref<8x1024xf32, #tpu.memory_space<vmem>>, vector<16xf32>,
        %mul3A_349 = arith.mulf %get3A_348, %gather3A_103 : vector<16xf32>
        %add3A_350 = arith.addf %add3A_344, %mul3A_349 : vector<16xf32>
        %get3A_351 = arith.constant 3 : i32
        %get3A_352 = arith.index_cast %get3A_351 : i32 to index
        %get3A_353 = arith.index_cast %mul3A_333 : i32 to index
        %get3A_354 = tpu.vector_load %arg8[%get3A_352, %get3A_353] {strides = array<i32>} : memref<8x1024xf32, #tpu.memory_space<vmem>>, vector<16xf32>,
        %mul3A_355 = arith.mulf %get3A_354, %gather3A_112 : vector<16xf32>
        %add3A_356 = arith.addf %add3A_350, %mul3A_355 : vector<16xf32>
        %get3A_357 = arith.constant 4 : i32
        %get3A_358 = arith.index_cast %get3A_357 : i32 to index
        %get3A_359 = arith.index_cast %mul3A_333 : i32 to index
        %get3A_360 = tpu.vector_load %arg8[%get3A_358, %get3A_359] {strides = array<i32>} : memref<8x1024xf32, #tpu.memory_space<vmem>>, vector<16xf32>,
        %mul3A_361 = arith.mulf %get3A_360, %gather3A_121 : vector<16xf32>
        %add3A_362 = arith.addf %add3A_356, %mul3A_361 : vector<16xf32>
        %get3A_363 = arith.constant 5 : i32
        %get3A_364 = arith.index_cast %get3A_363 : i32 to index
        %get3A_365 = arith.index_cast %mul3A_333 : i32 to index
        %get3A_366 = tpu.vector_load %arg8[%get3A_364, %get3A_365] {strides = array<i32>} : memref<8x1024xf32, #tpu.memory_space<vmem>>, vector<16xf32>,
        %mul3A_367 = arith.mulf %get3A_366, %gather3A_130 : vector<16xf32>
        %add3A_368 = arith.addf %add3A_362, %mul3A_367 : vector<16xf32>
        %get3A_369 = arith.constant 6 : i32
        %get3A_370 = arith.index_cast %get3A_369 : i32 to index
        %get3A_371 = arith.index_cast %mul3A_333 : i32 to index
        %get3A_372 = tpu.vector_load %arg8[%get3A_370, %get3A_371] {strides = array<i32>} : memref<8x1024xf32, #tpu.memory_space<vmem>>, vector<16xf32>,
        %mul3A_373 = arith.mulf %get3A_372, %gather3A_139 : vector<16xf32>
        %add3A_374 = arith.addf %add3A_368, %mul3A_373 : vector<16xf32>
        %get3A_375 = arith.constant 7 : i32
        %get3A_376 = arith.index_cast %get3A_375 : i32 to index
        %get3A_377 = arith.index_cast %mul3A_333 : i32 to index
        %get3A_378 = tpu.vector_load %arg8[%get3A_376, %get3A_377] {strides = array<i32>} : memref<8x1024xf32, #tpu.memory_space<vmem>>, vector<16xf32>,
        %mul3A_379 = arith.mulf %get3A_378, %gather3A_148 : vector<16xf32>
        %add3A_380 = arith.addf %add3A_374, %mul3A_379 : vector<16xf32>
        %get3A_381 = arith.constant 0 : i32
        %get3A_382 = arith.index_cast %get3A_381 : i32 to index
        %get3A_383 = arith.index_cast %mul3A_333 : i32 to index
        %get3A_384 = tpu.vector_load %arg10[%get3A_382, %get3A_383] {strides = array<i32>} : memref<2x1024xf32, #tpu.memory_space<vmem>>, vector<16xf32>,
        %mul3A_385 = arith.mulf %add3A_380, %get3A_384 : vector<16xf32>
        %add3A_386 = arith.addf %add3A_327, %mul3A_385 : vector<16xf32>
        %mul3A_387 = arith.constant 4 : i32
        %mul3A_388 = arith.muli %scan3A_268, %mul3A_387 : i32
        %add3A_389 = arith.constant 2 : i32
        %add3A_390 = arith.addi %mul3A_388, %add3A_389 : i32
        %mul3A_391 = arith.constant 16 : i32
        %mul3A_392 = arith.muli %add3A_390, %mul3A_391 : i32
        %get3A_393 = arith.constant 0 : i32
        %get3A_394 = arith.index_cast %get3A_393 : i32 to index
        %get3A_395 = arith.index_cast %mul3A_392 : i32 to index
        %get3A_396 = tpu.vector_load %arg8[%get3A_394, %get3A_395] {strides = array<i32>} : memref<8x1024xf32, #tpu.memory_space<vmem>>, vector<16xf32>,
        %mul3A_397 = arith.mulf %get3A_396, %gather3A : vector<16xf32>
        %get3A_398 = arith.constant 1 : i32
        %get3A_399 = arith.index_cast %get3A_398 : i32 to index
        %get3A_400 = arith.index_cast %mul3A_392 : i32 to index
        %get3A_401 = tpu.vector_load %arg8[%get3A_399, %get3A_400] {strides = array<i32>} : memref<8x1024xf32, #tpu.memory_space<vmem>>, vector<16xf32>,
        %mul3A_402 = arith.mulf %get3A_401, %gather3A_94 : vector<16xf32>
        %add3A_403 = arith.addf %mul3A_397, %mul3A_402 : vector<16xf32>
        %get3A_404 = arith.constant 2 : i32
        %get3A_405 = arith.index_cast %get3A_404 : i32 to index
        %get3A_406 = arith.index_cast %mul3A_392 : i32 to index
        %get3A_407 = tpu.vector_load %arg8[%get3A_405, %get3A_406] {strides = array<i32>} : memref<8x1024xf32, #tpu.memory_space<vmem>>, vector<16xf32>,
        %mul3A_408 = arith.mulf %get3A_407, %gather3A_103 : vector<16xf32>
        %add3A_409 = arith.addf %add3A_403, %mul3A_408 : vector<16xf32>
        %get3A_410 = arith.constant 3 : i32
        %get3A_411 = arith.index_cast %get3A_410 : i32 to index
        %get3A_412 = arith.index_cast %mul3A_392 : i32 to index
        %get3A_413 = tpu.vector_load %arg8[%get3A_411, %get3A_412] {strides = array<i32>} : memref<8x1024xf32, #tpu.memory_space<vmem>>, vector<16xf32>,
        %mul3A_414 = arith.mulf %get3A_413, %gather3A_112 : vector<16xf32>
        %add3A_415 = arith.addf %add3A_409, %mul3A_414 : vector<16xf32>
        %get3A_416 = arith.constant 4 : i32
        %get3A_417 = arith.index_cast %get3A_416 : i32 to index
        %get3A_418 = arith.index_cast %mul3A_392 : i32 to index
        %get3A_419 = tpu.vector_load %arg8[%get3A_417, %get3A_418] {strides = array<i32>} : memref<8x1024xf32, #tpu.memory_space<vmem>>, vector<16xf32>,
        %mul3A_420 = arith.mulf %get3A_419, %gather3A_121 : vector<16xf32>
        %add3A_421 = arith.addf %add3A_415, %mul3A_420 : vector<16xf32>
        %get3A_422 = arith.constant 5 : i32
        %get3A_423 = arith.index_cast %get3A_422 : i32 to index
        %get3A_424 = arith.index_cast %mul3A_392 : i32 to index
        %get3A_425 = tpu.vector_load %arg8[%get3A_423, %get3A_424] {strides = array<i32>} : memref<8x1024xf32, #tpu.memory_space<vmem>>, vector<16xf32>,
        %mul3A_426 = arith.mulf %get3A_425, %gather3A_130 : vector<16xf32>
        %add3A_427 = arith.addf %add3A_421, %mul3A_426 : vector<16xf32>
        %get3A_428 = arith.constant 6 : i32
        %get3A_429 = arith.index_cast %get3A_428 : i32 to index
        %get3A_430 = arith.index_cast %mul3A_392 : i32 to index
        %get3A_431 = tpu.vector_load %arg8[%get3A_429, %get3A_430] {strides = array<i32>} : memref<8x1024xf32, #tpu.memory_space<vmem>>, vector<16xf32>,
        %mul3A_432 = arith.mulf %get3A_431, %gather3A_139 : vector<16xf32>
        %add3A_433 = arith.addf %add3A_427, %mul3A_432 : vector<16xf32>
        %get3A_434 = arith.constant 7 : i32
        %get3A_435 = arith.index_cast %get3A_434 : i32 to index
        %get3A_436 = arith.index_cast %mul3A_392 : i32 to index
        %get3A_437 = tpu.vector_load %arg8[%get3A_435, %get3A_436] {strides = array<i32>} : memref<8x1024xf32, #tpu.memory_space<vmem>>, vector<16xf32>,
        %mul3A_438 = arith.mulf %get3A_437, %gather3A_148 : vector<16xf32>
        %add3A_439 = arith.addf %add3A_433, %mul3A_438 : vector<16xf32>
        %get3A_440 = arith.constant 0 : i32
        %get3A_441 = arith.index_cast %get3A_440 : i32 to index
        %get3A_442 = arith.index_cast %mul3A_392 : i32 to index
        %get3A_443 = tpu.vector_load %arg10[%get3A_441, %get3A_442] {strides = array<i32>} : memref<2x1024xf32, #tpu.memory_space<vmem>>, vector<16xf32>,
        %mul3A_444 = arith.mulf %add3A_439, %get3A_443 : vector<16xf32>
        %add3A_445 = arith.addf %add3A_386, %mul3A_444 : vector<16xf32>
        %mul3A_446 = arith.constant 4 : i32
        %mul3A_447 = arith.muli %scan3A_268, %mul3A_446 : i32
        %add3A_448 = arith.constant 3 : i32
        %add3A_449 = arith.addi %mul3A_447, %add3A_448 : i32
        %mul3A_450 = arith.constant 16 : i32
        %mul3A_451 = arith.muli %add3A_449, %mul3A_450 : i32
        %get3A_452 = arith.constant 0 : i32
        %get3A_453 = arith.index_cast %get3A_452 : i32 to index
        %get3A_454 = arith.index_cast %mul3A_451 : i32 to index
        %get3A_455 = tpu.vector_load %arg8[%get3A_453, %get3A_454] {strides = array<i32>} : memref<8x1024xf32, #tpu.memory_space<vmem>>, vector<16xf32>,
        %mul3A_456 = arith.mulf %get3A_455, %gather3A : vector<16xf32>
        %get3A_457 = arith.constant 1 : i32
        %get3A_458 = arith.index_cast %get3A_457 : i32 to index
        %get3A_459 = arith.index_cast %mul3A_451 : i32 to index
        %get3A_460 = tpu.vector_load %arg8[%get3A_458, %get3A_459] {strides = array<i32>} : memref<8x1024xf32, #tpu.memory_space<vmem>>, vector<16xf32>,
        %mul3A_461 = arith.mulf %get3A_460, %gather3A_94 : vector<16xf32>
        %add3A_462 = arith.addf %mul3A_456, %mul3A_461 : vector<16xf32>
        %get3A_463 = arith.constant 2 : i32
        %get3A_464 = arith.index_cast %get3A_463 : i32 to index
        %get3A_465 = arith.index_cast %mul3A_451 : i32 to index
        %get3A_466 = tpu.vector_load %arg8[%get3A_464, %get3A_465] {strides = array<i32>} : memref<8x1024xf32, #tpu.memory_space<vmem>>, vector<16xf32>,
        %mul3A_467 = arith.mulf %get3A_466, %gather3A_103 : vector<16xf32>
        %add3A_468 = arith.addf %add3A_462, %mul3A_467 : vector<16xf32>
        %get3A_469 = arith.constant 3 : i32
        %get3A_470 = arith.index_cast %get3A_469 : i32 to index
        %get3A_471 = arith.index_cast %mul3A_451 : i32 to index
        %get3A_472 = tpu.vector_load %arg8[%get3A_470, %get3A_471] {strides = array<i32>} : memref<8x1024xf32, #tpu.memory_space<vmem>>, vector<16xf32>,
        %mul3A_473 = arith.mulf %get3A_472, %gather3A_112 : vector<16xf32>
        %add3A_474 = arith.addf %add3A_468, %mul3A_473 : vector<16xf32>
        %get3A_475 = arith.constant 4 : i32
        %get3A_476 = arith.index_cast %get3A_475 : i32 to index
        %get3A_477 = arith.index_cast %mul3A_451 : i32 to index
        %get3A_478 = tpu.vector_load %arg8[%get3A_476, %get3A_477] {strides = array<i32>} : memref<8x1024xf32, #tpu.memory_space<vmem>>, vector<16xf32>,
        %mul3A_479 = arith.mulf %get3A_478, %gather3A_121 : vector<16xf32>
        %add3A_480 = arith.addf %add3A_474, %mul3A_479 : vector<16xf32>
        %get3A_481 = arith.constant 5 : i32
        %get3A_482 = arith.index_cast %get3A_481 : i32 to index
        %get3A_483 = arith.index_cast %mul3A_451 : i32 to index
        %get3A_484 = tpu.vector_load %arg8[%get3A_482, %get3A_483] {strides = array<i32>} : memref<8x1024xf32, #tpu.memory_space<vmem>>, vector<16xf32>,
        %mul3A_485 = arith.mulf %get3A_484, %gather3A_130 : vector<16xf32>
        %add3A_486 = arith.addf %add3A_480, %mul3A_485 : vector<16xf32>
        %get3A_487 = arith.constant 6 : i32
        %get3A_488 = arith.index_cast %get3A_487 : i32 to index
        %get3A_489 = arith.index_cast %mul3A_451 : i32 to index
        %get3A_490 = tpu.vector_load %arg8[%get3A_488, %get3A_489] {strides = array<i32>} : memref<8x1024xf32, #tpu.memory_space<vmem>>, vector<16xf32>,
        %mul3A_491 = arith.mulf %get3A_490, %gather3A_139 : vector<16xf32>
        %add3A_492 = arith.addf %add3A_486, %mul3A_491 : vector<16xf32>
        %get3A_493 = arith.constant 7 : i32
        %get3A_494 = arith.index_cast %get3A_493 : i32 to index
        %get3A_495 = arith.index_cast %mul3A_451 : i32 to index
        %get3A_496 = tpu.vector_load %arg8[%get3A_494, %get3A_495] {strides = array<i32>} : memref<8x1024xf32, #tpu.memory_space<vmem>>, vector<16xf32>,
        %mul3A_497 = arith.mulf %get3A_496, %gather3A_148 : vector<16xf32>
        %add3A_498 = arith.addf %add3A_492, %mul3A_497 : vector<16xf32>
        %get3A_499 = arith.constant 0 : i32
        %get3A_500 = arith.index_cast %get3A_499 : i32 to index
        %get3A_501 = arith.index_cast %mul3A_451 : i32 to index
        %get3A_502 = tpu.vector_load %arg10[%get3A_500, %get3A_501] {strides = array<i32>} : memref<2x1024xf32, #tpu.memory_space<vmem>>, vector<16xf32>,
        %mul3A_503 = arith.mulf %add3A_498, %get3A_502 : vector<16xf32>
        %add3A_504 = arith.addf %add3A_445, %mul3A_503 : vector<16xf32>
        scf.yield %add3A_504 : vector<16xf32>
      }
      %scan3A_154 = arith.constant 16 : i32
      %add3A_155 = arith.constant 2 : i32
      %add3A_156 = arith.addi %add3A_58, %add3A_155 : i32
      %lt3A = arith.constant 256 : i32
      %lt3A_157 = arith.cmpi slt, %add3A_156, %lt3A : i32
      %convert_element_type3A = arith.extui %lt3A_157 : i1 to i32
      %cond3A = arith.constant 0 : i32
      %cond3A_158 = arith.cmpi ne, %convert_element_type3A, %cond3A : i32
      scf.if %cond3A_158 {
        %add3A_268 = arith.constant 2 : i32
        %add3A_269 = arith.addi %add3A_58, %add3A_268 : i32
        %mul3A_270 = arith.constant 8 : i32
        %mul3A_271 = arith.muli %add3A_269, %mul3A_270 : i32
        %dma_start3A_272 = tpu.memref_slice %arg6[%mul3A_271] : memref<2048xi32, #tpu.memory_space<vmem>> -> memref<8xi32, #tpu.memory_space<vmem>>
        %dma_start3A_273 = arith.constant 0 : i32
        %dma_start3A_274 = arith.constant 0 : i32
        %dma_start3A_275 = tpu.memref_slice %arg4[%dma_start3A_273, %dma_start3A_274] : memref<8192x1024xf32, #tpu.memory_space<hbm>> -> memref<8192x1024xf32, #tpu.memory_space<hbm>>
        tpu.enqueue_indirect_dma source(%dma_start3A_275 : memref<8192x1024xf32, #tpu.memory_space<hbm>>) target(%arg8 : memref<8x1024xf32, #tpu.memory_space<vmem>>) offsets(%dma_start3A_272 : memref<8xi32, #tpu.memory_space<vmem>>) semaphore(%arg12 : memref<!tpu.dma_semaphore, #tpu.memory_space<semaphore_mem>>)
        %add3A_276 = arith.addi %mul3A_2, %add3A_269 : i32
        %dma_start3A_277 = arith.constant 0 : i32
        %dma_start3A_278 = arith.constant 0 : i32
        %dma_start3A_279 = tpu.memref_slice %arg10[%dma_start3A_277, %dma_start3A_278] : memref<2x1024xf32, #tpu.memory_space<vmem>> -> memref<1x1024xf32, #tpu.memory_space<vmem>>
        %dma_start3A_280 = tpu.memref_squeeze %dma_start3A_279 : memref<1x1024xf32, #tpu.memory_space<vmem>> -> memref<1024xf32, #tpu.memory_space<vmem>>
        %dma_start3A_281 = arith.constant 0 : i32
        %dma_start3A_282 = tpu.memref_slice %arg4[%add3A_276, %dma_start3A_281] : memref<8192x1024xf32, #tpu.memory_space<hbm>> -> memref<1x1024xf32, #tpu.memory_space<hbm>>
        %dma_start3A_283 = tpu.memref_squeeze %dma_start3A_282 : memref<1x1024xf32, #tpu.memory_space<hbm>> -> memref<1024xf32, #tpu.memory_space<hbm>>
        %dma_start3A_284 = arith.constant 0 : i32
        %dma_start3A_285 = tpu.memref_slice %arg10[%dma_start3A_277, %dma_start3A_284] : memref<2x1024xf32, #tpu.memory_space<vmem>> -> memref<1x1024xf32, #tpu.memory_space<vmem>>
        %dma_start3A_286 = tpu.memref_squeeze %dma_start3A_285 : memref<1x1024xf32, #tpu.memory_space<vmem>> -> memref<1024xf32, #tpu.memory_space<vmem>>
        %dma_start3A_287 = arith.constant 0 : i32
        %dma_start3A_288 = tpu.memref_slice %arg4[%add3A_276, %dma_start3A_287] : memref<8192x1024xf32, #tpu.memory_space<hbm>> -> memref<1x1024xf32, #tpu.memory_space<hbm>>
        %dma_start3A_289 = tpu.memref_squeeze %dma_start3A_288 : memref<1x1024xf32, #tpu.memory_space<hbm>> -> memref<1024xf32, #tpu.memory_space<hbm>>
        tpu.enqueue_dma source(%dma_start3A_289 : memref<1024xf32, #tpu.memory_space<hbm>>) target(%dma_start3A_286 : memref<1024xf32, #tpu.memory_space<vmem>>) target_semaphore(%arg12 : memref<!tpu.dma_semaphore, #tpu.memory_space<semaphore_mem>>)
      } else {
      }
      %mul3A_159 = arith.constant 2 : i32
      %mul3A_160 = arith.muli %scan3A_53, %mul3A_159 : i32
      %add3A_161 = arith.constant 1 : i32
      %add3A_162 = arith.addi %mul3A_160, %add3A_161 : i32
      %mul3A_163 = arith.constant 8 : i32
      %mul3A_164 = arith.muli %add3A_162, %mul3A_163 : i32
      %dma_wait3A_165 = tpu.memref_slice %arg6[%mul3A_164] : memref<2048xi32, #tpu.memory_space<vmem>> -> memref<8xi32, #tpu.memory_space<vmem>>
      %dma_wait3A_166 = arith.constant 0 : i32
      %dma_wait3A_167 = arith.constant 0 : i32
      %dma_wait3A_168 = tpu.memref_slice %arg4[%dma_wait3A_166, %dma_wait3A_167] : memref<8192x1024xf32, #tpu.memory_space<hbm>> -> memref<8192x1024xf32, #tpu.memory_space<hbm>>
      tpu.wait_indirect_dma semaphore(%arg13 : memref<!tpu.dma_semaphore, #tpu.memory_space<semaphore_mem>>) src(%dma_wait3A_168 : memref<8192x1024xf32, #tpu.memory_space<hbm>>) dst(%arg9 : memref<8x1024xf32, #tpu.memory_space<vmem>>)
      %add3A_169 = arith.addi %mul3A_2, %add3A_162 : i32
      %dma_wait3A_170 = arith.constant 1 : i32
      %dma_wait3A_171 = arith.constant 0 : i32
      %dma_wait3A_172 = tpu.memref_slice %arg10[%dma_wait3A_170, %dma_wait3A_171] : memref<2x1024xf32, #tpu.memory_space<vmem>> -> memref<1x1024xf32, #tpu.memory_space<vmem>>
      %dma_wait3A_173 = tpu.memref_squeeze %dma_wait3A_172 : memref<1x1024xf32, #tpu.memory_space<vmem>> -> memref<1024xf32, #tpu.memory_space<vmem>>
      %dma_wait3A_174 = arith.constant 0 : i32
      %dma_wait3A_175 = tpu.memref_slice %arg4[%add3A_169, %dma_wait3A_174] : memref<8192x1024xf32, #tpu.memory_space<hbm>> -> memref<1x1024xf32, #tpu.memory_space<hbm>>
      %dma_wait3A_176 = tpu.memref_squeeze %dma_wait3A_175 : memref<1x1024xf32, #tpu.memory_space<hbm>> -> memref<1024xf32, #tpu.memory_space<hbm>>
      %dma_wait3A_177 = arith.constant 0 : i32
      %dma_wait3A_178 = tpu.memref_slice %arg10[%dma_wait3A_170, %dma_wait3A_177] : memref<2x1024xf32, #tpu.memory_space<vmem>> -> memref<1x1024xf32, #tpu.memory_space<vmem>>
      %dma_wait3A_179 = tpu.memref_squeeze %dma_wait3A_178 : memref<1x1024xf32, #tpu.memory_space<vmem>> -> memref<1024xf32, #tpu.memory_space<vmem>>
      %dma_wait3A_180 = arith.constant 0 : i32
      %dma_wait3A_181 = tpu.memref_slice %arg4[%add3A_169, %dma_wait3A_180] : memref<8192x1024xf32, #tpu.memory_space<hbm>> -> memref<1x1024xf32, #tpu.memory_space<hbm>>
      %dma_wait3A_182 = tpu.memref_squeeze %dma_wait3A_181 : memref<1x1024xf32, #tpu.memory_space<hbm>> -> memref<1024xf32, #tpu.memory_space<hbm>>
      tpu.wait_dma2 semaphore(%arg13 : memref<!tpu.dma_semaphore, #tpu.memory_space<semaphore_mem>>) src(%dma_wait3A_182 : memref<1024xf32, #tpu.memory_space<hbm>>) dst(%dma_wait3A_179 : memref<1024xf32, #tpu.memory_space<vmem>>)
      %broadcast_in_dim3A_183 = arith.constant 0 : i32
      %broadcast_in_dim3A_184 = vector.broadcast %broadcast_in_dim3A_183 : i32 to vector<16xi32>
      %mul3A_185 = arith.constant 8 : i32
      %mul3A_186 = arith.muli %add3A_162, %mul3A_185 : i32
      %add3A_187 = arith.constant 0 : i32
      %add3A_188 = arith.addi %mul3A_186, %add3A_187 : i32
      %add3A_189 = vector.broadcast %add3A_188 : i32 to vector<16xi32>
      %add3A_190 = arith.addi %broadcast_in_dim3A_184, %add3A_189 : vector<16xi32>
      %gather3A_191 = tpu.vector_load_idx %arg7[%add3A_190] : memref<2048xf32, #tpu.memory_space<vmem>>[vector<16xi32>], vector<16xf32>,
      %broadcast_in_dim3A_192 = arith.constant 0 : i32
      %broadcast_in_dim3A_193 = vector.broadcast %broadcast_in_dim3A_192 : i32 to vector<16xi32>
      %mul3A_194 = arith.constant 8 : i32
      %mul3A_195 = arith.muli %add3A_162, %mul3A_194 : i32
      %add3A_196 = arith.constant 1 : i32
      %add3A_197 = arith.addi %mul3A_195, %add3A_196 : i32
      %add3A_198 = vector.broadcast %add3A_197 : i32 to vector<16xi32>
      %add3A_199 = arith.addi %broadcast_in_dim3A_193, %add3A_198 : vector<16xi32>
      %gather3A_200 = tpu.vector_load_idx %arg7[%add3A_199] : memref<2048xf32, #tpu.memory_space<vmem>>[vector<16xi32>], vector<16xf32>,
      %broadcast_in_dim3A_201 = arith.constant 0 : i32
      %broadcast_in_dim3A_202 = vector.broadcast %broadcast_in_dim3A_201 : i32 to vector<16xi32>
      %mul3A_203 = arith.constant 8 : i32
      %mul3A_204 = arith.muli %add3A_162, %mul3A_203 : i32
      %add3A_205 = arith.constant 2 : i32
      %add3A_206 = arith.addi %mul3A_204, %add3A_205 : i32
      %add3A_207 = vector.broadcast %add3A_206 : i32 to vector<16xi32>
      %add3A_208 = arith.addi %broadcast_in_dim3A_202, %add3A_207 : vector<16xi32>
      %gather3A_209 = tpu.vector_load_idx %arg7[%add3A_208] : memref<2048xf32, #tpu.memory_space<vmem>>[vector<16xi32>], vector<16xf32>,
      %broadcast_in_dim3A_210 = arith.constant 0 : i32
      %broadcast_in_dim3A_211 = vector.broadcast %broadcast_in_dim3A_210 : i32 to vector<16xi32>
      %mul3A_212 = arith.constant 8 : i32
      %mul3A_213 = arith.muli %add3A_162, %mul3A_212 : i32
      %add3A_214 = arith.constant 3 : i32
      %add3A_215 = arith.addi %mul3A_213, %add3A_214 : i32
      %add3A_216 = vector.broadcast %add3A_215 : i32 to vector<16xi32>
      %add3A_217 = arith.addi %broadcast_in_dim3A_211, %add3A_216 : vector<16xi32>
      %gather3A_218 = tpu.vector_load_idx %arg7[%add3A_217] : memref<2048xf32, #tpu.memory_space<vmem>>[vector<16xi32>], vector<16xf32>,
      %broadcast_in_dim3A_219 = arith.constant 0 : i32
      %broadcast_in_dim3A_220 = vector.broadcast %broadcast_in_dim3A_219 : i32 to vector<16xi32>
      %mul3A_221 = arith.constant 8 : i32
      %mul3A_222 = arith.muli %add3A_162, %mul3A_221 : i32
      %add3A_223 = arith.constant 4 : i32
      %add3A_224 = arith.addi %mul3A_222, %add3A_223 : i32
      %add3A_225 = vector.broadcast %add3A_224 : i32 to vector<16xi32>
      %add3A_226 = arith.addi %broadcast_in_dim3A_220, %add3A_225 : vector<16xi32>
      %gather3A_227 = tpu.vector_load_idx %arg7[%add3A_226] : memref<2048xf32, #tpu.memory_space<vmem>>[vector<16xi32>], vector<16xf32>,
      %broadcast_in_dim3A_228 = arith.constant 0 : i32
      %broadcast_in_dim3A_229 = vector.broadcast %broadcast_in_dim3A_228 : i32 to vector<16xi32>
      %mul3A_230 = arith.constant 8 : i32
      %mul3A_231 = arith.muli %add3A_162, %mul3A_230 : i32
      %add3A_232 = arith.constant 5 : i32
      %add3A_233 = arith.addi %mul3A_231, %add3A_232 : i32
      %add3A_234 = vector.broadcast %add3A_233 : i32 to vector<16xi32>
      %add3A_235 = arith.addi %broadcast_in_dim3A_229, %add3A_234 : vector<16xi32>
      %gather3A_236 = tpu.vector_load_idx %arg7[%add3A_235] : memref<2048xf32, #tpu.memory_space<vmem>>[vector<16xi32>], vector<16xf32>,
      %broadcast_in_dim3A_237 = arith.constant 0 : i32
      %broadcast_in_dim3A_238 = vector.broadcast %broadcast_in_dim3A_237 : i32 to vector<16xi32>
      %mul3A_239 = arith.constant 8 : i32
      %mul3A_240 = arith.muli %add3A_162, %mul3A_239 : i32
      %add3A_241 = arith.constant 6 : i32
      %add3A_242 = arith.addi %mul3A_240, %add3A_241 : i32
      %add3A_243 = vector.broadcast %add3A_242 : i32 to vector<16xi32>
      %add3A_244 = arith.addi %broadcast_in_dim3A_238, %add3A_243 : vector<16xi32>
      %gather3A_245 = tpu.vector_load_idx %arg7[%add3A_244] : memref<2048xf32, #tpu.memory_space<vmem>>[vector<16xi32>], vector<16xf32>,
      %broadcast_in_dim3A_246 = arith.constant 0 : i32
      %broadcast_in_dim3A_247 = vector.broadcast %broadcast_in_dim3A_246 : i32 to vector<16xi32>
      %mul3A_248 = arith.constant 8 : i32
      %mul3A_249 = arith.muli %add3A_162, %mul3A_248 : i32
      %add3A_250 = arith.constant 7 : i32
      %add3A_251 = arith.addi %mul3A_249, %add3A_250 : i32
      %add3A_252 = vector.broadcast %add3A_251 : i32 to vector<16xi32>
      %add3A_253 = arith.addi %broadcast_in_dim3A_247, %add3A_252 : vector<16xi32>
      %gather3A_254 = tpu.vector_load_idx %arg7[%add3A_253] : memref<2048xf32, #tpu.memory_space<vmem>>[vector<16xi32>], vector<16xf32>,
      %scan3A_255 = arith.constant 0 : i32
      %scan3A_256 = arith.constant 16 : i32
      %scan3A_257 = arith.addi %scan3A_255, %scan3A_256 : i32
      %scan3A_258 = arith.constant 1 : i32
      %scan3A_259 = scf.for %scan3A_268 = %scan3A_255 to %scan3A_257 step %scan3A_258 iter_args(%scan3A_269 = %scan3A_153) -> (vector<16xf32>)  : i32 {
        %mul3A_270 = arith.constant 4 : i32
        %mul3A_271 = arith.muli %scan3A_268, %mul3A_270 : i32
        %add3A_272 = arith.constant 0 : i32
        %add3A_273 = arith.addi %mul3A_271, %add3A_272 : i32
        %mul3A_274 = arith.constant 16 : i32
        %mul3A_275 = arith.muli %add3A_273, %mul3A_274 : i32
        %get3A = arith.constant 0 : i32
        %get3A_276 = arith.index_cast %get3A : i32 to index
        %get3A_277 = arith.index_cast %mul3A_275 : i32 to index
        %get3A_278 = tpu.vector_load %arg9[%get3A_276, %get3A_277] {strides = array<i32>} : memref<8x1024xf32, #tpu.memory_space<vmem>>, vector<16xf32>,
        %mul3A_279 = arith.mulf %get3A_278, %gather3A_191 : vector<16xf32>
        %get3A_280 = arith.constant 1 : i32
        %get3A_281 = arith.index_cast %get3A_280 : i32 to index
        %get3A_282 = arith.index_cast %mul3A_275 : i32 to index
        %get3A_283 = tpu.vector_load %arg9[%get3A_281, %get3A_282] {strides = array<i32>} : memref<8x1024xf32, #tpu.memory_space<vmem>>, vector<16xf32>,
        %mul3A_284 = arith.mulf %get3A_283, %gather3A_200 : vector<16xf32>
        %add3A_285 = arith.addf %mul3A_279, %mul3A_284 : vector<16xf32>
        %get3A_286 = arith.constant 2 : i32
        %get3A_287 = arith.index_cast %get3A_286 : i32 to index
        %get3A_288 = arith.index_cast %mul3A_275 : i32 to index
        %get3A_289 = tpu.vector_load %arg9[%get3A_287, %get3A_288] {strides = array<i32>} : memref<8x1024xf32, #tpu.memory_space<vmem>>, vector<16xf32>,
        %mul3A_290 = arith.mulf %get3A_289, %gather3A_209 : vector<16xf32>
        %add3A_291 = arith.addf %add3A_285, %mul3A_290 : vector<16xf32>
        %get3A_292 = arith.constant 3 : i32
        %get3A_293 = arith.index_cast %get3A_292 : i32 to index
        %get3A_294 = arith.index_cast %mul3A_275 : i32 to index
        %get3A_295 = tpu.vector_load %arg9[%get3A_293, %get3A_294] {strides = array<i32>} : memref<8x1024xf32, #tpu.memory_space<vmem>>, vector<16xf32>,
        %mul3A_296 = arith.mulf %get3A_295, %gather3A_218 : vector<16xf32>
        %add3A_297 = arith.addf %add3A_291, %mul3A_296 : vector<16xf32>
        %get3A_298 = arith.constant 4 : i32
        %get3A_299 = arith.index_cast %get3A_298 : i32 to index
        %get3A_300 = arith.index_cast %mul3A_275 : i32 to index
        %get3A_301 = tpu.vector_load %arg9[%get3A_299, %get3A_300] {strides = array<i32>} : memref<8x1024xf32, #tpu.memory_space<vmem>>, vector<16xf32>,
        %mul3A_302 = arith.mulf %get3A_301, %gather3A_227 : vector<16xf32>
        %add3A_303 = arith.addf %add3A_297, %mul3A_302 : vector<16xf32>
        %get3A_304 = arith.constant 5 : i32
        %get3A_305 = arith.index_cast %get3A_304 : i32 to index
        %get3A_306 = arith.index_cast %mul3A_275 : i32 to index
        %get3A_307 = tpu.vector_load %arg9[%get3A_305, %get3A_306] {strides = array<i32>} : memref<8x1024xf32, #tpu.memory_space<vmem>>, vector<16xf32>,
        %mul3A_308 = arith.mulf %get3A_307, %gather3A_236 : vector<16xf32>
        %add3A_309 = arith.addf %add3A_303, %mul3A_308 : vector<16xf32>
        %get3A_310 = arith.constant 6 : i32
        %get3A_311 = arith.index_cast %get3A_310 : i32 to index
        %get3A_312 = arith.index_cast %mul3A_275 : i32 to index
        %get3A_313 = tpu.vector_load %arg9[%get3A_311, %get3A_312] {strides = array<i32>} : memref<8x1024xf32, #tpu.memory_space<vmem>>, vector<16xf32>,
        %mul3A_314 = arith.mulf %get3A_313, %gather3A_245 : vector<16xf32>
        %add3A_315 = arith.addf %add3A_309, %mul3A_314 : vector<16xf32>
        %get3A_316 = arith.constant 7 : i32
        %get3A_317 = arith.index_cast %get3A_316 : i32 to index
        %get3A_318 = arith.index_cast %mul3A_275 : i32 to index
        %get3A_319 = tpu.vector_load %arg9[%get3A_317, %get3A_318] {strides = array<i32>} : memref<8x1024xf32, #tpu.memory_space<vmem>>, vector<16xf32>,
        %mul3A_320 = arith.mulf %get3A_319, %gather3A_254 : vector<16xf32>
        %add3A_321 = arith.addf %add3A_315, %mul3A_320 : vector<16xf32>
        %get3A_322 = arith.constant 1 : i32
        %get3A_323 = arith.index_cast %get3A_322 : i32 to index
        %get3A_324 = arith.index_cast %mul3A_275 : i32 to index
        %get3A_325 = tpu.vector_load %arg10[%get3A_323, %get3A_324] {strides = array<i32>} : memref<2x1024xf32, #tpu.memory_space<vmem>>, vector<16xf32>,
        %mul3A_326 = arith.mulf %add3A_321, %get3A_325 : vector<16xf32>
        %add3A_327 = arith.addf %scan3A_269, %mul3A_326 : vector<16xf32>
        %mul3A_328 = arith.constant 4 : i32
        %mul3A_329 = arith.muli %scan3A_268, %mul3A_328 : i32
        %add3A_330 = arith.constant 1 : i32
        %add3A_331 = arith.addi %mul3A_329, %add3A_330 : i32
        %mul3A_332 = arith.constant 16 : i32
        %mul3A_333 = arith.muli %add3A_331, %mul3A_332 : i32
        %get3A_334 = arith.constant 0 : i32
        %get3A_335 = arith.index_cast %get3A_334 : i32 to index
        %get3A_336 = arith.index_cast %mul3A_333 : i32 to index
        %get3A_337 = tpu.vector_load %arg9[%get3A_335, %get3A_336] {strides = array<i32>} : memref<8x1024xf32, #tpu.memory_space<vmem>>, vector<16xf32>,
        %mul3A_338 = arith.mulf %get3A_337, %gather3A_191 : vector<16xf32>
        %get3A_339 = arith.constant 1 : i32
        %get3A_340 = arith.index_cast %get3A_339 : i32 to index
        %get3A_341 = arith.index_cast %mul3A_333 : i32 to index
        %get3A_342 = tpu.vector_load %arg9[%get3A_340, %get3A_341] {strides = array<i32>} : memref<8x1024xf32, #tpu.memory_space<vmem>>, vector<16xf32>,
        %mul3A_343 = arith.mulf %get3A_342, %gather3A_200 : vector<16xf32>
        %add3A_344 = arith.addf %mul3A_338, %mul3A_343 : vector<16xf32>
        %get3A_345 = arith.constant 2 : i32
        %get3A_346 = arith.index_cast %get3A_345 : i32 to index
        %get3A_347 = arith.index_cast %mul3A_333 : i32 to index
        %get3A_348 = tpu.vector_load %arg9[%get3A_346, %get3A_347] {strides = array<i32>} : memref<8x1024xf32, #tpu.memory_space<vmem>>, vector<16xf32>,
        %mul3A_349 = arith.mulf %get3A_348, %gather3A_209 : vector<16xf32>
        %add3A_350 = arith.addf %add3A_344, %mul3A_349 : vector<16xf32>
        %get3A_351 = arith.constant 3 : i32
        %get3A_352 = arith.index_cast %get3A_351 : i32 to index
        %get3A_353 = arith.index_cast %mul3A_333 : i32 to index
        %get3A_354 = tpu.vector_load %arg9[%get3A_352, %get3A_353] {strides = array<i32>} : memref<8x1024xf32, #tpu.memory_space<vmem>>, vector<16xf32>,
        %mul3A_355 = arith.mulf %get3A_354, %gather3A_218 : vector<16xf32>
        %add3A_356 = arith.addf %add3A_350, %mul3A_355 : vector<16xf32>
        %get3A_357 = arith.constant 4 : i32
        %get3A_358 = arith.index_cast %get3A_357 : i32 to index
        %get3A_359 = arith.index_cast %mul3A_333 : i32 to index
        %get3A_360 = tpu.vector_load %arg9[%get3A_358, %get3A_359] {strides = array<i32>} : memref<8x1024xf32, #tpu.memory_space<vmem>>, vector<16xf32>,
        %mul3A_361 = arith.mulf %get3A_360, %gather3A_227 : vector<16xf32>
        %add3A_362 = arith.addf %add3A_356, %mul3A_361 : vector<16xf32>
        %get3A_363 = arith.constant 5 : i32
        %get3A_364 = arith.index_cast %get3A_363 : i32 to index
        %get3A_365 = arith.index_cast %mul3A_333 : i32 to index
        %get3A_366 = tpu.vector_load %arg9[%get3A_364, %get3A_365] {strides = array<i32>} : memref<8x1024xf32, #tpu.memory_space<vmem>>, vector<16xf32>,
        %mul3A_367 = arith.mulf %get3A_366, %gather3A_236 : vector<16xf32>
        %add3A_368 = arith.addf %add3A_362, %mul3A_367 : vector<16xf32>
        %get3A_369 = arith.constant 6 : i32
        %get3A_370 = arith.index_cast %get3A_369 : i32 to index
        %get3A_371 = arith.index_cast %mul3A_333 : i32 to index
        %get3A_372 = tpu.vector_load %arg9[%get3A_370, %get3A_371] {strides = array<i32>} : memref<8x1024xf32, #tpu.memory_space<vmem>>, vector<16xf32>,
        %mul3A_373 = arith.mulf %get3A_372, %gather3A_245 : vector<16xf32>
        %add3A_374 = arith.addf %add3A_368, %mul3A_373 : vector<16xf32>
        %get3A_375 = arith.constant 7 : i32
        %get3A_376 = arith.index_cast %get3A_375 : i32 to index
        %get3A_377 = arith.index_cast %mul3A_333 : i32 to index
        %get3A_378 = tpu.vector_load %arg9[%get3A_376, %get3A_377] {strides = array<i32>} : memref<8x1024xf32, #tpu.memory_space<vmem>>, vector<16xf32>,
        %mul3A_379 = arith.mulf %get3A_378, %gather3A_254 : vector<16xf32>
        %add3A_380 = arith.addf %add3A_374, %mul3A_379 : vector<16xf32>
        %get3A_381 = arith.constant 1 : i32
        %get3A_382 = arith.index_cast %get3A_381 : i32 to index
        %get3A_383 = arith.index_cast %mul3A_333 : i32 to index
        %get3A_384 = tpu.vector_load %arg10[%get3A_382, %get3A_383] {strides = array<i32>} : memref<2x1024xf32, #tpu.memory_space<vmem>>, vector<16xf32>,
        %mul3A_385 = arith.mulf %add3A_380, %get3A_384 : vector<16xf32>
        %add3A_386 = arith.addf %add3A_327, %mul3A_385 : vector<16xf32>
        %mul3A_387 = arith.constant 4 : i32
        %mul3A_388 = arith.muli %scan3A_268, %mul3A_387 : i32
        %add3A_389 = arith.constant 2 : i32
        %add3A_390 = arith.addi %mul3A_388, %add3A_389 : i32
        %mul3A_391 = arith.constant 16 : i32
        %mul3A_392 = arith.muli %add3A_390, %mul3A_391 : i32
        %get3A_393 = arith.constant 0 : i32
        %get3A_394 = arith.index_cast %get3A_393 : i32 to index
        %get3A_395 = arith.index_cast %mul3A_392 : i32 to index
        %get3A_396 = tpu.vector_load %arg9[%get3A_394, %get3A_395] {strides = array<i32>} : memref<8x1024xf32, #tpu.memory_space<vmem>>, vector<16xf32>,
        %mul3A_397 = arith.mulf %get3A_396, %gather3A_191 : vector<16xf32>
        %get3A_398 = arith.constant 1 : i32
        %get3A_399 = arith.index_cast %get3A_398 : i32 to index
        %get3A_400 = arith.index_cast %mul3A_392 : i32 to index
        %get3A_401 = tpu.vector_load %arg9[%get3A_399, %get3A_400] {strides = array<i32>} : memref<8x1024xf32, #tpu.memory_space<vmem>>, vector<16xf32>,
        %mul3A_402 = arith.mulf %get3A_401, %gather3A_200 : vector<16xf32>
        %add3A_403 = arith.addf %mul3A_397, %mul3A_402 : vector<16xf32>
        %get3A_404 = arith.constant 2 : i32
        %get3A_405 = arith.index_cast %get3A_404 : i32 to index
        %get3A_406 = arith.index_cast %mul3A_392 : i32 to index
        %get3A_407 = tpu.vector_load %arg9[%get3A_405, %get3A_406] {strides = array<i32>} : memref<8x1024xf32, #tpu.memory_space<vmem>>, vector<16xf32>,
        %mul3A_408 = arith.mulf %get3A_407, %gather3A_209 : vector<16xf32>
        %add3A_409 = arith.addf %add3A_403, %mul3A_408 : vector<16xf32>
        %get3A_410 = arith.constant 3 : i32
        %get3A_411 = arith.index_cast %get3A_410 : i32 to index
        %get3A_412 = arith.index_cast %mul3A_392 : i32 to index
        %get3A_413 = tpu.vector_load %arg9[%get3A_411, %get3A_412] {strides = array<i32>} : memref<8x1024xf32, #tpu.memory_space<vmem>>, vector<16xf32>,
        %mul3A_414 = arith.mulf %get3A_413, %gather3A_218 : vector<16xf32>
        %add3A_415 = arith.addf %add3A_409, %mul3A_414 : vector<16xf32>
        %get3A_416 = arith.constant 4 : i32
        %get3A_417 = arith.index_cast %get3A_416 : i32 to index
        %get3A_418 = arith.index_cast %mul3A_392 : i32 to index
        %get3A_419 = tpu.vector_load %arg9[%get3A_417, %get3A_418] {strides = array<i32>} : memref<8x1024xf32, #tpu.memory_space<vmem>>, vector<16xf32>,
        %mul3A_420 = arith.mulf %get3A_419, %gather3A_227 : vector<16xf32>
        %add3A_421 = arith.addf %add3A_415, %mul3A_420 : vector<16xf32>
        %get3A_422 = arith.constant 5 : i32
        %get3A_423 = arith.index_cast %get3A_422 : i32 to index
        %get3A_424 = arith.index_cast %mul3A_392 : i32 to index
        %get3A_425 = tpu.vector_load %arg9[%get3A_423, %get3A_424] {strides = array<i32>} : memref<8x1024xf32, #tpu.memory_space<vmem>>, vector<16xf32>,
        %mul3A_426 = arith.mulf %get3A_425, %gather3A_236 : vector<16xf32>
        %add3A_427 = arith.addf %add3A_421, %mul3A_426 : vector<16xf32>
        %get3A_428 = arith.constant 6 : i32
        %get3A_429 = arith.index_cast %get3A_428 : i32 to index
        %get3A_430 = arith.index_cast %mul3A_392 : i32 to index
        %get3A_431 = tpu.vector_load %arg9[%get3A_429, %get3A_430] {strides = array<i32>} : memref<8x1024xf32, #tpu.memory_space<vmem>>, vector<16xf32>,
        %mul3A_432 = arith.mulf %get3A_431, %gather3A_245 : vector<16xf32>
        %add3A_433 = arith.addf %add3A_427, %mul3A_432 : vector<16xf32>
        %get3A_434 = arith.constant 7 : i32
        %get3A_435 = arith.index_cast %get3A_434 : i32 to index
        %get3A_436 = arith.index_cast %mul3A_392 : i32 to index
        %get3A_437 = tpu.vector_load %arg9[%get3A_435, %get3A_436] {strides = array<i32>} : memref<8x1024xf32, #tpu.memory_space<vmem>>, vector<16xf32>,
        %mul3A_438 = arith.mulf %get3A_437, %gather3A_254 : vector<16xf32>
        %add3A_439 = arith.addf %add3A_433, %mul3A_438 : vector<16xf32>
        %get3A_440 = arith.constant 1 : i32
        %get3A_441 = arith.index_cast %get3A_440 : i32 to index
        %get3A_442 = arith.index_cast %mul3A_392 : i32 to index
        %get3A_443 = tpu.vector_load %arg10[%get3A_441, %get3A_442] {strides = array<i32>} : memref<2x1024xf32, #tpu.memory_space<vmem>>, vector<16xf32>,
        %mul3A_444 = arith.mulf %add3A_439, %get3A_443 : vector<16xf32>
        %add3A_445 = arith.addf %add3A_386, %mul3A_444 : vector<16xf32>
        %mul3A_446 = arith.constant 4 : i32
        %mul3A_447 = arith.muli %scan3A_268, %mul3A_446 : i32
        %add3A_448 = arith.constant 3 : i32
        %add3A_449 = arith.addi %mul3A_447, %add3A_448 : i32
        %mul3A_450 = arith.constant 16 : i32
        %mul3A_451 = arith.muli %add3A_449, %mul3A_450 : i32
        %get3A_452 = arith.constant 0 : i32
        %get3A_453 = arith.index_cast %get3A_452 : i32 to index
        %get3A_454 = arith.index_cast %mul3A_451 : i32 to index
        %get3A_455 = tpu.vector_load %arg9[%get3A_453, %get3A_454] {strides = array<i32>} : memref<8x1024xf32, #tpu.memory_space<vmem>>, vector<16xf32>,
        %mul3A_456 = arith.mulf %get3A_455, %gather3A_191 : vector<16xf32>
        %get3A_457 = arith.constant 1 : i32
        %get3A_458 = arith.index_cast %get3A_457 : i32 to index
        %get3A_459 = arith.index_cast %mul3A_451 : i32 to index
        %get3A_460 = tpu.vector_load %arg9[%get3A_458, %get3A_459] {strides = array<i32>} : memref<8x1024xf32, #tpu.memory_space<vmem>>, vector<16xf32>,
        %mul3A_461 = arith.mulf %get3A_460, %gather3A_200 : vector<16xf32>
        %add3A_462 = arith.addf %mul3A_456, %mul3A_461 : vector<16xf32>
        %get3A_463 = arith.constant 2 : i32
        %get3A_464 = arith.index_cast %get3A_463 : i32 to index
        %get3A_465 = arith.index_cast %mul3A_451 : i32 to index
        %get3A_466 = tpu.vector_load %arg9[%get3A_464, %get3A_465] {strides = array<i32>} : memref<8x1024xf32, #tpu.memory_space<vmem>>, vector<16xf32>,
        %mul3A_467 = arith.mulf %get3A_466, %gather3A_209 : vector<16xf32>
        %add3A_468 = arith.addf %add3A_462, %mul3A_467 : vector<16xf32>
        %get3A_469 = arith.constant 3 : i32
        %get3A_470 = arith.index_cast %get3A_469 : i32 to index
        %get3A_471 = arith.index_cast %mul3A_451 : i32 to index
        %get3A_472 = tpu.vector_load %arg9[%get3A_470, %get3A_471] {strides = array<i32>} : memref<8x1024xf32, #tpu.memory_space<vmem>>, vector<16xf32>,
        %mul3A_473 = arith.mulf %get3A_472, %gather3A_218 : vector<16xf32>
        %add3A_474 = arith.addf %add3A_468, %mul3A_473 : vector<16xf32>
        %get3A_475 = arith.constant 4 : i32
        %get3A_476 = arith.index_cast %get3A_475 : i32 to index
        %get3A_477 = arith.index_cast %mul3A_451 : i32 to index
        %get3A_478 = tpu.vector_load %arg9[%get3A_476, %get3A_477] {strides = array<i32>} : memref<8x1024xf32, #tpu.memory_space<vmem>>, vector<16xf32>,
        %mul3A_479 = arith.mulf %get3A_478, %gather3A_227 : vector<16xf32>
        %add3A_480 = arith.addf %add3A_474, %mul3A_479 : vector<16xf32>
        %get3A_481 = arith.constant 5 : i32
        %get3A_482 = arith.index_cast %get3A_481 : i32 to index
        %get3A_483 = arith.index_cast %mul3A_451 : i32 to index
        %get3A_484 = tpu.vector_load %arg9[%get3A_482, %get3A_483] {strides = array<i32>} : memref<8x1024xf32, #tpu.memory_space<vmem>>, vector<16xf32>,
        %mul3A_485 = arith.mulf %get3A_484, %gather3A_236 : vector<16xf32>
        %add3A_486 = arith.addf %add3A_480, %mul3A_485 : vector<16xf32>
        %get3A_487 = arith.constant 6 : i32
        %get3A_488 = arith.index_cast %get3A_487 : i32 to index
        %get3A_489 = arith.index_cast %mul3A_451 : i32 to index
        %get3A_490 = tpu.vector_load %arg9[%get3A_488, %get3A_489] {strides = array<i32>} : memref<8x1024xf32, #tpu.memory_space<vmem>>, vector<16xf32>,
        %mul3A_491 = arith.mulf %get3A_490, %gather3A_245 : vector<16xf32>
        %add3A_492 = arith.addf %add3A_486, %mul3A_491 : vector<16xf32>
        %get3A_493 = arith.constant 7 : i32
        %get3A_494 = arith.index_cast %get3A_493 : i32 to index
        %get3A_495 = arith.index_cast %mul3A_451 : i32 to index
        %get3A_496 = tpu.vector_load %arg9[%get3A_494, %get3A_495] {strides = array<i32>} : memref<8x1024xf32, #tpu.memory_space<vmem>>, vector<16xf32>,
        %mul3A_497 = arith.mulf %get3A_496, %gather3A_254 : vector<16xf32>
        %add3A_498 = arith.addf %add3A_492, %mul3A_497 : vector<16xf32>
        %get3A_499 = arith.constant 1 : i32
        %get3A_500 = arith.index_cast %get3A_499 : i32 to index
        %get3A_501 = arith.index_cast %mul3A_451 : i32 to index
        %get3A_502 = tpu.vector_load %arg10[%get3A_500, %get3A_501] {strides = array<i32>} : memref<2x1024xf32, #tpu.memory_space<vmem>>, vector<16xf32>,
        %mul3A_503 = arith.mulf %add3A_498, %get3A_502 : vector<16xf32>
        %add3A_504 = arith.addf %add3A_445, %mul3A_503 : vector<16xf32>
        scf.yield %add3A_504 : vector<16xf32>
      }
      %scan3A_260 = arith.constant 16 : i32
      %add3A_261 = arith.constant 2 : i32
      %add3A_262 = arith.addi %add3A_162, %add3A_261 : i32
      %lt3A_263 = arith.constant 256 : i32
      %lt3A_264 = arith.cmpi slt, %add3A_262, %lt3A_263 : i32
      %convert_element_type3A_265 = arith.extui %lt3A_264 : i1 to i32
      %cond3A_266 = arith.constant 0 : i32
      %cond3A_267 = arith.cmpi ne, %convert_element_type3A_265, %cond3A_266 : i32
      scf.if %cond3A_267 {
        %add3A_268 = arith.constant 2 : i32
        %add3A_269 = arith.addi %add3A_162, %add3A_268 : i32
        %mul3A_270 = arith.constant 8 : i32
        %mul3A_271 = arith.muli %add3A_269, %mul3A_270 : i32
        %dma_start3A_272 = tpu.memref_slice %arg6[%mul3A_271] : memref<2048xi32, #tpu.memory_space<vmem>> -> memref<8xi32, #tpu.memory_space<vmem>>
        %dma_start3A_273 = arith.constant 0 : i32
        %dma_start3A_274 = arith.constant 0 : i32
        %dma_start3A_275 = tpu.memref_slice %arg4[%dma_start3A_273, %dma_start3A_274] : memref<8192x1024xf32, #tpu.memory_space<hbm>> -> memref<8192x1024xf32, #tpu.memory_space<hbm>>
        tpu.enqueue_indirect_dma source(%dma_start3A_275 : memref<8192x1024xf32, #tpu.memory_space<hbm>>) target(%arg9 : memref<8x1024xf32, #tpu.memory_space<vmem>>) offsets(%dma_start3A_272 : memref<8xi32, #tpu.memory_space<vmem>>) semaphore(%arg13 : memref<!tpu.dma_semaphore, #tpu.memory_space<semaphore_mem>>)
        %add3A_276 = arith.addi %mul3A_2, %add3A_269 : i32
        %dma_start3A_277 = arith.constant 1 : i32
        %dma_start3A_278 = arith.constant 0 : i32
        %dma_start3A_279 = tpu.memref_slice %arg10[%dma_start3A_277, %dma_start3A_278] : memref<2x1024xf32, #tpu.memory_space<vmem>> -> memref<1x1024xf32, #tpu.memory_space<vmem>>
        %dma_start3A_280 = tpu.memref_squeeze %dma_start3A_279 : memref<1x1024xf32, #tpu.memory_space<vmem>> -> memref<1024xf32, #tpu.memory_space<vmem>>
        %dma_start3A_281 = arith.constant 0 : i32
        %dma_start3A_282 = tpu.memref_slice %arg4[%add3A_276, %dma_start3A_281] : memref<8192x1024xf32, #tpu.memory_space<hbm>> -> memref<1x1024xf32, #tpu.memory_space<hbm>>
        %dma_start3A_283 = tpu.memref_squeeze %dma_start3A_282 : memref<1x1024xf32, #tpu.memory_space<hbm>> -> memref<1024xf32, #tpu.memory_space<hbm>>
        %dma_start3A_284 = arith.constant 0 : i32
        %dma_start3A_285 = tpu.memref_slice %arg10[%dma_start3A_277, %dma_start3A_284] : memref<2x1024xf32, #tpu.memory_space<vmem>> -> memref<1x1024xf32, #tpu.memory_space<vmem>>
        %dma_start3A_286 = tpu.memref_squeeze %dma_start3A_285 : memref<1x1024xf32, #tpu.memory_space<vmem>> -> memref<1024xf32, #tpu.memory_space<vmem>>
        %dma_start3A_287 = arith.constant 0 : i32
        %dma_start3A_288 = tpu.memref_slice %arg4[%add3A_276, %dma_start3A_287] : memref<8192x1024xf32, #tpu.memory_space<hbm>> -> memref<1x1024xf32, #tpu.memory_space<hbm>>
        %dma_start3A_289 = tpu.memref_squeeze %dma_start3A_288 : memref<1x1024xf32, #tpu.memory_space<hbm>> -> memref<1024xf32, #tpu.memory_space<hbm>>
        tpu.enqueue_dma source(%dma_start3A_289 : memref<1024xf32, #tpu.memory_space<hbm>>) target(%dma_start3A_286 : memref<1024xf32, #tpu.memory_space<vmem>>) target_semaphore(%arg13 : memref<!tpu.dma_semaphore, #tpu.memory_space<semaphore_mem>>)
      } else {
      }
      scf.yield %scan3A_259 : vector<16xf32>
    }
    %scan3A_51 = arith.constant 128 : i32
    %swap3A = arith.constant 0 : index
    %swap3A_52 = tpu.vector_load %arg11[%swap3A] {strides = array<i32>} : memref<16xf32, #tpu.memory_space<vmem>>, vector<16xf32>,
    tpu.vector_store %arg11[%swap3A], %scan3A_50 {strides = array<i32>} : memref<16xf32, #tpu.memory_space<vmem>>, vector<16xf32>,
    "tpu.region"() ({
      %run_scoped3A = tpu.sem_alloc : memref<!tpu.dma_semaphore, #tpu.memory_space<semaphore_mem>>
      %dma_start3A_53 = arith.constant 0 : i32
      %dma_start3A_54 = tpu.memref_slice %arg5[%add3A, %dma_start3A_53] : memref<32x16xf32, #tpu.memory_space<hbm>> -> memref<1x16xf32, #tpu.memory_space<hbm>>
      %dma_start3A_55 = tpu.memref_squeeze %dma_start3A_54 : memref<1x16xf32, #tpu.memory_space<hbm>> -> memref<16xf32, #tpu.memory_space<hbm>>
      %dma_start3A_56 = arith.constant 0 : i32
      %dma_start3A_57 = tpu.memref_slice %arg5[%add3A, %dma_start3A_56] : memref<32x16xf32, #tpu.memory_space<hbm>> -> memref<1x16xf32, #tpu.memory_space<hbm>>
      %dma_start3A_58 = tpu.memref_squeeze %dma_start3A_57 : memref<1x16xf32, #tpu.memory_space<hbm>> -> memref<16xf32, #tpu.memory_space<hbm>>
      tpu.enqueue_dma source(%arg11 : memref<16xf32, #tpu.memory_space<vmem>>) target(%dma_start3A_58 : memref<16xf32, #tpu.memory_space<hbm>>) target_semaphore(%run_scoped3A : memref<!tpu.dma_semaphore, #tpu.memory_space<semaphore_mem>>)
      %dma_wait3A = arith.constant 0 : i32
      %dma_wait3A_59 = tpu.memref_slice %arg5[%add3A, %dma_wait3A] : memref<32x16xf32, #tpu.memory_space<hbm>> -> memref<1x16xf32, #tpu.memory_space<hbm>>
      %dma_wait3A_60 = tpu.memref_squeeze %dma_wait3A_59 : memref<1x16xf32, #tpu.memory_space<hbm>> -> memref<16xf32, #tpu.memory_space<hbm>>
      %dma_wait3A_61 = arith.constant 0 : i32
      %dma_wait3A_62 = tpu.memref_slice %arg5[%add3A, %dma_wait3A_61] : memref<32x16xf32, #tpu.memory_space<hbm>> -> memref<1x16xf32, #tpu.memory_space<hbm>>
      %dma_wait3A_63 = tpu.memref_squeeze %dma_wait3A_62 : memref<1x16xf32, #tpu.memory_space<hbm>> -> memref<16xf32, #tpu.memory_space<hbm>>
      tpu.wait_dma2 semaphore(%run_scoped3A : memref<!tpu.dma_semaphore, #tpu.memory_space<semaphore_mem>>) src(%arg11 : memref<16xf32, #tpu.memory_space<vmem>>) dst(%dma_wait3A_63 : memref<16xf32, #tpu.memory_space<hbm>>)
      tpu.yield
    }) : () -> ()
    return
  }
}

#map = affine_map<(d0, d1) -> (0)>
#map1 = affine_map<(d0, d1) -> (0, 0)>
module attributes {stable_mosaic.version = 14 : i64} {
  func.func @_sc_agg_body(%arg0: i32, %arg1: i32, %arg2: memref<65536xi32, #tpu.memory_space<hbm>>, %arg3: memref<8192x768xf32, #tpu.memory_space<hbm>>, %arg4: memref<8192x768xf32, #tpu.memory_space<hbm>>, %arg5: memref<65536xf32, #tpu.memory_space<hbm>>, %arg6: memref<32x16xf32, #tpu.memory_space<hbm>>, %arg7: memref<65536xi32, #tpu.memory_space<vmem>>, %arg8: memref<2048xi32, #tpu.memory_space<vmem>>, %arg9: memref<2048xi32, #tpu.memory_space<vmem>>, %arg10: memref<2048xf32, #tpu.memory_space<vmem>>, %arg11: memref<256xf32, #tpu.memory_space<vmem>>, %arg12: memref<8x768xf32, #tpu.memory_space<vmem>>, %arg13: memref<8x768xf32, #tpu.memory_space<vmem>>, %arg14: memref<2x768xf32, #tpu.memory_space<vmem>>, %arg15: memref<16xf32, #tpu.memory_space<vmem>>, %arg16: memref<!tpu.dma_semaphore, #tpu.memory_space<semaphore_mem>>, %arg17: memref<!tpu.dma_semaphore, #tpu.memory_space<semaphore_mem>>, %arg18: memref<!tpu.dma_semaphore, #tpu.memory_space<semaphore_mem>>) attributes {dimension_semantics = [#tpu.dimension_semantics<core_parallel>, #tpu.dimension_semantics<subcore_parallel>], iteration_bounds = array<i64: 2, 16>, scalar_prefetch = 0 : i64, scratch_operands = 12 : i64, tpu.core_type = #tpu.core_type<sc_vector_subcore>, window_params = [{transform_indices = #map}, {transform_indices = #map1}, {transform_indices = #map1}, {transform_indices = #map}, {transform_indices = #map1}]} {
    %mul3A = arith.constant 2 : i32
    %mul3A_0 = arith.muli %arg1, %mul3A : i32
    %add3A = arith.addi %mul3A_0, %arg0 : i32
    %mul3A_1 = arith.constant 256 : i32
    %mul3A_2 = arith.muli %add3A, %mul3A_1 : i32
    "tpu.region"() ({
      %run_scoped3A = tpu.sem_alloc : memref<!tpu.dma_semaphore, #tpu.memory_space<semaphore_mem>>
      tpu.enqueue_dma source(%arg2 : memref<65536xi32, #tpu.memory_space<hbm>>) target(%arg7 : memref<65536xi32, #tpu.memory_space<vmem>>) target_semaphore(%run_scoped3A : memref<!tpu.dma_semaphore, #tpu.memory_space<semaphore_mem>>)
      tpu.wait_dma2 semaphore(%run_scoped3A : memref<!tpu.dma_semaphore, #tpu.memory_space<semaphore_mem>>) src(%arg2 : memref<65536xi32, #tpu.memory_space<hbm>>) dst(%arg7 : memref<65536xi32, #tpu.memory_space<vmem>>)
      tpu.yield
    }) : () -> ()
    %mul3A_3 = arith.constant 8 : i32
    %mul3A_4 = arith.muli %mul3A_2, %mul3A_3 : i32
    "tpu.region"() ({
      %run_scoped3A = tpu.sem_alloc : memref<!tpu.dma_semaphore, #tpu.memory_space<semaphore_mem>>
      %dma_start3A_31 = tpu.memref_slice %arg2[%mul3A_4] : memref<65536xi32, #tpu.memory_space<hbm>> -> memref<2048xi32, #tpu.memory_space<hbm>>
      %dma_start3A_32 = tpu.memref_slice %arg2[%mul3A_4] : memref<65536xi32, #tpu.memory_space<hbm>> -> memref<2048xi32, #tpu.memory_space<hbm>>
      tpu.enqueue_dma source(%dma_start3A_32 : memref<2048xi32, #tpu.memory_space<hbm>>) target(%arg8 : memref<2048xi32, #tpu.memory_space<vmem>>) target_semaphore(%run_scoped3A : memref<!tpu.dma_semaphore, #tpu.memory_space<semaphore_mem>>)
      %dma_wait3A = tpu.memref_slice %arg2[%mul3A_4] : memref<65536xi32, #tpu.memory_space<hbm>> -> memref<2048xi32, #tpu.memory_space<hbm>>
      %dma_wait3A_33 = tpu.memref_slice %arg2[%mul3A_4] : memref<65536xi32, #tpu.memory_space<hbm>> -> memref<2048xi32, #tpu.memory_space<hbm>>
      tpu.wait_dma2 semaphore(%run_scoped3A : memref<!tpu.dma_semaphore, #tpu.memory_space<semaphore_mem>>) src(%dma_wait3A_33 : memref<2048xi32, #tpu.memory_space<hbm>>) dst(%arg8 : memref<2048xi32, #tpu.memory_space<vmem>>)
      tpu.yield
    }) : () -> ()
    %mul3A_5 = arith.constant 8 : i32
    %mul3A_6 = arith.muli %mul3A_2, %mul3A_5 : i32
    "tpu.region"() ({
      %run_scoped3A = tpu.sem_alloc : memref<!tpu.dma_semaphore, #tpu.memory_space<semaphore_mem>>
      %dma_start3A_31 = tpu.memref_slice %arg2[%mul3A_6] : memref<65536xi32, #tpu.memory_space<hbm>> -> memref<2048xi32, #tpu.memory_space<hbm>>
      %dma_start3A_32 = tpu.memref_slice %arg2[%mul3A_6] : memref<65536xi32, #tpu.memory_space<hbm>> -> memref<2048xi32, #tpu.memory_space<hbm>>
      tpu.enqueue_dma source(%dma_start3A_32 : memref<2048xi32, #tpu.memory_space<hbm>>) target(%arg9 : memref<2048xi32, #tpu.memory_space<vmem>>) target_semaphore(%run_scoped3A : memref<!tpu.dma_semaphore, #tpu.memory_space<semaphore_mem>>)
      %dma_wait3A = tpu.memref_slice %arg2[%mul3A_6] : memref<65536xi32, #tpu.memory_space<hbm>> -> memref<2048xi32, #tpu.memory_space<hbm>>
      %dma_wait3A_33 = tpu.memref_slice %arg2[%mul3A_6] : memref<65536xi32, #tpu.memory_space<hbm>> -> memref<2048xi32, #tpu.memory_space<hbm>>
      tpu.wait_dma2 semaphore(%run_scoped3A : memref<!tpu.dma_semaphore, #tpu.memory_space<semaphore_mem>>) src(%dma_wait3A_33 : memref<2048xi32, #tpu.memory_space<hbm>>) dst(%arg9 : memref<2048xi32, #tpu.memory_space<vmem>>)
      tpu.yield
    }) : () -> ()
    %broadcast_in_dim3A = arith.constant 0.000000e+00 : f32
    %broadcast_in_dim3A_7 = vector.broadcast %broadcast_in_dim3A : f32 to vector<16xf32>
    %scan3A = arith.constant 0 : i32
    %scan3A_8 = arith.constant 16 : i32
    %scan3A_9 = arith.addi %scan3A, %scan3A_8 : i32
    %scan3A_10 = arith.constant 1 : i32
    %scan3A_11 = scf.for %scan3A_31 = %scan3A to %scan3A_9 step %scan3A_10 iter_args(%scan3A_32 = %broadcast_in_dim3A_7) -> (vector<16xf32>)  : i32 {
      %mul3A_33 = arith.constant 16 : i32
      %mul3A_34 = arith.muli %scan3A_31, %mul3A_33 : i32
      %iota3A = tpu.iota {dimensions = array<i32: 0>} : vector<16xi32>
      %add3A_35 = vector.broadcast %mul3A_34 : i32 to vector<16xi32>
      %add3A_36 = arith.addi %add3A_35, %iota3A : vector<16xi32>
      %add3A_37 = vector.broadcast %mul3A_2 : i32 to vector<16xi32>
      %add3A_38 = arith.addi %add3A_36, %add3A_37 : vector<16xi32>
      %broadcast_in_dim3A_39 = arith.constant 0.000000e+00 : f32
      %broadcast_in_dim3A_40 = vector.broadcast %broadcast_in_dim3A_39 : f32 to vector<16xf32>
      %mul3A_41 = arith.constant 8 : i32
      %mul3A_42 = vector.broadcast %mul3A_41 : i32 to vector<16xi32>
      %mul3A_43 = arith.muli %add3A_36, %mul3A_42 : vector<16xi32>
      %add3A_44 = arith.constant 0 : i32
      %add3A_45 = vector.broadcast %add3A_44 : i32 to vector<16xi32>
      %add3A_46 = arith.addi %mul3A_43, %add3A_45 : vector<16xi32>
      %gather3A = tpu.vector_load_idx %arg8[%add3A_46] : memref<2048xi32, #tpu.memory_space<vmem>>[vector<16xi32>], vector<16xi32>,
      %broadcast_in_dim3A_47 = arith.constant false
      %broadcast_in_dim3A_48 = vector.broadcast %broadcast_in_dim3A_47 : i1 to vector<16xi1>
      %mul3A_49 = arith.constant 8 : i32
      %mul3A_50 = vector.broadcast %mul3A_49 : i32 to vector<16xi32>
      %mul3A_51 = arith.muli %gather3A, %mul3A_50 : vector<16xi32>
      %add3A_52 = arith.constant 0 : i32
      %add3A_53 = vector.broadcast %add3A_52 : i32 to vector<16xi32>
      %add3A_54 = arith.addi %mul3A_51, %add3A_53 : vector<16xi32>
      %gather3A_55 = tpu.vector_load_idx %arg7[%add3A_54] : memref<65536xi32, #tpu.memory_space<vmem>>[vector<16xi32>], vector<16xi32>,
      %eq3A = arith.cmpi eq, %gather3A_55, %add3A_38 : vector<16xi32>
      %or3A = arith.ori %broadcast_in_dim3A_48, %eq3A : vector<16xi1>
      %mul3A_56 = arith.constant 8 : i32
      %mul3A_57 = vector.broadcast %mul3A_56 : i32 to vector<16xi32>
      %mul3A_58 = arith.muli %gather3A, %mul3A_57 : vector<16xi32>
      %add3A_59 = arith.constant 1 : i32
      %add3A_60 = vector.broadcast %add3A_59 : i32 to vector<16xi32>
      %add3A_61 = arith.addi %mul3A_58, %add3A_60 : vector<16xi32>
      %gather3A_62 = tpu.vector_load_idx %arg7[%add3A_61] : memref<65536xi32, #tpu.memory_space<vmem>>[vector<16xi32>], vector<16xi32>,
      %eq3A_63 = arith.cmpi eq, %gather3A_62, %add3A_38 : vector<16xi32>
      %or3A_64 = arith.ori %or3A, %eq3A_63 : vector<16xi1>
      %mul3A_65 = arith.constant 8 : i32
      %mul3A_66 = vector.broadcast %mul3A_65 : i32 to vector<16xi32>
      %mul3A_67 = arith.muli %gather3A, %mul3A_66 : vector<16xi32>
      %add3A_68 = arith.constant 2 : i32
      %add3A_69 = vector.broadcast %add3A_68 : i32 to vector<16xi32>
      %add3A_70 = arith.addi %mul3A_67, %add3A_69 : vector<16xi32>
      %gather3A_71 = tpu.vector_load_idx %arg7[%add3A_70] : memref<65536xi32, #tpu.memory_space<vmem>>[vector<16xi32>], vector<16xi32>,
      %eq3A_72 = arith.cmpi eq, %gather3A_71, %add3A_38 : vector<16xi32>
      %or3A_73 = arith.ori %or3A_64, %eq3A_72 : vector<16xi1>
      %mul3A_74 = arith.constant 8 : i32
      %mul3A_75 = vector.broadcast %mul3A_74 : i32 to vector<16xi32>
      %mul3A_76 = arith.muli %gather3A, %mul3A_75 : vector<16xi32>
      %add3A_77 = arith.constant 3 : i32
      %add3A_78 = vector.broadcast %add3A_77 : i32 to vector<16xi32>
      %add3A_79 = arith.addi %mul3A_76, %add3A_78 : vector<16xi32>
      %gather3A_80 = tpu.vector_load_idx %arg7[%add3A_79] : memref<65536xi32, #tpu.memory_space<vmem>>[vector<16xi32>], vector<16xi32>,
      %eq3A_81 = arith.cmpi eq, %gather3A_80, %add3A_38 : vector<16xi32>
      %or3A_82 = arith.ori %or3A_73, %eq3A_81 : vector<16xi1>
      %mul3A_83 = arith.constant 8 : i32
      %mul3A_84 = vector.broadcast %mul3A_83 : i32 to vector<16xi32>
      %mul3A_85 = arith.muli %gather3A, %mul3A_84 : vector<16xi32>
      %add3A_86 = arith.constant 4 : i32
      %add3A_87 = vector.broadcast %add3A_86 : i32 to vector<16xi32>
      %add3A_88 = arith.addi %mul3A_85, %add3A_87 : vector<16xi32>
      %gather3A_89 = tpu.vector_load_idx %arg7[%add3A_88] : memref<65536xi32, #tpu.memory_space<vmem>>[vector<16xi32>], vector<16xi32>,
      %eq3A_90 = arith.cmpi eq, %gather3A_89, %add3A_38 : vector<16xi32>
      %or3A_91 = arith.ori %or3A_82, %eq3A_90 : vector<16xi1>
      %mul3A_92 = arith.constant 8 : i32
      %mul3A_93 = vector.broadcast %mul3A_92 : i32 to vector<16xi32>
      %mul3A_94 = arith.muli %gather3A, %mul3A_93 : vector<16xi32>
      %add3A_95 = arith.constant 5 : i32
      %add3A_96 = vector.broadcast %add3A_95 : i32 to vector<16xi32>
      %add3A_97 = arith.addi %mul3A_94, %add3A_96 : vector<16xi32>
      %gather3A_98 = tpu.vector_load_idx %arg7[%add3A_97] : memref<65536xi32, #tpu.memory_space<vmem>>[vector<16xi32>], vector<16xi32>,
      %eq3A_99 = arith.cmpi eq, %gather3A_98, %add3A_38 : vector<16xi32>
      %or3A_100 = arith.ori %or3A_91, %eq3A_99 : vector<16xi1>
      %mul3A_101 = arith.constant 8 : i32
      %mul3A_102 = vector.broadcast %mul3A_101 : i32 to vector<16xi32>
      %mul3A_103 = arith.muli %gather3A, %mul3A_102 : vector<16xi32>
      %add3A_104 = arith.constant 6 : i32
      %add3A_105 = vector.broadcast %add3A_104 : i32 to vector<16xi32>
      %add3A_106 = arith.addi %mul3A_103, %add3A_105 : vector<16xi32>
      %gather3A_107 = tpu.vector_load_idx %arg7[%add3A_106] : memref<65536xi32, #tpu.memory_space<vmem>>[vector<16xi32>], vector<16xi32>,
      %eq3A_108 = arith.cmpi eq, %gather3A_107, %add3A_38 : vector<16xi32>
      %or3A_109 = arith.ori %or3A_100, %eq3A_108 : vector<16xi1>
      %mul3A_110 = arith.constant 8 : i32
      %mul3A_111 = vector.broadcast %mul3A_110 : i32 to vector<16xi32>
      %mul3A_112 = arith.muli %gather3A, %mul3A_111 : vector<16xi32>
      %add3A_113 = arith.constant 7 : i32
      %add3A_114 = vector.broadcast %add3A_113 : i32 to vector<16xi32>
      %add3A_115 = arith.addi %mul3A_112, %add3A_114 : vector<16xi32>
      %gather3A_116 = tpu.vector_load_idx %arg7[%add3A_115] : memref<65536xi32, #tpu.memory_space<vmem>>[vector<16xi32>], vector<16xi32>,
      %eq3A_117 = arith.cmpi eq, %gather3A_116, %add3A_38 : vector<16xi32>
      %or3A_118 = arith.ori %or3A_109, %eq3A_117 : vector<16xi1>
      %convert_element_type3A = arith.extui %or3A_118 : vector<16xi1> to vector<16xi32>
      %convert_element_type3A_119 = arith.sitofp %convert_element_type3A : vector<16xi32> to vector<16xf32>
      %add3A_120 = arith.addf %broadcast_in_dim3A_40, %convert_element_type3A_119 : vector<16xf32>
      %mul3A_121 = arith.constant 8 : i32
      %mul3A_122 = vector.broadcast %mul3A_121 : i32 to vector<16xi32>
      %mul3A_123 = arith.muli %add3A_36, %mul3A_122 : vector<16xi32>
      %add3A_124 = arith.constant 0 : i32
      %add3A_125 = vector.broadcast %add3A_124 : i32 to vector<16xi32>
      %add3A_126 = arith.addi %mul3A_123, %add3A_125 : vector<16xi32>
      tpu.vector_store_idx %arg10[%add3A_126], %convert_element_type3A_119 : memref<2048xf32, #tpu.memory_space<vmem>>[vector<16xi32>], vector<16xf32>,
      %mul3A_127 = arith.constant 8 : i32
      %mul3A_128 = vector.broadcast %mul3A_127 : i32 to vector<16xi32>
      %mul3A_129 = arith.muli %add3A_36, %mul3A_128 : vector<16xi32>
      %add3A_130 = arith.constant 1 : i32
      %add3A_131 = vector.broadcast %add3A_130 : i32 to vector<16xi32>
      %add3A_132 = arith.addi %mul3A_129, %add3A_131 : vector<16xi32>
      %gather3A_133 = tpu.vector_load_idx %arg8[%add3A_132] : memref<2048xi32, #tpu.memory_space<vmem>>[vector<16xi32>], vector<16xi32>,
      %broadcast_in_dim3A_134 = arith.constant false
      %broadcast_in_dim3A_135 = vector.broadcast %broadcast_in_dim3A_134 : i1 to vector<16xi1>
      %mul3A_136 = arith.constant 8 : i32
      %mul3A_137 = vector.broadcast %mul3A_136 : i32 to vector<16xi32>
      %mul3A_138 = arith.muli %gather3A_133, %mul3A_137 : vector<16xi32>
      %add3A_139 = arith.constant 0 : i32
      %add3A_140 = vector.broadcast %add3A_139 : i32 to vector<16xi32>
      %add3A_141 = arith.addi %mul3A_138, %add3A_140 : vector<16xi32>
      %gather3A_142 = tpu.vector_load_idx %arg7[%add3A_141] : memref<65536xi32, #tpu.memory_space<vmem>>[vector<16xi32>], vector<16xi32>,
      %eq3A_143 = arith.cmpi eq, %gather3A_142, %add3A_38 : vector<16xi32>
      %or3A_144 = arith.ori %broadcast_in_dim3A_135, %eq3A_143 : vector<16xi1>
      %mul3A_145 = arith.constant 8 : i32
      %mul3A_146 = vector.broadcast %mul3A_145 : i32 to vector<16xi32>
      %mul3A_147 = arith.muli %gather3A_133, %mul3A_146 : vector<16xi32>
      %add3A_148 = arith.constant 1 : i32
      %add3A_149 = vector.broadcast %add3A_148 : i32 to vector<16xi32>
      %add3A_150 = arith.addi %mul3A_147, %add3A_149 : vector<16xi32>
      %gather3A_151 = tpu.vector_load_idx %arg7[%add3A_150] : memref<65536xi32, #tpu.memory_space<vmem>>[vector<16xi32>], vector<16xi32>,
      %eq3A_152 = arith.cmpi eq, %gather3A_151, %add3A_38 : vector<16xi32>
      %or3A_153 = arith.ori %or3A_144, %eq3A_152 : vector<16xi1>
      %mul3A_154 = arith.constant 8 : i32
      %mul3A_155 = vector.broadcast %mul3A_154 : i32 to vector<16xi32>
      %mul3A_156 = arith.muli %gather3A_133, %mul3A_155 : vector<16xi32>
      %add3A_157 = arith.constant 2 : i32
      %add3A_158 = vector.broadcast %add3A_157 : i32 to vector<16xi32>
      %add3A_159 = arith.addi %mul3A_156, %add3A_158 : vector<16xi32>
      %gather3A_160 = tpu.vector_load_idx %arg7[%add3A_159] : memref<65536xi32, #tpu.memory_space<vmem>>[vector<16xi32>], vector<16xi32>,
      %eq3A_161 = arith.cmpi eq, %gather3A_160, %add3A_38 : vector<16xi32>
      %or3A_162 = arith.ori %or3A_153, %eq3A_161 : vector<16xi1>
      %mul3A_163 = arith.constant 8 : i32
      %mul3A_164 = vector.broadcast %mul3A_163 : i32 to vector<16xi32>
      %mul3A_165 = arith.muli %gather3A_133, %mul3A_164 : vector<16xi32>
      %add3A_166 = arith.constant 3 : i32
      %add3A_167 = vector.broadcast %add3A_166 : i32 to vector<16xi32>
      %add3A_168 = arith.addi %mul3A_165, %add3A_167 : vector<16xi32>
      %gather3A_169 = tpu.vector_load_idx %arg7[%add3A_168] : memref<65536xi32, #tpu.memory_space<vmem>>[vector<16xi32>], vector<16xi32>,
      %eq3A_170 = arith.cmpi eq, %gather3A_169, %add3A_38 : vector<16xi32>
      %or3A_171 = arith.ori %or3A_162, %eq3A_170 : vector<16xi1>
      %mul3A_172 = arith.constant 8 : i32
      %mul3A_173 = vector.broadcast %mul3A_172 : i32 to vector<16xi32>
      %mul3A_174 = arith.muli %gather3A_133, %mul3A_173 : vector<16xi32>
      %add3A_175 = arith.constant 4 : i32
      %add3A_176 = vector.broadcast %add3A_175 : i32 to vector<16xi32>
      %add3A_177 = arith.addi %mul3A_174, %add3A_176 : vector<16xi32>
      %gather3A_178 = tpu.vector_load_idx %arg7[%add3A_177] : memref<65536xi32, #tpu.memory_space<vmem>>[vector<16xi32>], vector<16xi32>,
      %eq3A_179 = arith.cmpi eq, %gather3A_178, %add3A_38 : vector<16xi32>
      %or3A_180 = arith.ori %or3A_171, %eq3A_179 : vector<16xi1>
      %mul3A_181 = arith.constant 8 : i32
      %mul3A_182 = vector.broadcast %mul3A_181 : i32 to vector<16xi32>
      %mul3A_183 = arith.muli %gather3A_133, %mul3A_182 : vector<16xi32>
      %add3A_184 = arith.constant 5 : i32
      %add3A_185 = vector.broadcast %add3A_184 : i32 to vector<16xi32>
      %add3A_186 = arith.addi %mul3A_183, %add3A_185 : vector<16xi32>
      %gather3A_187 = tpu.vector_load_idx %arg7[%add3A_186] : memref<65536xi32, #tpu.memory_space<vmem>>[vector<16xi32>], vector<16xi32>,
      %eq3A_188 = arith.cmpi eq, %gather3A_187, %add3A_38 : vector<16xi32>
      %or3A_189 = arith.ori %or3A_180, %eq3A_188 : vector<16xi1>
      %mul3A_190 = arith.constant 8 : i32
      %mul3A_191 = vector.broadcast %mul3A_190 : i32 to vector<16xi32>
      %mul3A_192 = arith.muli %gather3A_133, %mul3A_191 : vector<16xi32>
      %add3A_193 = arith.constant 6 : i32
      %add3A_194 = vector.broadcast %add3A_193 : i32 to vector<16xi32>
      %add3A_195 = arith.addi %mul3A_192, %add3A_194 : vector<16xi32>
      %gather3A_196 = tpu.vector_load_idx %arg7[%add3A_195] : memref<65536xi32, #tpu.memory_space<vmem>>[vector<16xi32>], vector<16xi32>,
      %eq3A_197 = arith.cmpi eq, %gather3A_196, %add3A_38 : vector<16xi32>
      %or3A_198 = arith.ori %or3A_189, %eq3A_197 : vector<16xi1>
      %mul3A_199 = arith.constant 8 : i32
      %mul3A_200 = vector.broadcast %mul3A_199 : i32 to vector<16xi32>
      %mul3A_201 = arith.muli %gather3A_133, %mul3A_200 : vector<16xi32>
      %add3A_202 = arith.constant 7 : i32
      %add3A_203 = vector.broadcast %add3A_202 : i32 to vector<16xi32>
      %add3A_204 = arith.addi %mul3A_201, %add3A_203 : vector<16xi32>
      %gather3A_205 = tpu.vector_load_idx %arg7[%add3A_204] : memref<65536xi32, #tpu.memory_space<vmem>>[vector<16xi32>], vector<16xi32>,
      %eq3A_206 = arith.cmpi eq, %gather3A_205, %add3A_38 : vector<16xi32>
      %or3A_207 = arith.ori %or3A_198, %eq3A_206 : vector<16xi1>
      %convert_element_type3A_208 = arith.extui %or3A_207 : vector<16xi1> to vector<16xi32>
      %convert_element_type3A_209 = arith.sitofp %convert_element_type3A_208 : vector<16xi32> to vector<16xf32>
      %add3A_210 = arith.addf %add3A_120, %convert_element_type3A_209 : vector<16xf32>
      %mul3A_211 = arith.constant 8 : i32
      %mul3A_212 = vector.broadcast %mul3A_211 : i32 to vector<16xi32>
      %mul3A_213 = arith.muli %add3A_36, %mul3A_212 : vector<16xi32>
      %add3A_214 = arith.constant 1 : i32
      %add3A_215 = vector.broadcast %add3A_214 : i32 to vector<16xi32>
      %add3A_216 = arith.addi %mul3A_213, %add3A_215 : vector<16xi32>
      tpu.vector_store_idx %arg10[%add3A_216], %convert_element_type3A_209 : memref<2048xf32, #tpu.memory_space<vmem>>[vector<16xi32>], vector<16xf32>,
      %mul3A_217 = arith.constant 8 : i32
      %mul3A_218 = vector.broadcast %mul3A_217 : i32 to vector<16xi32>
      %mul3A_219 = arith.muli %add3A_36, %mul3A_218 : vector<16xi32>
      %add3A_220 = arith.constant 2 : i32
      %add3A_221 = vector.broadcast %add3A_220 : i32 to vector<16xi32>
      %add3A_222 = arith.addi %mul3A_219, %add3A_221 : vector<16xi32>
      %gather3A_223 = tpu.vector_load_idx %arg8[%add3A_222] : memref<2048xi32, #tpu.memory_space<vmem>>[vector<16xi32>], vector<16xi32>,
      %broadcast_in_dim3A_224 = arith.constant false
      %broadcast_in_dim3A_225 = vector.broadcast %broadcast_in_dim3A_224 : i1 to vector<16xi1>
      %mul3A_226 = arith.constant 8 : i32
      %mul3A_227 = vector.broadcast %mul3A_226 : i32 to vector<16xi32>
      %mul3A_228 = arith.muli %gather3A_223, %mul3A_227 : vector<16xi32>
      %add3A_229 = arith.constant 0 : i32
      %add3A_230 = vector.broadcast %add3A_229 : i32 to vector<16xi32>
      %add3A_231 = arith.addi %mul3A_228, %add3A_230 : vector<16xi32>
      %gather3A_232 = tpu.vector_load_idx %arg7[%add3A_231] : memref<65536xi32, #tpu.memory_space<vmem>>[vector<16xi32>], vector<16xi32>,
      %eq3A_233 = arith.cmpi eq, %gather3A_232, %add3A_38 : vector<16xi32>
      %or3A_234 = arith.ori %broadcast_in_dim3A_225, %eq3A_233 : vector<16xi1>
      %mul3A_235 = arith.constant 8 : i32
      %mul3A_236 = vector.broadcast %mul3A_235 : i32 to vector<16xi32>
      %mul3A_237 = arith.muli %gather3A_223, %mul3A_236 : vector<16xi32>
      %add3A_238 = arith.constant 1 : i32
      %add3A_239 = vector.broadcast %add3A_238 : i32 to vector<16xi32>
      %add3A_240 = arith.addi %mul3A_237, %add3A_239 : vector<16xi32>
      %gather3A_241 = tpu.vector_load_idx %arg7[%add3A_240] : memref<65536xi32, #tpu.memory_space<vmem>>[vector<16xi32>], vector<16xi32>,
      %eq3A_242 = arith.cmpi eq, %gather3A_241, %add3A_38 : vector<16xi32>
      %or3A_243 = arith.ori %or3A_234, %eq3A_242 : vector<16xi1>
      %mul3A_244 = arith.constant 8 : i32
      %mul3A_245 = vector.broadcast %mul3A_244 : i32 to vector<16xi32>
      %mul3A_246 = arith.muli %gather3A_223, %mul3A_245 : vector<16xi32>
      %add3A_247 = arith.constant 2 : i32
      %add3A_248 = vector.broadcast %add3A_247 : i32 to vector<16xi32>
      %add3A_249 = arith.addi %mul3A_246, %add3A_248 : vector<16xi32>
      %gather3A_250 = tpu.vector_load_idx %arg7[%add3A_249] : memref<65536xi32, #tpu.memory_space<vmem>>[vector<16xi32>], vector<16xi32>,
      %eq3A_251 = arith.cmpi eq, %gather3A_250, %add3A_38 : vector<16xi32>
      %or3A_252 = arith.ori %or3A_243, %eq3A_251 : vector<16xi1>
      %mul3A_253 = arith.constant 8 : i32
      %mul3A_254 = vector.broadcast %mul3A_253 : i32 to vector<16xi32>
      %mul3A_255 = arith.muli %gather3A_223, %mul3A_254 : vector<16xi32>
      %add3A_256 = arith.constant 3 : i32
      %add3A_257 = vector.broadcast %add3A_256 : i32 to vector<16xi32>
      %add3A_258 = arith.addi %mul3A_255, %add3A_257 : vector<16xi32>
      %gather3A_259 = tpu.vector_load_idx %arg7[%add3A_258] : memref<65536xi32, #tpu.memory_space<vmem>>[vector<16xi32>], vector<16xi32>,
      %eq3A_260 = arith.cmpi eq, %gather3A_259, %add3A_38 : vector<16xi32>
      %or3A_261 = arith.ori %or3A_252, %eq3A_260 : vector<16xi1>
      %mul3A_262 = arith.constant 8 : i32
      %mul3A_263 = vector.broadcast %mul3A_262 : i32 to vector<16xi32>
      %mul3A_264 = arith.muli %gather3A_223, %mul3A_263 : vector<16xi32>
      %add3A_265 = arith.constant 4 : i32
      %add3A_266 = vector.broadcast %add3A_265 : i32 to vector<16xi32>
      %add3A_267 = arith.addi %mul3A_264, %add3A_266 : vector<16xi32>
      %gather3A_268 = tpu.vector_load_idx %arg7[%add3A_267] : memref<65536xi32, #tpu.memory_space<vmem>>[vector<16xi32>], vector<16xi32>,
      %eq3A_269 = arith.cmpi eq, %gather3A_268, %add3A_38 : vector<16xi32>
      %or3A_270 = arith.ori %or3A_261, %eq3A_269 : vector<16xi1>
      %mul3A_271 = arith.constant 8 : i32
      %mul3A_272 = vector.broadcast %mul3A_271 : i32 to vector<16xi32>
      %mul3A_273 = arith.muli %gather3A_223, %mul3A_272 : vector<16xi32>
      %add3A_274 = arith.constant 5 : i32
      %add3A_275 = vector.broadcast %add3A_274 : i32 to vector<16xi32>
      %add3A_276 = arith.addi %mul3A_273, %add3A_275 : vector<16xi32>
      %gather3A_277 = tpu.vector_load_idx %arg7[%add3A_276] : memref<65536xi32, #tpu.memory_space<vmem>>[vector<16xi32>], vector<16xi32>,
      %eq3A_278 = arith.cmpi eq, %gather3A_277, %add3A_38 : vector<16xi32>
      %or3A_279 = arith.ori %or3A_270, %eq3A_278 : vector<16xi1>
      %mul3A_280 = arith.constant 8 : i32
      %mul3A_281 = vector.broadcast %mul3A_280 : i32 to vector<16xi32>
      %mul3A_282 = arith.muli %gather3A_223, %mul3A_281 : vector<16xi32>
      %add3A_283 = arith.constant 6 : i32
      %add3A_284 = vector.broadcast %add3A_283 : i32 to vector<16xi32>
      %add3A_285 = arith.addi %mul3A_282, %add3A_284 : vector<16xi32>
      %gather3A_286 = tpu.vector_load_idx %arg7[%add3A_285] : memref<65536xi32, #tpu.memory_space<vmem>>[vector<16xi32>], vector<16xi32>,
      %eq3A_287 = arith.cmpi eq, %gather3A_286, %add3A_38 : vector<16xi32>
      %or3A_288 = arith.ori %or3A_279, %eq3A_287 : vector<16xi1>
      %mul3A_289 = arith.constant 8 : i32
      %mul3A_290 = vector.broadcast %mul3A_289 : i32 to vector<16xi32>
      %mul3A_291 = arith.muli %gather3A_223, %mul3A_290 : vector<16xi32>
      %add3A_292 = arith.constant 7 : i32
      %add3A_293 = vector.broadcast %add3A_292 : i32 to vector<16xi32>
      %add3A_294 = arith.addi %mul3A_291, %add3A_293 : vector<16xi32>
      %gather3A_295 = tpu.vector_load_idx %arg7[%add3A_294] : memref<65536xi32, #tpu.memory_space<vmem>>[vector<16xi32>], vector<16xi32>,
      %eq3A_296 = arith.cmpi eq, %gather3A_295, %add3A_38 : vector<16xi32>
      %or3A_297 = arith.ori %or3A_288, %eq3A_296 : vector<16xi1>
      %convert_element_type3A_298 = arith.extui %or3A_297 : vector<16xi1> to vector<16xi32>
      %convert_element_type3A_299 = arith.sitofp %convert_element_type3A_298 : vector<16xi32> to vector<16xf32>
      %add3A_300 = arith.addf %add3A_210, %convert_element_type3A_299 : vector<16xf32>
      %mul3A_301 = arith.constant 8 : i32
      %mul3A_302 = vector.broadcast %mul3A_301 : i32 to vector<16xi32>
      %mul3A_303 = arith.muli %add3A_36, %mul3A_302 : vector<16xi32>
      %add3A_304 = arith.constant 2 : i32
      %add3A_305 = vector.broadcast %add3A_304 : i32 to vector<16xi32>
      %add3A_306 = arith.addi %mul3A_303, %add3A_305 : vector<16xi32>
      tpu.vector_store_idx %arg10[%add3A_306], %convert_element_type3A_299 : memref<2048xf32, #tpu.memory_space<vmem>>[vector<16xi32>], vector<16xf32>,
      %mul3A_307 = arith.constant 8 : i32
      %mul3A_308 = vector.broadcast %mul3A_307 : i32 to vector<16xi32>
      %mul3A_309 = arith.muli %add3A_36, %mul3A_308 : vector<16xi32>
      %add3A_310 = arith.constant 3 : i32
      %add3A_311 = vector.broadcast %add3A_310 : i32 to vector<16xi32>
      %add3A_312 = arith.addi %mul3A_309, %add3A_311 : vector<16xi32>
      %gather3A_313 = tpu.vector_load_idx %arg8[%add3A_312] : memref<2048xi32, #tpu.memory_space<vmem>>[vector<16xi32>], vector<16xi32>,
      %broadcast_in_dim3A_314 = arith.constant false
      %broadcast_in_dim3A_315 = vector.broadcast %broadcast_in_dim3A_314 : i1 to vector<16xi1>
      %mul3A_316 = arith.constant 8 : i32
      %mul3A_317 = vector.broadcast %mul3A_316 : i32 to vector<16xi32>
      %mul3A_318 = arith.muli %gather3A_313, %mul3A_317 : vector<16xi32>
      %add3A_319 = arith.constant 0 : i32
      %add3A_320 = vector.broadcast %add3A_319 : i32 to vector<16xi32>
      %add3A_321 = arith.addi %mul3A_318, %add3A_320 : vector<16xi32>
      %gather3A_322 = tpu.vector_load_idx %arg7[%add3A_321] : memref<65536xi32, #tpu.memory_space<vmem>>[vector<16xi32>], vector<16xi32>,
      %eq3A_323 = arith.cmpi eq, %gather3A_322, %add3A_38 : vector<16xi32>
      %or3A_324 = arith.ori %broadcast_in_dim3A_315, %eq3A_323 : vector<16xi1>
      %mul3A_325 = arith.constant 8 : i32
      %mul3A_326 = vector.broadcast %mul3A_325 : i32 to vector<16xi32>
      %mul3A_327 = arith.muli %gather3A_313, %mul3A_326 : vector<16xi32>
      %add3A_328 = arith.constant 1 : i32
      %add3A_329 = vector.broadcast %add3A_328 : i32 to vector<16xi32>
      %add3A_330 = arith.addi %mul3A_327, %add3A_329 : vector<16xi32>
      %gather3A_331 = tpu.vector_load_idx %arg7[%add3A_330] : memref<65536xi32, #tpu.memory_space<vmem>>[vector<16xi32>], vector<16xi32>,
      %eq3A_332 = arith.cmpi eq, %gather3A_331, %add3A_38 : vector<16xi32>
      %or3A_333 = arith.ori %or3A_324, %eq3A_332 : vector<16xi1>
      %mul3A_334 = arith.constant 8 : i32
      %mul3A_335 = vector.broadcast %mul3A_334 : i32 to vector<16xi32>
      %mul3A_336 = arith.muli %gather3A_313, %mul3A_335 : vector<16xi32>
      %add3A_337 = arith.constant 2 : i32
      %add3A_338 = vector.broadcast %add3A_337 : i32 to vector<16xi32>
      %add3A_339 = arith.addi %mul3A_336, %add3A_338 : vector<16xi32>
      %gather3A_340 = tpu.vector_load_idx %arg7[%add3A_339] : memref<65536xi32, #tpu.memory_space<vmem>>[vector<16xi32>], vector<16xi32>,
      %eq3A_341 = arith.cmpi eq, %gather3A_340, %add3A_38 : vector<16xi32>
      %or3A_342 = arith.ori %or3A_333, %eq3A_341 : vector<16xi1>
      %mul3A_343 = arith.constant 8 : i32
      %mul3A_344 = vector.broadcast %mul3A_343 : i32 to vector<16xi32>
      %mul3A_345 = arith.muli %gather3A_313, %mul3A_344 : vector<16xi32>
      %add3A_346 = arith.constant 3 : i32
      %add3A_347 = vector.broadcast %add3A_346 : i32 to vector<16xi32>
      %add3A_348 = arith.addi %mul3A_345, %add3A_347 : vector<16xi32>
      %gather3A_349 = tpu.vector_load_idx %arg7[%add3A_348] : memref<65536xi32, #tpu.memory_space<vmem>>[vector<16xi32>], vector<16xi32>,
      %eq3A_350 = arith.cmpi eq, %gather3A_349, %add3A_38 : vector<16xi32>
      %or3A_351 = arith.ori %or3A_342, %eq3A_350 : vector<16xi1>
      %mul3A_352 = arith.constant 8 : i32
      %mul3A_353 = vector.broadcast %mul3A_352 : i32 to vector<16xi32>
      %mul3A_354 = arith.muli %gather3A_313, %mul3A_353 : vector<16xi32>
      %add3A_355 = arith.constant 4 : i32
      %add3A_356 = vector.broadcast %add3A_355 : i32 to vector<16xi32>
      %add3A_357 = arith.addi %mul3A_354, %add3A_356 : vector<16xi32>
      %gather3A_358 = tpu.vector_load_idx %arg7[%add3A_357] : memref<65536xi32, #tpu.memory_space<vmem>>[vector<16xi32>], vector<16xi32>,
      %eq3A_359 = arith.cmpi eq, %gather3A_358, %add3A_38 : vector<16xi32>
      %or3A_360 = arith.ori %or3A_351, %eq3A_359 : vector<16xi1>
      %mul3A_361 = arith.constant 8 : i32
      %mul3A_362 = vector.broadcast %mul3A_361 : i32 to vector<16xi32>
      %mul3A_363 = arith.muli %gather3A_313, %mul3A_362 : vector<16xi32>
      %add3A_364 = arith.constant 5 : i32
      %add3A_365 = vector.broadcast %add3A_364 : i32 to vector<16xi32>
      %add3A_366 = arith.addi %mul3A_363, %add3A_365 : vector<16xi32>
      %gather3A_367 = tpu.vector_load_idx %arg7[%add3A_366] : memref<65536xi32, #tpu.memory_space<vmem>>[vector<16xi32>], vector<16xi32>,
      %eq3A_368 = arith.cmpi eq, %gather3A_367, %add3A_38 : vector<16xi32>
      %or3A_369 = arith.ori %or3A_360, %eq3A_368 : vector<16xi1>
      %mul3A_370 = arith.constant 8 : i32
      %mul3A_371 = vector.broadcast %mul3A_370 : i32 to vector<16xi32>
      %mul3A_372 = arith.muli %gather3A_313, %mul3A_371 : vector<16xi32>
      %add3A_373 = arith.constant 6 : i32
      %add3A_374 = vector.broadcast %add3A_373 : i32 to vector<16xi32>
      %add3A_375 = arith.addi %mul3A_372, %add3A_374 : vector<16xi32>
      %gather3A_376 = tpu.vector_load_idx %arg7[%add3A_375] : memref<65536xi32, #tpu.memory_space<vmem>>[vector<16xi32>], vector<16xi32>,
      %eq3A_377 = arith.cmpi eq, %gather3A_376, %add3A_38 : vector<16xi32>
      %or3A_378 = arith.ori %or3A_369, %eq3A_377 : vector<16xi1>
      %mul3A_379 = arith.constant 8 : i32
      %mul3A_380 = vector.broadcast %mul3A_379 : i32 to vector<16xi32>
      %mul3A_381 = arith.muli %gather3A_313, %mul3A_380 : vector<16xi32>
      %add3A_382 = arith.constant 7 : i32
      %add3A_383 = vector.broadcast %add3A_382 : i32 to vector<16xi32>
      %add3A_384 = arith.addi %mul3A_381, %add3A_383 : vector<16xi32>
      %gather3A_385 = tpu.vector_load_idx %arg7[%add3A_384] : memref<65536xi32, #tpu.memory_space<vmem>>[vector<16xi32>], vector<16xi32>,
      %eq3A_386 = arith.cmpi eq, %gather3A_385, %add3A_38 : vector<16xi32>
      %or3A_387 = arith.ori %or3A_378, %eq3A_386 : vector<16xi1>
      %convert_element_type3A_388 = arith.extui %or3A_387 : vector<16xi1> to vector<16xi32>
      %convert_element_type3A_389 = arith.sitofp %convert_element_type3A_388 : vector<16xi32> to vector<16xf32>
      %add3A_390 = arith.addf %add3A_300, %convert_element_type3A_389 : vector<16xf32>
      %mul3A_391 = arith.constant 8 : i32
      %mul3A_392 = vector.broadcast %mul3A_391 : i32 to vector<16xi32>
      %mul3A_393 = arith.muli %add3A_36, %mul3A_392 : vector<16xi32>
      %add3A_394 = arith.constant 3 : i32
      %add3A_395 = vector.broadcast %add3A_394 : i32 to vector<16xi32>
      %add3A_396 = arith.addi %mul3A_393, %add3A_395 : vector<16xi32>
      tpu.vector_store_idx %arg10[%add3A_396], %convert_element_type3A_389 : memref<2048xf32, #tpu.memory_space<vmem>>[vector<16xi32>], vector<16xf32>,
      %mul3A_397 = arith.constant 8 : i32
      %mul3A_398 = vector.broadcast %mul3A_397 : i32 to vector<16xi32>
      %mul3A_399 = arith.muli %add3A_36, %mul3A_398 : vector<16xi32>
      %add3A_400 = arith.constant 4 : i32
      %add3A_401 = vector.broadcast %add3A_400 : i32 to vector<16xi32>
      %add3A_402 = arith.addi %mul3A_399, %add3A_401 : vector<16xi32>
      %gather3A_403 = tpu.vector_load_idx %arg8[%add3A_402] : memref<2048xi32, #tpu.memory_space<vmem>>[vector<16xi32>], vector<16xi32>,
      %broadcast_in_dim3A_404 = arith.constant false
      %broadcast_in_dim3A_405 = vector.broadcast %broadcast_in_dim3A_404 : i1 to vector<16xi1>
      %mul3A_406 = arith.constant 8 : i32
      %mul3A_407 = vector.broadcast %mul3A_406 : i32 to vector<16xi32>
      %mul3A_408 = arith.muli %gather3A_403, %mul3A_407 : vector<16xi32>
      %add3A_409 = arith.constant 0 : i32
      %add3A_410 = vector.broadcast %add3A_409 : i32 to vector<16xi32>
      %add3A_411 = arith.addi %mul3A_408, %add3A_410 : vector<16xi32>
      %gather3A_412 = tpu.vector_load_idx %arg7[%add3A_411] : memref<65536xi32, #tpu.memory_space<vmem>>[vector<16xi32>], vector<16xi32>,
      %eq3A_413 = arith.cmpi eq, %gather3A_412, %add3A_38 : vector<16xi32>
      %or3A_414 = arith.ori %broadcast_in_dim3A_405, %eq3A_413 : vector<16xi1>
      %mul3A_415 = arith.constant 8 : i32
      %mul3A_416 = vector.broadcast %mul3A_415 : i32 to vector<16xi32>
      %mul3A_417 = arith.muli %gather3A_403, %mul3A_416 : vector<16xi32>
      %add3A_418 = arith.constant 1 : i32
      %add3A_419 = vector.broadcast %add3A_418 : i32 to vector<16xi32>
      %add3A_420 = arith.addi %mul3A_417, %add3A_419 : vector<16xi32>
      %gather3A_421 = tpu.vector_load_idx %arg7[%add3A_420] : memref<65536xi32, #tpu.memory_space<vmem>>[vector<16xi32>], vector<16xi32>,
      %eq3A_422 = arith.cmpi eq, %gather3A_421, %add3A_38 : vector<16xi32>
      %or3A_423 = arith.ori %or3A_414, %eq3A_422 : vector<16xi1>
      %mul3A_424 = arith.constant 8 : i32
      %mul3A_425 = vector.broadcast %mul3A_424 : i32 to vector<16xi32>
      %mul3A_426 = arith.muli %gather3A_403, %mul3A_425 : vector<16xi32>
      %add3A_427 = arith.constant 2 : i32
      %add3A_428 = vector.broadcast %add3A_427 : i32 to vector<16xi32>
      %add3A_429 = arith.addi %mul3A_426, %add3A_428 : vector<16xi32>
      %gather3A_430 = tpu.vector_load_idx %arg7[%add3A_429] : memref<65536xi32, #tpu.memory_space<vmem>>[vector<16xi32>], vector<16xi32>,
      %eq3A_431 = arith.cmpi eq, %gather3A_430, %add3A_38 : vector<16xi32>
      %or3A_432 = arith.ori %or3A_423, %eq3A_431 : vector<16xi1>
      %mul3A_433 = arith.constant 8 : i32
      %mul3A_434 = vector.broadcast %mul3A_433 : i32 to vector<16xi32>
      %mul3A_435 = arith.muli %gather3A_403, %mul3A_434 : vector<16xi32>
      %add3A_436 = arith.constant 3 : i32
      %add3A_437 = vector.broadcast %add3A_436 : i32 to vector<16xi32>
      %add3A_438 = arith.addi %mul3A_435, %add3A_437 : vector<16xi32>
      %gather3A_439 = tpu.vector_load_idx %arg7[%add3A_438] : memref<65536xi32, #tpu.memory_space<vmem>>[vector<16xi32>], vector<16xi32>,
      %eq3A_440 = arith.cmpi eq, %gather3A_439, %add3A_38 : vector<16xi32>
      %or3A_441 = arith.ori %or3A_432, %eq3A_440 : vector<16xi1>
      %mul3A_442 = arith.constant 8 : i32
      %mul3A_443 = vector.broadcast %mul3A_442 : i32 to vector<16xi32>
      %mul3A_444 = arith.muli %gather3A_403, %mul3A_443 : vector<16xi32>
      %add3A_445 = arith.constant 4 : i32
      %add3A_446 = vector.broadcast %add3A_445 : i32 to vector<16xi32>
      %add3A_447 = arith.addi %mul3A_444, %add3A_446 : vector<16xi32>
      %gather3A_448 = tpu.vector_load_idx %arg7[%add3A_447] : memref<65536xi32, #tpu.memory_space<vmem>>[vector<16xi32>], vector<16xi32>,
      %eq3A_449 = arith.cmpi eq, %gather3A_448, %add3A_38 : vector<16xi32>
      %or3A_450 = arith.ori %or3A_441, %eq3A_449 : vector<16xi1>
      %mul3A_451 = arith.constant 8 : i32
      %mul3A_452 = vector.broadcast %mul3A_451 : i32 to vector<16xi32>
      %mul3A_453 = arith.muli %gather3A_403, %mul3A_452 : vector<16xi32>
      %add3A_454 = arith.constant 5 : i32
      %add3A_455 = vector.broadcast %add3A_454 : i32 to vector<16xi32>
      %add3A_456 = arith.addi %mul3A_453, %add3A_455 : vector<16xi32>
      %gather3A_457 = tpu.vector_load_idx %arg7[%add3A_456] : memref<65536xi32, #tpu.memory_space<vmem>>[vector<16xi32>], vector<16xi32>,
      %eq3A_458 = arith.cmpi eq, %gather3A_457, %add3A_38 : vector<16xi32>
      %or3A_459 = arith.ori %or3A_450, %eq3A_458 : vector<16xi1>
      %mul3A_460 = arith.constant 8 : i32
      %mul3A_461 = vector.broadcast %mul3A_460 : i32 to vector<16xi32>
      %mul3A_462 = arith.muli %gather3A_403, %mul3A_461 : vector<16xi32>
      %add3A_463 = arith.constant 6 : i32
      %add3A_464 = vector.broadcast %add3A_463 : i32 to vector<16xi32>
      %add3A_465 = arith.addi %mul3A_462, %add3A_464 : vector<16xi32>
      %gather3A_466 = tpu.vector_load_idx %arg7[%add3A_465] : memref<65536xi32, #tpu.memory_space<vmem>>[vector<16xi32>], vector<16xi32>,
      %eq3A_467 = arith.cmpi eq, %gather3A_466, %add3A_38 : vector<16xi32>
      %or3A_468 = arith.ori %or3A_459, %eq3A_467 : vector<16xi1>
      %mul3A_469 = arith.constant 8 : i32
      %mul3A_470 = vector.broadcast %mul3A_469 : i32 to vector<16xi32>
      %mul3A_471 = arith.muli %gather3A_403, %mul3A_470 : vector<16xi32>
      %add3A_472 = arith.constant 7 : i32
      %add3A_473 = vector.broadcast %add3A_472 : i32 to vector<16xi32>
      %add3A_474 = arith.addi %mul3A_471, %add3A_473 : vector<16xi32>
      %gather3A_475 = tpu.vector_load_idx %arg7[%add3A_474] : memref<65536xi32, #tpu.memory_space<vmem>>[vector<16xi32>], vector<16xi32>,
      %eq3A_476 = arith.cmpi eq, %gather3A_475, %add3A_38 : vector<16xi32>
      %or3A_477 = arith.ori %or3A_468, %eq3A_476 : vector<16xi1>
      %convert_element_type3A_478 = arith.extui %or3A_477 : vector<16xi1> to vector<16xi32>
      %convert_element_type3A_479 = arith.sitofp %convert_element_type3A_478 : vector<16xi32> to vector<16xf32>
      %add3A_480 = arith.addf %add3A_390, %convert_element_type3A_479 : vector<16xf32>
      %mul3A_481 = arith.constant 8 : i32
      %mul3A_482 = vector.broadcast %mul3A_481 : i32 to vector<16xi32>
      %mul3A_483 = arith.muli %add3A_36, %mul3A_482 : vector<16xi32>
      %add3A_484 = arith.constant 4 : i32
      %add3A_485 = vector.broadcast %add3A_484 : i32 to vector<16xi32>
      %add3A_486 = arith.addi %mul3A_483, %add3A_485 : vector<16xi32>
      tpu.vector_store_idx %arg10[%add3A_486], %convert_element_type3A_479 : memref<2048xf32, #tpu.memory_space<vmem>>[vector<16xi32>], vector<16xf32>,
      %mul3A_487 = arith.constant 8 : i32
      %mul3A_488 = vector.broadcast %mul3A_487 : i32 to vector<16xi32>
      %mul3A_489 = arith.muli %add3A_36, %mul3A_488 : vector<16xi32>
      %add3A_490 = arith.constant 5 : i32
      %add3A_491 = vector.broadcast %add3A_490 : i32 to vector<16xi32>
      %add3A_492 = arith.addi %mul3A_489, %add3A_491 : vector<16xi32>
      %gather3A_493 = tpu.vector_load_idx %arg8[%add3A_492] : memref<2048xi32, #tpu.memory_space<vmem>>[vector<16xi32>], vector<16xi32>,
      %broadcast_in_dim3A_494 = arith.constant false
      %broadcast_in_dim3A_495 = vector.broadcast %broadcast_in_dim3A_494 : i1 to vector<16xi1>
      %mul3A_496 = arith.constant 8 : i32
      %mul3A_497 = vector.broadcast %mul3A_496 : i32 to vector<16xi32>
      %mul3A_498 = arith.muli %gather3A_493, %mul3A_497 : vector<16xi32>
      %add3A_499 = arith.constant 0 : i32
      %add3A_500 = vector.broadcast %add3A_499 : i32 to vector<16xi32>
      %add3A_501 = arith.addi %mul3A_498, %add3A_500 : vector<16xi32>
      %gather3A_502 = tpu.vector_load_idx %arg7[%add3A_501] : memref<65536xi32, #tpu.memory_space<vmem>>[vector<16xi32>], vector<16xi32>,
      %eq3A_503 = arith.cmpi eq, %gather3A_502, %add3A_38 : vector<16xi32>
      %or3A_504 = arith.ori %broadcast_in_dim3A_495, %eq3A_503 : vector<16xi1>
      %mul3A_505 = arith.constant 8 : i32
      %mul3A_506 = vector.broadcast %mul3A_505 : i32 to vector<16xi32>
      %mul3A_507 = arith.muli %gather3A_493, %mul3A_506 : vector<16xi32>
      %add3A_508 = arith.constant 1 : i32
      %add3A_509 = vector.broadcast %add3A_508 : i32 to vector<16xi32>
      %add3A_510 = arith.addi %mul3A_507, %add3A_509 : vector<16xi32>
      %gather3A_511 = tpu.vector_load_idx %arg7[%add3A_510] : memref<65536xi32, #tpu.memory_space<vmem>>[vector<16xi32>], vector<16xi32>,
      %eq3A_512 = arith.cmpi eq, %gather3A_511, %add3A_38 : vector<16xi32>
      %or3A_513 = arith.ori %or3A_504, %eq3A_512 : vector<16xi1>
      %mul3A_514 = arith.constant 8 : i32
      %mul3A_515 = vector.broadcast %mul3A_514 : i32 to vector<16xi32>
      %mul3A_516 = arith.muli %gather3A_493, %mul3A_515 : vector<16xi32>
      %add3A_517 = arith.constant 2 : i32
      %add3A_518 = vector.broadcast %add3A_517 : i32 to vector<16xi32>
      %add3A_519 = arith.addi %mul3A_516, %add3A_518 : vector<16xi32>
      %gather3A_520 = tpu.vector_load_idx %arg7[%add3A_519] : memref<65536xi32, #tpu.memory_space<vmem>>[vector<16xi32>], vector<16xi32>,
      %eq3A_521 = arith.cmpi eq, %gather3A_520, %add3A_38 : vector<16xi32>
      %or3A_522 = arith.ori %or3A_513, %eq3A_521 : vector<16xi1>
      %mul3A_523 = arith.constant 8 : i32
      %mul3A_524 = vector.broadcast %mul3A_523 : i32 to vector<16xi32>
      %mul3A_525 = arith.muli %gather3A_493, %mul3A_524 : vector<16xi32>
      %add3A_526 = arith.constant 3 : i32
      %add3A_527 = vector.broadcast %add3A_526 : i32 to vector<16xi32>
      %add3A_528 = arith.addi %mul3A_525, %add3A_527 : vector<16xi32>
      %gather3A_529 = tpu.vector_load_idx %arg7[%add3A_528] : memref<65536xi32, #tpu.memory_space<vmem>>[vector<16xi32>], vector<16xi32>,
      %eq3A_530 = arith.cmpi eq, %gather3A_529, %add3A_38 : vector<16xi32>
      %or3A_531 = arith.ori %or3A_522, %eq3A_530 : vector<16xi1>
      %mul3A_532 = arith.constant 8 : i32
      %mul3A_533 = vector.broadcast %mul3A_532 : i32 to vector<16xi32>
      %mul3A_534 = arith.muli %gather3A_493, %mul3A_533 : vector<16xi32>
      %add3A_535 = arith.constant 4 : i32
      %add3A_536 = vector.broadcast %add3A_535 : i32 to vector<16xi32>
      %add3A_537 = arith.addi %mul3A_534, %add3A_536 : vector<16xi32>
      %gather3A_538 = tpu.vector_load_idx %arg7[%add3A_537] : memref<65536xi32, #tpu.memory_space<vmem>>[vector<16xi32>], vector<16xi32>,
      %eq3A_539 = arith.cmpi eq, %gather3A_538, %add3A_38 : vector<16xi32>
      %or3A_540 = arith.ori %or3A_531, %eq3A_539 : vector<16xi1>
      %mul3A_541 = arith.constant 8 : i32
      %mul3A_542 = vector.broadcast %mul3A_541 : i32 to vector<16xi32>
      %mul3A_543 = arith.muli %gather3A_493, %mul3A_542 : vector<16xi32>
      %add3A_544 = arith.constant 5 : i32
      %add3A_545 = vector.broadcast %add3A_544 : i32 to vector<16xi32>
      %add3A_546 = arith.addi %mul3A_543, %add3A_545 : vector<16xi32>
      %gather3A_547 = tpu.vector_load_idx %arg7[%add3A_546] : memref<65536xi32, #tpu.memory_space<vmem>>[vector<16xi32>], vector<16xi32>,
      %eq3A_548 = arith.cmpi eq, %gather3A_547, %add3A_38 : vector<16xi32>
      %or3A_549 = arith.ori %or3A_540, %eq3A_548 : vector<16xi1>
      %mul3A_550 = arith.constant 8 : i32
      %mul3A_551 = vector.broadcast %mul3A_550 : i32 to vector<16xi32>
      %mul3A_552 = arith.muli %gather3A_493, %mul3A_551 : vector<16xi32>
      %add3A_553 = arith.constant 6 : i32
      %add3A_554 = vector.broadcast %add3A_553 : i32 to vector<16xi32>
      %add3A_555 = arith.addi %mul3A_552, %add3A_554 : vector<16xi32>
      %gather3A_556 = tpu.vector_load_idx %arg7[%add3A_555] : memref<65536xi32, #tpu.memory_space<vmem>>[vector<16xi32>], vector<16xi32>,
      %eq3A_557 = arith.cmpi eq, %gather3A_556, %add3A_38 : vector<16xi32>
      %or3A_558 = arith.ori %or3A_549, %eq3A_557 : vector<16xi1>
      %mul3A_559 = arith.constant 8 : i32
      %mul3A_560 = vector.broadcast %mul3A_559 : i32 to vector<16xi32>
      %mul3A_561 = arith.muli %gather3A_493, %mul3A_560 : vector<16xi32>
      %add3A_562 = arith.constant 7 : i32
      %add3A_563 = vector.broadcast %add3A_562 : i32 to vector<16xi32>
      %add3A_564 = arith.addi %mul3A_561, %add3A_563 : vector<16xi32>
      %gather3A_565 = tpu.vector_load_idx %arg7[%add3A_564] : memref<65536xi32, #tpu.memory_space<vmem>>[vector<16xi32>], vector<16xi32>,
      %eq3A_566 = arith.cmpi eq, %gather3A_565, %add3A_38 : vector<16xi32>
      %or3A_567 = arith.ori %or3A_558, %eq3A_566 : vector<16xi1>
      %convert_element_type3A_568 = arith.extui %or3A_567 : vector<16xi1> to vector<16xi32>
      %convert_element_type3A_569 = arith.sitofp %convert_element_type3A_568 : vector<16xi32> to vector<16xf32>
      %add3A_570 = arith.addf %add3A_480, %convert_element_type3A_569 : vector<16xf32>
      %mul3A_571 = arith.constant 8 : i32
      %mul3A_572 = vector.broadcast %mul3A_571 : i32 to vector<16xi32>
      %mul3A_573 = arith.muli %add3A_36, %mul3A_572 : vector<16xi32>
      %add3A_574 = arith.constant 5 : i32
      %add3A_575 = vector.broadcast %add3A_574 : i32 to vector<16xi32>
      %add3A_576 = arith.addi %mul3A_573, %add3A_575 : vector<16xi32>
      tpu.vector_store_idx %arg10[%add3A_576], %convert_element_type3A_569 : memref<2048xf32, #tpu.memory_space<vmem>>[vector<16xi32>], vector<16xf32>,
      %mul3A_577 = arith.constant 8 : i32
      %mul3A_578 = vector.broadcast %mul3A_577 : i32 to vector<16xi32>
      %mul3A_579 = arith.muli %add3A_36, %mul3A_578 : vector<16xi32>
      %add3A_580 = arith.constant 6 : i32
      %add3A_581 = vector.broadcast %add3A_580 : i32 to vector<16xi32>
      %add3A_582 = arith.addi %mul3A_579, %add3A_581 : vector<16xi32>
      %gather3A_583 = tpu.vector_load_idx %arg8[%add3A_582] : memref<2048xi32, #tpu.memory_space<vmem>>[vector<16xi32>], vector<16xi32>,
      %broadcast_in_dim3A_584 = arith.constant false
      %broadcast_in_dim3A_585 = vector.broadcast %broadcast_in_dim3A_584 : i1 to vector<16xi1>
      %mul3A_586 = arith.constant 8 : i32
      %mul3A_587 = vector.broadcast %mul3A_586 : i32 to vector<16xi32>
      %mul3A_588 = arith.muli %gather3A_583, %mul3A_587 : vector<16xi32>
      %add3A_589 = arith.constant 0 : i32
      %add3A_590 = vector.broadcast %add3A_589 : i32 to vector<16xi32>
      %add3A_591 = arith.addi %mul3A_588, %add3A_590 : vector<16xi32>
      %gather3A_592 = tpu.vector_load_idx %arg7[%add3A_591] : memref<65536xi32, #tpu.memory_space<vmem>>[vector<16xi32>], vector<16xi32>,
      %eq3A_593 = arith.cmpi eq, %gather3A_592, %add3A_38 : vector<16xi32>
      %or3A_594 = arith.ori %broadcast_in_dim3A_585, %eq3A_593 : vector<16xi1>
      %mul3A_595 = arith.constant 8 : i32
      %mul3A_596 = vector.broadcast %mul3A_595 : i32 to vector<16xi32>
      %mul3A_597 = arith.muli %gather3A_583, %mul3A_596 : vector<16xi32>
      %add3A_598 = arith.constant 1 : i32
      %add3A_599 = vector.broadcast %add3A_598 : i32 to vector<16xi32>
      %add3A_600 = arith.addi %mul3A_597, %add3A_599 : vector<16xi32>
      %gather3A_601 = tpu.vector_load_idx %arg7[%add3A_600] : memref<65536xi32, #tpu.memory_space<vmem>>[vector<16xi32>], vector<16xi32>,
      %eq3A_602 = arith.cmpi eq, %gather3A_601, %add3A_38 : vector<16xi32>
      %or3A_603 = arith.ori %or3A_594, %eq3A_602 : vector<16xi1>
      %mul3A_604 = arith.constant 8 : i32
      %mul3A_605 = vector.broadcast %mul3A_604 : i32 to vector<16xi32>
      %mul3A_606 = arith.muli %gather3A_583, %mul3A_605 : vector<16xi32>
      %add3A_607 = arith.constant 2 : i32
      %add3A_608 = vector.broadcast %add3A_607 : i32 to vector<16xi32>
      %add3A_609 = arith.addi %mul3A_606, %add3A_608 : vector<16xi32>
      %gather3A_610 = tpu.vector_load_idx %arg7[%add3A_609] : memref<65536xi32, #tpu.memory_space<vmem>>[vector<16xi32>], vector<16xi32>,
      %eq3A_611 = arith.cmpi eq, %gather3A_610, %add3A_38 : vector<16xi32>
      %or3A_612 = arith.ori %or3A_603, %eq3A_611 : vector<16xi1>
      %mul3A_613 = arith.constant 8 : i32
      %mul3A_614 = vector.broadcast %mul3A_613 : i32 to vector<16xi32>
      %mul3A_615 = arith.muli %gather3A_583, %mul3A_614 : vector<16xi32>
      %add3A_616 = arith.constant 3 : i32
      %add3A_617 = vector.broadcast %add3A_616 : i32 to vector<16xi32>
      %add3A_618 = arith.addi %mul3A_615, %add3A_617 : vector<16xi32>
      %gather3A_619 = tpu.vector_load_idx %arg7[%add3A_618] : memref<65536xi32, #tpu.memory_space<vmem>>[vector<16xi32>], vector<16xi32>,
      %eq3A_620 = arith.cmpi eq, %gather3A_619, %add3A_38 : vector<16xi32>
      %or3A_621 = arith.ori %or3A_612, %eq3A_620 : vector<16xi1>
      %mul3A_622 = arith.constant 8 : i32
      %mul3A_623 = vector.broadcast %mul3A_622 : i32 to vector<16xi32>
      %mul3A_624 = arith.muli %gather3A_583, %mul3A_623 : vector<16xi32>
      %add3A_625 = arith.constant 4 : i32
      %add3A_626 = vector.broadcast %add3A_625 : i32 to vector<16xi32>
      %add3A_627 = arith.addi %mul3A_624, %add3A_626 : vector<16xi32>
      %gather3A_628 = tpu.vector_load_idx %arg7[%add3A_627] : memref<65536xi32, #tpu.memory_space<vmem>>[vector<16xi32>], vector<16xi32>,
      %eq3A_629 = arith.cmpi eq, %gather3A_628, %add3A_38 : vector<16xi32>
      %or3A_630 = arith.ori %or3A_621, %eq3A_629 : vector<16xi1>
      %mul3A_631 = arith.constant 8 : i32
      %mul3A_632 = vector.broadcast %mul3A_631 : i32 to vector<16xi32>
      %mul3A_633 = arith.muli %gather3A_583, %mul3A_632 : vector<16xi32>
      %add3A_634 = arith.constant 5 : i32
      %add3A_635 = vector.broadcast %add3A_634 : i32 to vector<16xi32>
      %add3A_636 = arith.addi %mul3A_633, %add3A_635 : vector<16xi32>
      %gather3A_637 = tpu.vector_load_idx %arg7[%add3A_636] : memref<65536xi32, #tpu.memory_space<vmem>>[vector<16xi32>], vector<16xi32>,
      %eq3A_638 = arith.cmpi eq, %gather3A_637, %add3A_38 : vector<16xi32>
      %or3A_639 = arith.ori %or3A_630, %eq3A_638 : vector<16xi1>
      %mul3A_640 = arith.constant 8 : i32
      %mul3A_641 = vector.broadcast %mul3A_640 : i32 to vector<16xi32>
      %mul3A_642 = arith.muli %gather3A_583, %mul3A_641 : vector<16xi32>
      %add3A_643 = arith.constant 6 : i32
      %add3A_644 = vector.broadcast %add3A_643 : i32 to vector<16xi32>
      %add3A_645 = arith.addi %mul3A_642, %add3A_644 : vector<16xi32>
      %gather3A_646 = tpu.vector_load_idx %arg7[%add3A_645] : memref<65536xi32, #tpu.memory_space<vmem>>[vector<16xi32>], vector<16xi32>,
      %eq3A_647 = arith.cmpi eq, %gather3A_646, %add3A_38 : vector<16xi32>
      %or3A_648 = arith.ori %or3A_639, %eq3A_647 : vector<16xi1>
      %mul3A_649 = arith.constant 8 : i32
      %mul3A_650 = vector.broadcast %mul3A_649 : i32 to vector<16xi32>
      %mul3A_651 = arith.muli %gather3A_583, %mul3A_650 : vector<16xi32>
      %add3A_652 = arith.constant 7 : i32
      %add3A_653 = vector.broadcast %add3A_652 : i32 to vector<16xi32>
      %add3A_654 = arith.addi %mul3A_651, %add3A_653 : vector<16xi32>
      %gather3A_655 = tpu.vector_load_idx %arg7[%add3A_654] : memref<65536xi32, #tpu.memory_space<vmem>>[vector<16xi32>], vector<16xi32>,
      %eq3A_656 = arith.cmpi eq, %gather3A_655, %add3A_38 : vector<16xi32>
      %or3A_657 = arith.ori %or3A_648, %eq3A_656 : vector<16xi1>
      %convert_element_type3A_658 = arith.extui %or3A_657 : vector<16xi1> to vector<16xi32>
      %convert_element_type3A_659 = arith.sitofp %convert_element_type3A_658 : vector<16xi32> to vector<16xf32>
      %add3A_660 = arith.addf %add3A_570, %convert_element_type3A_659 : vector<16xf32>
      %mul3A_661 = arith.constant 8 : i32
      %mul3A_662 = vector.broadcast %mul3A_661 : i32 to vector<16xi32>
      %mul3A_663 = arith.muli %add3A_36, %mul3A_662 : vector<16xi32>
      %add3A_664 = arith.constant 6 : i32
      %add3A_665 = vector.broadcast %add3A_664 : i32 to vector<16xi32>
      %add3A_666 = arith.addi %mul3A_663, %add3A_665 : vector<16xi32>
      tpu.vector_store_idx %arg10[%add3A_666], %convert_element_type3A_659 : memref<2048xf32, #tpu.memory_space<vmem>>[vector<16xi32>], vector<16xf32>,
      %mul3A_667 = arith.constant 8 : i32
      %mul3A_668 = vector.broadcast %mul3A_667 : i32 to vector<16xi32>
      %mul3A_669 = arith.muli %add3A_36, %mul3A_668 : vector<16xi32>
      %add3A_670 = arith.constant 7 : i32
      %add3A_671 = vector.broadcast %add3A_670 : i32 to vector<16xi32>
      %add3A_672 = arith.addi %mul3A_669, %add3A_671 : vector<16xi32>
      %gather3A_673 = tpu.vector_load_idx %arg8[%add3A_672] : memref<2048xi32, #tpu.memory_space<vmem>>[vector<16xi32>], vector<16xi32>,
      %broadcast_in_dim3A_674 = arith.constant false
      %broadcast_in_dim3A_675 = vector.broadcast %broadcast_in_dim3A_674 : i1 to vector<16xi1>
      %mul3A_676 = arith.constant 8 : i32
      %mul3A_677 = vector.broadcast %mul3A_676 : i32 to vector<16xi32>
      %mul3A_678 = arith.muli %gather3A_673, %mul3A_677 : vector<16xi32>
      %add3A_679 = arith.constant 0 : i32
      %add3A_680 = vector.broadcast %add3A_679 : i32 to vector<16xi32>
      %add3A_681 = arith.addi %mul3A_678, %add3A_680 : vector<16xi32>
      %gather3A_682 = tpu.vector_load_idx %arg7[%add3A_681] : memref<65536xi32, #tpu.memory_space<vmem>>[vector<16xi32>], vector<16xi32>,
      %eq3A_683 = arith.cmpi eq, %gather3A_682, %add3A_38 : vector<16xi32>
      %or3A_684 = arith.ori %broadcast_in_dim3A_675, %eq3A_683 : vector<16xi1>
      %mul3A_685 = arith.constant 8 : i32
      %mul3A_686 = vector.broadcast %mul3A_685 : i32 to vector<16xi32>
      %mul3A_687 = arith.muli %gather3A_673, %mul3A_686 : vector<16xi32>
      %add3A_688 = arith.constant 1 : i32
      %add3A_689 = vector.broadcast %add3A_688 : i32 to vector<16xi32>
      %add3A_690 = arith.addi %mul3A_687, %add3A_689 : vector<16xi32>
      %gather3A_691 = tpu.vector_load_idx %arg7[%add3A_690] : memref<65536xi32, #tpu.memory_space<vmem>>[vector<16xi32>], vector<16xi32>,
      %eq3A_692 = arith.cmpi eq, %gather3A_691, %add3A_38 : vector<16xi32>
      %or3A_693 = arith.ori %or3A_684, %eq3A_692 : vector<16xi1>
      %mul3A_694 = arith.constant 8 : i32
      %mul3A_695 = vector.broadcast %mul3A_694 : i32 to vector<16xi32>
      %mul3A_696 = arith.muli %gather3A_673, %mul3A_695 : vector<16xi32>
      %add3A_697 = arith.constant 2 : i32
      %add3A_698 = vector.broadcast %add3A_697 : i32 to vector<16xi32>
      %add3A_699 = arith.addi %mul3A_696, %add3A_698 : vector<16xi32>
      %gather3A_700 = tpu.vector_load_idx %arg7[%add3A_699] : memref<65536xi32, #tpu.memory_space<vmem>>[vector<16xi32>], vector<16xi32>,
      %eq3A_701 = arith.cmpi eq, %gather3A_700, %add3A_38 : vector<16xi32>
      %or3A_702 = arith.ori %or3A_693, %eq3A_701 : vector<16xi1>
      %mul3A_703 = arith.constant 8 : i32
      %mul3A_704 = vector.broadcast %mul3A_703 : i32 to vector<16xi32>
      %mul3A_705 = arith.muli %gather3A_673, %mul3A_704 : vector<16xi32>
      %add3A_706 = arith.constant 3 : i32
      %add3A_707 = vector.broadcast %add3A_706 : i32 to vector<16xi32>
      %add3A_708 = arith.addi %mul3A_705, %add3A_707 : vector<16xi32>
      %gather3A_709 = tpu.vector_load_idx %arg7[%add3A_708] : memref<65536xi32, #tpu.memory_space<vmem>>[vector<16xi32>], vector<16xi32>,
      %eq3A_710 = arith.cmpi eq, %gather3A_709, %add3A_38 : vector<16xi32>
      %or3A_711 = arith.ori %or3A_702, %eq3A_710 : vector<16xi1>
      %mul3A_712 = arith.constant 8 : i32
      %mul3A_713 = vector.broadcast %mul3A_712 : i32 to vector<16xi32>
      %mul3A_714 = arith.muli %gather3A_673, %mul3A_713 : vector<16xi32>
      %add3A_715 = arith.constant 4 : i32
      %add3A_716 = vector.broadcast %add3A_715 : i32 to vector<16xi32>
      %add3A_717 = arith.addi %mul3A_714, %add3A_716 : vector<16xi32>
      %gather3A_718 = tpu.vector_load_idx %arg7[%add3A_717] : memref<65536xi32, #tpu.memory_space<vmem>>[vector<16xi32>], vector<16xi32>,
      %eq3A_719 = arith.cmpi eq, %gather3A_718, %add3A_38 : vector<16xi32>
      %or3A_720 = arith.ori %or3A_711, %eq3A_719 : vector<16xi1>
      %mul3A_721 = arith.constant 8 : i32
      %mul3A_722 = vector.broadcast %mul3A_721 : i32 to vector<16xi32>
      %mul3A_723 = arith.muli %gather3A_673, %mul3A_722 : vector<16xi32>
      %add3A_724 = arith.constant 5 : i32
      %add3A_725 = vector.broadcast %add3A_724 : i32 to vector<16xi32>
      %add3A_726 = arith.addi %mul3A_723, %add3A_725 : vector<16xi32>
      %gather3A_727 = tpu.vector_load_idx %arg7[%add3A_726] : memref<65536xi32, #tpu.memory_space<vmem>>[vector<16xi32>], vector<16xi32>,
      %eq3A_728 = arith.cmpi eq, %gather3A_727, %add3A_38 : vector<16xi32>
      %or3A_729 = arith.ori %or3A_720, %eq3A_728 : vector<16xi1>
      %mul3A_730 = arith.constant 8 : i32
      %mul3A_731 = vector.broadcast %mul3A_730 : i32 to vector<16xi32>
      %mul3A_732 = arith.muli %gather3A_673, %mul3A_731 : vector<16xi32>
      %add3A_733 = arith.constant 6 : i32
      %add3A_734 = vector.broadcast %add3A_733 : i32 to vector<16xi32>
      %add3A_735 = arith.addi %mul3A_732, %add3A_734 : vector<16xi32>
      %gather3A_736 = tpu.vector_load_idx %arg7[%add3A_735] : memref<65536xi32, #tpu.memory_space<vmem>>[vector<16xi32>], vector<16xi32>,
      %eq3A_737 = arith.cmpi eq, %gather3A_736, %add3A_38 : vector<16xi32>
      %or3A_738 = arith.ori %or3A_729, %eq3A_737 : vector<16xi1>
      %mul3A_739 = arith.constant 8 : i32
      %mul3A_740 = vector.broadcast %mul3A_739 : i32 to vector<16xi32>
      %mul3A_741 = arith.muli %gather3A_673, %mul3A_740 : vector<16xi32>
      %add3A_742 = arith.constant 7 : i32
      %add3A_743 = vector.broadcast %add3A_742 : i32 to vector<16xi32>
      %add3A_744 = arith.addi %mul3A_741, %add3A_743 : vector<16xi32>
      %gather3A_745 = tpu.vector_load_idx %arg7[%add3A_744] : memref<65536xi32, #tpu.memory_space<vmem>>[vector<16xi32>], vector<16xi32>,
      %eq3A_746 = arith.cmpi eq, %gather3A_745, %add3A_38 : vector<16xi32>
      %or3A_747 = arith.ori %or3A_738, %eq3A_746 : vector<16xi1>
      %convert_element_type3A_748 = arith.extui %or3A_747 : vector<16xi1> to vector<16xi32>
      %convert_element_type3A_749 = arith.sitofp %convert_element_type3A_748 : vector<16xi32> to vector<16xf32>
      %add3A_750 = arith.addf %add3A_660, %convert_element_type3A_749 : vector<16xf32>
      %mul3A_751 = arith.constant 8 : i32
      %mul3A_752 = vector.broadcast %mul3A_751 : i32 to vector<16xi32>
      %mul3A_753 = arith.muli %add3A_36, %mul3A_752 : vector<16xi32>
      %add3A_754 = arith.constant 7 : i32
      %add3A_755 = vector.broadcast %add3A_754 : i32 to vector<16xi32>
      %add3A_756 = arith.addi %mul3A_753, %add3A_755 : vector<16xi32>
      tpu.vector_store_idx %arg10[%add3A_756], %convert_element_type3A_749 : memref<2048xf32, #tpu.memory_space<vmem>>[vector<16xi32>], vector<16xf32>,
      %max3A = arith.constant 1.000000e+00 : f32
      %max3A_757 = vector.broadcast %max3A : f32 to vector<16xf32>
      %max3A_758 = arith.maximumf %add3A_750, %max3A_757 : vector<16xf32>
      %div3A = arith.constant 1.000000e+00 : f32
      %div3A_759 = vector.broadcast %div3A : f32 to vector<16xf32>
      %div3A_760 = arith.divf %div3A_759, %max3A_758 : vector<16xf32>
      tpu.vector_store_idx %arg11[%add3A_36], %div3A_760 : memref<256xf32, #tpu.memory_space<vmem>>[vector<16xi32>], vector<16xf32>,
      %add3A_761 = arith.addf %scan3A_32, %add3A_750 : vector<16xf32>
      scf.yield %add3A_761 : vector<16xf32>
    }
    %scan3A_12 = arith.constant 16 : i32
    %swap3A = arith.constant 0 : index
    %swap3A_13 = tpu.vector_load %arg15[%swap3A] {strides = array<i32>} : memref<16xf32, #tpu.memory_space<vmem>>, vector<16xf32>,
    tpu.vector_store %arg15[%swap3A], %scan3A_11 {strides = array<i32>} : memref<16xf32, #tpu.memory_space<vmem>>, vector<16xf32>,
    "tpu.region"() ({
      %run_scoped3A = tpu.sem_alloc : memref<!tpu.dma_semaphore, #tpu.memory_space<semaphore_mem>>
      %dma_start3A_31 = arith.constant 0 : i32
      %dma_start3A_32 = tpu.memref_slice %arg6[%add3A, %dma_start3A_31] : memref<32x16xf32, #tpu.memory_space<hbm>> -> memref<1x16xf32, #tpu.memory_space<hbm>>
      %dma_start3A_33 = tpu.memref_squeeze %dma_start3A_32 : memref<1x16xf32, #tpu.memory_space<hbm>> -> memref<16xf32, #tpu.memory_space<hbm>>
      %dma_start3A_34 = arith.constant 0 : i32
      %dma_start3A_35 = tpu.memref_slice %arg6[%add3A, %dma_start3A_34] : memref<32x16xf32, #tpu.memory_space<hbm>> -> memref<1x16xf32, #tpu.memory_space<hbm>>
      %dma_start3A_36 = tpu.memref_squeeze %dma_start3A_35 : memref<1x16xf32, #tpu.memory_space<hbm>> -> memref<16xf32, #tpu.memory_space<hbm>>
      tpu.enqueue_dma source(%arg15 : memref<16xf32, #tpu.memory_space<vmem>>) target(%dma_start3A_36 : memref<16xf32, #tpu.memory_space<hbm>>) target_semaphore(%run_scoped3A : memref<!tpu.dma_semaphore, #tpu.memory_space<semaphore_mem>>)
      %dma_wait3A = arith.constant 0 : i32
      %dma_wait3A_37 = tpu.memref_slice %arg6[%add3A, %dma_wait3A] : memref<32x16xf32, #tpu.memory_space<hbm>> -> memref<1x16xf32, #tpu.memory_space<hbm>>
      %dma_wait3A_38 = tpu.memref_squeeze %dma_wait3A_37 : memref<1x16xf32, #tpu.memory_space<hbm>> -> memref<16xf32, #tpu.memory_space<hbm>>
      %dma_wait3A_39 = arith.constant 0 : i32
      %dma_wait3A_40 = tpu.memref_slice %arg6[%add3A, %dma_wait3A_39] : memref<32x16xf32, #tpu.memory_space<hbm>> -> memref<1x16xf32, #tpu.memory_space<hbm>>
      %dma_wait3A_41 = tpu.memref_squeeze %dma_wait3A_40 : memref<1x16xf32, #tpu.memory_space<hbm>> -> memref<16xf32, #tpu.memory_space<hbm>>
      tpu.wait_dma2 semaphore(%run_scoped3A : memref<!tpu.dma_semaphore, #tpu.memory_space<semaphore_mem>>) src(%arg15 : memref<16xf32, #tpu.memory_space<vmem>>) dst(%dma_wait3A_41 : memref<16xf32, #tpu.memory_space<hbm>>)
      tpu.yield
    }) : () -> ()
    %mul3A_14 = arith.constant 8 : i32
    %mul3A_15 = arith.muli %mul3A_2, %mul3A_14 : i32
    "tpu.region"() ({
      %run_scoped3A = tpu.sem_alloc : memref<!tpu.dma_semaphore, #tpu.memory_space<semaphore_mem>>
      %dma_start3A_31 = tpu.memref_slice %arg5[%mul3A_15] : memref<65536xf32, #tpu.memory_space<hbm>> -> memref<2048xf32, #tpu.memory_space<hbm>>
      %dma_start3A_32 = tpu.memref_slice %arg5[%mul3A_15] : memref<65536xf32, #tpu.memory_space<hbm>> -> memref<2048xf32, #tpu.memory_space<hbm>>
      tpu.enqueue_dma source(%arg10 : memref<2048xf32, #tpu.memory_space<vmem>>) target(%dma_start3A_32 : memref<2048xf32, #tpu.memory_space<hbm>>) target_semaphore(%run_scoped3A : memref<!tpu.dma_semaphore, #tpu.memory_space<semaphore_mem>>)
      %dma_wait3A = tpu.memref_slice %arg5[%mul3A_15] : memref<65536xf32, #tpu.memory_space<hbm>> -> memref<2048xf32, #tpu.memory_space<hbm>>
      %dma_wait3A_33 = tpu.memref_slice %arg5[%mul3A_15] : memref<65536xf32, #tpu.memory_space<hbm>> -> memref<2048xf32, #tpu.memory_space<hbm>>
      tpu.wait_dma2 semaphore(%run_scoped3A : memref<!tpu.dma_semaphore, #tpu.memory_space<semaphore_mem>>) src(%arg10 : memref<2048xf32, #tpu.memory_space<vmem>>) dst(%dma_wait3A_33 : memref<2048xf32, #tpu.memory_space<hbm>>)
      tpu.yield
    }) : () -> ()
    %dma_start3A = arith.constant 0 : i32
    %dma_start3A_16 = tpu.memref_slice %arg9[%dma_start3A] : memref<2048xi32, #tpu.memory_space<vmem>> -> memref<8xi32, #tpu.memory_space<vmem>>
    %dma_start3A_17 = arith.constant 0 : i32
    %dma_start3A_18 = arith.constant 0 : i32
    %dma_start3A_19 = tpu.memref_slice %arg3[%dma_start3A_17, %dma_start3A_18] : memref<8192x768xf32, #tpu.memory_space<hbm>> -> memref<8192x768xf32, #tpu.memory_space<hbm>>
    tpu.enqueue_indirect_dma source(%dma_start3A_19 : memref<8192x768xf32, #tpu.memory_space<hbm>>) target(%arg12 : memref<8x768xf32, #tpu.memory_space<vmem>>) offsets(%dma_start3A_16 : memref<8xi32, #tpu.memory_space<vmem>>) semaphore(%arg16 : memref<!tpu.dma_semaphore, #tpu.memory_space<semaphore_mem>>)
    %dma_start3A_20 = arith.constant 8 : i32
    %dma_start3A_21 = tpu.memref_slice %arg9[%dma_start3A_20] : memref<2048xi32, #tpu.memory_space<vmem>> -> memref<8xi32, #tpu.memory_space<vmem>>
    %dma_start3A_22 = arith.constant 0 : i32
    %dma_start3A_23 = arith.constant 0 : i32
    %dma_start3A_24 = tpu.memref_slice %arg3[%dma_start3A_22, %dma_start3A_23] : memref<8192x768xf32, #tpu.memory_space<hbm>> -> memref<8192x768xf32, #tpu.memory_space<hbm>>
    tpu.enqueue_indirect_dma source(%dma_start3A_24 : memref<8192x768xf32, #tpu.memory_space<hbm>>) target(%arg13 : memref<8x768xf32, #tpu.memory_space<vmem>>) offsets(%dma_start3A_21 : memref<8xi32, #tpu.memory_space<vmem>>) semaphore(%arg17 : memref<!tpu.dma_semaphore, #tpu.memory_space<semaphore_mem>>)
    %scan3A_25 = arith.constant 0 : i32
    %scan3A_26 = arith.constant 0 : i32
    %scan3A_27 = arith.constant 128 : i32
    %scan3A_28 = arith.addi %scan3A_26, %scan3A_27 : i32
    %scan3A_29 = arith.constant 1 : i32
    scf.for %scan3A_31 = %scan3A_26 to %scan3A_28 step %scan3A_29  : i32 {
      %mul3A_32 = arith.constant 2 : i32
      %mul3A_33 = arith.muli %scan3A_31, %mul3A_32 : i32
      %add3A_34 = arith.constant 0 : i32
      %add3A_35 = arith.addi %mul3A_33, %add3A_34 : i32
      %mul3A_36 = arith.constant 8 : i32
      %mul3A_37 = arith.muli %add3A_35, %mul3A_36 : i32
      %dma_wait3A = tpu.memref_slice %arg9[%mul3A_37] : memref<2048xi32, #tpu.memory_space<vmem>> -> memref<8xi32, #tpu.memory_space<vmem>>
      %dma_wait3A_38 = arith.constant 0 : i32
      %dma_wait3A_39 = arith.constant 0 : i32
      %dma_wait3A_40 = tpu.memref_slice %arg3[%dma_wait3A_38, %dma_wait3A_39] : memref<8192x768xf32, #tpu.memory_space<hbm>> -> memref<8192x768xf32, #tpu.memory_space<hbm>>
      tpu.wait_indirect_dma semaphore(%arg16 : memref<!tpu.dma_semaphore, #tpu.memory_space<semaphore_mem>>) src(%dma_wait3A_40 : memref<8192x768xf32, #tpu.memory_space<hbm>>) dst(%arg12 : memref<8x768xf32, #tpu.memory_space<vmem>>)
      %broadcast_in_dim3A_41 = arith.constant 0 : i32
      %broadcast_in_dim3A_42 = vector.broadcast %broadcast_in_dim3A_41 : i32 to vector<16xi32>
      %mul3A_43 = arith.constant 8 : i32
      %mul3A_44 = arith.muli %add3A_35, %mul3A_43 : i32
      %add3A_45 = arith.constant 0 : i32
      %add3A_46 = arith.addi %mul3A_44, %add3A_45 : i32
      %add3A_47 = vector.broadcast %add3A_46 : i32 to vector<16xi32>
      %add3A_48 = arith.addi %broadcast_in_dim3A_42, %add3A_47 : vector<16xi32>
      %gather3A = tpu.vector_load_idx %arg10[%add3A_48] : memref<2048xf32, #tpu.memory_space<vmem>>[vector<16xi32>], vector<16xf32>,
      %broadcast_in_dim3A_49 = arith.constant 0 : i32
      %broadcast_in_dim3A_50 = vector.broadcast %broadcast_in_dim3A_49 : i32 to vector<16xi32>
      %mul3A_51 = arith.constant 8 : i32
      %mul3A_52 = arith.muli %add3A_35, %mul3A_51 : i32
      %add3A_53 = arith.constant 1 : i32
      %add3A_54 = arith.addi %mul3A_52, %add3A_53 : i32
      %add3A_55 = vector.broadcast %add3A_54 : i32 to vector<16xi32>
      %add3A_56 = arith.addi %broadcast_in_dim3A_50, %add3A_55 : vector<16xi32>
      %gather3A_57 = tpu.vector_load_idx %arg10[%add3A_56] : memref<2048xf32, #tpu.memory_space<vmem>>[vector<16xi32>], vector<16xf32>,
      %broadcast_in_dim3A_58 = arith.constant 0 : i32
      %broadcast_in_dim3A_59 = vector.broadcast %broadcast_in_dim3A_58 : i32 to vector<16xi32>
      %mul3A_60 = arith.constant 8 : i32
      %mul3A_61 = arith.muli %add3A_35, %mul3A_60 : i32
      %add3A_62 = arith.constant 2 : i32
      %add3A_63 = arith.addi %mul3A_61, %add3A_62 : i32
      %add3A_64 = vector.broadcast %add3A_63 : i32 to vector<16xi32>
      %add3A_65 = arith.addi %broadcast_in_dim3A_59, %add3A_64 : vector<16xi32>
      %gather3A_66 = tpu.vector_load_idx %arg10[%add3A_65] : memref<2048xf32, #tpu.memory_space<vmem>>[vector<16xi32>], vector<16xf32>,
      %broadcast_in_dim3A_67 = arith.constant 0 : i32
      %broadcast_in_dim3A_68 = vector.broadcast %broadcast_in_dim3A_67 : i32 to vector<16xi32>
      %mul3A_69 = arith.constant 8 : i32
      %mul3A_70 = arith.muli %add3A_35, %mul3A_69 : i32
      %add3A_71 = arith.constant 3 : i32
      %add3A_72 = arith.addi %mul3A_70, %add3A_71 : i32
      %add3A_73 = vector.broadcast %add3A_72 : i32 to vector<16xi32>
      %add3A_74 = arith.addi %broadcast_in_dim3A_68, %add3A_73 : vector<16xi32>
      %gather3A_75 = tpu.vector_load_idx %arg10[%add3A_74] : memref<2048xf32, #tpu.memory_space<vmem>>[vector<16xi32>], vector<16xf32>,
      %broadcast_in_dim3A_76 = arith.constant 0 : i32
      %broadcast_in_dim3A_77 = vector.broadcast %broadcast_in_dim3A_76 : i32 to vector<16xi32>
      %mul3A_78 = arith.constant 8 : i32
      %mul3A_79 = arith.muli %add3A_35, %mul3A_78 : i32
      %add3A_80 = arith.constant 4 : i32
      %add3A_81 = arith.addi %mul3A_79, %add3A_80 : i32
      %add3A_82 = vector.broadcast %add3A_81 : i32 to vector<16xi32>
      %add3A_83 = arith.addi %broadcast_in_dim3A_77, %add3A_82 : vector<16xi32>
      %gather3A_84 = tpu.vector_load_idx %arg10[%add3A_83] : memref<2048xf32, #tpu.memory_space<vmem>>[vector<16xi32>], vector<16xf32>,
      %broadcast_in_dim3A_85 = arith.constant 0 : i32
      %broadcast_in_dim3A_86 = vector.broadcast %broadcast_in_dim3A_85 : i32 to vector<16xi32>
      %mul3A_87 = arith.constant 8 : i32
      %mul3A_88 = arith.muli %add3A_35, %mul3A_87 : i32
      %add3A_89 = arith.constant 5 : i32
      %add3A_90 = arith.addi %mul3A_88, %add3A_89 : i32
      %add3A_91 = vector.broadcast %add3A_90 : i32 to vector<16xi32>
      %add3A_92 = arith.addi %broadcast_in_dim3A_86, %add3A_91 : vector<16xi32>
      %gather3A_93 = tpu.vector_load_idx %arg10[%add3A_92] : memref<2048xf32, #tpu.memory_space<vmem>>[vector<16xi32>], vector<16xf32>,
      %broadcast_in_dim3A_94 = arith.constant 0 : i32
      %broadcast_in_dim3A_95 = vector.broadcast %broadcast_in_dim3A_94 : i32 to vector<16xi32>
      %mul3A_96 = arith.constant 8 : i32
      %mul3A_97 = arith.muli %add3A_35, %mul3A_96 : i32
      %add3A_98 = arith.constant 6 : i32
      %add3A_99 = arith.addi %mul3A_97, %add3A_98 : i32
      %add3A_100 = vector.broadcast %add3A_99 : i32 to vector<16xi32>
      %add3A_101 = arith.addi %broadcast_in_dim3A_95, %add3A_100 : vector<16xi32>
      %gather3A_102 = tpu.vector_load_idx %arg10[%add3A_101] : memref<2048xf32, #tpu.memory_space<vmem>>[vector<16xi32>], vector<16xf32>,
      %broadcast_in_dim3A_103 = arith.constant 0 : i32
      %broadcast_in_dim3A_104 = vector.broadcast %broadcast_in_dim3A_103 : i32 to vector<16xi32>
      %mul3A_105 = arith.constant 8 : i32
      %mul3A_106 = arith.muli %add3A_35, %mul3A_105 : i32
      %add3A_107 = arith.constant 7 : i32
      %add3A_108 = arith.addi %mul3A_106, %add3A_107 : i32
      %add3A_109 = vector.broadcast %add3A_108 : i32 to vector<16xi32>
      %add3A_110 = arith.addi %broadcast_in_dim3A_104, %add3A_109 : vector<16xi32>
      %gather3A_111 = tpu.vector_load_idx %arg10[%add3A_110] : memref<2048xf32, #tpu.memory_space<vmem>>[vector<16xi32>], vector<16xf32>,
      %broadcast_in_dim3A_112 = arith.constant 0 : i32
      %broadcast_in_dim3A_113 = vector.broadcast %broadcast_in_dim3A_112 : i32 to vector<16xi32>
      %add3A_114 = vector.broadcast %add3A_35 : i32 to vector<16xi32>
      %add3A_115 = arith.addi %broadcast_in_dim3A_113, %add3A_114 : vector<16xi32>
      %gather3A_116 = tpu.vector_load_idx %arg11[%add3A_115] : memref<256xf32, #tpu.memory_space<vmem>>[vector<16xi32>], vector<16xf32>,
      %scan3A_117 = arith.constant 0 : i32
      %scan3A_118 = arith.constant 0 : i32
      %scan3A_119 = arith.constant 12 : i32
      %scan3A_120 = arith.addi %scan3A_118, %scan3A_119 : i32
      %scan3A_121 = arith.constant 1 : i32
      scf.for %scan3A_283 = %scan3A_118 to %scan3A_120 step %scan3A_121  : i32 {
        %mul3A_284 = arith.constant 4 : i32
        %mul3A_285 = arith.muli %scan3A_283, %mul3A_284 : i32
        %add3A_286 = arith.constant 0 : i32
        %add3A_287 = arith.addi %mul3A_285, %add3A_286 : i32
        %mul3A_288 = arith.constant 16 : i32
        %mul3A_289 = arith.muli %add3A_287, %mul3A_288 : i32
        %get3A = arith.constant 0 : i32
        %get3A_290 = arith.index_cast %get3A : i32 to index
        %get3A_291 = arith.index_cast %mul3A_289 : i32 to index
        %get3A_292 = tpu.vector_load %arg12[%get3A_290, %get3A_291] {strides = array<i32>} : memref<8x768xf32, #tpu.memory_space<vmem>>, vector<16xf32>,
        %mul3A_293 = arith.mulf %get3A_292, %gather3A : vector<16xf32>
        %get3A_294 = arith.constant 1 : i32
        %get3A_295 = arith.index_cast %get3A_294 : i32 to index
        %get3A_296 = arith.index_cast %mul3A_289 : i32 to index
        %get3A_297 = tpu.vector_load %arg12[%get3A_295, %get3A_296] {strides = array<i32>} : memref<8x768xf32, #tpu.memory_space<vmem>>, vector<16xf32>,
        %mul3A_298 = arith.mulf %get3A_297, %gather3A_57 : vector<16xf32>
        %add3A_299 = arith.addf %mul3A_293, %mul3A_298 : vector<16xf32>
        %get3A_300 = arith.constant 2 : i32
        %get3A_301 = arith.index_cast %get3A_300 : i32 to index
        %get3A_302 = arith.index_cast %mul3A_289 : i32 to index
        %get3A_303 = tpu.vector_load %arg12[%get3A_301, %get3A_302] {strides = array<i32>} : memref<8x768xf32, #tpu.memory_space<vmem>>, vector<16xf32>,
        %mul3A_304 = arith.mulf %get3A_303, %gather3A_66 : vector<16xf32>
        %add3A_305 = arith.addf %add3A_299, %mul3A_304 : vector<16xf32>
        %get3A_306 = arith.constant 3 : i32
        %get3A_307 = arith.index_cast %get3A_306 : i32 to index
        %get3A_308 = arith.index_cast %mul3A_289 : i32 to index
        %get3A_309 = tpu.vector_load %arg12[%get3A_307, %get3A_308] {strides = array<i32>} : memref<8x768xf32, #tpu.memory_space<vmem>>, vector<16xf32>,
        %mul3A_310 = arith.mulf %get3A_309, %gather3A_75 : vector<16xf32>
        %add3A_311 = arith.addf %add3A_305, %mul3A_310 : vector<16xf32>
        %get3A_312 = arith.constant 4 : i32
        %get3A_313 = arith.index_cast %get3A_312 : i32 to index
        %get3A_314 = arith.index_cast %mul3A_289 : i32 to index
        %get3A_315 = tpu.vector_load %arg12[%get3A_313, %get3A_314] {strides = array<i32>} : memref<8x768xf32, #tpu.memory_space<vmem>>, vector<16xf32>,
        %mul3A_316 = arith.mulf %get3A_315, %gather3A_84 : vector<16xf32>
        %add3A_317 = arith.addf %add3A_311, %mul3A_316 : vector<16xf32>
        %get3A_318 = arith.constant 5 : i32
        %get3A_319 = arith.index_cast %get3A_318 : i32 to index
        %get3A_320 = arith.index_cast %mul3A_289 : i32 to index
        %get3A_321 = tpu.vector_load %arg12[%get3A_319, %get3A_320] {strides = array<i32>} : memref<8x768xf32, #tpu.memory_space<vmem>>, vector<16xf32>,
        %mul3A_322 = arith.mulf %get3A_321, %gather3A_93 : vector<16xf32>
        %add3A_323 = arith.addf %add3A_317, %mul3A_322 : vector<16xf32>
        %get3A_324 = arith.constant 6 : i32
        %get3A_325 = arith.index_cast %get3A_324 : i32 to index
        %get3A_326 = arith.index_cast %mul3A_289 : i32 to index
        %get3A_327 = tpu.vector_load %arg12[%get3A_325, %get3A_326] {strides = array<i32>} : memref<8x768xf32, #tpu.memory_space<vmem>>, vector<16xf32>,
        %mul3A_328 = arith.mulf %get3A_327, %gather3A_102 : vector<16xf32>
        %add3A_329 = arith.addf %add3A_323, %mul3A_328 : vector<16xf32>
        %get3A_330 = arith.constant 7 : i32
        %get3A_331 = arith.index_cast %get3A_330 : i32 to index
        %get3A_332 = arith.index_cast %mul3A_289 : i32 to index
        %get3A_333 = tpu.vector_load %arg12[%get3A_331, %get3A_332] {strides = array<i32>} : memref<8x768xf32, #tpu.memory_space<vmem>>, vector<16xf32>,
        %mul3A_334 = arith.mulf %get3A_333, %gather3A_111 : vector<16xf32>
        %add3A_335 = arith.addf %add3A_329, %mul3A_334 : vector<16xf32>
        %mul3A_336 = arith.mulf %add3A_335, %gather3A_116 : vector<16xf32>
        %swap3A_337 = arith.constant 0 : i32
        %swap3A_338 = arith.index_cast %swap3A_337 : i32 to index
        %swap3A_339 = arith.index_cast %mul3A_289 : i32 to index
        %swap3A_340 = tpu.vector_load %arg14[%swap3A_338, %swap3A_339] {strides = array<i32>} : memref<2x768xf32, #tpu.memory_space<vmem>>, vector<16xf32>,
        tpu.vector_store %arg14[%swap3A_338, %swap3A_339], %mul3A_336 {strides = array<i32>} : memref<2x768xf32, #tpu.memory_space<vmem>>, vector<16xf32>,
        %mul3A_341 = arith.constant 4 : i32
        %mul3A_342 = arith.muli %scan3A_283, %mul3A_341 : i32
        %add3A_343 = arith.constant 1 : i32
        %add3A_344 = arith.addi %mul3A_342, %add3A_343 : i32
        %mul3A_345 = arith.constant 16 : i32
        %mul3A_346 = arith.muli %add3A_344, %mul3A_345 : i32
        %get3A_347 = arith.constant 0 : i32
        %get3A_348 = arith.index_cast %get3A_347 : i32 to index
        %get3A_349 = arith.index_cast %mul3A_346 : i32 to index
        %get3A_350 = tpu.vector_load %arg12[%get3A_348, %get3A_349] {strides = array<i32>} : memref<8x768xf32, #tpu.memory_space<vmem>>, vector<16xf32>,
        %mul3A_351 = arith.mulf %get3A_350, %gather3A : vector<16xf32>
        %get3A_352 = arith.constant 1 : i32
        %get3A_353 = arith.index_cast %get3A_352 : i32 to index
        %get3A_354 = arith.index_cast %mul3A_346 : i32 to index
        %get3A_355 = tpu.vector_load %arg12[%get3A_353, %get3A_354] {strides = array<i32>} : memref<8x768xf32, #tpu.memory_space<vmem>>, vector<16xf32>,
        %mul3A_356 = arith.mulf %get3A_355, %gather3A_57 : vector<16xf32>
        %add3A_357 = arith.addf %mul3A_351, %mul3A_356 : vector<16xf32>
        %get3A_358 = arith.constant 2 : i32
        %get3A_359 = arith.index_cast %get3A_358 : i32 to index
        %get3A_360 = arith.index_cast %mul3A_346 : i32 to index
        %get3A_361 = tpu.vector_load %arg12[%get3A_359, %get3A_360] {strides = array<i32>} : memref<8x768xf32, #tpu.memory_space<vmem>>, vector<16xf32>,
        %mul3A_362 = arith.mulf %get3A_361, %gather3A_66 : vector<16xf32>
        %add3A_363 = arith.addf %add3A_357, %mul3A_362 : vector<16xf32>
        %get3A_364 = arith.constant 3 : i32
        %get3A_365 = arith.index_cast %get3A_364 : i32 to index
        %get3A_366 = arith.index_cast %mul3A_346 : i32 to index
        %get3A_367 = tpu.vector_load %arg12[%get3A_365, %get3A_366] {strides = array<i32>} : memref<8x768xf32, #tpu.memory_space<vmem>>, vector<16xf32>,
        %mul3A_368 = arith.mulf %get3A_367, %gather3A_75 : vector<16xf32>
        %add3A_369 = arith.addf %add3A_363, %mul3A_368 : vector<16xf32>
        %get3A_370 = arith.constant 4 : i32
        %get3A_371 = arith.index_cast %get3A_370 : i32 to index
        %get3A_372 = arith.index_cast %mul3A_346 : i32 to index
        %get3A_373 = tpu.vector_load %arg12[%get3A_371, %get3A_372] {strides = array<i32>} : memref<8x768xf32, #tpu.memory_space<vmem>>, vector<16xf32>,
        %mul3A_374 = arith.mulf %get3A_373, %gather3A_84 : vector<16xf32>
        %add3A_375 = arith.addf %add3A_369, %mul3A_374 : vector<16xf32>
        %get3A_376 = arith.constant 5 : i32
        %get3A_377 = arith.index_cast %get3A_376 : i32 to index
        %get3A_378 = arith.index_cast %mul3A_346 : i32 to index
        %get3A_379 = tpu.vector_load %arg12[%get3A_377, %get3A_378] {strides = array<i32>} : memref<8x768xf32, #tpu.memory_space<vmem>>, vector<16xf32>,
        %mul3A_380 = arith.mulf %get3A_379, %gather3A_93 : vector<16xf32>
        %add3A_381 = arith.addf %add3A_375, %mul3A_380 : vector<16xf32>
        %get3A_382 = arith.constant 6 : i32
        %get3A_383 = arith.index_cast %get3A_382 : i32 to index
        %get3A_384 = arith.index_cast %mul3A_346 : i32 to index
        %get3A_385 = tpu.vector_load %arg12[%get3A_383, %get3A_384] {strides = array<i32>} : memref<8x768xf32, #tpu.memory_space<vmem>>, vector<16xf32>,
        %mul3A_386 = arith.mulf %get3A_385, %gather3A_102 : vector<16xf32>
        %add3A_387 = arith.addf %add3A_381, %mul3A_386 : vector<16xf32>
        %get3A_388 = arith.constant 7 : i32
        %get3A_389 = arith.index_cast %get3A_388 : i32 to index
        %get3A_390 = arith.index_cast %mul3A_346 : i32 to index
        %get3A_391 = tpu.vector_load %arg12[%get3A_389, %get3A_390] {strides = array<i32>} : memref<8x768xf32, #tpu.memory_space<vmem>>, vector<16xf32>,
        %mul3A_392 = arith.mulf %get3A_391, %gather3A_111 : vector<16xf32>
        %add3A_393 = arith.addf %add3A_387, %mul3A_392 : vector<16xf32>
        %mul3A_394 = arith.mulf %add3A_393, %gather3A_116 : vector<16xf32>
        %swap3A_395 = arith.constant 0 : i32
        %swap3A_396 = arith.index_cast %swap3A_395 : i32 to index
        %swap3A_397 = arith.index_cast %mul3A_346 : i32 to index
        %swap3A_398 = tpu.vector_load %arg14[%swap3A_396, %swap3A_397] {strides = array<i32>} : memref<2x768xf32, #tpu.memory_space<vmem>>, vector<16xf32>,
        tpu.vector_store %arg14[%swap3A_396, %swap3A_397], %mul3A_394 {strides = array<i32>} : memref<2x768xf32, #tpu.memory_space<vmem>>, vector<16xf32>,
        %mul3A_399 = arith.constant 4 : i32
        %mul3A_400 = arith.muli %scan3A_283, %mul3A_399 : i32
        %add3A_401 = arith.constant 2 : i32
        %add3A_402 = arith.addi %mul3A_400, %add3A_401 : i32
        %mul3A_403 = arith.constant 16 : i32
        %mul3A_404 = arith.muli %add3A_402, %mul3A_403 : i32
        %get3A_405 = arith.constant 0 : i32
        %get3A_406 = arith.index_cast %get3A_405 : i32 to index
        %get3A_407 = arith.index_cast %mul3A_404 : i32 to index
        %get3A_408 = tpu.vector_load %arg12[%get3A_406, %get3A_407] {strides = array<i32>} : memref<8x768xf32, #tpu.memory_space<vmem>>, vector<16xf32>,
        %mul3A_409 = arith.mulf %get3A_408, %gather3A : vector<16xf32>
        %get3A_410 = arith.constant 1 : i32
        %get3A_411 = arith.index_cast %get3A_410 : i32 to index
        %get3A_412 = arith.index_cast %mul3A_404 : i32 to index
        %get3A_413 = tpu.vector_load %arg12[%get3A_411, %get3A_412] {strides = array<i32>} : memref<8x768xf32, #tpu.memory_space<vmem>>, vector<16xf32>,
        %mul3A_414 = arith.mulf %get3A_413, %gather3A_57 : vector<16xf32>
        %add3A_415 = arith.addf %mul3A_409, %mul3A_414 : vector<16xf32>
        %get3A_416 = arith.constant 2 : i32
        %get3A_417 = arith.index_cast %get3A_416 : i32 to index
        %get3A_418 = arith.index_cast %mul3A_404 : i32 to index
        %get3A_419 = tpu.vector_load %arg12[%get3A_417, %get3A_418] {strides = array<i32>} : memref<8x768xf32, #tpu.memory_space<vmem>>, vector<16xf32>,
        %mul3A_420 = arith.mulf %get3A_419, %gather3A_66 : vector<16xf32>
        %add3A_421 = arith.addf %add3A_415, %mul3A_420 : vector<16xf32>
        %get3A_422 = arith.constant 3 : i32
        %get3A_423 = arith.index_cast %get3A_422 : i32 to index
        %get3A_424 = arith.index_cast %mul3A_404 : i32 to index
        %get3A_425 = tpu.vector_load %arg12[%get3A_423, %get3A_424] {strides = array<i32>} : memref<8x768xf32, #tpu.memory_space<vmem>>, vector<16xf32>,
        %mul3A_426 = arith.mulf %get3A_425, %gather3A_75 : vector<16xf32>
        %add3A_427 = arith.addf %add3A_421, %mul3A_426 : vector<16xf32>
        %get3A_428 = arith.constant 4 : i32
        %get3A_429 = arith.index_cast %get3A_428 : i32 to index
        %get3A_430 = arith.index_cast %mul3A_404 : i32 to index
        %get3A_431 = tpu.vector_load %arg12[%get3A_429, %get3A_430] {strides = array<i32>} : memref<8x768xf32, #tpu.memory_space<vmem>>, vector<16xf32>,
        %mul3A_432 = arith.mulf %get3A_431, %gather3A_84 : vector<16xf32>
        %add3A_433 = arith.addf %add3A_427, %mul3A_432 : vector<16xf32>
        %get3A_434 = arith.constant 5 : i32
        %get3A_435 = arith.index_cast %get3A_434 : i32 to index
        %get3A_436 = arith.index_cast %mul3A_404 : i32 to index
        %get3A_437 = tpu.vector_load %arg12[%get3A_435, %get3A_436] {strides = array<i32>} : memref<8x768xf32, #tpu.memory_space<vmem>>, vector<16xf32>,
        %mul3A_438 = arith.mulf %get3A_437, %gather3A_93 : vector<16xf32>
        %add3A_439 = arith.addf %add3A_433, %mul3A_438 : vector<16xf32>
        %get3A_440 = arith.constant 6 : i32
        %get3A_441 = arith.index_cast %get3A_440 : i32 to index
        %get3A_442 = arith.index_cast %mul3A_404 : i32 to index
        %get3A_443 = tpu.vector_load %arg12[%get3A_441, %get3A_442] {strides = array<i32>} : memref<8x768xf32, #tpu.memory_space<vmem>>, vector<16xf32>,
        %mul3A_444 = arith.mulf %get3A_443, %gather3A_102 : vector<16xf32>
        %add3A_445 = arith.addf %add3A_439, %mul3A_444 : vector<16xf32>
        %get3A_446 = arith.constant 7 : i32
        %get3A_447 = arith.index_cast %get3A_446 : i32 to index
        %get3A_448 = arith.index_cast %mul3A_404 : i32 to index
        %get3A_449 = tpu.vector_load %arg12[%get3A_447, %get3A_448] {strides = array<i32>} : memref<8x768xf32, #tpu.memory_space<vmem>>, vector<16xf32>,
        %mul3A_450 = arith.mulf %get3A_449, %gather3A_111 : vector<16xf32>
        %add3A_451 = arith.addf %add3A_445, %mul3A_450 : vector<16xf32>
        %mul3A_452 = arith.mulf %add3A_451, %gather3A_116 : vector<16xf32>
        %swap3A_453 = arith.constant 0 : i32
        %swap3A_454 = arith.index_cast %swap3A_453 : i32 to index
        %swap3A_455 = arith.index_cast %mul3A_404 : i32 to index
        %swap3A_456 = tpu.vector_load %arg14[%swap3A_454, %swap3A_455] {strides = array<i32>} : memref<2x768xf32, #tpu.memory_space<vmem>>, vector<16xf32>,
        tpu.vector_store %arg14[%swap3A_454, %swap3A_455], %mul3A_452 {strides = array<i32>} : memref<2x768xf32, #tpu.memory_space<vmem>>, vector<16xf32>,
        %mul3A_457 = arith.constant 4 : i32
        %mul3A_458 = arith.muli %scan3A_283, %mul3A_457 : i32
        %add3A_459 = arith.constant 3 : i32
        %add3A_460 = arith.addi %mul3A_458, %add3A_459 : i32
        %mul3A_461 = arith.constant 16 : i32
        %mul3A_462 = arith.muli %add3A_460, %mul3A_461 : i32
        %get3A_463 = arith.constant 0 : i32
        %get3A_464 = arith.index_cast %get3A_463 : i32 to index
        %get3A_465 = arith.index_cast %mul3A_462 : i32 to index
        %get3A_466 = tpu.vector_load %arg12[%get3A_464, %get3A_465] {strides = array<i32>} : memref<8x768xf32, #tpu.memory_space<vmem>>, vector<16xf32>,
        %mul3A_467 = arith.mulf %get3A_466, %gather3A : vector<16xf32>
        %get3A_468 = arith.constant 1 : i32
        %get3A_469 = arith.index_cast %get3A_468 : i32 to index
        %get3A_470 = arith.index_cast %mul3A_462 : i32 to index
        %get3A_471 = tpu.vector_load %arg12[%get3A_469, %get3A_470] {strides = array<i32>} : memref<8x768xf32, #tpu.memory_space<vmem>>, vector<16xf32>,
        %mul3A_472 = arith.mulf %get3A_471, %gather3A_57 : vector<16xf32>
        %add3A_473 = arith.addf %mul3A_467, %mul3A_472 : vector<16xf32>
        %get3A_474 = arith.constant 2 : i32
        %get3A_475 = arith.index_cast %get3A_474 : i32 to index
        %get3A_476 = arith.index_cast %mul3A_462 : i32 to index
        %get3A_477 = tpu.vector_load %arg12[%get3A_475, %get3A_476] {strides = array<i32>} : memref<8x768xf32, #tpu.memory_space<vmem>>, vector<16xf32>,
        %mul3A_478 = arith.mulf %get3A_477, %gather3A_66 : vector<16xf32>
        %add3A_479 = arith.addf %add3A_473, %mul3A_478 : vector<16xf32>
        %get3A_480 = arith.constant 3 : i32
        %get3A_481 = arith.index_cast %get3A_480 : i32 to index
        %get3A_482 = arith.index_cast %mul3A_462 : i32 to index
        %get3A_483 = tpu.vector_load %arg12[%get3A_481, %get3A_482] {strides = array<i32>} : memref<8x768xf32, #tpu.memory_space<vmem>>, vector<16xf32>,
        %mul3A_484 = arith.mulf %get3A_483, %gather3A_75 : vector<16xf32>
        %add3A_485 = arith.addf %add3A_479, %mul3A_484 : vector<16xf32>
        %get3A_486 = arith.constant 4 : i32
        %get3A_487 = arith.index_cast %get3A_486 : i32 to index
        %get3A_488 = arith.index_cast %mul3A_462 : i32 to index
        %get3A_489 = tpu.vector_load %arg12[%get3A_487, %get3A_488] {strides = array<i32>} : memref<8x768xf32, #tpu.memory_space<vmem>>, vector<16xf32>,
        %mul3A_490 = arith.mulf %get3A_489, %gather3A_84 : vector<16xf32>
        %add3A_491 = arith.addf %add3A_485, %mul3A_490 : vector<16xf32>
        %get3A_492 = arith.constant 5 : i32
        %get3A_493 = arith.index_cast %get3A_492 : i32 to index
        %get3A_494 = arith.index_cast %mul3A_462 : i32 to index
        %get3A_495 = tpu.vector_load %arg12[%get3A_493, %get3A_494] {strides = array<i32>} : memref<8x768xf32, #tpu.memory_space<vmem>>, vector<16xf32>,
        %mul3A_496 = arith.mulf %get3A_495, %gather3A_93 : vector<16xf32>
        %add3A_497 = arith.addf %add3A_491, %mul3A_496 : vector<16xf32>
        %get3A_498 = arith.constant 6 : i32
        %get3A_499 = arith.index_cast %get3A_498 : i32 to index
        %get3A_500 = arith.index_cast %mul3A_462 : i32 to index
        %get3A_501 = tpu.vector_load %arg12[%get3A_499, %get3A_500] {strides = array<i32>} : memref<8x768xf32, #tpu.memory_space<vmem>>, vector<16xf32>,
        %mul3A_502 = arith.mulf %get3A_501, %gather3A_102 : vector<16xf32>
        %add3A_503 = arith.addf %add3A_497, %mul3A_502 : vector<16xf32>
        %get3A_504 = arith.constant 7 : i32
        %get3A_505 = arith.index_cast %get3A_504 : i32 to index
        %get3A_506 = arith.index_cast %mul3A_462 : i32 to index
        %get3A_507 = tpu.vector_load %arg12[%get3A_505, %get3A_506] {strides = array<i32>} : memref<8x768xf32, #tpu.memory_space<vmem>>, vector<16xf32>,
        %mul3A_508 = arith.mulf %get3A_507, %gather3A_111 : vector<16xf32>
        %add3A_509 = arith.addf %add3A_503, %mul3A_508 : vector<16xf32>
        %mul3A_510 = arith.mulf %add3A_509, %gather3A_116 : vector<16xf32>
        %swap3A_511 = arith.constant 0 : i32
        %swap3A_512 = arith.index_cast %swap3A_511 : i32 to index
        %swap3A_513 = arith.index_cast %mul3A_462 : i32 to index
        %swap3A_514 = tpu.vector_load %arg14[%swap3A_512, %swap3A_513] {strides = array<i32>} : memref<2x768xf32, #tpu.memory_space<vmem>>, vector<16xf32>,
        tpu.vector_store %arg14[%swap3A_512, %swap3A_513], %mul3A_510 {strides = array<i32>} : memref<2x768xf32, #tpu.memory_space<vmem>>, vector<16xf32>,
      }
      %scan3A_122 = arith.constant 12 : i32
      %add3A_123 = arith.constant 2 : i32
      %add3A_124 = arith.addi %add3A_35, %add3A_123 : i32
      %lt3A = arith.constant 256 : i32
      %lt3A_125 = arith.cmpi slt, %add3A_124, %lt3A : i32
      %convert_element_type3A = arith.extui %lt3A_125 : i1 to i32
      %cond3A = arith.constant 0 : i32
      %cond3A_126 = arith.cmpi ne, %convert_element_type3A, %cond3A : i32
      scf.if %cond3A_126 {
        %add3A_283 = arith.constant 2 : i32
        %add3A_284 = arith.addi %add3A_35, %add3A_283 : i32
        %mul3A_285 = arith.constant 8 : i32
        %mul3A_286 = arith.muli %add3A_284, %mul3A_285 : i32
        %dma_start3A_287 = tpu.memref_slice %arg9[%mul3A_286] : memref<2048xi32, #tpu.memory_space<vmem>> -> memref<8xi32, #tpu.memory_space<vmem>>
        %dma_start3A_288 = arith.constant 0 : i32
        %dma_start3A_289 = arith.constant 0 : i32
        %dma_start3A_290 = tpu.memref_slice %arg3[%dma_start3A_288, %dma_start3A_289] : memref<8192x768xf32, #tpu.memory_space<hbm>> -> memref<8192x768xf32, #tpu.memory_space<hbm>>
        tpu.enqueue_indirect_dma source(%dma_start3A_290 : memref<8192x768xf32, #tpu.memory_space<hbm>>) target(%arg12 : memref<8x768xf32, #tpu.memory_space<vmem>>) offsets(%dma_start3A_287 : memref<8xi32, #tpu.memory_space<vmem>>) semaphore(%arg16 : memref<!tpu.dma_semaphore, #tpu.memory_space<semaphore_mem>>)
      } else {
      }
      %add3A_127 = arith.addi %mul3A_2, %add3A_35 : i32
      %dma_start3A_128 = arith.constant 0 : i32
      %dma_start3A_129 = arith.constant 0 : i32
      %dma_start3A_130 = tpu.memref_slice %arg14[%dma_start3A_128, %dma_start3A_129] : memref<2x768xf32, #tpu.memory_space<vmem>> -> memref<1x768xf32, #tpu.memory_space<vmem>>
      %dma_start3A_131 = tpu.memref_squeeze %dma_start3A_130 : memref<1x768xf32, #tpu.memory_space<vmem>> -> memref<768xf32, #tpu.memory_space<vmem>>
      %dma_start3A_132 = arith.constant 0 : i32
      %dma_start3A_133 = tpu.memref_slice %arg4[%add3A_127, %dma_start3A_132] : memref<8192x768xf32, #tpu.memory_space<hbm>> -> memref<1x768xf32, #tpu.memory_space<hbm>>
      %dma_start3A_134 = tpu.memref_squeeze %dma_start3A_133 : memref<1x768xf32, #tpu.memory_space<hbm>> -> memref<768xf32, #tpu.memory_space<hbm>>
      %dma_start3A_135 = arith.constant 0 : i32
      %dma_start3A_136 = tpu.memref_slice %arg4[%add3A_127, %dma_start3A_135] : memref<8192x768xf32, #tpu.memory_space<hbm>> -> memref<1x768xf32, #tpu.memory_space<hbm>>
      %dma_start3A_137 = tpu.memref_squeeze %dma_start3A_136 : memref<1x768xf32, #tpu.memory_space<hbm>> -> memref<768xf32, #tpu.memory_space<hbm>>
      %dma_start3A_138 = arith.constant 0 : i32
      %dma_start3A_139 = tpu.memref_slice %arg14[%dma_start3A_128, %dma_start3A_138] : memref<2x768xf32, #tpu.memory_space<vmem>> -> memref<1x768xf32, #tpu.memory_space<vmem>>
      %dma_start3A_140 = tpu.memref_squeeze %dma_start3A_139 : memref<1x768xf32, #tpu.memory_space<vmem>> -> memref<768xf32, #tpu.memory_space<vmem>>
      tpu.enqueue_dma source(%dma_start3A_140 : memref<768xf32, #tpu.memory_space<vmem>>) target(%dma_start3A_137 : memref<768xf32, #tpu.memory_space<hbm>>) target_semaphore(%arg18 : memref<!tpu.dma_semaphore, #tpu.memory_space<semaphore_mem>>)
      %mul3A_141 = arith.constant 2 : i32
      %mul3A_142 = arith.muli %scan3A_31, %mul3A_141 : i32
      %add3A_143 = arith.constant 1 : i32
      %add3A_144 = arith.addi %mul3A_142, %add3A_143 : i32
      %mul3A_145 = arith.constant 8 : i32
      %mul3A_146 = arith.muli %add3A_144, %mul3A_145 : i32
      %dma_wait3A_147 = tpu.memref_slice %arg9[%mul3A_146] : memref<2048xi32, #tpu.memory_space<vmem>> -> memref<8xi32, #tpu.memory_space<vmem>>
      %dma_wait3A_148 = arith.constant 0 : i32
      %dma_wait3A_149 = arith.constant 0 : i32
      %dma_wait3A_150 = tpu.memref_slice %arg3[%dma_wait3A_148, %dma_wait3A_149] : memref<8192x768xf32, #tpu.memory_space<hbm>> -> memref<8192x768xf32, #tpu.memory_space<hbm>>
      tpu.wait_indirect_dma semaphore(%arg17 : memref<!tpu.dma_semaphore, #tpu.memory_space<semaphore_mem>>) src(%dma_wait3A_150 : memref<8192x768xf32, #tpu.memory_space<hbm>>) dst(%arg13 : memref<8x768xf32, #tpu.memory_space<vmem>>)
      %broadcast_in_dim3A_151 = arith.constant 0 : i32
      %broadcast_in_dim3A_152 = vector.broadcast %broadcast_in_dim3A_151 : i32 to vector<16xi32>
      %mul3A_153 = arith.constant 8 : i32
      %mul3A_154 = arith.muli %add3A_144, %mul3A_153 : i32
      %add3A_155 = arith.constant 0 : i32
      %add3A_156 = arith.addi %mul3A_154, %add3A_155 : i32
      %add3A_157 = vector.broadcast %add3A_156 : i32 to vector<16xi32>
      %add3A_158 = arith.addi %broadcast_in_dim3A_152, %add3A_157 : vector<16xi32>
      %gather3A_159 = tpu.vector_load_idx %arg10[%add3A_158] : memref<2048xf32, #tpu.memory_space<vmem>>[vector<16xi32>], vector<16xf32>,
      %broadcast_in_dim3A_160 = arith.constant 0 : i32
      %broadcast_in_dim3A_161 = vector.broadcast %broadcast_in_dim3A_160 : i32 to vector<16xi32>
      %mul3A_162 = arith.constant 8 : i32
      %mul3A_163 = arith.muli %add3A_144, %mul3A_162 : i32
      %add3A_164 = arith.constant 1 : i32
      %add3A_165 = arith.addi %mul3A_163, %add3A_164 : i32
      %add3A_166 = vector.broadcast %add3A_165 : i32 to vector<16xi32>
      %add3A_167 = arith.addi %broadcast_in_dim3A_161, %add3A_166 : vector<16xi32>
      %gather3A_168 = tpu.vector_load_idx %arg10[%add3A_167] : memref<2048xf32, #tpu.memory_space<vmem>>[vector<16xi32>], vector<16xf32>,
      %broadcast_in_dim3A_169 = arith.constant 0 : i32
      %broadcast_in_dim3A_170 = vector.broadcast %broadcast_in_dim3A_169 : i32 to vector<16xi32>
      %mul3A_171 = arith.constant 8 : i32
      %mul3A_172 = arith.muli %add3A_144, %mul3A_171 : i32
      %add3A_173 = arith.constant 2 : i32
      %add3A_174 = arith.addi %mul3A_172, %add3A_173 : i32
      %add3A_175 = vector.broadcast %add3A_174 : i32 to vector<16xi32>
      %add3A_176 = arith.addi %broadcast_in_dim3A_170, %add3A_175 : vector<16xi32>
      %gather3A_177 = tpu.vector_load_idx %arg10[%add3A_176] : memref<2048xf32, #tpu.memory_space<vmem>>[vector<16xi32>], vector<16xf32>,
      %broadcast_in_dim3A_178 = arith.constant 0 : i32
      %broadcast_in_dim3A_179 = vector.broadcast %broadcast_in_dim3A_178 : i32 to vector<16xi32>
      %mul3A_180 = arith.constant 8 : i32
      %mul3A_181 = arith.muli %add3A_144, %mul3A_180 : i32
      %add3A_182 = arith.constant 3 : i32
      %add3A_183 = arith.addi %mul3A_181, %add3A_182 : i32
      %add3A_184 = vector.broadcast %add3A_183 : i32 to vector<16xi32>
      %add3A_185 = arith.addi %broadcast_in_dim3A_179, %add3A_184 : vector<16xi32>
      %gather3A_186 = tpu.vector_load_idx %arg10[%add3A_185] : memref<2048xf32, #tpu.memory_space<vmem>>[vector<16xi32>], vector<16xf32>,
      %broadcast_in_dim3A_187 = arith.constant 0 : i32
      %broadcast_in_dim3A_188 = vector.broadcast %broadcast_in_dim3A_187 : i32 to vector<16xi32>
      %mul3A_189 = arith.constant 8 : i32
      %mul3A_190 = arith.muli %add3A_144, %mul3A_189 : i32
      %add3A_191 = arith.constant 4 : i32
      %add3A_192 = arith.addi %mul3A_190, %add3A_191 : i32
      %add3A_193 = vector.broadcast %add3A_192 : i32 to vector<16xi32>
      %add3A_194 = arith.addi %broadcast_in_dim3A_188, %add3A_193 : vector<16xi32>
      %gather3A_195 = tpu.vector_load_idx %arg10[%add3A_194] : memref<2048xf32, #tpu.memory_space<vmem>>[vector<16xi32>], vector<16xf32>,
      %broadcast_in_dim3A_196 = arith.constant 0 : i32
      %broadcast_in_dim3A_197 = vector.broadcast %broadcast_in_dim3A_196 : i32 to vector<16xi32>
      %mul3A_198 = arith.constant 8 : i32
      %mul3A_199 = arith.muli %add3A_144, %mul3A_198 : i32
      %add3A_200 = arith.constant 5 : i32
      %add3A_201 = arith.addi %mul3A_199, %add3A_200 : i32
      %add3A_202 = vector.broadcast %add3A_201 : i32 to vector<16xi32>
      %add3A_203 = arith.addi %broadcast_in_dim3A_197, %add3A_202 : vector<16xi32>
      %gather3A_204 = tpu.vector_load_idx %arg10[%add3A_203] : memref<2048xf32, #tpu.memory_space<vmem>>[vector<16xi32>], vector<16xf32>,
      %broadcast_in_dim3A_205 = arith.constant 0 : i32
      %broadcast_in_dim3A_206 = vector.broadcast %broadcast_in_dim3A_205 : i32 to vector<16xi32>
      %mul3A_207 = arith.constant 8 : i32
      %mul3A_208 = arith.muli %add3A_144, %mul3A_207 : i32
      %add3A_209 = arith.constant 6 : i32
      %add3A_210 = arith.addi %mul3A_208, %add3A_209 : i32
      %add3A_211 = vector.broadcast %add3A_210 : i32 to vector<16xi32>
      %add3A_212 = arith.addi %broadcast_in_dim3A_206, %add3A_211 : vector<16xi32>
      %gather3A_213 = tpu.vector_load_idx %arg10[%add3A_212] : memref<2048xf32, #tpu.memory_space<vmem>>[vector<16xi32>], vector<16xf32>,
      %broadcast_in_dim3A_214 = arith.constant 0 : i32
      %broadcast_in_dim3A_215 = vector.broadcast %broadcast_in_dim3A_214 : i32 to vector<16xi32>
      %mul3A_216 = arith.constant 8 : i32
      %mul3A_217 = arith.muli %add3A_144, %mul3A_216 : i32
      %add3A_218 = arith.constant 7 : i32
      %add3A_219 = arith.addi %mul3A_217, %add3A_218 : i32
      %add3A_220 = vector.broadcast %add3A_219 : i32 to vector<16xi32>
      %add3A_221 = arith.addi %broadcast_in_dim3A_215, %add3A_220 : vector<16xi32>
      %gather3A_222 = tpu.vector_load_idx %arg10[%add3A_221] : memref<2048xf32, #tpu.memory_space<vmem>>[vector<16xi32>], vector<16xf32>,
      %broadcast_in_dim3A_223 = arith.constant 0 : i32
      %broadcast_in_dim3A_224 = vector.broadcast %broadcast_in_dim3A_223 : i32 to vector<16xi32>
      %add3A_225 = vector.broadcast %add3A_144 : i32 to vector<16xi32>
      %add3A_226 = arith.addi %broadcast_in_dim3A_224, %add3A_225 : vector<16xi32>
      %gather3A_227 = tpu.vector_load_idx %arg11[%add3A_226] : memref<256xf32, #tpu.memory_space<vmem>>[vector<16xi32>], vector<16xf32>,
      %scan3A_228 = arith.constant 0 : i32
      %scan3A_229 = arith.constant 0 : i32
      %scan3A_230 = arith.constant 12 : i32
      %scan3A_231 = arith.addi %scan3A_229, %scan3A_230 : i32
      %scan3A_232 = arith.constant 1 : i32
      scf.for %scan3A_283 = %scan3A_229 to %scan3A_231 step %scan3A_232  : i32 {
        %mul3A_284 = arith.constant 4 : i32
        %mul3A_285 = arith.muli %scan3A_283, %mul3A_284 : i32
        %add3A_286 = arith.constant 0 : i32
        %add3A_287 = arith.addi %mul3A_285, %add3A_286 : i32
        %mul3A_288 = arith.constant 16 : i32
        %mul3A_289 = arith.muli %add3A_287, %mul3A_288 : i32
        %get3A = arith.constant 0 : i32
        %get3A_290 = arith.index_cast %get3A : i32 to index
        %get3A_291 = arith.index_cast %mul3A_289 : i32 to index
        %get3A_292 = tpu.vector_load %arg13[%get3A_290, %get3A_291] {strides = array<i32>} : memref<8x768xf32, #tpu.memory_space<vmem>>, vector<16xf32>,
        %mul3A_293 = arith.mulf %get3A_292, %gather3A_159 : vector<16xf32>
        %get3A_294 = arith.constant 1 : i32
        %get3A_295 = arith.index_cast %get3A_294 : i32 to index
        %get3A_296 = arith.index_cast %mul3A_289 : i32 to index
        %get3A_297 = tpu.vector_load %arg13[%get3A_295, %get3A_296] {strides = array<i32>} : memref<8x768xf32, #tpu.memory_space<vmem>>, vector<16xf32>,
        %mul3A_298 = arith.mulf %get3A_297, %gather3A_168 : vector<16xf32>
        %add3A_299 = arith.addf %mul3A_293, %mul3A_298 : vector<16xf32>
        %get3A_300 = arith.constant 2 : i32
        %get3A_301 = arith.index_cast %get3A_300 : i32 to index
        %get3A_302 = arith.index_cast %mul3A_289 : i32 to index
        %get3A_303 = tpu.vector_load %arg13[%get3A_301, %get3A_302] {strides = array<i32>} : memref<8x768xf32, #tpu.memory_space<vmem>>, vector<16xf32>,
        %mul3A_304 = arith.mulf %get3A_303, %gather3A_177 : vector<16xf32>
        %add3A_305 = arith.addf %add3A_299, %mul3A_304 : vector<16xf32>
        %get3A_306 = arith.constant 3 : i32
        %get3A_307 = arith.index_cast %get3A_306 : i32 to index
        %get3A_308 = arith.index_cast %mul3A_289 : i32 to index
        %get3A_309 = tpu.vector_load %arg13[%get3A_307, %get3A_308] {strides = array<i32>} : memref<8x768xf32, #tpu.memory_space<vmem>>, vector<16xf32>,
        %mul3A_310 = arith.mulf %get3A_309, %gather3A_186 : vector<16xf32>
        %add3A_311 = arith.addf %add3A_305, %mul3A_310 : vector<16xf32>
        %get3A_312 = arith.constant 4 : i32
        %get3A_313 = arith.index_cast %get3A_312 : i32 to index
        %get3A_314 = arith.index_cast %mul3A_289 : i32 to index
        %get3A_315 = tpu.vector_load %arg13[%get3A_313, %get3A_314] {strides = array<i32>} : memref<8x768xf32, #tpu.memory_space<vmem>>, vector<16xf32>,
        %mul3A_316 = arith.mulf %get3A_315, %gather3A_195 : vector<16xf32>
        %add3A_317 = arith.addf %add3A_311, %mul3A_316 : vector<16xf32>
        %get3A_318 = arith.constant 5 : i32
        %get3A_319 = arith.index_cast %get3A_318 : i32 to index
        %get3A_320 = arith.index_cast %mul3A_289 : i32 to index
        %get3A_321 = tpu.vector_load %arg13[%get3A_319, %get3A_320] {strides = array<i32>} : memref<8x768xf32, #tpu.memory_space<vmem>>, vector<16xf32>,
        %mul3A_322 = arith.mulf %get3A_321, %gather3A_204 : vector<16xf32>
        %add3A_323 = arith.addf %add3A_317, %mul3A_322 : vector<16xf32>
        %get3A_324 = arith.constant 6 : i32
        %get3A_325 = arith.index_cast %get3A_324 : i32 to index
        %get3A_326 = arith.index_cast %mul3A_289 : i32 to index
        %get3A_327 = tpu.vector_load %arg13[%get3A_325, %get3A_326] {strides = array<i32>} : memref<8x768xf32, #tpu.memory_space<vmem>>, vector<16xf32>,
        %mul3A_328 = arith.mulf %get3A_327, %gather3A_213 : vector<16xf32>
        %add3A_329 = arith.addf %add3A_323, %mul3A_328 : vector<16xf32>
        %get3A_330 = arith.constant 7 : i32
        %get3A_331 = arith.index_cast %get3A_330 : i32 to index
        %get3A_332 = arith.index_cast %mul3A_289 : i32 to index
        %get3A_333 = tpu.vector_load %arg13[%get3A_331, %get3A_332] {strides = array<i32>} : memref<8x768xf32, #tpu.memory_space<vmem>>, vector<16xf32>,
        %mul3A_334 = arith.mulf %get3A_333, %gather3A_222 : vector<16xf32>
        %add3A_335 = arith.addf %add3A_329, %mul3A_334 : vector<16xf32>
        %mul3A_336 = arith.mulf %add3A_335, %gather3A_227 : vector<16xf32>
        %swap3A_337 = arith.constant 1 : i32
        %swap3A_338 = arith.index_cast %swap3A_337 : i32 to index
        %swap3A_339 = arith.index_cast %mul3A_289 : i32 to index
        %swap3A_340 = tpu.vector_load %arg14[%swap3A_338, %swap3A_339] {strides = array<i32>} : memref<2x768xf32, #tpu.memory_space<vmem>>, vector<16xf32>,
        tpu.vector_store %arg14[%swap3A_338, %swap3A_339], %mul3A_336 {strides = array<i32>} : memref<2x768xf32, #tpu.memory_space<vmem>>, vector<16xf32>,
        %mul3A_341 = arith.constant 4 : i32
        %mul3A_342 = arith.muli %scan3A_283, %mul3A_341 : i32
        %add3A_343 = arith.constant 1 : i32
        %add3A_344 = arith.addi %mul3A_342, %add3A_343 : i32
        %mul3A_345 = arith.constant 16 : i32
        %mul3A_346 = arith.muli %add3A_344, %mul3A_345 : i32
        %get3A_347 = arith.constant 0 : i32
        %get3A_348 = arith.index_cast %get3A_347 : i32 to index
        %get3A_349 = arith.index_cast %mul3A_346 : i32 to index
        %get3A_350 = tpu.vector_load %arg13[%get3A_348, %get3A_349] {strides = array<i32>} : memref<8x768xf32, #tpu.memory_space<vmem>>, vector<16xf32>,
        %mul3A_351 = arith.mulf %get3A_350, %gather3A_159 : vector<16xf32>
        %get3A_352 = arith.constant 1 : i32
        %get3A_353 = arith.index_cast %get3A_352 : i32 to index
        %get3A_354 = arith.index_cast %mul3A_346 : i32 to index
        %get3A_355 = tpu.vector_load %arg13[%get3A_353, %get3A_354] {strides = array<i32>} : memref<8x768xf32, #tpu.memory_space<vmem>>, vector<16xf32>,
        %mul3A_356 = arith.mulf %get3A_355, %gather3A_168 : vector<16xf32>
        %add3A_357 = arith.addf %mul3A_351, %mul3A_356 : vector<16xf32>
        %get3A_358 = arith.constant 2 : i32
        %get3A_359 = arith.index_cast %get3A_358 : i32 to index
        %get3A_360 = arith.index_cast %mul3A_346 : i32 to index
        %get3A_361 = tpu.vector_load %arg13[%get3A_359, %get3A_360] {strides = array<i32>} : memref<8x768xf32, #tpu.memory_space<vmem>>, vector<16xf32>,
        %mul3A_362 = arith.mulf %get3A_361, %gather3A_177 : vector<16xf32>
        %add3A_363 = arith.addf %add3A_357, %mul3A_362 : vector<16xf32>
        %get3A_364 = arith.constant 3 : i32
        %get3A_365 = arith.index_cast %get3A_364 : i32 to index
        %get3A_366 = arith.index_cast %mul3A_346 : i32 to index
        %get3A_367 = tpu.vector_load %arg13[%get3A_365, %get3A_366] {strides = array<i32>} : memref<8x768xf32, #tpu.memory_space<vmem>>, vector<16xf32>,
        %mul3A_368 = arith.mulf %get3A_367, %gather3A_186 : vector<16xf32>
        %add3A_369 = arith.addf %add3A_363, %mul3A_368 : vector<16xf32>
        %get3A_370 = arith.constant 4 : i32
        %get3A_371 = arith.index_cast %get3A_370 : i32 to index
        %get3A_372 = arith.index_cast %mul3A_346 : i32 to index
        %get3A_373 = tpu.vector_load %arg13[%get3A_371, %get3A_372] {strides = array<i32>} : memref<8x768xf32, #tpu.memory_space<vmem>>, vector<16xf32>,
        %mul3A_374 = arith.mulf %get3A_373, %gather3A_195 : vector<16xf32>
        %add3A_375 = arith.addf %add3A_369, %mul3A_374 : vector<16xf32>
        %get3A_376 = arith.constant 5 : i32
        %get3A_377 = arith.index_cast %get3A_376 : i32 to index
        %get3A_378 = arith.index_cast %mul3A_346 : i32 to index
        %get3A_379 = tpu.vector_load %arg13[%get3A_377, %get3A_378] {strides = array<i32>} : memref<8x768xf32, #tpu.memory_space<vmem>>, vector<16xf32>,
        %mul3A_380 = arith.mulf %get3A_379, %gather3A_204 : vector<16xf32>
        %add3A_381 = arith.addf %add3A_375, %mul3A_380 : vector<16xf32>
        %get3A_382 = arith.constant 6 : i32
        %get3A_383 = arith.index_cast %get3A_382 : i32 to index
        %get3A_384 = arith.index_cast %mul3A_346 : i32 to index
        %get3A_385 = tpu.vector_load %arg13[%get3A_383, %get3A_384] {strides = array<i32>} : memref<8x768xf32, #tpu.memory_space<vmem>>, vector<16xf32>,
        %mul3A_386 = arith.mulf %get3A_385, %gather3A_213 : vector<16xf32>
        %add3A_387 = arith.addf %add3A_381, %mul3A_386 : vector<16xf32>
        %get3A_388 = arith.constant 7 : i32
        %get3A_389 = arith.index_cast %get3A_388 : i32 to index
        %get3A_390 = arith.index_cast %mul3A_346 : i32 to index
        %get3A_391 = tpu.vector_load %arg13[%get3A_389, %get3A_390] {strides = array<i32>} : memref<8x768xf32, #tpu.memory_space<vmem>>, vector<16xf32>,
        %mul3A_392 = arith.mulf %get3A_391, %gather3A_222 : vector<16xf32>
        %add3A_393 = arith.addf %add3A_387, %mul3A_392 : vector<16xf32>
        %mul3A_394 = arith.mulf %add3A_393, %gather3A_227 : vector<16xf32>
        %swap3A_395 = arith.constant 1 : i32
        %swap3A_396 = arith.index_cast %swap3A_395 : i32 to index
        %swap3A_397 = arith.index_cast %mul3A_346 : i32 to index
        %swap3A_398 = tpu.vector_load %arg14[%swap3A_396, %swap3A_397] {strides = array<i32>} : memref<2x768xf32, #tpu.memory_space<vmem>>, vector<16xf32>,
        tpu.vector_store %arg14[%swap3A_396, %swap3A_397], %mul3A_394 {strides = array<i32>} : memref<2x768xf32, #tpu.memory_space<vmem>>, vector<16xf32>,
        %mul3A_399 = arith.constant 4 : i32
        %mul3A_400 = arith.muli %scan3A_283, %mul3A_399 : i32
        %add3A_401 = arith.constant 2 : i32
        %add3A_402 = arith.addi %mul3A_400, %add3A_401 : i32
        %mul3A_403 = arith.constant 16 : i32
        %mul3A_404 = arith.muli %add3A_402, %mul3A_403 : i32
        %get3A_405 = arith.constant 0 : i32
        %get3A_406 = arith.index_cast %get3A_405 : i32 to index
        %get3A_407 = arith.index_cast %mul3A_404 : i32 to index
        %get3A_408 = tpu.vector_load %arg13[%get3A_406, %get3A_407] {strides = array<i32>} : memref<8x768xf32, #tpu.memory_space<vmem>>, vector<16xf32>,
        %mul3A_409 = arith.mulf %get3A_408, %gather3A_159 : vector<16xf32>
        %get3A_410 = arith.constant 1 : i32
        %get3A_411 = arith.index_cast %get3A_410 : i32 to index
        %get3A_412 = arith.index_cast %mul3A_404 : i32 to index
        %get3A_413 = tpu.vector_load %arg13[%get3A_411, %get3A_412] {strides = array<i32>} : memref<8x768xf32, #tpu.memory_space<vmem>>, vector<16xf32>,
        %mul3A_414 = arith.mulf %get3A_413, %gather3A_168 : vector<16xf32>
        %add3A_415 = arith.addf %mul3A_409, %mul3A_414 : vector<16xf32>
        %get3A_416 = arith.constant 2 : i32
        %get3A_417 = arith.index_cast %get3A_416 : i32 to index
        %get3A_418 = arith.index_cast %mul3A_404 : i32 to index
        %get3A_419 = tpu.vector_load %arg13[%get3A_417, %get3A_418] {strides = array<i32>} : memref<8x768xf32, #tpu.memory_space<vmem>>, vector<16xf32>,
        %mul3A_420 = arith.mulf %get3A_419, %gather3A_177 : vector<16xf32>
        %add3A_421 = arith.addf %add3A_415, %mul3A_420 : vector<16xf32>
        %get3A_422 = arith.constant 3 : i32
        %get3A_423 = arith.index_cast %get3A_422 : i32 to index
        %get3A_424 = arith.index_cast %mul3A_404 : i32 to index
        %get3A_425 = tpu.vector_load %arg13[%get3A_423, %get3A_424] {strides = array<i32>} : memref<8x768xf32, #tpu.memory_space<vmem>>, vector<16xf32>,
        %mul3A_426 = arith.mulf %get3A_425, %gather3A_186 : vector<16xf32>
        %add3A_427 = arith.addf %add3A_421, %mul3A_426 : vector<16xf32>
        %get3A_428 = arith.constant 4 : i32
        %get3A_429 = arith.index_cast %get3A_428 : i32 to index
        %get3A_430 = arith.index_cast %mul3A_404 : i32 to index
        %get3A_431 = tpu.vector_load %arg13[%get3A_429, %get3A_430] {strides = array<i32>} : memref<8x768xf32, #tpu.memory_space<vmem>>, vector<16xf32>,
        %mul3A_432 = arith.mulf %get3A_431, %gather3A_195 : vector<16xf32>
        %add3A_433 = arith.addf %add3A_427, %mul3A_432 : vector<16xf32>
        %get3A_434 = arith.constant 5 : i32
        %get3A_435 = arith.index_cast %get3A_434 : i32 to index
        %get3A_436 = arith.index_cast %mul3A_404 : i32 to index
        %get3A_437 = tpu.vector_load %arg13[%get3A_435, %get3A_436] {strides = array<i32>} : memref<8x768xf32, #tpu.memory_space<vmem>>, vector<16xf32>,
        %mul3A_438 = arith.mulf %get3A_437, %gather3A_204 : vector<16xf32>
        %add3A_439 = arith.addf %add3A_433, %mul3A_438 : vector<16xf32>
        %get3A_440 = arith.constant 6 : i32
        %get3A_441 = arith.index_cast %get3A_440 : i32 to index
        %get3A_442 = arith.index_cast %mul3A_404 : i32 to index
        %get3A_443 = tpu.vector_load %arg13[%get3A_441, %get3A_442] {strides = array<i32>} : memref<8x768xf32, #tpu.memory_space<vmem>>, vector<16xf32>,
        %mul3A_444 = arith.mulf %get3A_443, %gather3A_213 : vector<16xf32>
        %add3A_445 = arith.addf %add3A_439, %mul3A_444 : vector<16xf32>
        %get3A_446 = arith.constant 7 : i32
        %get3A_447 = arith.index_cast %get3A_446 : i32 to index
        %get3A_448 = arith.index_cast %mul3A_404 : i32 to index
        %get3A_449 = tpu.vector_load %arg13[%get3A_447, %get3A_448] {strides = array<i32>} : memref<8x768xf32, #tpu.memory_space<vmem>>, vector<16xf32>,
        %mul3A_450 = arith.mulf %get3A_449, %gather3A_222 : vector<16xf32>
        %add3A_451 = arith.addf %add3A_445, %mul3A_450 : vector<16xf32>
        %mul3A_452 = arith.mulf %add3A_451, %gather3A_227 : vector<16xf32>
        %swap3A_453 = arith.constant 1 : i32
        %swap3A_454 = arith.index_cast %swap3A_453 : i32 to index
        %swap3A_455 = arith.index_cast %mul3A_404 : i32 to index
        %swap3A_456 = tpu.vector_load %arg14[%swap3A_454, %swap3A_455] {strides = array<i32>} : memref<2x768xf32, #tpu.memory_space<vmem>>, vector<16xf32>,
        tpu.vector_store %arg14[%swap3A_454, %swap3A_455], %mul3A_452 {strides = array<i32>} : memref<2x768xf32, #tpu.memory_space<vmem>>, vector<16xf32>,
        %mul3A_457 = arith.constant 4 : i32
        %mul3A_458 = arith.muli %scan3A_283, %mul3A_457 : i32
        %add3A_459 = arith.constant 3 : i32
        %add3A_460 = arith.addi %mul3A_458, %add3A_459 : i32
        %mul3A_461 = arith.constant 16 : i32
        %mul3A_462 = arith.muli %add3A_460, %mul3A_461 : i32
        %get3A_463 = arith.constant 0 : i32
        %get3A_464 = arith.index_cast %get3A_463 : i32 to index
        %get3A_465 = arith.index_cast %mul3A_462 : i32 to index
        %get3A_466 = tpu.vector_load %arg13[%get3A_464, %get3A_465] {strides = array<i32>} : memref<8x768xf32, #tpu.memory_space<vmem>>, vector<16xf32>,
        %mul3A_467 = arith.mulf %get3A_466, %gather3A_159 : vector<16xf32>
        %get3A_468 = arith.constant 1 : i32
        %get3A_469 = arith.index_cast %get3A_468 : i32 to index
        %get3A_470 = arith.index_cast %mul3A_462 : i32 to index
        %get3A_471 = tpu.vector_load %arg13[%get3A_469, %get3A_470] {strides = array<i32>} : memref<8x768xf32, #tpu.memory_space<vmem>>, vector<16xf32>,
        %mul3A_472 = arith.mulf %get3A_471, %gather3A_168 : vector<16xf32>
        %add3A_473 = arith.addf %mul3A_467, %mul3A_472 : vector<16xf32>
        %get3A_474 = arith.constant 2 : i32
        %get3A_475 = arith.index_cast %get3A_474 : i32 to index
        %get3A_476 = arith.index_cast %mul3A_462 : i32 to index
        %get3A_477 = tpu.vector_load %arg13[%get3A_475, %get3A_476] {strides = array<i32>} : memref<8x768xf32, #tpu.memory_space<vmem>>, vector<16xf32>,
        %mul3A_478 = arith.mulf %get3A_477, %gather3A_177 : vector<16xf32>
        %add3A_479 = arith.addf %add3A_473, %mul3A_478 : vector<16xf32>
        %get3A_480 = arith.constant 3 : i32
        %get3A_481 = arith.index_cast %get3A_480 : i32 to index
        %get3A_482 = arith.index_cast %mul3A_462 : i32 to index
        %get3A_483 = tpu.vector_load %arg13[%get3A_481, %get3A_482] {strides = array<i32>} : memref<8x768xf32, #tpu.memory_space<vmem>>, vector<16xf32>,
        %mul3A_484 = arith.mulf %get3A_483, %gather3A_186 : vector<16xf32>
        %add3A_485 = arith.addf %add3A_479, %mul3A_484 : vector<16xf32>
        %get3A_486 = arith.constant 4 : i32
        %get3A_487 = arith.index_cast %get3A_486 : i32 to index
        %get3A_488 = arith.index_cast %mul3A_462 : i32 to index
        %get3A_489 = tpu.vector_load %arg13[%get3A_487, %get3A_488] {strides = array<i32>} : memref<8x768xf32, #tpu.memory_space<vmem>>, vector<16xf32>,
        %mul3A_490 = arith.mulf %get3A_489, %gather3A_195 : vector<16xf32>
        %add3A_491 = arith.addf %add3A_485, %mul3A_490 : vector<16xf32>
        %get3A_492 = arith.constant 5 : i32
        %get3A_493 = arith.index_cast %get3A_492 : i32 to index
        %get3A_494 = arith.index_cast %mul3A_462 : i32 to index
        %get3A_495 = tpu.vector_load %arg13[%get3A_493, %get3A_494] {strides = array<i32>} : memref<8x768xf32, #tpu.memory_space<vmem>>, vector<16xf32>,
        %mul3A_496 = arith.mulf %get3A_495, %gather3A_204 : vector<16xf32>
        %add3A_497 = arith.addf %add3A_491, %mul3A_496 : vector<16xf32>
        %get3A_498 = arith.constant 6 : i32
        %get3A_499 = arith.index_cast %get3A_498 : i32 to index
        %get3A_500 = arith.index_cast %mul3A_462 : i32 to index
        %get3A_501 = tpu.vector_load %arg13[%get3A_499, %get3A_500] {strides = array<i32>} : memref<8x768xf32, #tpu.memory_space<vmem>>, vector<16xf32>,
        %mul3A_502 = arith.mulf %get3A_501, %gather3A_213 : vector<16xf32>
        %add3A_503 = arith.addf %add3A_497, %mul3A_502 : vector<16xf32>
        %get3A_504 = arith.constant 7 : i32
        %get3A_505 = arith.index_cast %get3A_504 : i32 to index
        %get3A_506 = arith.index_cast %mul3A_462 : i32 to index
        %get3A_507 = tpu.vector_load %arg13[%get3A_505, %get3A_506] {strides = array<i32>} : memref<8x768xf32, #tpu.memory_space<vmem>>, vector<16xf32>,
        %mul3A_508 = arith.mulf %get3A_507, %gather3A_222 : vector<16xf32>
        %add3A_509 = arith.addf %add3A_503, %mul3A_508 : vector<16xf32>
        %mul3A_510 = arith.mulf %add3A_509, %gather3A_227 : vector<16xf32>
        %swap3A_511 = arith.constant 1 : i32
        %swap3A_512 = arith.index_cast %swap3A_511 : i32 to index
        %swap3A_513 = arith.index_cast %mul3A_462 : i32 to index
        %swap3A_514 = tpu.vector_load %arg14[%swap3A_512, %swap3A_513] {strides = array<i32>} : memref<2x768xf32, #tpu.memory_space<vmem>>, vector<16xf32>,
        tpu.vector_store %arg14[%swap3A_512, %swap3A_513], %mul3A_510 {strides = array<i32>} : memref<2x768xf32, #tpu.memory_space<vmem>>, vector<16xf32>,
      }
      %scan3A_233 = arith.constant 12 : i32
      %add3A_234 = arith.constant 2 : i32
      %add3A_235 = arith.addi %add3A_144, %add3A_234 : i32
      %lt3A_236 = arith.constant 256 : i32
      %lt3A_237 = arith.cmpi slt, %add3A_235, %lt3A_236 : i32
      %convert_element_type3A_238 = arith.extui %lt3A_237 : i1 to i32
      %cond3A_239 = arith.constant 0 : i32
      %cond3A_240 = arith.cmpi ne, %convert_element_type3A_238, %cond3A_239 : i32
      scf.if %cond3A_240 {
        %add3A_283 = arith.constant 2 : i32
        %add3A_284 = arith.addi %add3A_144, %add3A_283 : i32
        %mul3A_285 = arith.constant 8 : i32
        %mul3A_286 = arith.muli %add3A_284, %mul3A_285 : i32
        %dma_start3A_287 = tpu.memref_slice %arg9[%mul3A_286] : memref<2048xi32, #tpu.memory_space<vmem>> -> memref<8xi32, #tpu.memory_space<vmem>>
        %dma_start3A_288 = arith.constant 0 : i32
        %dma_start3A_289 = arith.constant 0 : i32
        %dma_start3A_290 = tpu.memref_slice %arg3[%dma_start3A_288, %dma_start3A_289] : memref<8192x768xf32, #tpu.memory_space<hbm>> -> memref<8192x768xf32, #tpu.memory_space<hbm>>
        tpu.enqueue_indirect_dma source(%dma_start3A_290 : memref<8192x768xf32, #tpu.memory_space<hbm>>) target(%arg13 : memref<8x768xf32, #tpu.memory_space<vmem>>) offsets(%dma_start3A_287 : memref<8xi32, #tpu.memory_space<vmem>>) semaphore(%arg17 : memref<!tpu.dma_semaphore, #tpu.memory_space<semaphore_mem>>)
      } else {
      }
      %add3A_241 = arith.addi %mul3A_2, %add3A_144 : i32
      %dma_start3A_242 = arith.constant 1 : i32
      %dma_start3A_243 = arith.constant 0 : i32
      %dma_start3A_244 = tpu.memref_slice %arg14[%dma_start3A_242, %dma_start3A_243] : memref<2x768xf32, #tpu.memory_space<vmem>> -> memref<1x768xf32, #tpu.memory_space<vmem>>
      %dma_start3A_245 = tpu.memref_squeeze %dma_start3A_244 : memref<1x768xf32, #tpu.memory_space<vmem>> -> memref<768xf32, #tpu.memory_space<vmem>>
      %dma_start3A_246 = arith.constant 0 : i32
      %dma_start3A_247 = tpu.memref_slice %arg4[%add3A_241, %dma_start3A_246] : memref<8192x768xf32, #tpu.memory_space<hbm>> -> memref<1x768xf32, #tpu.memory_space<hbm>>
      %dma_start3A_248 = tpu.memref_squeeze %dma_start3A_247 : memref<1x768xf32, #tpu.memory_space<hbm>> -> memref<768xf32, #tpu.memory_space<hbm>>
      %dma_start3A_249 = arith.constant 0 : i32
      %dma_start3A_250 = tpu.memref_slice %arg4[%add3A_241, %dma_start3A_249] : memref<8192x768xf32, #tpu.memory_space<hbm>> -> memref<1x768xf32, #tpu.memory_space<hbm>>
      %dma_start3A_251 = tpu.memref_squeeze %dma_start3A_250 : memref<1x768xf32, #tpu.memory_space<hbm>> -> memref<768xf32, #tpu.memory_space<hbm>>
      %dma_start3A_252 = arith.constant 0 : i32
      %dma_start3A_253 = tpu.memref_slice %arg14[%dma_start3A_242, %dma_start3A_252] : memref<2x768xf32, #tpu.memory_space<vmem>> -> memref<1x768xf32, #tpu.memory_space<vmem>>
      %dma_start3A_254 = tpu.memref_squeeze %dma_start3A_253 : memref<1x768xf32, #tpu.memory_space<vmem>> -> memref<768xf32, #tpu.memory_space<vmem>>
      tpu.enqueue_dma source(%dma_start3A_254 : memref<768xf32, #tpu.memory_space<vmem>>) target(%dma_start3A_251 : memref<768xf32, #tpu.memory_space<hbm>>) target_semaphore(%arg18 : memref<!tpu.dma_semaphore, #tpu.memory_space<semaphore_mem>>)
      %dma_wait3A_255 = arith.constant 0 : i32
      %dma_wait3A_256 = arith.constant 0 : i32
      %dma_wait3A_257 = arith.constant 0 : i32
      %dma_wait3A_258 = tpu.memref_slice %arg14[%dma_wait3A_255, %dma_wait3A_257] : memref<2x768xf32, #tpu.memory_space<vmem>> -> memref<1x768xf32, #tpu.memory_space<vmem>>
      %dma_wait3A_259 = tpu.memref_squeeze %dma_wait3A_258 : memref<1x768xf32, #tpu.memory_space<vmem>> -> memref<768xf32, #tpu.memory_space<vmem>>
      %dma_wait3A_260 = arith.constant 0 : i32
      %dma_wait3A_261 = tpu.memref_slice %arg4[%dma_wait3A_256, %dma_wait3A_260] : memref<8192x768xf32, #tpu.memory_space<hbm>> -> memref<1x768xf32, #tpu.memory_space<hbm>>
      %dma_wait3A_262 = tpu.memref_squeeze %dma_wait3A_261 : memref<1x768xf32, #tpu.memory_space<hbm>> -> memref<768xf32, #tpu.memory_space<hbm>>
      %dma_wait3A_263 = arith.constant 0 : i32
      %dma_wait3A_264 = tpu.memref_slice %arg4[%dma_wait3A_256, %dma_wait3A_263] : memref<8192x768xf32, #tpu.memory_space<hbm>> -> memref<1x768xf32, #tpu.memory_space<hbm>>
      %dma_wait3A_265 = tpu.memref_squeeze %dma_wait3A_264 : memref<1x768xf32, #tpu.memory_space<hbm>> -> memref<768xf32, #tpu.memory_space<hbm>>
      %dma_wait3A_266 = arith.constant 0 : i32
      %dma_wait3A_267 = tpu.memref_slice %arg14[%dma_wait3A_255, %dma_wait3A_266] : memref<2x768xf32, #tpu.memory_space<vmem>> -> memref<1x768xf32, #tpu.memory_space<vmem>>
      %dma_wait3A_268 = tpu.memref_squeeze %dma_wait3A_267 : memref<1x768xf32, #tpu.memory_space<vmem>> -> memref<768xf32, #tpu.memory_space<vmem>>
      tpu.wait_dma2 semaphore(%arg18 : memref<!tpu.dma_semaphore, #tpu.memory_space<semaphore_mem>>) src(%dma_wait3A_268 : memref<768xf32, #tpu.memory_space<vmem>>) dst(%dma_wait3A_265 : memref<768xf32, #tpu.memory_space<hbm>>)
      %dma_wait3A_269 = arith.constant 1 : i32
      %dma_wait3A_270 = arith.constant 0 : i32
      %dma_wait3A_271 = arith.constant 0 : i32
      %dma_wait3A_272 = tpu.memref_slice %arg14[%dma_wait3A_269, %dma_wait3A_271] : memref<2x768xf32, #tpu.memory_space<vmem>> -> memref<1x768xf32, #tpu.memory_space<vmem>>
      %dma_wait3A_273 = tpu.memref_squeeze %dma_wait3A_272 : memref<1x768xf32, #tpu.memory_space<vmem>> -> memref<768xf32, #tpu.memory_space<vmem>>
      %dma_wait3A_274 = arith.constant 0 : i32
      %dma_wait3A_275 = tpu.memref_slice %arg4[%dma_wait3A_270, %dma_wait3A_274] : memref<8192x768xf32, #tpu.memory_space<hbm>> -> memref<1x768xf32, #tpu.memory_space<hbm>>
      %dma_wait3A_276 = tpu.memref_squeeze %dma_wait3A_275 : memref<1x768xf32, #tpu.memory_space<hbm>> -> memref<768xf32, #tpu.memory_space<hbm>>
      %dma_wait3A_277 = arith.constant 0 : i32
      %dma_wait3A_278 = tpu.memref_slice %arg4[%dma_wait3A_270, %dma_wait3A_277] : memref<8192x768xf32, #tpu.memory_space<hbm>> -> memref<1x768xf32, #tpu.memory_space<hbm>>
      %dma_wait3A_279 = tpu.memref_squeeze %dma_wait3A_278 : memref<1x768xf32, #tpu.memory_space<hbm>> -> memref<768xf32, #tpu.memory_space<hbm>>
      %dma_wait3A_280 = arith.constant 0 : i32
      %dma_wait3A_281 = tpu.memref_slice %arg14[%dma_wait3A_269, %dma_wait3A_280] : memref<2x768xf32, #tpu.memory_space<vmem>> -> memref<1x768xf32, #tpu.memory_space<vmem>>
      %dma_wait3A_282 = tpu.memref_squeeze %dma_wait3A_281 : memref<1x768xf32, #tpu.memory_space<vmem>> -> memref<768xf32, #tpu.memory_space<vmem>>
      tpu.wait_dma2 semaphore(%arg18 : memref<!tpu.dma_semaphore, #tpu.memory_space<semaphore_mem>>) src(%dma_wait3A_282 : memref<768xf32, #tpu.memory_space<vmem>>) dst(%dma_wait3A_279 : memref<768xf32, #tpu.memory_space<hbm>>)
    }
    %scan3A_30 = arith.constant 128 : i32
    return
  }
}

module attributes {stable_mosaic.version = 14 : i64} {
  func.func @_topk_body(%arg0: i32, %arg1: i32, %arg2: memref<256x2048xf32, #tpu.memory_space<vmem>>, %arg3: memref<256x8xi32, #tpu.memory_space<vmem>>) attributes {dimension_semantics = [#tpu.dimension_semantics<arbitrary>, #tpu.dimension_semantics<arbitrary>], iteration_bounds = array<i64: 4, 8>, scalar_prefetch = 0 : i64, scratch_operands = 0 : i64, tpu.core_type = #tpu.core_type<tc>, window_params = [{transform_indices = @transform_0, window_bounds = array<i64: 256, 2048>}, {transform_indices = @transform_1, window_bounds = array<i64: 256, 8>}]} {
    %get3A = arith.constant 0 : index
    %get3A_0 = arith.constant 0 : index
    %get3A_1 = vector.load %arg2[%get3A, %get3A_0] : memref<256x2048xf32, #tpu.memory_space<vmem>>, vector<256x2048xf32>
    %mul3A = arith.constant 256 : i32
    %mul3A_2 = arith.muli %arg1, %mul3A : i32
    %iota3A = tpu.iota {dimensions = array<i32: 0>} : vector<256x1xi32>
    %add3A = vector.broadcast %mul3A_2 : i32 to vector<256x1xi32>
    %add3A_3 = arith.addi %add3A, %iota3A : vector<256x1xi32>
    %iota3A_4 = tpu.iota {dimensions = array<i32: 1>} : vector<256x2048xi32>
    %eq3A = vector.broadcast %add3A_3 : vector<256x1xi32> to vector<256x2048xi32>
    %eq3A_5 = arith.cmpi eq, %iota3A_4, %eq3A : vector<256x2048xi32>
    %jit3A = arith.constant 0xFF800000 : f32
    %broadcast_in_dim3A = vector.broadcast %jit3A : f32 to vector<256x2048xf32>
    %select_n3A = arith.select %eq3A_5, %broadcast_in_dim3A, %get3A_1 : vector<256x2048xi1>, vector<256x2048xf32>
    %iota3A_6 = tpu.iota {dimensions = array<i32: 1>} : vector<256x8xi32>
    %broadcast_in_dim3A_7 = arith.constant 0 : i32
    %broadcast_in_dim3A_8 = vector.broadcast %broadcast_in_dim3A_7 : i32 to vector<256x8xi32>
    %reduce_max3A = arith.constant dense<0xFF800000> : vector<256xf32>
    %reduce_max3A_9 = vector.multi_reduction <maximumf>, %select_n3A, %reduce_max3A [1] : vector<256x2048xf32> to vector<256xf32>
    %broadcast_in_dim3A_10 = vector.shape_cast %reduce_max3A_9 : vector<256xf32> to vector<256x1xf32>
    %eq3A_11 = vector.broadcast %broadcast_in_dim3A_10 : vector<256x1xf32> to vector<256x2048xf32>
    %eq3A_12 = arith.cmpf oeq, %select_n3A, %eq3A_11 : vector<256x2048xf32>
    %jit3A_13 = arith.constant 2048 : i32
    %broadcast_in_dim3A_14 = vector.broadcast %jit3A_13 : i32 to vector<256x2048xi32>
    %select_n3A_15 = arith.select %eq3A_12, %iota3A_4, %broadcast_in_dim3A_14 : vector<256x2048xi1>, vector<256x2048xi32>
    %reduce_min3A = arith.constant dense<2147483647> : vector<256xi32>
    %reduce_min3A_16 = vector.multi_reduction <minsi>, %select_n3A_15, %reduce_min3A [1] : vector<256x2048xi32> to vector<256xi32>
    %broadcast_in_dim3A_17 = vector.shape_cast %reduce_min3A_16 : vector<256xi32> to vector<256x1xi32>
    %eq3A_18 = vector.broadcast %broadcast_in_dim3A_17 : vector<256x1xi32> to vector<256x2048xi32>
    %eq3A_19 = arith.cmpi eq, %iota3A_4, %eq3A_18 : vector<256x2048xi32>
    %jit3A_20 = arith.constant 0xFF800000 : f32
    %broadcast_in_dim3A_21 = vector.broadcast %jit3A_20 : f32 to vector<256x2048xf32>
    %select_n3A_22 = arith.select %eq3A_19, %broadcast_in_dim3A_21, %select_n3A : vector<256x2048xi1>, vector<256x2048xf32>
    %eq3A_23 = arith.constant 0 : i32
    %eq3A_24 = vector.broadcast %eq3A_23 : i32 to vector<256x8xi32>
    %eq3A_25 = arith.cmpi eq, %iota3A_6, %eq3A_24 : vector<256x8xi32>
    %mul3A_26 = arith.constant 2048 : i32
    %mul3A_27 = arith.muli %arg0, %mul3A_26 : i32
    %add3A_28 = vector.broadcast %mul3A_27 : i32 to vector<256x1xi32>
    %add3A_29 = arith.addi %broadcast_in_dim3A_17, %add3A_28 : vector<256x1xi32>
    %broadcast_in_dim3A_30 = vector.shape_cast %add3A_29 : vector<256x1xi32> to vector<256x1xi32>
    %broadcast_in_dim3A_31 = vector.broadcast %broadcast_in_dim3A_30 : vector<256x1xi32> to vector<256x8xi32>
    %select_n3A_32 = arith.select %eq3A_25, %broadcast_in_dim3A_31, %broadcast_in_dim3A_8 : vector<256x8xi1>, vector<256x8xi32>
    %reduce_max3A_33 = arith.constant dense<0xFF800000> : vector<256xf32>
    %reduce_max3A_34 = vector.multi_reduction <maximumf>, %select_n3A_22, %reduce_max3A_33 [1] : vector<256x2048xf32> to vector<256xf32>
    %broadcast_in_dim3A_35 = vector.shape_cast %reduce_max3A_34 : vector<256xf32> to vector<256x1xf32>
    %eq3A_36 = vector.broadcast %broadcast_in_dim3A_35 : vector<256x1xf32> to vector<256x2048xf32>
    %eq3A_37 = arith.cmpf oeq, %select_n3A_22, %eq3A_36 : vector<256x2048xf32>
    %jit3A_38 = arith.constant 2048 : i32
    %broadcast_in_dim3A_39 = vector.broadcast %jit3A_38 : i32 to vector<256x2048xi32>
    %select_n3A_40 = arith.select %eq3A_37, %iota3A_4, %broadcast_in_dim3A_39 : vector<256x2048xi1>, vector<256x2048xi32>
    %reduce_min3A_41 = arith.constant dense<2147483647> : vector<256xi32>
    %reduce_min3A_42 = vector.multi_reduction <minsi>, %select_n3A_40, %reduce_min3A_41 [1] : vector<256x2048xi32> to vector<256xi32>
    %broadcast_in_dim3A_43 = vector.shape_cast %reduce_min3A_42 : vector<256xi32> to vector<256x1xi32>
    %eq3A_44 = vector.broadcast %broadcast_in_dim3A_43 : vector<256x1xi32> to vector<256x2048xi32>
    %eq3A_45 = arith.cmpi eq, %iota3A_4, %eq3A_44 : vector<256x2048xi32>
    %jit3A_46 = arith.constant 0xFF800000 : f32
    %broadcast_in_dim3A_47 = vector.broadcast %jit3A_46 : f32 to vector<256x2048xf32>
    %select_n3A_48 = arith.select %eq3A_45, %broadcast_in_dim3A_47, %select_n3A_22 : vector<256x2048xi1>, vector<256x2048xf32>
    %eq3A_49 = arith.constant 1 : i32
    %eq3A_50 = vector.broadcast %eq3A_49 : i32 to vector<256x8xi32>
    %eq3A_51 = arith.cmpi eq, %iota3A_6, %eq3A_50 : vector<256x8xi32>
    %mul3A_52 = arith.constant 2048 : i32
    %mul3A_53 = arith.muli %arg0, %mul3A_52 : i32
    %add3A_54 = vector.broadcast %mul3A_53 : i32 to vector<256x1xi32>
    %add3A_55 = arith.addi %broadcast_in_dim3A_43, %add3A_54 : vector<256x1xi32>
    %broadcast_in_dim3A_56 = vector.shape_cast %add3A_55 : vector<256x1xi32> to vector<256x1xi32>
    %broadcast_in_dim3A_57 = vector.broadcast %broadcast_in_dim3A_56 : vector<256x1xi32> to vector<256x8xi32>
    %select_n3A_58 = arith.select %eq3A_51, %broadcast_in_dim3A_57, %select_n3A_32 : vector<256x8xi1>, vector<256x8xi32>
    %reduce_max3A_59 = arith.constant dense<0xFF800000> : vector<256xf32>
    %reduce_max3A_60 = vector.multi_reduction <maximumf>, %select_n3A_48, %reduce_max3A_59 [1] : vector<256x2048xf32> to vector<256xf32>
    %broadcast_in_dim3A_61 = vector.shape_cast %reduce_max3A_60 : vector<256xf32> to vector<256x1xf32>
    %eq3A_62 = vector.broadcast %broadcast_in_dim3A_61 : vector<256x1xf32> to vector<256x2048xf32>
    %eq3A_63 = arith.cmpf oeq, %select_n3A_48, %eq3A_62 : vector<256x2048xf32>
    %jit3A_64 = arith.constant 2048 : i32
    %broadcast_in_dim3A_65 = vector.broadcast %jit3A_64 : i32 to vector<256x2048xi32>
    %select_n3A_66 = arith.select %eq3A_63, %iota3A_4, %broadcast_in_dim3A_65 : vector<256x2048xi1>, vector<256x2048xi32>
    %reduce_min3A_67 = arith.constant dense<2147483647> : vector<256xi32>
    %reduce_min3A_68 = vector.multi_reduction <minsi>, %select_n3A_66, %reduce_min3A_67 [1] : vector<256x2048xi32> to vector<256xi32>
    %broadcast_in_dim3A_69 = vector.shape_cast %reduce_min3A_68 : vector<256xi32> to vector<256x1xi32>
    %eq3A_70 = vector.broadcast %broadcast_in_dim3A_69 : vector<256x1xi32> to vector<256x2048xi32>
    %eq3A_71 = arith.cmpi eq, %iota3A_4, %eq3A_70 : vector<256x2048xi32>
    %jit3A_72 = arith.constant 0xFF800000 : f32
    %broadcast_in_dim3A_73 = vector.broadcast %jit3A_72 : f32 to vector<256x2048xf32>
    %select_n3A_74 = arith.select %eq3A_71, %broadcast_in_dim3A_73, %select_n3A_48 : vector<256x2048xi1>, vector<256x2048xf32>
    %eq3A_75 = arith.constant 2 : i32
    %eq3A_76 = vector.broadcast %eq3A_75 : i32 to vector<256x8xi32>
    %eq3A_77 = arith.cmpi eq, %iota3A_6, %eq3A_76 : vector<256x8xi32>
    %mul3A_78 = arith.constant 2048 : i32
    %mul3A_79 = arith.muli %arg0, %mul3A_78 : i32
    %add3A_80 = vector.broadcast %mul3A_79 : i32 to vector<256x1xi32>
    %add3A_81 = arith.addi %broadcast_in_dim3A_69, %add3A_80 : vector<256x1xi32>
    %broadcast_in_dim3A_82 = vector.shape_cast %add3A_81 : vector<256x1xi32> to vector<256x1xi32>
    %broadcast_in_dim3A_83 = vector.broadcast %broadcast_in_dim3A_82 : vector<256x1xi32> to vector<256x8xi32>
    %select_n3A_84 = arith.select %eq3A_77, %broadcast_in_dim3A_83, %select_n3A_58 : vector<256x8xi1>, vector<256x8xi32>
    %reduce_max3A_85 = arith.constant dense<0xFF800000> : vector<256xf32>
    %reduce_max3A_86 = vector.multi_reduction <maximumf>, %select_n3A_74, %reduce_max3A_85 [1] : vector<256x2048xf32> to vector<256xf32>
    %broadcast_in_dim3A_87 = vector.shape_cast %reduce_max3A_86 : vector<256xf32> to vector<256x1xf32>
    %eq3A_88 = vector.broadcast %broadcast_in_dim3A_87 : vector<256x1xf32> to vector<256x2048xf32>
    %eq3A_89 = arith.cmpf oeq, %select_n3A_74, %eq3A_88 : vector<256x2048xf32>
    %jit3A_90 = arith.constant 2048 : i32
    %broadcast_in_dim3A_91 = vector.broadcast %jit3A_90 : i32 to vector<256x2048xi32>
    %select_n3A_92 = arith.select %eq3A_89, %iota3A_4, %broadcast_in_dim3A_91 : vector<256x2048xi1>, vector<256x2048xi32>
    %reduce_min3A_93 = arith.constant dense<2147483647> : vector<256xi32>
    %reduce_min3A_94 = vector.multi_reduction <minsi>, %select_n3A_92, %reduce_min3A_93 [1] : vector<256x2048xi32> to vector<256xi32>
    %broadcast_in_dim3A_95 = vector.shape_cast %reduce_min3A_94 : vector<256xi32> to vector<256x1xi32>
    %eq3A_96 = vector.broadcast %broadcast_in_dim3A_95 : vector<256x1xi32> to vector<256x2048xi32>
    %eq3A_97 = arith.cmpi eq, %iota3A_4, %eq3A_96 : vector<256x2048xi32>
    %jit3A_98 = arith.constant 0xFF800000 : f32
    %broadcast_in_dim3A_99 = vector.broadcast %jit3A_98 : f32 to vector<256x2048xf32>
    %select_n3A_100 = arith.select %eq3A_97, %broadcast_in_dim3A_99, %select_n3A_74 : vector<256x2048xi1>, vector<256x2048xf32>
    %eq3A_101 = arith.constant 3 : i32
    %eq3A_102 = vector.broadcast %eq3A_101 : i32 to vector<256x8xi32>
    %eq3A_103 = arith.cmpi eq, %iota3A_6, %eq3A_102 : vector<256x8xi32>
    %mul3A_104 = arith.constant 2048 : i32
    %mul3A_105 = arith.muli %arg0, %mul3A_104 : i32
    %add3A_106 = vector.broadcast %mul3A_105 : i32 to vector<256x1xi32>
    %add3A_107 = arith.addi %broadcast_in_dim3A_95, %add3A_106 : vector<256x1xi32>
    %broadcast_in_dim3A_108 = vector.shape_cast %add3A_107 : vector<256x1xi32> to vector<256x1xi32>
    %broadcast_in_dim3A_109 = vector.broadcast %broadcast_in_dim3A_108 : vector<256x1xi32> to vector<256x8xi32>
    %select_n3A_110 = arith.select %eq3A_103, %broadcast_in_dim3A_109, %select_n3A_84 : vector<256x8xi1>, vector<256x8xi32>
    %reduce_max3A_111 = arith.constant dense<0xFF800000> : vector<256xf32>
    %reduce_max3A_112 = vector.multi_reduction <maximumf>, %select_n3A_100, %reduce_max3A_111 [1] : vector<256x2048xf32> to vector<256xf32>
    %broadcast_in_dim3A_113 = vector.shape_cast %reduce_max3A_112 : vector<256xf32> to vector<256x1xf32>
    %eq3A_114 = vector.broadcast %broadcast_in_dim3A_113 : vector<256x1xf32> to vector<256x2048xf32>
    %eq3A_115 = arith.cmpf oeq, %select_n3A_100, %eq3A_114 : vector<256x2048xf32>
    %jit3A_116 = arith.constant 2048 : i32
    %broadcast_in_dim3A_117 = vector.broadcast %jit3A_116 : i32 to vector<256x2048xi32>
    %select_n3A_118 = arith.select %eq3A_115, %iota3A_4, %broadcast_in_dim3A_117 : vector<256x2048xi1>, vector<256x2048xi32>
    %reduce_min3A_119 = arith.constant dense<2147483647> : vector<256xi32>
    %reduce_min3A_120 = vector.multi_reduction <minsi>, %select_n3A_118, %reduce_min3A_119 [1] : vector<256x2048xi32> to vector<256xi32>
    %broadcast_in_dim3A_121 = vector.shape_cast %reduce_min3A_120 : vector<256xi32> to vector<256x1xi32>
    %eq3A_122 = vector.broadcast %broadcast_in_dim3A_121 : vector<256x1xi32> to vector<256x2048xi32>
    %eq3A_123 = arith.cmpi eq, %iota3A_4, %eq3A_122 : vector<256x2048xi32>
    %jit3A_124 = arith.constant 0xFF800000 : f32
    %broadcast_in_dim3A_125 = vector.broadcast %jit3A_124 : f32 to vector<256x2048xf32>
    %select_n3A_126 = arith.select %eq3A_123, %broadcast_in_dim3A_125, %select_n3A_100 : vector<256x2048xi1>, vector<256x2048xf32>
    %eq3A_127 = arith.constant 4 : i32
    %eq3A_128 = vector.broadcast %eq3A_127 : i32 to vector<256x8xi32>
    %eq3A_129 = arith.cmpi eq, %iota3A_6, %eq3A_128 : vector<256x8xi32>
    %mul3A_130 = arith.constant 2048 : i32
    %mul3A_131 = arith.muli %arg0, %mul3A_130 : i32
    %add3A_132 = vector.broadcast %mul3A_131 : i32 to vector<256x1xi32>
    %add3A_133 = arith.addi %broadcast_in_dim3A_121, %add3A_132 : vector<256x1xi32>
    %broadcast_in_dim3A_134 = vector.shape_cast %add3A_133 : vector<256x1xi32> to vector<256x1xi32>
    %broadcast_in_dim3A_135 = vector.broadcast %broadcast_in_dim3A_134 : vector<256x1xi32> to vector<256x8xi32>
    %select_n3A_136 = arith.select %eq3A_129, %broadcast_in_dim3A_135, %select_n3A_110 : vector<256x8xi1>, vector<256x8xi32>
    %reduce_max3A_137 = arith.constant dense<0xFF800000> : vector<256xf32>
    %reduce_max3A_138 = vector.multi_reduction <maximumf>, %select_n3A_126, %reduce_max3A_137 [1] : vector<256x2048xf32> to vector<256xf32>
    %broadcast_in_dim3A_139 = vector.shape_cast %reduce_max3A_138 : vector<256xf32> to vector<256x1xf32>
    %eq3A_140 = vector.broadcast %broadcast_in_dim3A_139 : vector<256x1xf32> to vector<256x2048xf32>
    %eq3A_141 = arith.cmpf oeq, %select_n3A_126, %eq3A_140 : vector<256x2048xf32>
    %jit3A_142 = arith.constant 2048 : i32
    %broadcast_in_dim3A_143 = vector.broadcast %jit3A_142 : i32 to vector<256x2048xi32>
    %select_n3A_144 = arith.select %eq3A_141, %iota3A_4, %broadcast_in_dim3A_143 : vector<256x2048xi1>, vector<256x2048xi32>
    %reduce_min3A_145 = arith.constant dense<2147483647> : vector<256xi32>
    %reduce_min3A_146 = vector.multi_reduction <minsi>, %select_n3A_144, %reduce_min3A_145 [1] : vector<256x2048xi32> to vector<256xi32>
    %broadcast_in_dim3A_147 = vector.shape_cast %reduce_min3A_146 : vector<256xi32> to vector<256x1xi32>
    %eq3A_148 = vector.broadcast %broadcast_in_dim3A_147 : vector<256x1xi32> to vector<256x2048xi32>
    %eq3A_149 = arith.cmpi eq, %iota3A_4, %eq3A_148 : vector<256x2048xi32>
    %jit3A_150 = arith.constant 0xFF800000 : f32
    %broadcast_in_dim3A_151 = vector.broadcast %jit3A_150 : f32 to vector<256x2048xf32>
    %select_n3A_152 = arith.select %eq3A_149, %broadcast_in_dim3A_151, %select_n3A_126 : vector<256x2048xi1>, vector<256x2048xf32>
    %eq3A_153 = arith.constant 5 : i32
    %eq3A_154 = vector.broadcast %eq3A_153 : i32 to vector<256x8xi32>
    %eq3A_155 = arith.cmpi eq, %iota3A_6, %eq3A_154 : vector<256x8xi32>
    %mul3A_156 = arith.constant 2048 : i32
    %mul3A_157 = arith.muli %arg0, %mul3A_156 : i32
    %add3A_158 = vector.broadcast %mul3A_157 : i32 to vector<256x1xi32>
    %add3A_159 = arith.addi %broadcast_in_dim3A_147, %add3A_158 : vector<256x1xi32>
    %broadcast_in_dim3A_160 = vector.shape_cast %add3A_159 : vector<256x1xi32> to vector<256x1xi32>
    %broadcast_in_dim3A_161 = vector.broadcast %broadcast_in_dim3A_160 : vector<256x1xi32> to vector<256x8xi32>
    %select_n3A_162 = arith.select %eq3A_155, %broadcast_in_dim3A_161, %select_n3A_136 : vector<256x8xi1>, vector<256x8xi32>
    %reduce_max3A_163 = arith.constant dense<0xFF800000> : vector<256xf32>
    %reduce_max3A_164 = vector.multi_reduction <maximumf>, %select_n3A_152, %reduce_max3A_163 [1] : vector<256x2048xf32> to vector<256xf32>
    %broadcast_in_dim3A_165 = vector.shape_cast %reduce_max3A_164 : vector<256xf32> to vector<256x1xf32>
    %eq3A_166 = vector.broadcast %broadcast_in_dim3A_165 : vector<256x1xf32> to vector<256x2048xf32>
    %eq3A_167 = arith.cmpf oeq, %select_n3A_152, %eq3A_166 : vector<256x2048xf32>
    %jit3A_168 = arith.constant 2048 : i32
    %broadcast_in_dim3A_169 = vector.broadcast %jit3A_168 : i32 to vector<256x2048xi32>
    %select_n3A_170 = arith.select %eq3A_167, %iota3A_4, %broadcast_in_dim3A_169 : vector<256x2048xi1>, vector<256x2048xi32>
    %reduce_min3A_171 = arith.constant dense<2147483647> : vector<256xi32>
    %reduce_min3A_172 = vector.multi_reduction <minsi>, %select_n3A_170, %reduce_min3A_171 [1] : vector<256x2048xi32> to vector<256xi32>
    %broadcast_in_dim3A_173 = vector.shape_cast %reduce_min3A_172 : vector<256xi32> to vector<256x1xi32>
    %eq3A_174 = vector.broadcast %broadcast_in_dim3A_173 : vector<256x1xi32> to vector<256x2048xi32>
    %eq3A_175 = arith.cmpi eq, %iota3A_4, %eq3A_174 : vector<256x2048xi32>
    %jit3A_176 = arith.constant 0xFF800000 : f32
    %broadcast_in_dim3A_177 = vector.broadcast %jit3A_176 : f32 to vector<256x2048xf32>
    %select_n3A_178 = arith.select %eq3A_175, %broadcast_in_dim3A_177, %select_n3A_152 : vector<256x2048xi1>, vector<256x2048xf32>
    %eq3A_179 = arith.constant 6 : i32
    %eq3A_180 = vector.broadcast %eq3A_179 : i32 to vector<256x8xi32>
    %eq3A_181 = arith.cmpi eq, %iota3A_6, %eq3A_180 : vector<256x8xi32>
    %mul3A_182 = arith.constant 2048 : i32
    %mul3A_183 = arith.muli %arg0, %mul3A_182 : i32
    %add3A_184 = vector.broadcast %mul3A_183 : i32 to vector<256x1xi32>
    %add3A_185 = arith.addi %broadcast_in_dim3A_173, %add3A_184 : vector<256x1xi32>
    %broadcast_in_dim3A_186 = vector.shape_cast %add3A_185 : vector<256x1xi32> to vector<256x1xi32>
    %broadcast_in_dim3A_187 = vector.broadcast %broadcast_in_dim3A_186 : vector<256x1xi32> to vector<256x8xi32>
    %select_n3A_188 = arith.select %eq3A_181, %broadcast_in_dim3A_187, %select_n3A_162 : vector<256x8xi1>, vector<256x8xi32>
    %reduce_max3A_189 = arith.constant dense<0xFF800000> : vector<256xf32>
    %reduce_max3A_190 = vector.multi_reduction <maximumf>, %select_n3A_178, %reduce_max3A_189 [1] : vector<256x2048xf32> to vector<256xf32>
    %broadcast_in_dim3A_191 = vector.shape_cast %reduce_max3A_190 : vector<256xf32> to vector<256x1xf32>
    %eq3A_192 = vector.broadcast %broadcast_in_dim3A_191 : vector<256x1xf32> to vector<256x2048xf32>
    %eq3A_193 = arith.cmpf oeq, %select_n3A_178, %eq3A_192 : vector<256x2048xf32>
    %jit3A_194 = arith.constant 2048 : i32
    %broadcast_in_dim3A_195 = vector.broadcast %jit3A_194 : i32 to vector<256x2048xi32>
    %select_n3A_196 = arith.select %eq3A_193, %iota3A_4, %broadcast_in_dim3A_195 : vector<256x2048xi1>, vector<256x2048xi32>
    %reduce_min3A_197 = arith.constant dense<2147483647> : vector<256xi32>
    %reduce_min3A_198 = vector.multi_reduction <minsi>, %select_n3A_196, %reduce_min3A_197 [1] : vector<256x2048xi32> to vector<256xi32>
    %broadcast_in_dim3A_199 = vector.shape_cast %reduce_min3A_198 : vector<256xi32> to vector<256x1xi32>
    %eq3A_200 = arith.constant 7 : i32
    %eq3A_201 = vector.broadcast %eq3A_200 : i32 to vector<256x8xi32>
    %eq3A_202 = arith.cmpi eq, %iota3A_6, %eq3A_201 : vector<256x8xi32>
    %mul3A_203 = arith.constant 2048 : i32
    %mul3A_204 = arith.muli %arg0, %mul3A_203 : i32
    %add3A_205 = vector.broadcast %mul3A_204 : i32 to vector<256x1xi32>
    %add3A_206 = arith.addi %broadcast_in_dim3A_199, %add3A_205 : vector<256x1xi32>
    %broadcast_in_dim3A_207 = vector.shape_cast %add3A_206 : vector<256x1xi32> to vector<256x1xi32>
    %broadcast_in_dim3A_208 = vector.broadcast %broadcast_in_dim3A_207 : vector<256x1xi32> to vector<256x8xi32>
    %select_n3A_209 = arith.select %eq3A_202, %broadcast_in_dim3A_208, %select_n3A_188 : vector<256x8xi1>, vector<256x8xi32>
    %swap3A = arith.constant 0 : index
    %swap3A_210 = arith.constant 0 : index
    %swap3A_211 = vector.load %arg3[%swap3A, %swap3A_210] : memref<256x8xi32, #tpu.memory_space<vmem>>, vector<256x8xi32>
    tpu.vector_store %arg3[%swap3A, %swap3A_210], %select_n3A_209 {strides = array<i32>} : memref<256x8xi32, #tpu.memory_space<vmem>>, vector<256x8xi32>,
    return
  }
  func.func @transform_0(%arg0: i32, %arg1: i32) -> (i32, i32) {
    %mul3A = arith.constant 8 : i32
    %mul3A_0 = arith.muli %arg0, %mul3A : i32
    %add3A = arith.addi %mul3A_0, %arg1 : i32
    %c0_i32 = arith.constant 0 : i32
    %c0_i32_1 = arith.constant 0 : i32
    return %add3A, %c0_i32 : i32, i32
  }
  func.func @transform_1(%arg0: i32, %arg1: i32) -> (i32, i32) {
    %mul3A = arith.constant 8 : i32
    %mul3A_0 = arith.muli %arg0, %mul3A : i32
    %add3A = arith.addi %mul3A_0, %arg1 : i32
    %c0_i32 = arith.constant 0 : i32
    %c0_i32_1 = arith.constant 0 : i32
    return %add3A, %c0_i32 : i32, i32
  }
}

module attributes {stable_mosaic.version = 14 : i64} {
  func.func @_mlp_body(%arg0: i32, %arg1: i32, %arg2: memref<256x768xf32, #tpu.memory_space<vmem>>, %arg3: memref<256x768xf32, #tpu.memory_space<vmem>>, %arg4: memref<768x128xf32, #tpu.memory_space<vmem>>, %arg5: memref<768x128xf32, #tpu.memory_space<vmem>>, %arg6: memref<1x128xf32, #tpu.memory_space<vmem>>, %arg7: memref<128x1024xf32, #tpu.memory_space<vmem>>, %arg8: memref<1x1024xf32, #tpu.memory_space<vmem>>, %arg9: memref<256x1024xf32, #tpu.memory_space<vmem>>, %arg10: memref<1x1024x768xf32, #tpu.memory_space<vmem>>, %arg11: memref<1x1x128xf32, #tpu.memory_space<vmem>>, %arg12: memref<1x1x128xf32, #tpu.memory_space<vmem>>, %arg13: memref<1024x1024xf32, #tpu.memory_space<vmem>>, %arg14: memref<1xf32, #tpu.memory_space<smem>>) attributes {dimension_semantics = [#tpu.dimension_semantics<arbitrary>, #tpu.dimension_semantics<arbitrary>], iteration_bounds = array<i64: 4, 8>, scalar_prefetch = 0 : i64, scratch_operands = 2 : i64, tpu.core_type = #tpu.core_type<tc>, window_params = [{transform_indices = @transform_0, window_bounds = array<i64: 256, 768>}, {transform_indices = @transform_1, window_bounds = array<i64: 256, 768>}, {pipeline_mode = #tpu.pipeline_mode<synchronous>, transform_indices = @transform_2, window_bounds = array<i64: 768, 128>}, {pipeline_mode = #tpu.pipeline_mode<synchronous>, transform_indices = @transform_3, window_bounds = array<i64: 768, 128>}, {pipeline_mode = #tpu.pipeline_mode<synchronous>, transform_indices = @transform_4, window_bounds = array<i64: 1, 128>}, {pipeline_mode = #tpu.pipeline_mode<synchronous>, transform_indices = @transform_5, window_bounds = array<i64: 128, 1024>}, {pipeline_mode = #tpu.pipeline_mode<synchronous>, transform_indices = @transform_6, window_bounds = array<i64: 1, 1024>}, {transform_indices = @transform_7, window_bounds = array<i64: 256, 1024>}, {transform_indices = @transform_8, window_bounds = array<i64: 1, 1024, 768>}, {transform_indices = @transform_9, window_bounds = array<i64: 1, 1, 128>}, {transform_indices = @transform_10, window_bounds = array<i64: 1, 1, 128>}]} {
    %get3A = arith.constant 0 : index
    %get3A_0 = arith.constant 0 : index
    %get3A_1 = vector.load %arg2[%get3A, %get3A_0] : memref<256x768xf32, #tpu.memory_space<vmem>>, vector<256x768xf32>
    %get3A_2 = arith.constant 0 : index
    %get3A_3 = arith.constant 0 : index
    %get3A_4 = vector.load %arg3[%get3A_2, %get3A_3] : memref<256x768xf32, #tpu.memory_space<vmem>>, vector<256x768xf32>
    %get3A_5 = arith.constant 0 : index
    %get3A_6 = arith.constant 0 : index
    %get3A_7 = vector.load %arg4[%get3A_5, %get3A_6] : memref<768x128xf32, #tpu.memory_space<vmem>>, vector<768x128xf32>
    %dot_general3A = arith.constant dense<0.000000e+00> : vector<256x128xf32>
    %dot_general3A_8 = tpu.matmul %get3A_1, %get3A_7, %dot_general3A {dimension_numbers = #tpu.dot_dimension_numbers<[1], [0], [0], [1], [0, 0, 1, 1], [], []>, transpose_lhs_hint = false} : vector<256x768xf32>, vector<768x128xf32>, vector<256x128xf32> -> vector<256x128xf32>
    %get3A_9 = arith.constant 0 : index
    %get3A_10 = arith.constant 0 : index
    %get3A_11 = vector.load %arg5[%get3A_9, %get3A_10] : memref<768x128xf32, #tpu.memory_space<vmem>>, vector<768x128xf32>
    %dot_general3A_12 = arith.constant dense<0.000000e+00> : vector<256x128xf32>
    %dot_general3A_13 = tpu.matmul %get3A_4, %get3A_11, %dot_general3A_12 {dimension_numbers = #tpu.dot_dimension_numbers<[1], [0], [0], [1], [0, 0, 1, 1], [], []>, transpose_lhs_hint = false} : vector<256x768xf32>, vector<768x128xf32>, vector<256x128xf32> -> vector<256x128xf32>
    %add3A = arith.addf %dot_general3A_8, %dot_general3A_13 : vector<256x128xf32>
    %get3A_14 = arith.constant 0 : index
    %get3A_15 = arith.constant 0 : index
    %get3A_16 = vector.load %arg6[%get3A_14, %get3A_15] : memref<1x128xf32, #tpu.memory_space<vmem>>, vector<1x128xf32>
    %add3A_17 = vector.broadcast %get3A_16 : vector<1x128xf32> to vector<256x128xf32>
    %add3A_18 = arith.addf %add3A, %add3A_17 : vector<256x128xf32>
    %mul3A = arith.constant 5.000000e-01 : f32
    %mul3A_19 = vector.broadcast %mul3A : f32 to vector<256x128xf32>
    %mul3A_20 = arith.mulf %mul3A_19, %add3A_18 : vector<256x128xf32>
    %mul3A_21 = arith.constant 0.707106769 : f32
    %mul3A_22 = vector.broadcast %mul3A_21 : f32 to vector<256x128xf32>
    %mul3A_23 = arith.mulf %add3A_18, %mul3A_22 : vector<256x128xf32>
    %erf3A = math.erf %mul3A_23 : vector<256x128xf32>
    %add3A_24 = arith.constant 1.000000e+00 : f32
    %add3A_25 = vector.broadcast %add3A_24 : f32 to vector<256x128xf32>
    %add3A_26 = arith.addf %add3A_25, %erf3A : vector<256x128xf32>
    %mul3A_27 = arith.mulf %mul3A_20, %add3A_26 : vector<256x128xf32>
    %get3A_28 = arith.constant 0 : index
    %get3A_29 = arith.constant 0 : index
    %get3A_30 = vector.load %arg7[%get3A_28, %get3A_29] : memref<128x1024xf32, #tpu.memory_space<vmem>>, vector<128x1024xf32>
    %dot_general3A_31 = arith.constant dense<0.000000e+00> : vector<256x1024xf32>
    %dot_general3A_32 = tpu.matmul %mul3A_27, %get3A_30, %dot_general3A_31 {dimension_numbers = #tpu.dot_dimension_numbers<[1], [0], [0], [1], [0, 0, 1, 1], [], []>, transpose_lhs_hint = false} : vector<256x128xf32>, vector<128x1024xf32>, vector<256x1024xf32> -> vector<256x1024xf32>
    %get3A_33 = arith.constant 0 : index
    %get3A_34 = arith.constant 0 : index
    %get3A_35 = vector.load %arg8[%get3A_33, %get3A_34] : memref<1x1024xf32, #tpu.memory_space<vmem>>, vector<1x1024xf32>
    %add3A_36 = vector.broadcast %get3A_35 : vector<1x1024xf32> to vector<256x1024xf32>
    %add3A_37 = arith.addf %dot_general3A_32, %add3A_36 : vector<256x1024xf32>
    %reduce_max3A = arith.constant dense<0xFF800000> : vector<256xf32>
    %reduce_max3A_38 = vector.multi_reduction <maximumf>, %add3A_37, %reduce_max3A [1] : vector<256x1024xf32> to vector<256xf32>
    %broadcast_in_dim3A = vector.shape_cast %reduce_max3A_38 : vector<256xf32> to vector<256x1xf32>
    %sub3A = vector.broadcast %broadcast_in_dim3A : vector<256x1xf32> to vector<256x1024xf32>
    %sub3A_39 = arith.subf %add3A_37, %sub3A : vector<256x1024xf32>
    %exp3A = math.exp %sub3A_39 : vector<256x1024xf32>
    %reduce_sum3A = arith.constant dense<0.000000e+00> : vector<256xf32>
    %reduce_sum3A_40 = vector.multi_reduction <add>, %exp3A, %reduce_sum3A [1] : vector<256x1024xf32> to vector<256xf32>
    %broadcast_in_dim3A_41 = vector.shape_cast %reduce_sum3A_40 : vector<256xf32> to vector<256x1xf32>
    %div3A = vector.broadcast %broadcast_in_dim3A_41 : vector<256x1xf32> to vector<256x1024xf32>
    %div3A_42 = arith.divf %exp3A, %div3A : vector<256x1024xf32>
    %swap3A = arith.constant 0 : index
    %swap3A_43 = arith.constant 0 : index
    %swap3A_44 = vector.load %arg9[%swap3A, %swap3A_43] : memref<256x1024xf32, #tpu.memory_space<vmem>>, vector<256x1024xf32>
    tpu.vector_store %arg9[%swap3A, %swap3A_43], %div3A_42 {strides = array<i32>} : memref<256x1024xf32, #tpu.memory_space<vmem>>, vector<256x1024xf32>,
    %dot_general3A_45 = arith.constant dense<0.000000e+00> : vector<1024x768xf32>
    %dot_general3A_46 = tpu.matmul %div3A_42, %get3A_1, %dot_general3A_45 {dimension_numbers = #tpu.dot_dimension_numbers<[0], [0], [1], [1], [0, 1, 1, 1], [], []>, transpose_lhs_hint = false} : vector<256x1024xf32>, vector<256x768xf32>, vector<1024x768xf32> -> vector<1024x768xf32>
    %dot_general3A_47 = arith.constant dense<0.000000e+00> : vector<1024x1024xf32>
    %dot_general3A_48 = tpu.matmul %div3A_42, %div3A_42, %dot_general3A_47 {dimension_numbers = #tpu.dot_dimension_numbers<[0], [0], [1], [1], [0, 1, 1, 1], [], []>, transpose_lhs_hint = false} : vector<256x1024xf32>, vector<256x1024xf32>, vector<1024x1024xf32> -> vector<1024x1024xf32>
    %add3A_49 = arith.constant 9.99999993E-9 : f32
    %add3A_50 = vector.broadcast %add3A_49 : f32 to vector<256x1024xf32>
    %add3A_51 = arith.addf %div3A_42, %add3A_50 : vector<256x1024xf32>
    %log3A = math.log %add3A_51 : vector<256x1024xf32>
    %mul3A_52 = arith.mulf %div3A_42, %log3A : vector<256x1024xf32>
    %reduce_sum3A_53 = vector.shape_cast %mul3A_52 : vector<256x1024xf32> to vector<1x256x1024xf32>
    %reduce_sum3A_54 = arith.constant dense<0.000000e+00> : vector<1xf32>
    %reduce_sum3A_55 = vector.multi_reduction <add>, %reduce_sum3A_53, %reduce_sum3A_54 [1, 2] : vector<1x256x1024xf32> to vector<1xf32>
    %reduce_sum3A_56 = vector.shape_cast %reduce_sum3A_55 : vector<1xf32> to vector<1x1x1xf32>
    %reduce_sum3A_57 = vector.extract %reduce_sum3A_56[0, 0, 0] : f32 from vector<1x1x1xf32>
    %eq3A = arith.constant 0 : i32
    %eq3A_58 = arith.cmpi eq, %arg1, %eq3A : i32
    %convert_element_type3A = arith.extui %eq3A_58 : i1 to i32
    %cond3A = arith.constant 0 : i32
    %cond3A_59 = arith.cmpi ne, %convert_element_type3A, %cond3A : i32
    scf.if %cond3A_59 {
      %swap3A_69 = arith.constant 0 : index
      %swap3A_70 = arith.constant 0 : index
      %swap3A_71 = arith.constant 0 : index
      %swap3A_72 = vector.load %arg10[%swap3A_69, %swap3A_70, %swap3A_71] : memref<1x1024x768xf32, #tpu.memory_space<vmem>>, vector<1x1024x768xf32>
      %swap3A_73 = vector.shape_cast %swap3A_72 : vector<1x1024x768xf32> to vector<1024x768xf32>
      %swap3A_74 = vector.shape_cast %dot_general3A_46 : vector<1024x768xf32> to vector<1x1024x768xf32>
      tpu.vector_store %arg10[%swap3A_69, %swap3A_70, %swap3A_71], %swap3A_74 {strides = array<i32>} : memref<1x1024x768xf32, #tpu.memory_space<vmem>>, vector<1x1024x768xf32>,
      %swap3A_75 = arith.constant 0 : index
      %swap3A_76 = arith.constant 0 : index
      %swap3A_77 = vector.load %arg13[%swap3A_75, %swap3A_76] : memref<1024x1024xf32, #tpu.memory_space<vmem>>, vector<1024x1024xf32>
      tpu.vector_store %arg13[%swap3A_75, %swap3A_76], %dot_general3A_48 {strides = array<i32>} : memref<1024x1024xf32, #tpu.memory_space<vmem>>, vector<1024x1024xf32>,
      %swap3A_78 = arith.constant 0 : index
      %swap3A_79 = memref.load %arg14[%swap3A_78] : memref<1xf32, #tpu.memory_space<smem>>
      memref.store %reduce_sum3A_57, %arg14[%swap3A_78] : memref<1xf32, #tpu.memory_space<smem>>
    } else {
    }
    %ne3A = arith.constant 0 : i32
    %ne3A_60 = arith.cmpi ne, %arg1, %ne3A : i32
    %convert_element_type3A_61 = arith.extui %ne3A_60 : i1 to i32
    %cond3A_62 = arith.constant 0 : i32
    %cond3A_63 = arith.cmpi ne, %convert_element_type3A_61, %cond3A_62 : i32
    scf.if %cond3A_63 {
      %get3A_69 = arith.constant 0 : index
      %get3A_70 = arith.constant 0 : index
      %get3A_71 = arith.constant 0 : index
      %get3A_72 = vector.load %arg10[%get3A_69, %get3A_70, %get3A_71] : memref<1x1024x768xf32, #tpu.memory_space<vmem>>, vector<1x1024x768xf32>
      %get3A_73 = vector.shape_cast %get3A_72 : vector<1x1024x768xf32> to vector<1024x768xf32>
      %add3A_74 = arith.addf %get3A_73, %dot_general3A_46 : vector<1024x768xf32>
      %swap3A_75 = arith.constant 0 : index
      %swap3A_76 = arith.constant 0 : index
      %swap3A_77 = arith.constant 0 : index
      %swap3A_78 = vector.load %arg10[%swap3A_75, %swap3A_76, %swap3A_77] : memref<1x1024x768xf32, #tpu.memory_space<vmem>>, vector<1x1024x768xf32>
      %swap3A_79 = vector.shape_cast %swap3A_78 : vector<1x1024x768xf32> to vector<1024x768xf32>
      %swap3A_80 = vector.shape_cast %add3A_74 : vector<1024x768xf32> to vector<1x1024x768xf32>
      tpu.vector_store %arg10[%swap3A_75, %swap3A_76, %swap3A_77], %swap3A_80 {strides = array<i32>} : memref<1x1024x768xf32, #tpu.memory_space<vmem>>, vector<1x1024x768xf32>,
      %get3A_81 = arith.constant 0 : index
      %get3A_82 = arith.constant 0 : index
      %get3A_83 = vector.load %arg13[%get3A_81, %get3A_82] : memref<1024x1024xf32, #tpu.memory_space<vmem>>, vector<1024x1024xf32>
      %add3A_84 = arith.addf %get3A_83, %dot_general3A_48 : vector<1024x1024xf32>
      %swap3A_85 = arith.constant 0 : index
      %swap3A_86 = arith.constant 0 : index
      %swap3A_87 = vector.load %arg13[%swap3A_85, %swap3A_86] : memref<1024x1024xf32, #tpu.memory_space<vmem>>, vector<1024x1024xf32>
      tpu.vector_store %arg13[%swap3A_85, %swap3A_86], %add3A_84 {strides = array<i32>} : memref<1024x1024xf32, #tpu.memory_space<vmem>>, vector<1024x1024xf32>,
      %get3A_88 = arith.constant 0 : index
      %get3A_89 = memref.load %arg14[%get3A_88] : memref<1xf32, #tpu.memory_space<smem>>
      %add3A_90 = arith.addf %get3A_89, %reduce_sum3A_57 : f32
      %swap3A_91 = arith.constant 0 : index
      %swap3A_92 = memref.load %arg14[%swap3A_91] : memref<1xf32, #tpu.memory_space<smem>>
      memref.store %add3A_90, %arg14[%swap3A_91] : memref<1xf32, #tpu.memory_space<smem>>
    } else {
    }
    %eq3A_64 = arith.constant 7 : i32
    %eq3A_65 = arith.cmpi eq, %arg1, %eq3A_64 : i32
    %convert_element_type3A_66 = arith.extui %eq3A_65 : i1 to i32
    %cond3A_67 = arith.constant 0 : i32
    %cond3A_68 = arith.cmpi ne, %convert_element_type3A_66, %cond3A_67 : i32
    scf.if %cond3A_68 {
      %get3A_69 = arith.constant 0 : index
      %get3A_70 = arith.constant 0 : index
      %get3A_71 = vector.load %arg13[%get3A_69, %get3A_70] : memref<1024x1024xf32, #tpu.memory_space<vmem>>, vector<1024x1024xf32>
      %mul3A_72 = arith.mulf %get3A_71, %get3A_71 : vector<1024x1024xf32>
      %reduce_sum3A_73 = vector.shape_cast %mul3A_72 : vector<1024x1024xf32> to vector<1x1024x1024xf32>
      %reduce_sum3A_74 = arith.constant dense<0.000000e+00> : vector<1xf32>
      %reduce_sum3A_75 = vector.multi_reduction <add>, %reduce_sum3A_73, %reduce_sum3A_74 [1, 2] : vector<1x1024x1024xf32> to vector<1xf32>
      %reduce_sum3A_76 = vector.shape_cast %reduce_sum3A_75 : vector<1xf32> to vector<1x1x1xf32>
      %reduce_sum3A_77 = vector.extract %reduce_sum3A_76[0, 0, 0] : f32 from vector<1x1x1xf32>
      %broadcast_in_dim3A_78 = vector.broadcast %reduce_sum3A_77 : f32 to vector<1x128xf32>
      %swap3A_79 = arith.constant 0 : index
      %swap3A_80 = arith.constant 0 : index
      %swap3A_81 = arith.constant 0 : index
      %swap3A_82 = vector.load %arg11[%swap3A_79, %swap3A_80, %swap3A_81] : memref<1x1x128xf32, #tpu.memory_space<vmem>>, vector<1x1x128xf32>
      %swap3A_83 = vector.shape_cast %swap3A_82 : vector<1x1x128xf32> to vector<1x128xf32>
      %swap3A_84 = vector.shape_cast %broadcast_in_dim3A_78 : vector<1x128xf32> to vector<1x1x128xf32>
      tpu.vector_store %arg11[%swap3A_79, %swap3A_80, %swap3A_81], %swap3A_84 {strides = array<i32>} : memref<1x1x128xf32, #tpu.memory_space<vmem>>, vector<1x1x128xf32>,
      %get3A_85 = arith.constant 0 : index
      %get3A_86 = memref.load %arg14[%get3A_85] : memref<1xf32, #tpu.memory_space<smem>>
      %broadcast_in_dim3A_87 = vector.broadcast %get3A_86 : f32 to vector<1x128xf32>
      %swap3A_88 = arith.constant 0 : index
      %swap3A_89 = arith.constant 0 : index
      %swap3A_90 = arith.constant 0 : index
      %swap3A_91 = vector.load %arg12[%swap3A_88, %swap3A_89, %swap3A_90] : memref<1x1x128xf32, #tpu.memory_space<vmem>>, vector<1x1x128xf32>
      %swap3A_92 = vector.shape_cast %swap3A_91 : vector<1x1x128xf32> to vector<1x128xf32>
      %swap3A_93 = vector.shape_cast %broadcast_in_dim3A_87 : vector<1x128xf32> to vector<1x1x128xf32>
      tpu.vector_store %arg12[%swap3A_88, %swap3A_89, %swap3A_90], %swap3A_93 {strides = array<i32>} : memref<1x1x128xf32, #tpu.memory_space<vmem>>, vector<1x1x128xf32>,
    } else {
    }
    return
  }
  func.func @transform_0(%arg0: i32, %arg1: i32) -> (i32, i32) {
    %mul3A = arith.constant 8 : i32
    %mul3A_0 = arith.muli %arg0, %mul3A : i32
    %add3A = arith.addi %mul3A_0, %arg1 : i32
    %c0_i32 = arith.constant 0 : i32
    %c0_i32_1 = arith.constant 0 : i32
    return %add3A, %c0_i32 : i32, i32
  }
  func.func @transform_1(%arg0: i32, %arg1: i32) -> (i32, i32) {
    %mul3A = arith.constant 8 : i32
    %mul3A_0 = arith.muli %arg0, %mul3A : i32
    %add3A = arith.addi %mul3A_0, %arg1 : i32
    %c0_i32 = arith.constant 0 : i32
    %c0_i32_1 = arith.constant 0 : i32
    return %add3A, %c0_i32 : i32, i32
  }
  func.func @transform_2(%arg0: i32, %arg1: i32) -> (i32, i32) {
    %c0_i32 = arith.constant 0 : i32
    %c0_i32_0 = arith.constant 0 : i32
    %c0_i32_1 = arith.constant 0 : i32
    return %c0_i32, %c0_i32_0 : i32, i32
  }
  func.func @transform_3(%arg0: i32, %arg1: i32) -> (i32, i32) {
    %c0_i32 = arith.constant 0 : i32
    %c0_i32_0 = arith.constant 0 : i32
    %c0_i32_1 = arith.constant 0 : i32
    return %c0_i32, %c0_i32_0 : i32, i32
  }
  func.func @transform_4(%arg0: i32, %arg1: i32) -> (i32, i32) {
    %c0_i32 = arith.constant 0 : i32
    %c0_i32_0 = arith.constant 0 : i32
    %c0_i32_1 = arith.constant 0 : i32
    return %c0_i32, %c0_i32_0 : i32, i32
  }
  func.func @transform_5(%arg0: i32, %arg1: i32) -> (i32, i32) {
    %c0_i32 = arith.constant 0 : i32
    %c0_i32_0 = arith.constant 0 : i32
    %c0_i32_1 = arith.constant 0 : i32
    return %c0_i32, %c0_i32_0 : i32, i32
  }
  func.func @transform_6(%arg0: i32, %arg1: i32) -> (i32, i32) {
    %c0_i32 = arith.constant 0 : i32
    %c0_i32_0 = arith.constant 0 : i32
    %c0_i32_1 = arith.constant 0 : i32
    return %c0_i32, %c0_i32_0 : i32, i32
  }
  func.func @transform_7(%arg0: i32, %arg1: i32) -> (i32, i32) {
    %mul3A = arith.constant 8 : i32
    %mul3A_0 = arith.muli %arg0, %mul3A : i32
    %add3A = arith.addi %mul3A_0, %arg1 : i32
    %c0_i32 = arith.constant 0 : i32
    %c0_i32_1 = arith.constant 0 : i32
    return %add3A, %c0_i32 : i32, i32
  }
  func.func @transform_8(%arg0: i32, %arg1: i32) -> (i32, i32, i32) {
    %c0_i32 = arith.constant 0 : i32
    %c0_i32_0 = arith.constant 0 : i32
    %c0_i32_1 = arith.constant 0 : i32
    return %arg0, %c0_i32, %c0_i32_0 : i32, i32, i32
  }
  func.func @transform_9(%arg0: i32, %arg1: i32) -> (i32, i32, i32) {
    %c0_i32 = arith.constant 0 : i32
    %c0_i32_0 = arith.constant 0 : i32
    %c0_i32_1 = arith.constant 0 : i32
    return %arg0, %c0_i32, %c0_i32_0 : i32, i32, i32
  }
  func.func @transform_10(%arg0: i32, %arg1: i32) -> (i32, i32, i32) {
    %c0_i32 = arith.constant 0 : i32
    %c0_i32_0 = arith.constant 0 : i32
    %c0_i32_1 = arith.constant 0 : i32
    return %arg0, %c0_i32, %c0_i32_0 : i32, i32, i32
  }
}

module attributes {stable_mosaic.version = 14 : i64} {
  func.func @_sort_body(%arg0: i32, %arg1: memref<1x1x1024xf32, #tpu.memory_space<vmem>>, %arg2: memref<1x1024x1xf32, #tpu.memory_space<vmem>>, %arg3: memref<1x1x1024xf32, #tpu.memory_space<vmem>>, %arg4: memref<1x1024x768xf32, #tpu.memory_space<vmem>>, %arg5: memref<1x1024x768xf32, #tpu.memory_space<vmem>>, %arg6: memref<1x1024x1xf32, #tpu.memory_space<vmem>>) attributes {dimension_semantics = [#tpu.dimension_semantics<arbitrary>], iteration_bounds = array<i64: 4>, scalar_prefetch = 0 : i64, scratch_operands = 0 : i64, tpu.core_type = #tpu.core_type<tc>, window_params = [{transform_indices = @transform_0, window_bounds = array<i64: 1, 1, 1024>}, {transform_indices = @transform_1, window_bounds = array<i64: 1, 1024, 1>}, {transform_indices = @transform_2, window_bounds = array<i64: 1, 1, 1024>}, {transform_indices = @transform_3, window_bounds = array<i64: 1, 1024, 768>}, {transform_indices = @transform_4, window_bounds = array<i64: 1, 1024, 768>}, {transform_indices = @transform_5, window_bounds = array<i64: 1, 1024, 1>}]} {
    %get3A = arith.constant 0 : index
    %get3A_0 = arith.constant 0 : index
    %get3A_1 = arith.constant 0 : index
    %get3A_2 = vector.load %arg1[%get3A, %get3A_0, %get3A_1] : memref<1x1x1024xf32, #tpu.memory_space<vmem>>, vector<1x1x1024xf32>
    %get3A_3 = vector.shape_cast %get3A_2 : vector<1x1x1024xf32> to vector<1x1024xf32>
    %get3A_4 = arith.constant 0 : index
    %get3A_5 = arith.constant 0 : index
    %get3A_6 = arith.constant 0 : index
    %get3A_7 = vector.load %arg2[%get3A_4, %get3A_5, %get3A_6] : memref<1x1024x1xf32, #tpu.memory_space<vmem>>, vector<1x1024x1xf32>
    %get3A_8 = vector.shape_cast %get3A_7 : vector<1x1024x1xf32> to vector<1024x1xf32>
    %broadcast_in_dim3A = vector.shape_cast %get3A_3 : vector<1x1024xf32> to vector<1x1024xf32>
    %broadcast_in_dim3A_9 = vector.broadcast %broadcast_in_dim3A : vector<1x1024xf32> to vector<1024x1024xf32>
    %broadcast_in_dim3A_10 = vector.shape_cast %get3A_8 : vector<1024x1xf32> to vector<1024x1xf32>
    %broadcast_in_dim3A_11 = vector.broadcast %broadcast_in_dim3A_10 : vector<1024x1xf32> to vector<1024x1024xf32>
    %iota3A = tpu.iota {dimensions = array<i32: 0>} : vector<1024x1024xi32>
    %iota3A_12 = tpu.iota {dimensions = array<i32: 1>} : vector<1024x1024xi32>
    %lt3A = arith.cmpf olt, %broadcast_in_dim3A_11, %broadcast_in_dim3A_9 : vector<1024x1024xf32>
    %eq3A = arith.cmpf oeq, %broadcast_in_dim3A_11, %broadcast_in_dim3A_9 : vector<1024x1024xf32>
    %lt3A_13 = arith.cmpi slt, %iota3A, %iota3A_12 : vector<1024x1024xi32>
    %and3A = arith.andi %eq3A, %lt3A_13 : vector<1024x1024xi1>
    %or3A = arith.ori %lt3A, %and3A : vector<1024x1024xi1>
    %convert_element_type3A = arith.extui %or3A : vector<1024x1024xi1> to vector<1024x1024xi32>
    %convert_element_type3A_14 = arith.sitofp %convert_element_type3A : vector<1024x1024xi32> to vector<1024x1024xf32>
    %reduce_sum3A = arith.constant dense<0.000000e+00> : vector<1024xf32>
    %reduce_sum3A_15 = vector.multi_reduction <add>, %convert_element_type3A_14, %reduce_sum3A [0] : vector<1024x1024xf32> to vector<1024xf32>
    %broadcast_in_dim3A_16 = vector.shape_cast %reduce_sum3A_15 : vector<1024xf32> to vector<1x1024xf32>
    %convert_element_type3A_17 = arith.sitofp %iota3A : vector<1024x1024xi32> to vector<1024x1024xf32>
    %broadcast_in_dim3A_18 = vector.shape_cast %broadcast_in_dim3A_16 : vector<1x1024xf32> to vector<1x1024xf32>
    %broadcast_in_dim3A_19 = vector.broadcast %broadcast_in_dim3A_18 : vector<1x1024xf32> to vector<1024x1024xf32>
    %eq3A_20 = arith.cmpf oeq, %convert_element_type3A_17, %broadcast_in_dim3A_19 : vector<1024x1024xf32>
    %convert_element_type3A_21 = arith.extui %eq3A_20 : vector<1024x1024xi1> to vector<1024x1024xi32>
    %convert_element_type3A_22 = arith.sitofp %convert_element_type3A_21 : vector<1024x1024xi32> to vector<1024x1024xf32>
    %get3A_23 = arith.constant 0 : index
    %get3A_24 = arith.constant 0 : index
    %get3A_25 = arith.constant 0 : index
    %get3A_26 = vector.load %arg4[%get3A_23, %get3A_24, %get3A_25] : memref<1x1024x768xf32, #tpu.memory_space<vmem>>, vector<1x1024x768xf32>
    %get3A_27 = vector.shape_cast %get3A_26 : vector<1x1024x768xf32> to vector<1024x768xf32>
    %dot_general3A = arith.constant dense<0.000000e+00> : vector<1024x768xf32>
    %dot_general3A_28 = tpu.matmul %convert_element_type3A_22, %get3A_27, %dot_general3A {dimension_numbers = #tpu.dot_dimension_numbers<[1], [0], [0], [1], [0, 0, 1, 1], [], []>, precision = #tpu.contract_precision<fp32>, transpose_lhs_hint = false} : vector<1024x1024xf32>, vector<1024x768xf32>, vector<1024x768xf32> -> vector<1024x768xf32>
    %swap3A = arith.constant 0 : index
    %swap3A_29 = arith.constant 0 : index
    %swap3A_30 = arith.constant 0 : index
    %swap3A_31 = vector.load %arg5[%swap3A, %swap3A_29, %swap3A_30] : memref<1x1024x768xf32, #tpu.memory_space<vmem>>, vector<1x1024x768xf32>
    %swap3A_32 = vector.shape_cast %swap3A_31 : vector<1x1024x768xf32> to vector<1024x768xf32>
    %swap3A_33 = vector.shape_cast %dot_general3A_28 : vector<1024x768xf32> to vector<1x1024x768xf32>
    tpu.vector_store %arg5[%swap3A, %swap3A_29, %swap3A_30], %swap3A_33 {strides = array<i32>} : memref<1x1024x768xf32, #tpu.memory_space<vmem>>, vector<1x1024x768xf32>,
    %get3A_34 = arith.constant 0 : index
    %get3A_35 = arith.constant 0 : index
    %get3A_36 = arith.constant 0 : index
    %get3A_37 = vector.load %arg3[%get3A_34, %get3A_35, %get3A_36] : memref<1x1x1024xf32, #tpu.memory_space<vmem>>, vector<1x1x1024xf32>
    %get3A_38 = vector.shape_cast %get3A_37 : vector<1x1x1024xf32> to vector<1x1024xf32>
    %broadcast_in_dim3A_39 = vector.shape_cast %get3A_38 : vector<1x1024xf32> to vector<1x1024xf32>
    %broadcast_in_dim3A_40 = vector.broadcast %broadcast_in_dim3A_39 : vector<1x1024xf32> to vector<1024x1024xf32>
    %mul3A = arith.mulf %convert_element_type3A_22, %broadcast_in_dim3A_40 : vector<1024x1024xf32>
    %reduce_sum3A_41 = arith.constant dense<0.000000e+00> : vector<1024xf32>
    %reduce_sum3A_42 = vector.multi_reduction <add>, %mul3A, %reduce_sum3A_41 [1] : vector<1024x1024xf32> to vector<1024xf32>
    %broadcast_in_dim3A_43 = vector.shape_cast %reduce_sum3A_42 : vector<1024xf32> to vector<1024x1xf32>
    %swap3A_44 = arith.constant 0 : index
    %swap3A_45 = arith.constant 0 : index
    %swap3A_46 = arith.constant 0 : index
    %swap3A_47 = vector.load %arg6[%swap3A_44, %swap3A_45, %swap3A_46] : memref<1x1024x1xf32, #tpu.memory_space<vmem>>, vector<1x1024x1xf32>
    %swap3A_48 = vector.shape_cast %swap3A_47 : vector<1x1024x1xf32> to vector<1024x1xf32>
    %swap3A_49 = vector.shape_cast %broadcast_in_dim3A_43 : vector<1024x1xf32> to vector<1x1024x1xf32>
    tpu.vector_store %arg6[%swap3A_44, %swap3A_45, %swap3A_46], %swap3A_49 {strides = array<i32>} : memref<1x1024x1xf32, #tpu.memory_space<vmem>>, vector<1x1024x1xf32>,
    return
  }
  func.func @transform_0(%arg0: i32) -> (i32, i32, i32) {
    %c0_i32 = arith.constant 0 : i32
    %c0_i32_0 = arith.constant 0 : i32
    %c0_i32_1 = arith.constant 0 : i32
    return %arg0, %c0_i32, %c0_i32_0 : i32, i32, i32
  }
  func.func @transform_1(%arg0: i32) -> (i32, i32, i32) {
    %c0_i32 = arith.constant 0 : i32
    %c0_i32_0 = arith.constant 0 : i32
    %c0_i32_1 = arith.constant 0 : i32
    return %arg0, %c0_i32, %c0_i32_0 : i32, i32, i32
  }
  func.func @transform_2(%arg0: i32) -> (i32, i32, i32) {
    %c0_i32 = arith.constant 0 : i32
    %c0_i32_0 = arith.constant 0 : i32
    %c0_i32_1 = arith.constant 0 : i32
    return %arg0, %c0_i32, %c0_i32_0 : i32, i32, i32
  }
  func.func @transform_3(%arg0: i32) -> (i32, i32, i32) {
    %c0_i32 = arith.constant 0 : i32
    %c0_i32_0 = arith.constant 0 : i32
    %c0_i32_1 = arith.constant 0 : i32
    return %arg0, %c0_i32, %c0_i32_0 : i32, i32, i32
  }
  func.func @transform_4(%arg0: i32) -> (i32, i32, i32) {
    %c0_i32 = arith.constant 0 : i32
    %c0_i32_0 = arith.constant 0 : i32
    %c0_i32_1 = arith.constant 0 : i32
    return %arg0, %c0_i32, %c0_i32_0 : i32, i32, i32
  }
  func.func @transform_5(%arg0: i32) -> (i32, i32, i32) {
    %c0_i32 = arith.constant 0 : i32
    %c0_i32_0 = arith.constant 0 : i32
    %c0_i32_1 = arith.constant 0 : i32
    return %arg0, %c0_i32, %c0_i32_0 : i32, i32, i32
  }
}

</mosaic_0001>

<sc_bundles>
// kernel: kernel.10.cloned.1.call-start
scs
__scs_entry_jumppad:
0x0: {  	(pc) =	sbr.rel $0x88, $3  }
0x1: {  	(tag) =	ssettag $0x0;
	lr =	simm.s32 $0x1  }
0x2: {  	[smem:$0x3F9B] =	sst lr;
	_ =	strace $0xD0000000  }
0x3: {  	_ = 	snop  }
0x4: {  	_ = 	snop  }
0x5: {  	_ = 	snop  }
0x6: {  	_ = 	snop  }
0x7: {  	_ = 	snop  }
__scs_overlays_trampoline_lowered:
0x8: {  	[smem:$0x3FAA] =	sst s0  }
0x9: {  	[smem:$0x3FAB] =	sst s1  }
0xa: {  	[smem:$0x3FAC] =	sst s2  }
0xb: {  	[smem:$0x3FAD] =	sst s3  }
0xc: {  	[smem:$0x3FAE] =	sst s4  }
0xd: {  	[smem:$0x3FAF] =	sst s5  }
0xe: {  	[smem:$0x3FB0] =	sst s6  }
0xf: {  	[smem:$0x3FB1] =	sst s7  }
0x10: {  	[smem:$0x3FB2] =	sst s8  }
0x11: {  	[smem:$0x3FB3] =	sst s9;
	s0 =	simm.s32 @!p0 $0x0  }
0x12: {  	s1 =	sld [smem:$0x3F99];
	s0 =	simm.s32 @p0 $0x1  }
0x13: {  	[smem:$0x3FB4] =	sst s0;
	s0 =	simm.s32 @!p1 $0x0  }
0x14: {  	s2 =	sld [smem:$0x3F98];
	s0 =	simm.s32 @p1 $0x1  }
0x15: {  	[smem:$0x3FB5] =	sst s0;
	s0 =	simm.s32 @!p2 $0x0  }
0x16: {  	s3 =	sld [smem:$0x3FDB];
	s0 =	simm.s32 @p2 $0x1  }
0x17: {  	s4 =	simm.s32 $0x1BF5;
	[smem:$0x3FB7] =	sst s0  }
0x18: {  	s0 =	sld [smem:$0x3F9A];
	_ =	swait.ge [sflag:s4], $0x0  }
0x19: {  	s7 =	sld [smem:$0x3F9B]  }
0x1a: {  	s8 =	sadd.s32 $0xFFFFE003, lr  }
0x1b: {  	s9 =	sadd.s32 $0xFFFFFEF7, lr;
	s5 =	simm.s32 $0xFFFFFFFF;
	p2 =	slt.u32 s8, $0xFFFFF086  }
0x1c: {  	p1 =	slt.u32 s9, $0xF7A;
	s5 =	simm.s32 @!p2 $0x0  }
0x1d: {  	s5 =	simm.s32 @p1 $0x1;
	p0 =	seq.s32 s7, s2  }
0x1e: {  	s7 =	smul.u32 @!p0 $0xF7A, s2;
	p2 =	seq.s32 @!p0 s5, $0x0  }
0x1f: {  	s9 =	smul.u32 $0xF7A, s1;
	s8 =	simm.s32 @!p0 $0x1BF5;
	p2 =	por !p2, p0  }
0x20: {  	[sflag:s8] =	ssyncset.s32 @!p0 $0xFFFFF086;
	s6 =	sadd.s32 @!p0 s3, s7;
	s7 =	simm.s32 @!p0 $0x108  }
0x21: {  	s3 =	sadd.s32 s3, s9;
	s6 =	sadd.s32 @!p0 $0x88, s6;
	s7 =	simm.s32 @p2 $0x1082  }
0x22: {  	[simem:s7], [sflag:s8] =	dma.local @!p0 [hbm:s6], $0xF7A  }
0x23: {  	s9 =	sor.u32 $0xD0000000, s2;
	s6 =	simm.s32 $0x108;
	_ =	swait.ge @!p0 [sflag:s8], $0x0  }
0x24: {  	s3 =	sadd.s32 $0x88, s3;
	s6 =	simm.s32 @!p1 $0x1082;
	[sflag:s4] =	ssyncset.s32 $0xFFFFF086  }
0x25: {  	[simem:s6], [sflag:s4] =	dma.local [hbm:s3], $0xF7A  }
0x26: {  	[smem:$0x3F9B] =	sst s1;
	(tag) =	ssettag s2;
	_ =	strace s9  }
0x27: {  	s1 =	sld [smem:$0x3FAB]  }
0x28: {  	s2 =	sld [smem:$0x3FAC]  }
0x29: {  	s4 =	sld [smem:$0x3FAE]  }
0x2a: {  	p0 =	seq.s32 s5, $0x0;
	s5 =	sld [smem:$0x3FAF]  }
0x2b: {  	s6 =	sld [smem:$0x3FB0]  }
0x2c: {  	s7 =	sld [smem:$0x3FB1]  }
0x2d: {  	s3 =	simm.s32 $0x108;
	s8 =	sld [smem:$0x3FB2]  }
0x2e: {  	s3 =	simm.s32 @!p0 $0x1082;
	s9 =	sld [smem:$0x3FB3]  }
0x2f: {  	lr =	sadd.s32 s0, s3;
	s0 =	sld [smem:$0x3FAA]  }
0x30: {  	s3 =	sld [smem:$0x3FAD]  }
0x31: {  	[smem:$0x3FB6] =	sst s10  }
0x32: {  	s10 =	sld [smem:$0x3FB4];
	_ =	sdelay $0x3  }
0x33: {  	p0 =	seq.s32 s10, $0x1;
	s10 =	sld [smem:$0x3FB6];
	_ =	sdelay $0x3  }
0x34: {  	[smem:$0x3FB6] =	sst s10  }
0x35: {  	s10 =	sld [smem:$0x3FB5];
	_ =	sdelay $0x3  }
0x36: {  	p1 =	seq.s32 s10, $0x1;
	s10 =	sld [smem:$0x3FB6];
	_ =	sdelay $0x3  }
0x37: {  	[smem:$0x3FB6] =	sst s10  }
0x38: {  	s10 =	sld [smem:$0x3FB7]  }
0x39: {  	_ = 	snop;
	(pc) =	sbr.ind lr, $3  }
0x3a: {  	_ = 	snop  }
0x3b: {  	_ = 	snop  }
0x3c: {  	p2 =	seq.s32 s10, $0x1;
	s10 =	sld [smem:$0x3FB6]  }
0x3d: {  	_ =	shalt  }
0x3e: {  	_ =	shalt  }
0x3f: {  	_ =	shalt  }
0x40: {  	_ =	shalt  }
0x41: {  	_ =	shalt  }
0x42: {  	_ =	shalt  }
0x43: {  	_ =	shalt  }
0x44: {  	_ =	shalt  }
0x45: {  	_ =	shalt  }
0x46: {  	_ =	shalt  }
0x47: {  	_ =	shalt  }
0x48: {  	_ =	shalt  }
0x49: {  	_ =	shalt  }
0x4a: {  	_ =	shalt  }
0x4b: {  	_ =	shalt  }
0x4c: {  	_ =	shalt  }
0x4d: {  	_ =	shalt  }
0x4e: {  	_ =	shalt  }
0x4f: {  	_ =	shalt  }
0x50: {  	_ =	shalt  }
0x51: {  	_ =	shalt  }
0x52: {  	_ =	shalt  }
0x53: {  	_ =	shalt  }
0x54: {  	_ =	shalt  }
0x55: {  	_ =	shalt  }
0x56: {  	_ =	shalt  }
0x57: {  	_ =	shalt  }
0x58: {  	_ =	shalt  }
0x59: {  	_ =	shalt  }
0x5a: {  	_ =	shalt  }
0x5b: {  	_ =	shalt  }
0x5c: {  	_ =	shalt  }
0x5d: {  	_ =	shalt  }
0x5e: {  	_ =	shalt  }
0x5f: {  	_ =	shalt  }
0x60: {  	_ =	shalt  }
0x61: {  	_ =	shalt  }
0x62: {  	_ =	shalt  }
0x63: {  	_ =	shalt  }
0x64: {  	_ =	shalt  }
0x65: {  	_ =	shalt  }
0x66: {  	_ =	shalt  }
0x67: {  	_ =	shalt  }
0x68: {  	_ =	shalt  }
0x69: {  	_ =	shalt  }
0x6a: {  	_ =	shalt  }
0x6b: {  	_ =	shalt  }
0x6c: {  	_ =	shalt  }
0x6d: {  	_ =	shalt  }
0x6e: {  	_ =	shalt  }
0x6f: {  	_ =	shalt  }
0x70: {  	_ =	shalt  }
0x71: {  	_ =	shalt  }
0x72: {  	_ =	shalt  }
0x73: {  	_ =	shalt  }
0x74: {  	_ =	shalt  }
0x75: {  	_ =	shalt  }
0x76: {  	_ =	shalt  }
0x77: {  	_ =	shalt  }
0x78: {  	_ =	shalt  }
0x79: {  	_ =	shalt  }
0x7a: {  	_ =	shalt  }
0x7b: {  	_ =	shalt  }
0x7c: {  	_ =	shalt  }
0x7d: {  	_ =	shalt  }
0x7e: {  	_ =	shalt  }
0x7f: {  	_ =	shalt  }
0x80: {  	_ =	shalt  }
0x81: {  	_ =	shalt  }
0x82: {  	_ =	shalt  }
0x83: {  	_ =	shalt  }
0x84: {  	_ =	shalt  }
0x85: {  	_ =	shalt  }
0x86: {  	_ =	shalt  }
0x87: {  	_ =	shalt  }
.Lfunc_end0:
.L_simem_size_0:
called_computation.1_lowered:
.L_overlay_start_0:
0x88: {  	s2 =	sld [smem:$0x3FD9]  }
0x89: {  	s3 =	sld [smem:$0x3FFE];
	_ =	sdelay $0x1  }
0x8a: {  	s1 =	srdreg.scid  }
0x8b: {  	s0 =	sand.u32 $0x1, s1  }
0x8c: {  	s16 =	sshll.u32 s0, $0xA;
	s2 =	sadd.s32 s3, s2  }
0x8d: {  	s2 =	sadd.s32 s2, s16  }
0x8e: {  	[smem:$0x3FC2] =	sst s2  }
0x8f: {  	_ = 	snop  }
0x90: {  	(tm) =	ssettm $0x1  }
0x91: {  	s17 =	sld [smem:$0x3FFB];
	_ =	sdelay $0x3  }
0x92: {  	_ =	strace s17  }
0x93: {  	s2 =	sld [smem:$0x3FFC];
	_ =	sdelay $0x3  }
0x94: {  	_ =	strace s2  }
0x95: {  	s2 =	sld [smem:$0x3FFD];
	_ =	sdelay $0x3  }
0x96: {  	_ =	strace s2  }
0x97: {  	_ =	strace $0x8FFFFFFF  }
0x98: {  	s18 =	sld [smem:$0x3FDB];
	_ =	sdelay $0x1  }
0x99: {  	s19 =	simm.s32 $_scs_section_size  }
0x9a: {  	s4 =	simm.s32 $_size__tile_overlayer_lowered;
	s5 =	simm.s32 $_tile_overlayer_lowered  }
0x9b: {  	s22 =	simm.s32 $0x1BFF;
	s21 =	sshll.u32 s5, $0x1;
	s2 =	sadd.s32 s19, s18  }
0x9c: {  	s6 =	simm.s32 $0x0;
	s20 =	sshll.u32 s4, $0x1;
	s4 =	sadd.s32 s21, s2  }
0x9d: {  	[timem:s6], [sflag:s22] =	dma.local [hbm:s4], s20  }
0x9e: {  	_ =	swait.ge [sflag:s22], s20  }
0x9f: {  	s3 =	ssub.s32 $0x0, s20;
	[sflag:s22] =	ssyncset.done $0x0  }
0xa0: {  	[sflag:s22] =	ssyncadd.s32 s3;
	_ =	sdelay $0x1  }
0xa1: {  	s23 =	simm.s32 $0x1B8B  }
0xa2: {  	_ =	swait.ge [sflag:s23], $0x1  }
0xa3: {  	[sflag:s23] =	ssyncset.done $0x0  }
0xa4: {  	s25 =	simm.s32 $0x1B8E;
	s24 =	sld [smem:$0x3FFE];
	[sflag:s23] =	ssyncadd.s32 $0xFFFFFFFF  }
0xa5: {  	s26 =	simm.s32 $execute0_lowered;
	[smem:$0x3FD2] =	sst s25  }
0xa6: {  	s4 =	sshll.u32 s26, $0x1;
	_ =	strace $0x80000049;
	[dreg:$0x1] =	wrdreg $0xFFFFFFFF  }
0xa7: {  	s28 =	simm.s32 $_size_execute0_lowered;
	s2 =	sadd.s32 s2, s4;
	[dreg:$0x0] =	wrdreg $0x0  }
0xa8: {  	s4 =	sshll.u32 s28, $0x1;
	[dreg:$0x2] =	wrdreg s2  }
0xa9: {  	[dreg:$0x3] =	wrdreg s4  }
0xaa: {  	[dreg:$0x4] =	wrdreg $0xC0  }
0xab: {  	_ =	task [dreg:s6], $0x5FFFF  }
0xac: {  	[dreg:$0x1] =	wrdreg $0xFFFFFFFF  }
0xad: {  	[dreg:$0x0] =	wrdreg $0x60  }
0xae: {  	[dreg:$0x2] =	wrdreg s24  }
0xaf: {  	[dreg:$0x3] =	wrdreg $0x9  }
0xb0: {  	_ =	task.clear_ibuf [dreg:s6], $0x4FFFF;
	_ =	strace $0x90000049  }
0xb1: {  	s29 =	simm.s32 $0x9;
	_ =	strace $0x8000004B  }
0xb2: {  	_ =	swait.ge [sflag:s29], $0x1  }
0xb3: {  	[sflag:s29] =	ssyncadd.s32 $0xFFFFFFFF  }
0xb4: {  	_ =	strace $0x9000004B  }
0xb5: {  	_ =	sfence  }
0xb6: {  	s30 =	sld [smem:$0x0];
	_ =	sdelay $0x2  }
0xb7: {  	s31 =	sshll.u32 s1, $0xD;
	s1 =	sshrl.u32 s1, $0x2  }
0xb8: {  	s3 =	sand.u32 $0x4000, s31;
	s1 =	sadd.s32 s1, s30  }
0xb9: {  	s0 =	sor.u32 s3, s0;
	s1 =	sshll.u32 s1, $0x11  }
0xba: {  	s0 =	sor.u32 s1, s0  }
0xbb: {  	s0 =	sadd.s32 $0x8F2B, s0  }
0xbc: {  	[sflag:s0] =	ssyncadd.remote.s32 $0x1  }
0xbd: {  	_ =	sfence.sel $0xFFFF  }
0xbe: {  	[dreg:$0x0] =	wrdreg $0xFFFFFFFF;
	(pc) =	sbr.abs _section_cstart, $3  }
0xbf: {  	[dreg:$0x1] =	wrdreg $0xFFFFFFFF  }
0xc0: {  	_ =	task.clear_ibuf [dreg:s6], $0x2FFFF;
	_ =	strace $0x9FFFFFFF  }
0xc1: {  	(tm) =	ssettm $0x7FFFFFFF  }
tec
execute0_lowered:
.L_overlay_start_1:
0x0: {  	(tag) =	ssettag $0x1  }
0x1: {  	s0 =	srdreg.scid  }
0x2: {  	s2 =	stileid.u32;
	s1 =	rddreg [dreg:$0x0]  }
0x3: {  	s15 =	simm.s32 $0x800;
	s17 =	simm.s32 $0x4800;
	s18 =	simm.s32 $0x5080  }
0x4: {  	s19 =	simm.s32 $0x5180;
	s20 =	simm.s32 $0x5280;
	s28 =	simm.s32 $0x5680  }
0x5: {  	s29 =	simm.s32 $0x5780;
	s30 =	simm.s32 $0x1;
	s31 =	simm.s32 $0x2  }
0x6: {  	s0 =	sand.u32 $0x1, s0;
	s3 =	sshll.u32 s2, $0x1;
	s2 =	simm.s32 $0x0  }
0x7: {  	s4 =	sadd.s32 $0xC4E00, s1;
	s9 =	sadd.s32 $0xC5100, s1;
	s5 =	sor.u32 s0, s3  }
0x8: {  	[smem:$0x7FF] =	sst s2;
	s0 =	ssub.s32 $0x2, s0;
	s3 =	sshll.u32 s5, $0x8  }
0x9: {  	_ =	strace $0x8000004A;
	s7 =	sshll.u32 s5, $0x4;
	s5 =	sshll.u32 s5, $0xF  }
0xa: {  	s8 =	sshrl.u32 s0, $0x1;
	s6 =	sadd.s32 s3, s1;
	s22 =	sadd.s32 s4, s5  }
0xb: {  	s10 =	sadd.s32 s7, s1;
	s21 =	sadd.s32 $0xC00, s6;
	[dreg:$0x4] =	wrdreg s22  }
0xc: {  	s0 =	ssub.s32 s0, s8;
	s6 =	sadd.s32 $0xC2E00, s6;
	[dreg:$0x2] =	wrdreg s21  }
0xd: {  	s7 =	sadd.s32 $0xC4F00, s1;
	s5 =	sadd.s32 $0x10, s22;
	[dreg:$0x3] =	wrdreg s6  }
0xe: {  	s8 =	sadd.s32 $0xC5000, s1;
	s23 =	sadd.s32 $0x62E00, s10;
	[dreg:$0x5] =	wrdreg s5  }
.Ltmp0:
0xf: {  	s0 =	smax.u32 s0, $0x1;
	[dreg:$0x6] =	wrdreg s23;
	(pc) =	sbr.rel .LBB2_1-.Ltmp0, $4  }
0x10: {  	s1 =	simm.s32 $0x0;
	s24 =	sadd.s32 $0x80, s22;
	[dreg:$0x7] =	wrdreg s0  }
0x11: {  	v0 =	vlaneseq.u32;
	s25 =	sadd.s32 $0x100, s22;
	s26 =	sadd.s32 $0x180, s22;
	[dreg:$0x8] =	wrdreg s24  }
0x12: {  	v1 =	vshrl.u32 v0, $0x3;
	s22 =	simm.s32 $0x5380;
	s5 =	simm.s32 $0x3;
	[dreg:$0x9] =	wrdreg s25  }
0x13: {  	vm0 =	vmmov $0xffff;
	v0 =	vand.u32 $0x7, v0;
	v1 =	vmul.u32 $0x8, v1;
	[dreg:$0xa] =	wrdreg s26;
	s24 =	simm.s32 $0x5480;
	s26 =	simm.s32 $0x5580  }
.LBB2_8:
0x14: {  	[tilespmem:$0x5800] =	vst v2;
	s0 =	rddreg [dreg:$0x6];
	s1 =	simm.s32 $0x5800;
	s5 =	simm.s32 $0x3  }
0x15: {  	[hbm4b:s0+s2] =	stream.linear.scatter [tilespmem:s1], [sflag:$0x3], $0x80, $0x38;
	[tilespmem:$0x5880] =	vst v63  }
0x16: {  	_ =	swait.ge [sflag:s5], $0x80  }
0x17: {  	s23 =	rddreg [dreg:$0xb]  }
0x18: {  	s25 =	rddreg [dreg:$0x7];
	s1 =	sadd.s32 $0x1, s23  }
0x19: {  	p0 =	sne.s32 s1, s25  }
.Ltmp1:
0x1a: {  	_ = 	snop;
	(pc) =	sbr.rel @!p0 .LBB2_9-.Ltmp1, $3  }
0x1b: {  	_ =	sdelay $0x1  }
0x1c: {  	[sflag:s5] =	ssyncset.done $0x0  }
0x1d: {  	[sflag:s5] =	ssyncadd.s32 $0xFFFFFF80  }
.LBB2_1:
0x1e: {  	[dreg:$0xb] =	wrdreg s1  }
0x1f: {  	s0 =	rddreg [dreg:$0x2]  }
0x20: {  	[tilespmem:s2], [sflag:$0x3] =	stream.linear.gather [hbm4b:s0+s2], $0x800, $0x38;
	[tilespmem:$0x5880] =	vst v63  }
0x21: {  	_ =	swait.ge [sflag:s5], $0x800  }
0x22: {  	[sflag:s5] =	ssyncset.done $0x0  }
0x23: {  	s6 =	rddreg [dreg:$0x3];
	[sflag:s5] =	ssyncadd.s32 $0xFFFFF800  }
0x24: {  	[tilespmem:s15], [sflag:$0x3] =	stream.linear.gather [hbm4b:s6+s2], $0x800, $0x38;
	[tilespmem:$0x5880] =	vst v63  }
0x25: {  	_ =	swait.ge [sflag:s5], $0x800  }
0x26: {  	[sflag:s5] =	ssyncset.done $0x0  }
0x27: {  	[sflag:s5] =	ssyncadd.s32 $0xFFFFF800  }
0x28: {  	v2 =	vld.msk [tilespmem:$0x0], $0xff;
	_ =	sdelay $0x4  }
0x29: {  	v3 =	vshll.u32 v2, $0x3  }
0x2a: {  	v2 =	vand.u32 $0x7, v2;
	v3 =	vand.u32 $0xFFFFFFC0, v3  }
0x2b: {  	v2 =	vor.u32 v2, v3  }
0x2c: {  	v2 =	vperm.xlane v2, v0;
	_ =	sdelay $0x1  }
0x2d: {  	v2 =	vadd.s32 v1, v2;
	_ =	sdelay $0x3  }
0x2e: {  	s10 =	simm.s32 $0x1000  }
0x2f: {  	[tilespmem:s10], [sflag:$0x1] =	stream.indirect_vreg.gather [hbm4b:s4+s2], $0x80, v2, vm0, $0xb8;
	[tilespmem:$0x5880] =	vst v63  }
0x30: {  	s11 =	simm.s32 $0x1800  }
0x31: {  	[tilespmem:s11], [sflag:$0x1] =	stream.indirect_vreg.gather [hbm4b:s7+s2], $0x80, v2, vm0, $0xb8;
	[tilespmem:$0x5880] =	vst v63  }
0x32: {  	s12 =	simm.s32 $0x2000  }
0x33: {  	[tilespmem:s12], [sflag:$0x1] =	stream.indirect_vreg.gather [hbm4b:s8+s2], $0x80, v2, vm0, $0xb8;
	[tilespmem:$0x5880] =	vst v63  }
0x34: {  	s13 =	simm.s32 $0x2800  }
0x35: {  	[tilespmem:s13], [sflag:$0x1] =	stream.indirect_vreg.gather [hbm4b:s9+s2], $0x80, v2, vm0, $0xb8;
	[tilespmem:$0x5880] =	vst v63  }
0x36: {  	s14 =	simm.s32 $0x5000;
	s1 =	rddreg [dreg:$0x4]  }
0x37: {  	[tilespmem:s14], [sflag:$0x1] =	stream.linear.gather [hbm4b:s1+s2], $0x80, $0x38;
	[tilespmem:$0x5880] =	vst v63  }
0x38: {  	s21 =	simm.s32 $0x5100;
	s16 =	rddreg [dreg:$0x8]  }
0x39: {  	[tilespmem:s21], [sflag:$0x1] =	stream.linear.gather [hbm4b:s16+s2], $0x80, $0x38;
	[tilespmem:$0x5880] =	vst v63  }
0x3a: {  	s25 =	simm.s32 $0x5200;
	s23 =	rddreg [dreg:$0x9]  }
0x3b: {  	[tilespmem:s25], [sflag:$0x1] =	stream.linear.gather [hbm4b:s23+s2], $0x80, $0x38;
	[tilespmem:$0x5880] =	vst v63  }
0x3c: {  	s6 =	rddreg [dreg:$0xa];
	s10 =	simm.s32 $0x5300  }
0x3d: {  	[tilespmem:s10], [sflag:$0x1] =	stream.linear.gather [hbm4b:s6+s2], $0x80, $0x38;
	[tilespmem:$0x5880] =	vst v63  }
0x3e: {  	s11 =	sadd.s32 $0x200, s1;
	s12 =	simm.s32 $0x5400  }
0x3f: {  	[tilespmem:s12], [sflag:$0x1] =	stream.linear.gather [hbm4b:s11+s2], $0x80, $0x38;
	[tilespmem:$0x5880] =	vst v63  }
0x40: {  	s13 =	sadd.s32 $0x280, s1;
	s14 =	simm.s32 $0x5500  }
0x41: {  	[tilespmem:s14], [sflag:$0x1] =	stream.linear.gather [hbm4b:s13+s2], $0x80, $0x38;
	[tilespmem:$0x5880] =	vst v63  }
0x42: {  	s16 =	sadd.s32 $0x300, s1;
	s21 =	simm.s32 $0x5600  }
0x43: {  	[tilespmem:s21], [sflag:$0x1] =	stream.linear.gather [hbm4b:s16+s2], $0x80, $0x38;
	[tilespmem:$0x5880] =	vst v63  }
0x44: {  	s23 =	sadd.s32 $0x380, s1;
	s25 =	simm.s32 $0x5700  }
0x45: {  	[tilespmem:s25], [sflag:$0x1] =	stream.linear.gather [hbm4b:s23+s2], $0x80, $0x38;
	[tilespmem:$0x5880] =	vst v63  }
0x46: {  	v2 =	vld.msk [tilespmem:$0x8], $0xff;
	_ =	sdelay $0x4  }
0x47: {  	v3 =	vshll.u32 v2, $0x3  }
0x48: {  	v2 =	vand.u32 $0x7, v2;
	v3 =	vand.u32 $0xFFFFFFC0, v3  }
0x49: {  	v2 =	vor.u32 v2, v3  }
0x4a: {  	v2 =	vperm.xlane v2, v0;
	_ =	sdelay $0x1  }
0x4b: {  	v2 =	vadd.s32 v1, v2;
	_ =	sdelay $0x3  }
0x4c: {  	s5 =	simm.s32 $0x3000  }
0x4d: {  	[tilespmem:s5], [sflag:$0x2] =	stream.indirect_vreg.gather [hbm4b:s4+s2], $0x80, v2, vm0, $0xb8;
	[tilespmem:$0x5880] =	vst v63  }
0x4e: {  	s6 =	simm.s32 $0x3800  }
0x4f: {  	[tilespmem:s6], [sflag:$0x2] =	stream.indirect_vreg.gather [hbm4b:s7+s2], $0x80, v2, vm0, $0xb8;
	[tilespmem:$0x5880] =	vst v63  }
0x50: {  	s10 =	simm.s32 $0x4000  }
0x51: {  	[tilespmem:s10], [sflag:$0x2] =	stream.indirect_vreg.gather [hbm4b:s8+s2], $0x80, v2, vm0, $0xb8;
	[tilespmem:$0x5880] =	vst v63  }
0x52: {  	_ = 	snop  }
0x53: {  	[tilespmem:s17], [sflag:$0x2] =	stream.indirect_vreg.gather [hbm4b:s9+s2], $0x80, v2, vm0, $0xb8;
	[tilespmem:$0x5880] =	vst v63  }
0x54: {  	s11 =	rddreg [dreg:$0x5]  }
0x55: {  	[tilespmem:s18], [sflag:$0x2] =	stream.linear.gather [hbm4b:s11+s2], $0x80, $0x38;
	[tilespmem:$0x5880] =	vst v63  }
0x56: {  	s12 =	sadd.s32 $0x80, s11  }
0x57: {  	[tilespmem:s19], [sflag:$0x2] =	stream.linear.gather [hbm4b:s12+s2], $0x80, $0x38;
	[tilespmem:$0x5880] =	vst v63  }
0x58: {  	s13 =	sadd.s32 $0x100, s11  }
0x59: {  	[tilespmem:s20], [sflag:$0x2] =	stream.linear.gather [hbm4b:s13+s2], $0x80, $0x38;
	[tilespmem:$0x5880] =	vst v63  }
0x5a: {  	s14 =	sadd.s32 $0x180, s11  }
0x5b: {  	[tilespmem:s22], [sflag:$0x2] =	stream.linear.gather [hbm4b:s14+s2], $0x80, $0x38;
	[tilespmem:$0x5880] =	vst v63  }
0x5c: {  	s16 =	sadd.s32 $0x200, s11  }
0x5d: {  	[tilespmem:s24], [sflag:$0x2] =	stream.linear.gather [hbm4b:s16+s2], $0x80, $0x38;
	[tilespmem:$0x5880] =	vst v63  }
0x5e: {  	s21 =	sadd.s32 $0x280, s11  }
0x5f: {  	[tilespmem:s26], [sflag:$0x2] =	stream.linear.gather [hbm4b:s21+s2], $0x80, $0x38;
	[tilespmem:$0x5880] =	vst v63  }
0x60: {  	s23 =	sadd.s32 $0x300, s11  }
0x61: {  	[tilespmem:s28], [sflag:$0x2] =	stream.linear.gather [hbm4b:s23+s2], $0x80, $0x38;
	[tilespmem:$0x5880] =	vst v63  }
0x62: {  	s25 =	sadd.s32 $0x380, s11;
	s6 =	simm.s32 $0x0  }
0x63: {  	v2 =	vimm.f32 $0.0e+00;
	[tilespmem:s29], [sflag:$0x2] =	stream.linear.gather [hbm4b:s25+s2], $0x80, $0x38;
	[tilespmem:$0x5880] =	vst v63  }
.LBB2_2:
0x64: {  	s13 =	sshll.u32 s6, $0x4;
	_ =	swait.ge [sflag:s30], $0x2000  }
0x65: {  	s10 =	simm.s32 $0x0;
	[sflag:s30] =	ssyncset.done $0x0;
	s16 =	sor.u32 $0x4, s13  }
0x66: {  	s0 =	sor.u32 $0x1, s13;
	s21 =	sor.u32 $0x5, s13;
	[sflag:s30] =	ssyncadd.s32 $0xFFFFE000;
	v7 =	vmov s16  }
0x67: {  	s14 =	sor.u32 $0x3, s13;
	_ =	swait.ge [sflag:s30], $0x400;
	v9 =	vbroadcast v7, $0x0;
	v7 =	vmov s21;
	s21 =	sand.u32 $0x1C00, s10  }
0x68: {  	v4 =	vmov s0;
	v6 =	vmov s14;
	s14 =	sand.u32 $0x40, s10;
	[sflag:s30] =	ssyncset.done $0x0;
	s0 =	sadd.s32 $0x1000, s21  }
0x69: {  	[sflag:s30] =	ssyncadd.s32 $0xFFFFFC00;
	s1 =	sor.u32 s14, s0  }
0x6a: {  	v15 =	vld [tilespmem:s1+$0x380]  }
0x6b: {  	v16 =	vld [tilespmem:s1+$0x300]  }
0x6c: {  	v3 =	vmov s13;
	s12 =	sor.u32 $0x2, s13;
	v30 =	vld [tilespmem:s1+$0x180]  }
0x6d: {  	s23 =	sor.u32 $0x6, s13;
	v3 =	vbroadcast v3, $0x0;
	v5 =	vmov s12;
	v31 =	vld [tilespmem:s1+$0x100]  }
0x6e: {  	v4 =	vbroadcast v4, $0x0;
	v12 =	vbroadcast v7, $0x0;
	v7 =	vmov s23;
	s23 =	sor.u32 $0x20, s14;
	v35 =	vld [tilespmem:s1+$0x0]  }
0x6f: {  	v5 =	vbroadcast v5, $0x0;
	s11 =	sor.u32 s23, s0;
	v36 =	vld [tilespmem:s1+$0x80]  }
0x70: {  	v6 =	vbroadcast v6, $0x0;
	v17 =	vld [tilespmem:s11+$0x280]  }
0x71: {  	v19 =	vld [tilespmem:s11+$0x200]  }
0x72: {  	v14 =	vld [tilespmem:s11+$0x180]  }
0x73: {  	v10 =	vld.idx.msk [tilespmem:v3+s15+$0x0], $0xffff  }
0x74: {  	s25 =	sor.u32 $0x7, s13;
	v11 =	vld.idx.msk [tilespmem:v4+s15+$0x0], $0xffff  }
0x75: {  	v3 =	vbroadcast v7, $0x0;
	v7 =	vmov s25;
	v8 =	vld.idx.msk [tilespmem:v5+s15+$0x0], $0xffff  }
0x76: {  	v13 =	vbroadcast v7, $0x0;
	v7 =	vld.idx.msk [tilespmem:v6+s15+$0x0], $0xffff  }
0x77: {  	v6 =	vld.idx.msk [tilespmem:v9+s15+$0x0], $0xffff  }
0x78: {  	v9 =	vld [tilespmem:s11+$0x380]  }
0x79: {  	v5 =	vld.idx.msk [tilespmem:v12+s15+$0x0], $0xffff  }
0x7a: {  	v12 =	vld [tilespmem:s1+$0x200]  }
0x7b: {  	v4 =	vld.idx.msk [tilespmem:v3+s15+$0x0], $0xffff  }
0x7c: {  	s5 =	sor.u32 $0x10, s14;
	v3 =	vld.idx.msk [tilespmem:v13+s15+$0x0], $0xffff  }
0x7d: {  	v13 =	vld [tilespmem:s1+$0x280];
	s1 =	sor.u32 s5, s0  }
0x7e: {  	s12 =	simm.s32 $0x200;
	s25 =	sor.u32 $0x30, s14;
	v18 =	vld [tilespmem:s1+$0x380]  }
.LBB2_3:
0x7f: {  	p0 =	sne.s32 s12, $0x1E00;
	v20 =	vld [tilespmem:s11+$0x100];
	s16 =	sor.u32 s25, s0  }
0x80: {  	v21 =	vld [tilespmem:s16+$0x0]  }
0x81: {  	v22 =	vmul.f32 v15, v3;
	v15 =	vld [tilespmem:s11+$0x0]  }
0x82: {  	v13 =	vmul.f32 v13, v5;
	v16 =	vmul.f32 v16, v4;
	v23 =	vld [tilespmem:s1+$0x0]  }
0x83: {  	v24 =	vmul.f32 v30, v7;
	v12 =	vmul.f32 v12, v6;
	v25 =	vld [tilespmem:s1+$0x80]  }
0x84: {  	v26 =	vmul.f32 v35, v10;
	v27 =	vmul.f32 v31, v8;
	v28 =	vld [tilespmem:s11+$0x80]  }
0x85: {  	v29 =	vmul.f32 v36, v11;
	v18 =	vmul.f32 v18, v3;
	v30 =	vld [tilespmem:s1+$0x100]  }
0x86: {  	v17 =	vmul.f32 v17, v5;
	v19 =	vmul.f32 v19, v6;
	v31 =	vld [tilespmem:s16+$0x80]  }
0x87: {  	v14 =	vmul.f32 v14, v7;
	v20 =	vmul.f32 v20, v8;
	v32 =	vld [tilespmem:s1+$0x180]  }
0x88: {  	v26 =	vadd.f32 v29, v26;
	v23 =	vmul.f32 v23, v10;
	v25 =	vmul.f32 v25, v11;
	v29 =	vld [tilespmem:s16+$0x100]  }
0x89: {  	v15 =	vmul.f32 v15, v10;
	v33 =	vld [tilespmem:s1+$0x200];
	v28 =	vmul.f32 v28, v11  }
0x8a: {  	v26 =	vadd.f32 v27, v26;
	v23 =	vadd.f32 v25, v23;
	v25 =	vmul.f32 v30, v8;
	v27 =	vld [tilespmem:s16+$0x180]  }
0x8b: {  	v21 =	vmul.f32 v21, v10;
	v30 =	vld [tilespmem:s1+$0x280];
	v15 =	vadd.f32 v28, v15;
	v28 =	vmul.f32 v31, v11  }
0x8c: {  	v24 =	vadd.f32 v24, v26;
	v23 =	vadd.f32 v25, v23;
	v25 =	vmul.f32 v32, v7;
	v26 =	vld [tilespmem:s16+$0x200]  }
0x8d: {  	v31 =	vld [tilespmem:s1+$0x300];
	v15 =	vadd.f32 v20, v15;
	v20 =	vadd.f32 v28, v21;
	v21 =	vmul.f32 v29, v8  }
0x8e: {  	s0 =	sshrl.u32 s21, $0x2;
	v12 =	vadd.f32 v12, v24;
	v23 =	vadd.f32 v25, v23;
	v24 =	vmul.f32 v33, v6;
	v25 =	vld [tilespmem:s16+$0x280]  }
0x8f: {  	s1 =	sor.u32 $0x5000, s0;
	v14 =	vadd.f32 v14, v15;
	v28 =	vld [tilespmem:s11+$0x300];
	v15 =	vadd.f32 v21, v20;
	v20 =	vmul.f32 v27, v7  }
0x90: {  	v12 =	vadd.f32 v13, v12;
	s0 =	sor.u32 s14, s1;
	v13 =	vadd.f32 v24, v23;
	v21 =	vmul.f32 v30, v5;
	v23 =	vld [tilespmem:s16+$0x300]  }
0x91: {  	s21 =	sand.u32 $0x1C00, s12;
	s10 =	sadd.s32 $0x40, s10;
	v24 =	vld [tilespmem:s0+$0x0];
	v14 =	vadd.f32 v19, v14;
	v15 =	vadd.f32 v20, v15;
	v19 =	vmul.f32 v26, v6  }
0x92: {  	v12 =	vadd.f32 v16, v12;
	s14 =	sand.u32 $0x40, s10;
	s5 =	sor.u32 s5, s1;
	s0 =	sadd.s32 $0x1000, s21;
	v13 =	vadd.f32 v21, v13;
	v16 =	vmul.f32 v31, v4;
	v20 =	vld [tilespmem:s16+$0x380]  }
0x93: {  	s11 =	sor.u32 s14, s0;
	v21 =	vld [tilespmem:s5+$0x0];
	v14 =	vadd.f32 v17, v14;
	v17 =	vadd.f32 v19, v15;
	v19 =	vmul.f32 v25, v5  }
0x94: {  	v12 =	vadd.f32 v22, v12;
	s5 =	sor.u32 s23, s1;
	v15 =	vld [tilespmem:s11+$0x380];
	v13 =	vadd.f32 v16, v13;
	v22 =	vmul.f32 v28, v4  }
0x95: {  	v9 =	vmul.f32 v9, v3;
	v25 =	vld [tilespmem:s5+$0x0];
	v17 =	vadd.f32 v19, v17;
	v19 =	vmul.f32 v23, v4  }
0x96: {  	s1 =	sor.u32 s25, s1;
	v16 =	vld [tilespmem:s11+$0x300];
	v12 =	vmul.f32 v12, v24;
	v18 =	vadd.f32 v18, v13;
	v14 =	vadd.f32 v22, v14  }
0x97: {  	v17 =	vadd.f32 v19, v17;
	v19 =	vmul.f32 v20, v3;
	v20 =	vld [tilespmem:s1+$0x0]  }
0x98: {  	v13 =	vld [tilespmem:s11+$0x280];
	v2 =	vadd.f32 v12, v2;
	v18 =	vmul.f32 v18, v21;
	v9 =	vadd.f32 v9, v14  }
0x99: {  	v12 =	vld [tilespmem:s11+$0x200]  }
0x9a: {  	v14 =	vadd.f32 v19, v17;
	v30 =	vld [tilespmem:s11+$0x180];
	v2 =	vadd.f32 v18, v2;
	v9 =	vmul.f32 v9, v25  }
0x9b: {  	v31 =	vld [tilespmem:s11+$0x100]  }
0x9c: {  	s23 =	sor.u32 $0x20, s14;
	v35 =	vld [tilespmem:s11+$0x0];
	v2 =	vadd.f32 v9, v2;
	v14 =	vmul.f32 v14, v20  }
0x9d: {  	s5 =	sor.u32 $0x10, s14;
	v36 =	vld [tilespmem:s11+$0x80];
	s11 =	sor.u32 s23, s0  }
.Ltmp2:
0x9e: {  	s1 =	sor.u32 s5, s0;
	v9 =	vld [tilespmem:s11+$0x380];
	v2 =	vadd.f32 v14, v2;
	(pc) =	sbr.rel @p0 .LBB2_3-.Ltmp2, $4  }
0x9f: {  	v18 =	vld [tilespmem:s1+$0x380]  }
0xa0: {  	v17 =	vld [tilespmem:s11+$0x280]  }
0xa1: {  	v19 =	vld [tilespmem:s11+$0x200]  }
0xa2: {  	s12 =	sadd.s32 $0x200, s12;
	s25 =	sor.u32 $0x30, s14;
	v14 =	vld [tilespmem:s11+$0x180]  }
0xa3: {  	v37 =	vld [tilespmem:s11+$0x100]  }
0xa4: {  	v39 =	vld [tilespmem:s11+$0x0]  }
0xa5: {  	v40 =	vld [tilespmem:s1+$0x0]  }
0xa6: {  	v41 =	vld [tilespmem:s1+$0x80]  }
0xa7: {  	s12 =	sshll.u32 s6, $0x1;
	p0 =	seq.s32 s6, $0x7F;
	v42 =	vld [tilespmem:s11+$0x80]  }
0xa8: {  	v43 =	vld [tilespmem:s1+$0x100];
	s10 =	sadd.s32 @!p0 $0x2, s12  }
0xa9: {  	v45 =	vld [tilespmem:s1+$0x180];
	s16 =	sshll.u32 @!p0 s10, $0x3  }
0xaa: {  	v34 =	vld [tilespmem:s1+$0x200];
	s16 =	sand.u32 @!p0 $0x3FFFFFF8, s16  }
0xab: {  	v20 =	vld.msk @!p0 [tilespmem:s16+$0x0], $0xff  }
0xac: {  	v29 =	vld [tilespmem:s1+$0x280]  }
0xad: {  	v24 =	vld [tilespmem:s1+$0x300]  }
0xae: {  	s0 =	sor.u32 s25, s0;
	v27 =	vld [tilespmem:s11+$0x300]  }
0xaf: {  	v38 =	vld [tilespmem:s0+$0x0]  }
0xb0: {  	v44 =	vld [tilespmem:s0+$0x80];
	v21 =	vshll.u32 @!p0 v20, $0x3  }
0xb1: {  	v46 =	vld [tilespmem:s0+$0x100];
	v22 =	vlaneseq.u32 @!p0;
	v20 =	vand.u32 @!p0 $0x7, v20;
	v21 =	vand.u32 @!p0 $0xFFFFFFC0, v21  }
0xb2: {  	v33 =	vld [tilespmem:s0+$0x180];
	v20 =	vor.u32 @!p0 v20, v21;
	v21 =	vand.u32 @!p0 $0x7, v22;
	v22 =	vshrl.u32 @!p0 v22, $0x3  }
0xb3: {  	v32 =	vld [tilespmem:s0+$0x200];
	v20 =	vperm.xlane @!p0 v20, v21;
	v21 =	vmul.u32 @!p0 $0x8, v22  }
0xb4: {  	v25 =	vld [tilespmem:s0+$0x280];
	s16 =	sshrl.u32 s21, $0x2  }
0xb5: {  	v28 =	vld [tilespmem:s0+$0x300];
	s1 =	sor.u32 $0x5000, s16;
	v47 =	vadd.s32 @!p0 v21, v20  }
0xb6: {  	v23 =	vld [tilespmem:s0+$0x380];
	s21 =	sor.u32 s14, s1  }
0xb7: {  	s5 =	sor.u32 s5, s1;
	v26 =	vld [tilespmem:s21+$0x0]  }
0xb8: {  	s14 =	sor.u32 s23, s1;
	v22 =	vld [tilespmem:s5+$0x0]  }
0xb9: {  	vm1 =	vmmov @!p0 $0xffff;
	s0 =	simm.s32 @!p0 $0x0;
	s16 =	sor.u32 s25, s1;
	s1 =	simm.s32 @!p0 $0x1000;
	v21 =	vld [tilespmem:s14+$0x0]  }
0xba: {  	v20 =	vld [tilespmem:s16+$0x0];
	[tilespmem:s1], [sflag:$0x1] =	stream.indirect_vreg.gather @!p0 [hbm4b:s4+s0], $0x80, v47, vm1, $0xb8  }
0xbb: {  	s1 =	simm.s32 @!p0 $0x1800  }
0xbc: {  	[tilespmem:s1], [sflag:$0x1] =	stream.indirect_vreg.gather @!p0 [hbm4b:s7+s0], $0x80, v47, vm1, $0xb8;
	[tilespmem:$0x5880] =	vst v63  }
0xbd: {  	s1 =	simm.s32 @!p0 $0x2000  }
0xbe: {  	[tilespmem:s1], [sflag:$0x1] =	stream.indirect_vreg.gather @!p0 [hbm4b:s8+s0], $0x80, v47, vm1, $0xb8;
	[tilespmem:$0x5880] =	vst v63  }
0xbf: {  	s1 =	simm.s32 @!p0 $0x2800  }
0xc0: {  	[tilespmem:s1], [sflag:$0x1] =	stream.indirect_vreg.gather @!p0 [hbm4b:s9+s0], $0x80, v47, vm1, $0xb8;
	[tilespmem:$0x5880] =	vst v63  }
0xc1: {  	s5 =	sshll.u32 @!p0 s10, $0x4;
	s1 =	sadd.s32 @!p0 s3, s10  }
0xc2: {  	s5 =	sand.u32 @!p0 $0x60, s5;
	s1 =	sshll.u32 @!p0 s1, $0x7  }
0xc3: {  	s5 =	sadd.s32 @!p0 s4, s5;
	s1 =	sand.u32 @!p0 $0xFFFFC00, s1  }
0xc4: {  	s1 =	sadd.s32 @!p0 s1, s5;
	s5 =	simm.s32 @!p0 $0x5000  }
0xc5: {  	[tilespmem:s5], [sflag:$0x1] =	stream.linear.gather @!p0 [hbm4b:s1+s0], $0x80, $0x38;
	[tilespmem:$0x5880] =	vst v63  }
0xc6: {  	s10 =	simm.s32 @!p0 $0x5100;
	s5 =	sadd.s32 @!p0 $0x80, s1  }
0xc7: {  	[tilespmem:s10], [sflag:$0x1] =	stream.linear.gather @!p0 [hbm4b:s5+s0], $0x80, $0x38;
	[tilespmem:$0x5880] =	vst v63  }
0xc8: {  	s5 =	sadd.s32 @!p0 $0x100, s1;
	s10 =	simm.s32 @!p0 $0x5200  }
0xc9: {  	[tilespmem:s10], [sflag:$0x1] =	stream.linear.gather @!p0 [hbm4b:s5+s0], $0x80, $0x38;
	[tilespmem:$0x5880] =	vst v63  }
0xca: {  	v35 =	vmul.f32 v35, v10;
	v36 =	vmul.f32 v36, v11;
	s5 =	sadd.s32 @!p0 $0x180, s1;
	s10 =	simm.s32 @!p0 $0x5300  }
0xcb: {  	v30 =	vmul.f32 v30, v7;
	v31 =	vmul.f32 v31, v8;
	[tilespmem:s10], [sflag:$0x1] =	stream.linear.gather @!p0 [hbm4b:s5+s0], $0x80, $0x38;
	[tilespmem:$0x5880] =	vst v63  }
0xcc: {  	s11 =	sor.u32 $0xE, s13;
	v51 =	vmul.f32 v12, v6;
	v54 =	vmul.f32 v13, v5;
	s5 =	sadd.s32 @!p0 $0x200, s1;
	s10 =	simm.s32 @!p0 $0x5400  }
0xcd: {  	v57 =	vmul.f32 v15, v3;
	v15 =	vmul.f32 v16, v4;
	[tilespmem:s10], [sflag:$0x1] =	stream.linear.gather @!p0 [hbm4b:s5+s0], $0x80, $0x38;
	[tilespmem:$0x5880] =	vst v63  }
0xce: {  	v35 =	vadd.f32 v36, v35;
	v58 =	vmul.f32 v40, v10;
	v59 =	vmul.f32 v41, v11;
	s23 =	sor.u32 $0x9, s13;
	s5 =	sadd.s32 @!p0 $0x280, s1;
	s10 =	simm.s32 @!p0 $0x5500  }
0xcf: {  	v50 =	vmov s11;
	v60 =	vmul.f32 v39, v10;
	v61 =	vmul.f32 v42, v11;
	[tilespmem:s10], [sflag:$0x1] =	stream.linear.gather @!p0 [hbm4b:s5+s0], $0x80, $0x38;
	[tilespmem:$0x5880] =	vst v63  }
0xd0: {  	v31 =	vadd.f32 v31, v35;
	v37 =	vmul.f32 v37, v8;
	v62 =	vmul.f32 v43, v8;
	s21 =	sor.u32 $0x8, s13;
	s5 =	sadd.s32 @!p0 $0x300, s1;
	s10 =	simm.s32 @!p0 $0x5600  }
0xd1: {  	v10 =	vmul.f32 v38, v10;
	v11 =	vmul.f32 v44, v11;
	v36 =	vadd.f32 v59, v58;
	[tilespmem:s10], [sflag:$0x1] =	stream.linear.gather @!p0 [hbm4b:s5+s0], $0x80, $0x38;
	[tilespmem:$0x5880] =	vst v63  }
0xd2: {  	s25 =	sor.u32 $0xA, s13;
	v35 =	vadd.f32 v61, v60;
	v43 =	vmov s23;
	v42 =	vmov s21;
	s1 =	sadd.s32 @!p0 $0x380, s1;
	s5 =	simm.s32 @!p0 $0x5700  }
0xd3: {  	v44 =	vmov s25;
	v63 =	vadd.f32 v62, v36;
	v36 =	vand.u32 $0xFFFFFFF8, v42;
	[tilespmem:s5], [sflag:$0x1] =	stream.linear.gather @!p0 [hbm4b:s1+s0], $0x80, $0x38;
	[tilespmem:$0x5880] =	vst v63  }
0xd4: {  	v35 =	vadd.f32 v37, v35;
	v37 =	vand.u32 $0xFFFFFFF9, v43;
	v36 =	vbroadcast v36, $0x0;
	s10 =	sor.u32 $0xD, s13;
	_ =	swait.ge [sflag:s31], $0x2000  }
0xd5: {  	v38 =	vand.u32 $0xFFFFFFFA, v44;
	v37 =	vbroadcast v37, $0x0;
	v49 =	vmov s10;
	[sflag:s31] =	ssyncset.done $0x0  }
0xd6: {  	v18 =	vmul.f32 v18, v3;
	v38 =	vbroadcast v38, $0x0;
	v41 =	vand.u32 $0xFFFFFFFD, v49;
	[sflag:s31] =	ssyncadd.s32 $0xFFFFE000  }
0xd7: {  	v17 =	vmul.f32 v17, v5;
	v42 =	vand.u32 $0xFFFFFFFE, v50;
	v41 =	vbroadcast v41, $0x0;
	_ =	swait.ge [sflag:s31], $0x400  }
0xd8: {  	v19 =	vmul.f32 v19, v6;
	v30 =	vadd.f32 v30, v31;
	v52 =	vbroadcast v42, $0x0;
	[sflag:s31] =	ssyncset.done $0x0  }
0xd9: {  	v8 =	vmul.f32 v46, v8;
	v10 =	vadd.f32 v11, v10;
	v11 =	vmul.f32 v45, v7;
	s14 =	sor.u32 $0xF, s13;
	[sflag:s31] =	ssyncadd.s32 $0xFFFFFC00  }
0xda: {  	v53 =	vmul.f32 v14, v7;
	v30 =	vadd.f32 v51, v30;
	v55 =	vmov s14;
	v12 =	vld.idx.msk [tilespmem:v36+s15+$0x0], $0xffff  }
0xdb: {  	v56 =	vadd.f32 v8, v10;
	v8 =	vmul.f32 v34, v6;
	v31 =	vadd.f32 v11, v63;
	v14 =	vld.idx.msk [tilespmem:v37+s15+$0x0], $0xffff  }
0xdc: {  	v16 =	vmul.f32 v29, v5;
	s25 =	simm.s32 $0x0;
	v30 =	vadd.f32 v54, v30;
	v35 =	vadd.f32 v53, v35;
	v13 =	vld.idx.msk [tilespmem:v38+s15+$0x0], $0xffff  }
0xdd: {  	v32 =	vmul.f32 v32, v6;
	v7 =	vmul.f32 v33, v7;
	s21 =	sand.u32 $0x1C00, s25;
	v31 =	vadd.f32 v8, v31;
	s1 =	sor.u32 $0xB, s13;
	v8 =	vld.idx.msk [tilespmem:v41+s15+$0x0], $0xffff  }
0xde: {  	v30 =	vadd.f32 v15, v30;
	v19 =	vadd.f32 v19, v35;
	s5 =	sor.u32 $0xC, s13;
	s13 =	sand.u32 $0x40, s25;
	v47 =	vmov s1;
	s1 =	sadd.s32 $0x3000, s21;
	v6 =	vld.idx.msk [tilespmem:v52+s15+$0x0], $0xffff  }
0xdf: {  	v24 =	vmul.f32 v24, v4;
	v58 =	vadd.f32 v7, v56;
	v16 =	vadd.f32 v16, v31;
	s16 =	sor.u32 s13, s1;
	v7 =	vld.idx.msk [tilespmem:v55+s15+$0x0], $0xffff  }
0xe0: {  	v27 =	vmul.f32 v27, v4;
	v59 =	vadd.f32 v57, v30;
	v17 =	vadd.f32 v17, v19;
	v15 =	vld [tilespmem:s16+$0x380]  }
0xe1: {  	v25 =	vmul.f32 v25, v5;
	v19 =	vadd.f32 v32, v58;
	v24 =	vadd.f32 v24, v16;
	v5 =	vld [tilespmem:s16+$0x300]  }
0xe2: {  	v60 =	vmul.f32 v9, v3;
	v61 =	vmul.f32 v59, v26;
	v16 =	vld [tilespmem:s16+$0x280]  }
0xe3: {  	v9 =	vadd.f32 v25, v19;
	v19 =	vmul.f32 v28, v4;
	v18 =	vadd.f32 v18, v24;
	v4 =	vld [tilespmem:s16+$0x200]  }
0xe4: {  	v3 =	vmul.f32 v23, v3;
	v62 =	vadd.f32 v27, v17;
	v17 =	vld [tilespmem:s16+$0x180]  }
0xe5: {  	v2 =	vadd.f32 v61, v2;
	v63 =	vadd.f32 v19, v9;
	v22 =	vmul.f32 v18, v22;
	v9 =	vld [tilespmem:s16+$0x100]  }
0xe6: {  	v23 =	vadd.f32 v60, v62;
	v48 =	vmov s5;
	s23 =	sor.u32 $0x20, s13;
	v39 =	vand.u32 $0xFFFFFFFB, v47;
	v18 =	vld [tilespmem:s16+$0x0]  }
0xe7: {  	v2 =	vadd.f32 v22, v2;
	s10 =	sor.u32 $0x10, s13;
	v40 =	vand.u32 $0xFFFFFFFC, v48;
	s11 =	sor.u32 s23, s1;
	v39 =	vbroadcast v39, $0x0;
	v19 =	vld [tilespmem:s16+$0x80]  }
0xe8: {  	v22 =	vmul.f32 v23, v21;
	v23 =	vadd.f32 v3, v63;
	s0 =	sor.u32 s10, s1;
	v40 =	vbroadcast v40, $0x0;
	v3 =	vld [tilespmem:s11+$0x380]  }
0xe9: {  	v21 =	vld [tilespmem:s0+$0x380]  }
0xea: {  	v2 =	vadd.f32 v22, v2;
	v20 =	vmul.f32 v23, v20;
	v22 =	vld [tilespmem:s11+$0x280]  }
0xeb: {  	v23 =	vld [tilespmem:s11+$0x200]  }
0xec: {  	v2 =	vadd.f32 v20, v2;
	v20 =	vld [tilespmem:s11+$0x180]  }
0xed: {  	v11 =	vld.idx.msk [tilespmem:v39+s15+$0x0], $0xffff  }
0xee: {  	s14 =	sor.u32 $0x30, s13;
	s5 =	simm.s32 $0x200;
	v10 =	vld.idx.msk [tilespmem:v40+s15+$0x0], $0xffff  }
.LBB2_5:
0xef: {  	p1 =	sne.s32 s5, $0x1E00;
	v24 =	vld [tilespmem:s11+$0x100];
	s16 =	sor.u32 s14, s1  }
0xf0: {  	v25 =	vld [tilespmem:s16+$0x0]  }
0xf1: {  	v26 =	vmul.f32 v15, v7;
	v15 =	vld [tilespmem:s11+$0x0]  }
0xf2: {  	v16 =	vmul.f32 v16, v8;
	v5 =	vmul.f32 v5, v6;
	v27 =	vld [tilespmem:s0+$0x0]  }
0xf3: {  	v17 =	vmul.f32 v17, v11;
	v4 =	vmul.f32 v4, v10;
	v28 =	vld [tilespmem:s0+$0x80]  }
0xf4: {  	v18 =	vmul.f32 v18, v12;
	v9 =	vmul.f32 v9, v13;
	v29 =	vld [tilespmem:s11+$0x80]  }
0xf5: {  	v19 =	vmul.f32 v19, v14;
	v21 =	vmul.f32 v21, v7;
	v30 =	vld [tilespmem:s0+$0x100]  }
0xf6: {  	v22 =	vmul.f32 v22, v8;
	v23 =	vmul.f32 v23, v10;
	v31 =	vld [tilespmem:s16+$0x80]  }
0xf7: {  	v20 =	vmul.f32 v20, v11;
	v24 =	vmul.f32 v24, v13;
	v32 =	vld [tilespmem:s0+$0x180]  }
0xf8: {  	v18 =	vadd.f32 v19, v18;
	v19 =	vmul.f32 v27, v12;
	v27 =	vmul.f32 v28, v14;
	v28 =	vld [tilespmem:s16+$0x100]  }
0xf9: {  	v15 =	vmul.f32 v15, v12;
	v33 =	vld [tilespmem:s0+$0x200];
	v29 =	vmul.f32 v29, v14  }
0xfa: {  	v9 =	vadd.f32 v9, v18;
	v18 =	vadd.f32 v27, v19;
	v19 =	vmul.f32 v30, v13;
	v27 =	vld [tilespmem:s16+$0x180]  }
0xfb: {  	v25 =	vmul.f32 v25, v12;
	v30 =	vld [tilespmem:s0+$0x280];
	v15 =	vadd.f32 v29, v15;
	v29 =	vmul.f32 v31, v14  }
0xfc: {  	v9 =	vadd.f32 v17, v9;
	v17 =	vadd.f32 v19, v18;
	v18 =	vmul.f32 v32, v11;
	v19 =	vld [tilespmem:s16+$0x200]  }
0xfd: {  	v31 =	vld [tilespmem:s0+$0x300];
	v15 =	vadd.f32 v24, v15;
	v24 =	vadd.f32 v29, v25;
	v25 =	vmul.f32 v28, v13  }
0xfe: {  	v4 =	vadd.f32 v4, v9;
	s0 =	sshrl.u32 s21, $0x2;
	v9 =	vadd.f32 v18, v17;
	v17 =	vmul.f32 v33, v10;
	v18 =	vld [tilespmem:s16+$0x280]  }
0xff: {  	s0 =	sor.u32 $0x5000, s0;
	v15 =	vadd.f32 v20, v15;
	v20 =	vld [tilespmem:s11+$0x300];
	v24 =	vadd.f32 v25, v24;
	v25 =	vmul.f32 v27, v11  }
0x100: {  	v4 =	vadd.f32 v16, v4;
	s1 =	sor.u32 s13, s0;
	v9 =	vadd.f32 v17, v9;
	v16 =	vmul.f32 v30, v8;
	v17 =	vld [tilespmem:s16+$0x300]  }
0x101: {  	s25 =	sadd.s32 $0x40, s25;
	s21 =	sand.u32 $0x1C00, s5;
	v27 =	vld [tilespmem:s1+$0x80];
	v15 =	vadd.f32 v23, v15;
	v23 =	vadd.f32 v25, v24;
	v19 =	vmul.f32 v19, v10  }
0x102: {  	v4 =	vadd.f32 v5, v4;
	s13 =	sand.u32 $0x40, s25;
	s10 =	sor.u32 s10, s0;
	s1 =	sadd.s32 $0x3000, s21;
	v5 =	vadd.f32 v16, v9;
	v9 =	vmul.f32 v31, v6;
	v16 =	vld [tilespmem:s16+$0x380]  }
0x103: {  	s11 =	sor.u32 s13, s1;
	v24 =	vld [tilespmem:s10+$0x80];
	v22 =	vadd.f32 v22, v15;
	v19 =	vadd.f32 v19, v23;
	v18 =	vmul.f32 v18, v8  }
0x104: {  	v4 =	vadd.f32 v26, v4;
	s10 =	sor.u32 s23, s0;
	v15 =	vld [tilespmem:s11+$0x380];
	v9 =	vadd.f32 v9, v5;
	v20 =	vmul.f32 v20, v6  }
0x105: {  	v3 =	vmul.f32 v3, v7;
	v23 =	vld [tilespmem:s10+$0x80];
	v18 =	vadd.f32 v18, v19;
	v17 =	vmul.f32 v17, v6  }
0x106: {  	s0 =	sor.u32 s14, s0;
	v5 =	vld [tilespmem:s11+$0x300];
	v4 =	vmul.f32 v4, v27;
	v9 =	vadd.f32 v21, v9;
	v19 =	vadd.f32 v20, v22  }
0x107: {  	v18 =	vadd.f32 v17, v18;
	v20 =	vmul.f32 v16, v7;
	v21 =	vld [tilespmem:s0+$0x80]  }
0x108: {  	v16 =	vld [tilespmem:s11+$0x280];
	v2 =	vadd.f32 v4, v2;
	v9 =	vmul.f32 v9, v24;
	v3 =	vadd.f32 v3, v19  }
0x109: {  	v4 =	vld [tilespmem:s11+$0x200]  }
0x10a: {  	v19 =	vadd.f32 v20, v18;
	v17 =	vld [tilespmem:s11+$0x180];
	v2 =	vadd.f32 v9, v2;
	v3 =	vmul.f32 v3, v23  }
0x10b: {  	v9 =	vld [tilespmem:s11+$0x100]  }
0x10c: {  	s23 =	sor.u32 $0x20, s13;
	v18 =	vld [tilespmem:s11+$0x0];
	v2 =	vadd.f32 v3, v2;
	v20 =	vmul.f32 v19, v21  }
0x10d: {  	s10 =	sor.u32 $0x10, s13;
	v19 =	vld [tilespmem:s11+$0x80];
	s11 =	sor.u32 s23, s1  }
.Ltmp3:
0x10e: {  	s0 =	sor.u32 s10, s1;
	v3 =	vld [tilespmem:s11+$0x380];
	v2 =	vadd.f32 v20, v2;
	(pc) =	sbr.rel @p1 .LBB2_5-.Ltmp3, $4  }
0x10f: {  	v21 =	vld [tilespmem:s0+$0x380]  }
0x110: {  	v22 =	vld [tilespmem:s11+$0x280]  }
0x111: {  	v23 =	vld [tilespmem:s11+$0x200]  }
0x112: {  	s5 =	sadd.s32 $0x200, s5;
	s14 =	sor.u32 $0x30, s13;
	v20 =	vld [tilespmem:s11+$0x180]  }
0x113: {  	v24 =	vld [tilespmem:s11+$0x100]  }
0x114: {  	v26 =	vld [tilespmem:s11+$0x0]  }
0x115: {  	v27 =	vld [tilespmem:s0+$0x0]  }
0x116: {  	v15 =	vmul.f32 v15, v7;
	v16 =	vmul.f32 v16, v8;
	v28 =	vld [tilespmem:s0+$0x80]  }
0x117: {  	v5 =	vmul.f32 v5, v6;
	v17 =	vmul.f32 v17, v11;
	v29 =	vld [tilespmem:s11+$0x80]  }
0x118: {  	s1 =	sor.u32 s14, s1;
	v4 =	vmul.f32 v4, v10;
	v18 =	vmul.f32 v18, v12;
	v30 =	vld [tilespmem:s0+$0x100]  }
0x119: {  	v9 =	vmul.f32 v9, v13;
	v19 =	vmul.f32 v19, v14;
	v25 =	vld [tilespmem:s1+$0x0]  }
0x11a: {  	v21 =	vmul.f32 v21, v7;
	v31 =	vld [tilespmem:s1+$0x80];
	v22 =	vmul.f32 v22, v8  }
0x11b: {  	v32 =	vld [tilespmem:s0+$0x180];
	v18 =	vadd.f32 v19, v18;
	v23 =	vmul.f32 v23, v10;
	v20 =	vmul.f32 v20, v11  }
0x11c: {  	v60 =	vld [tilespmem:s1+$0x100];
	v58 =	vmul.f32 v27, v12;
	v59 =	vmul.f32 v28, v14  }
0x11d: {  	v33 =	vld [tilespmem:s0+$0x200];
	v9 =	vadd.f32 v9, v18;
	v24 =	vmul.f32 v24, v13;
	v26 =	vmul.f32 v26, v12  }
0x11e: {  	v63 =	vld [tilespmem:s1+$0x180];
	v29 =	vmul.f32 v29, v14;
	v62 =	vmul.f32 v30, v13;
	v61 =	vadd.f32 v59, v58  }
0x11f: {  	v34 =	vld [tilespmem:s0+$0x280];
	v35 =	vmul.f32 v25, v12;
	v36 =	vmul.f32 v31, v14;
	v9 =	vadd.f32 v17, v9  }
0x120: {  	v39 =	vld [tilespmem:s1+$0x200];
	v38 =	vmul.f32 v32, v11;
	v26 =	vadd.f32 v29, v26;
	v37 =	vadd.f32 v62, v61  }
0x121: {  	v40 =	vld [tilespmem:s0+$0x300];
	v41 =	vmul.f32 v60, v13;
	v12 =	vadd.f32 v36, v35;
	v4 =	vadd.f32 v4, v9  }
0x122: {  	s16 =	sshrl.u32 s21, $0x2;
	v44 =	vld [tilespmem:s1+$0x280];
	v43 =	vmul.f32 v33, v10;
	v24 =	vadd.f32 v24, v26;
	v42 =	vadd.f32 v38, v37  }
0x123: {  	v46 =	vld [tilespmem:s11+$0x300];
	s0 =	sor.u32 $0x5000, s16;
	v47 =	vmul.f32 v63, v11;
	v12 =	vadd.f32 v41, v12;
	v4 =	vadd.f32 v16, v4  }
0x124: {  	v49 =	vld [tilespmem:s1+$0x300];
	s5 =	sor.u32 s13, s0;
	v48 =	vmul.f32 v34, v8;
	v45 =	vadd.f32 v20, v24;
	v9 =	vadd.f32 v43, v42  }
0x125: {  	v50 =	vld [tilespmem:s5+$0x80];
	v51 =	vmul.f32 v39, v10;
	v11 =	vadd.f32 v47, v12;
	v4 =	vadd.f32 v5, v4  }
0x126: {  	v54 =	vld [tilespmem:s1+$0x380];
	s21 =	sor.u32 s10, s0;
	v53 =	vmul.f32 v40, v6;
	v18 =	vadd.f32 v23, v45;
	v52 =	vadd.f32 v48, v9  }
0x127: {  	v55 =	vld [tilespmem:s21+$0x80];
	v56 =	vmul.f32 v44, v8;
	v10 =	vadd.f32 v51, v11;
	v4 =	vadd.f32 v15, v4  }
0x128: {  	s25 =	sor.u32 s23, s0;
	v57 =	vmul.f32 v46, v6;
	v18 =	vadd.f32 v22, v18;
	v5 =	vadd.f32 v53, v52  }
0x129: {  	v3 =	vmul.f32 v3, v7;
	v58 =	vld [tilespmem:s25+$0x80];
	v59 =	vmul.f32 v49, v6;
	v8 =	vadd.f32 v56, v10  }
0x12a: {  	s0 =	sor.u32 s14, s0;
	v4 =	vmul.f32 v4, v50;
	v9 =	vadd.f32 v57, v18;
	v5 =	vadd.f32 v21, v5  }
0x12b: {  	v60 =	vmul.f32 v54, v7;
	v61 =	vld [tilespmem:s0+$0x80];
	v6 =	vadd.f32 v59, v8  }
0x12c: {  	v2 =	vadd.f32 v4, v2;
	v3 =	vadd.f32 v3, v9;
	v62 =	vmul.f32 v5, v55;
	_ =	sdelay $0x1  }
0x12d: {  	v63 =	vadd.f32 v60, v6;
	v3 =	vmul.f32 v3, v58;
	v2 =	vadd.f32 v62, v2  }
.Ltmp4:
0x12e: {  	_ = 	snop;
	(pc) =	sbr.rel @p0 .LBB2_8-.Ltmp4, $2  }
0x12f: {  	v2 =	vadd.f32 v3, v2;
	v3 =	vmul.f32 v63, v61;
	_ =	sdelay $0x1  }
0x130: {  	v2 =	vadd.f32 v3, v2;
	_ =	sdelay $0x1  }
0x131: {  	s0 =	sadd.s32 $0x3, s12  }
0x132: {  	s1 =	sshll.u32 s0, $0x3  }
0x133: {  	s1 =	sand.u32 $0x3FFFFFF8, s1  }
0x134: {  	v3 =	vld.msk [tilespmem:s1+$0x0], $0xff;
	_ =	sdelay $0x4  }
0x135: {  	v4 =	vshll.u32 v3, $0x3  }
0x136: {  	v3 =	vand.u32 $0x7, v3;
	v4 =	vand.u32 $0xFFFFFFC0, v4  }
0x137: {  	v3 =	vor.u32 v3, v4  }
0x138: {  	v3 =	vperm.xlane v3, v0;
	_ =	sdelay $0x1  }
0x139: {  	v3 =	vadd.s32 v1, v3;
	_ =	sdelay $0x3  }
0x13a: {  	s10 =	simm.s32 $0x3000  }
0x13b: {  	[tilespmem:s10], [sflag:$0x2] =	stream.indirect_vreg.gather [hbm4b:s4+s2], $0x80, v3, vm0, $0xb8;
	[tilespmem:$0x5880] =	vst v63  }
0x13c: {  	s11 =	simm.s32 $0x3800;
	s13 =	sadd.s32 s3, s0;
	s0 =	sshll.u32 s0, $0x4  }
0x13d: {  	[tilespmem:s11], [sflag:$0x2] =	stream.indirect_vreg.gather [hbm4b:s7+s2], $0x80, v3, vm0, $0xb8;
	[tilespmem:$0x5880] =	vst v63  }
0x13e: {  	s12 =	simm.s32 $0x4000;
	s0 =	sand.u32 $0x70, s0;
	s1 =	sshll.u32 s13, $0x7  }
0x13f: {  	[tilespmem:s12], [sflag:$0x2] =	stream.indirect_vreg.gather [hbm4b:s8+s2], $0x80, v3, vm0, $0xb8;
	[tilespmem:$0x5880] =	vst v63  }
0x140: {  	s0 =	sadd.s32 s4, s0;
	s1 =	sand.u32 $0xFFFFC00, s1  }
0x141: {  	[tilespmem:s17], [sflag:$0x2] =	stream.indirect_vreg.gather [hbm4b:s9+s2], $0x80, v3, vm0, $0xb8;
	[tilespmem:$0x5880] =	vst v63  }
0x142: {  	s0 =	sadd.s32 s1, s0  }
0x143: {  	[tilespmem:s18], [sflag:$0x2] =	stream.linear.gather [hbm4b:s0+s2], $0x80, $0x38;
	[tilespmem:$0x5880] =	vst v63  }
0x144: {  	s1 =	sadd.s32 $0x80, s0  }
0x145: {  	[tilespmem:s19], [sflag:$0x2] =	stream.linear.gather [hbm4b:s1+s2], $0x80, $0x38;
	[tilespmem:$0x5880] =	vst v63  }
0x146: {  	s14 =	sadd.s32 $0x100, s0  }
0x147: {  	[tilespmem:s20], [sflag:$0x2] =	stream.linear.gather [hbm4b:s14+s2], $0x80, $0x38;
	[tilespmem:$0x5880] =	vst v63  }
0x148: {  	s16 =	sadd.s32 $0x180, s0  }
0x149: {  	[tilespmem:s22], [sflag:$0x2] =	stream.linear.gather [hbm4b:s16+s2], $0x80, $0x38;
	[tilespmem:$0x5880] =	vst v63  }
0x14a: {  	s21 =	sadd.s32 $0x200, s0  }
0x14b: {  	[tilespmem:s24], [sflag:$0x2] =	stream.linear.gather [hbm4b:s21+s2], $0x80, $0x38;
	[tilespmem:$0x5880] =	vst v63  }
0x14c: {  	s23 =	sadd.s32 $0x280, s0  }
0x14d: {  	[tilespmem:s26], [sflag:$0x2] =	stream.linear.gather [hbm4b:s23+s2], $0x80, $0x38;
	[tilespmem:$0x5880] =	vst v63  }
.Ltmp5:
0x14e: {  	_ = 	snop;
	(pc) =	sbr.rel .LBB2_2-.Ltmp5, $4  }
0x14f: {  	s25 =	sadd.s32 $0x300, s0  }
0x150: {  	[tilespmem:s28], [sflag:$0x2] =	stream.linear.gather [hbm4b:s25+s2], $0x80, $0x38;
	[tilespmem:$0x5880] =	vst v63  }
0x151: {  	s6 =	sadd.s32 $0x1, s6;
	s0 =	sadd.s32 $0x380, s0  }
0x152: {  	[tilespmem:s29], [sflag:$0x2] =	stream.linear.gather [hbm4b:s0+s2], $0x80, $0x38;
	[tilespmem:$0x5880] =	vst v63  }
.LBB2_9:
0x153: {  	_ =	sfence.sel $0x180000  }
0x154: {  	[bflag:$0x0] =	sbarrier.arrive $0xFFFF  }
0x155: {  	_ =	strace $0x9000004A  }
0x156: {  	s0 =	stileid.u32;
	[bflag:$0x2] =	sbarrier.arrive $0xFFFF  }
0x157: {  	p0 =	sne.s32 s0, $0x0;
	s0 =	rddreg [dreg:$0x1]  }
0x158: {  	s0 =	sadd.s32 @!p0 $0x100000, s0  }
0x159: {  	[sflag:s0] =	ssyncadd.tile.s32 @!p0 $0x1;
	_ =	shalt  }
.Lfunc_end2:
_tile_overlayer_lowered:
.L_overlay_start_2:
0x15a: {  	(tag) =	ssettag $0x2  }
0x15b: {  	s0 =	rddreg [dreg:$0x0];
	s2 =	stileid.u32  }
0x15c: {  	s1 =	rddreg [dreg:$0x1];
	p0 =	sne.s32 s2, $0x0  }
0x15d: {  	s3 =	rddreg [dreg:$0x2];
	[bflag:$0x3] =	sbarrier.arrive $0xFFFF;
	s2 =	simm.s32 @!p0 $0x1C03  }
0x15e: {  	[timem:s3], [sflag:s2] =	dma.local @!p0 [hbm:s0], s1  }
0x15f: {  	s0 =	simm.s32 @!p0 $0x3  }
0x160: {  	_ =	swait.ge @!p0 [sflag:s0], s1  }
0x161: {  	s1 =	ssub.s32 @!p0 $0x0, s1;
	[sflag:s0] =	ssyncset.done @!p0 $0x0  }
0x162: {  	[sflag:s0] =	ssyncadd.s32 @!p0 s1  }
0x163: {  	[bflag:$0x3] =	sbarrier.arrive $0xFFFF  }
0x164: {  	_ =	shalt  }

// kernel: kernel.7.cloned.1.call-start
scs
__scs_entry_jumppad:
0x0: {  	(pc) =	sbr.rel $0x88, $3  }
0x1: {  	(tag) =	ssettag $0x0;
	lr =	simm.s32 $0x1  }
0x2: {  	[smem:$0x3F9B] =	sst lr;
	_ =	strace $0xD0000000  }
0x3: {  	_ = 	snop  }
0x4: {  	_ = 	snop  }
0x5: {  	_ = 	snop  }
0x6: {  	_ = 	snop  }
0x7: {  	_ = 	snop  }
__scs_overlays_trampoline_lowered:
0x8: {  	[smem:$0x3FAA] =	sst s0  }
0x9: {  	[smem:$0x3FAB] =	sst s1  }
0xa: {  	[smem:$0x3FAC] =	sst s2  }
0xb: {  	[smem:$0x3FAD] =	sst s3  }
0xc: {  	[smem:$0x3FAE] =	sst s4  }
0xd: {  	[smem:$0x3FAF] =	sst s5  }
0xe: {  	[smem:$0x3FB0] =	sst s6  }
0xf: {  	[smem:$0x3FB1] =	sst s7  }
0x10: {  	[smem:$0x3FB2] =	sst s8  }
0x11: {  	[smem:$0x3FB3] =	sst s9;
	s0 =	simm.s32 @!p0 $0x0  }
0x12: {  	s1 =	sld [smem:$0x3F99];
	s0 =	simm.s32 @p0 $0x1  }
0x13: {  	[smem:$0x3FB4] =	sst s0;
	s0 =	simm.s32 @!p1 $0x0  }
0x14: {  	s2 =	sld [smem:$0x3F98];
	s0 =	simm.s32 @p1 $0x1  }
0x15: {  	[smem:$0x3FB5] =	sst s0;
	s0 =	simm.s32 @!p2 $0x0  }
0x16: {  	s3 =	sld [smem:$0x3FDB];
	s0 =	simm.s32 @p2 $0x1  }
0x17: {  	s4 =	simm.s32 $0x1BF5;
	[smem:$0x3FB7] =	sst s0  }
0x18: {  	s0 =	sld [smem:$0x3F9A];
	_ =	swait.ge [sflag:s4], $0x0  }
0x19: {  	s7 =	sld [smem:$0x3F9B]  }
0x1a: {  	s8 =	sadd.s32 $0xFFFFE003, lr  }
0x1b: {  	s9 =	sadd.s32 $0xFFFFFEF7, lr;
	s5 =	simm.s32 $0xFFFFFFFF;
	p2 =	slt.u32 s8, $0xFFFFF086  }
0x1c: {  	p1 =	slt.u32 s9, $0xF7A;
	s5 =	simm.s32 @!p2 $0x0  }
0x1d: {  	s5 =	simm.s32 @p1 $0x1;
	p0 =	seq.s32 s7, s2  }
0x1e: {  	s7 =	smul.u32 @!p0 $0xF7A, s2;
	p2 =	seq.s32 @!p0 s5, $0x0  }
0x1f: {  	s9 =	smul.u32 $0xF7A, s1;
	s8 =	simm.s32 @!p0 $0x1BF5;
	p2 =	por !p2, p0  }
0x20: {  	[sflag:s8] =	ssyncset.s32 @!p0 $0xFFFFF086;
	s6 =	sadd.s32 @!p0 s3, s7;
	s7 =	simm.s32 @!p0 $0x108  }
0x21: {  	s3 =	sadd.s32 s3, s9;
	s6 =	sadd.s32 @!p0 $0x88, s6;
	s7 =	simm.s32 @p2 $0x1082  }
0x22: {  	[simem:s7], [sflag:s8] =	dma.local @!p0 [hbm:s6], $0xF7A  }
0x23: {  	s9 =	sor.u32 $0xD0000000, s2;
	s6 =	simm.s32 $0x108;
	_ =	swait.ge @!p0 [sflag:s8], $0x0  }
0x24: {  	s3 =	sadd.s32 $0x88, s3;
	s6 =	simm.s32 @!p1 $0x1082;
	[sflag:s4] =	ssyncset.s32 $0xFFFFF086  }
0x25: {  	[simem:s6], [sflag:s4] =	dma.local [hbm:s3], $0xF7A  }
0x26: {  	[smem:$0x3F9B] =	sst s1;
	(tag) =	ssettag s2;
	_ =	strace s9  }
0x27: {  	s1 =	sld [smem:$0x3FAB]  }
0x28: {  	s2 =	sld [smem:$0x3FAC]  }
0x29: {  	s4 =	sld [smem:$0x3FAE]  }
0x2a: {  	p0 =	seq.s32 s5, $0x0;
	s5 =	sld [smem:$0x3FAF]  }
0x2b: {  	s6 =	sld [smem:$0x3FB0]  }
0x2c: {  	s7 =	sld [smem:$0x3FB1]  }
0x2d: {  	s3 =	simm.s32 $0x108;
	s8 =	sld [smem:$0x3FB2]  }
0x2e: {  	s3 =	simm.s32 @!p0 $0x1082;
	s9 =	sld [smem:$0x3FB3]  }
0x2f: {  	lr =	sadd.s32 s0, s3;
	s0 =	sld [smem:$0x3FAA]  }
0x30: {  	s3 =	sld [smem:$0x3FAD]  }
0x31: {  	[smem:$0x3FB6] =	sst s10  }
0x32: {  	s10 =	sld [smem:$0x3FB4];
	_ =	sdelay $0x3  }
0x33: {  	p0 =	seq.s32 s10, $0x1;
	s10 =	sld [smem:$0x3FB6];
	_ =	sdelay $0x3  }
0x34: {  	[smem:$0x3FB6] =	sst s10  }
0x35: {  	s10 =	sld [smem:$0x3FB5];
	_ =	sdelay $0x3  }
0x36: {  	p1 =	seq.s32 s10, $0x1;
	s10 =	sld [smem:$0x3FB6];
	_ =	sdelay $0x3  }
0x37: {  	[smem:$0x3FB6] =	sst s10  }
0x38: {  	s10 =	sld [smem:$0x3FB7]  }
0x39: {  	_ = 	snop;
	(pc) =	sbr.ind lr, $3  }
0x3a: {  	_ = 	snop  }
0x3b: {  	_ = 	snop  }
0x3c: {  	p2 =	seq.s32 s10, $0x1;
	s10 =	sld [smem:$0x3FB6]  }
0x3d: {  	_ =	shalt  }
0x3e: {  	_ =	shalt  }
0x3f: {  	_ =	shalt  }
0x40: {  	_ =	shalt  }
0x41: {  	_ =	shalt  }
0x42: {  	_ =	shalt  }
0x43: {  	_ =	shalt  }
0x44: {  	_ =	shalt  }
0x45: {  	_ =	shalt  }
0x46: {  	_ =	shalt  }
0x47: {  	_ =	shalt  }
0x48: {  	_ =	shalt  }
0x49: {  	_ =	shalt  }
0x4a: {  	_ =	shalt  }
0x4b: {  	_ =	shalt  }
0x4c: {  	_ =	shalt  }
0x4d: {  	_ =	shalt  }
0x4e: {  	_ =	shalt  }
0x4f: {  	_ =	shalt  }
0x50: {  	_ =	shalt  }
0x51: {  	_ =	shalt  }
0x52: {  	_ =	shalt  }
0x53: {  	_ =	shalt  }
0x54: {  	_ =	shalt  }
0x55: {  	_ =	shalt  }
0x56: {  	_ =	shalt  }
0x57: {  	_ =	shalt  }
0x58: {  	_ =	shalt  }
0x59: {  	_ =	shalt  }
0x5a: {  	_ =	shalt  }
0x5b: {  	_ =	shalt  }
0x5c: {  	_ =	shalt  }
0x5d: {  	_ =	shalt  }
0x5e: {  	_ =	shalt  }
0x5f: {  	_ =	shalt  }
0x60: {  	_ =	shalt  }
0x61: {  	_ =	shalt  }
0x62: {  	_ =	shalt  }
0x63: {  	_ =	shalt  }
0x64: {  	_ =	shalt  }
0x65: {  	_ =	shalt  }
0x66: {  	_ =	shalt  }
0x67: {  	_ =	shalt  }
0x68: {  	_ =	shalt  }
0x69: {  	_ =	shalt  }
0x6a: {  	_ =	shalt  }
0x6b: {  	_ =	shalt  }
0x6c: {  	_ =	shalt  }
0x6d: {  	_ =	shalt  }
0x6e: {  	_ =	shalt  }
0x6f: {  	_ =	shalt  }
0x70: {  	_ =	shalt  }
0x71: {  	_ =	shalt  }
0x72: {  	_ =	shalt  }
0x73: {  	_ =	shalt  }
0x74: {  	_ =	shalt  }
0x75: {  	_ =	shalt  }
0x76: {  	_ =	shalt  }
0x77: {  	_ =	shalt  }
0x78: {  	_ =	shalt  }
0x79: {  	_ =	shalt  }
0x7a: {  	_ =	shalt  }
0x7b: {  	_ =	shalt  }
0x7c: {  	_ =	shalt  }
0x7d: {  	_ =	shalt  }
0x7e: {  	_ =	shalt  }
0x7f: {  	_ =	shalt  }
0x80: {  	_ =	shalt  }
0x81: {  	_ =	shalt  }
0x82: {  	_ =	shalt  }
0x83: {  	_ =	shalt  }
0x84: {  	_ =	shalt  }
0x85: {  	_ =	shalt  }
0x86: {  	_ =	shalt  }
0x87: {  	_ =	shalt  }
.Lfunc_end0:
.L_simem_size_0:
called_computation_lowered:
.L_overlay_start_0:
0x88: {  	s2 =	sld [smem:$0x3FD9]  }
0x89: {  	s3 =	sld [smem:$0x3FFE];
	_ =	sdelay $0x1  }
0x8a: {  	s1 =	srdreg.scid  }
0x8b: {  	s0 =	sand.u32 $0x1, s1  }
0x8c: {  	s17 =	sshll.u32 s0, $0xA;
	s2 =	sadd.s32 s3, s2  }
0x8d: {  	s2 =	sadd.s32 s2, s17  }
0x8e: {  	[smem:$0x3FC2] =	sst s2  }
0x8f: {  	_ = 	snop  }
0x90: {  	s2 =	sld [smem:$0x3FC9];
	(tm) =	ssettm $0x1  }
0x91: {  	s18 =	sld [smem:$0x3FFB];
	_ =	sdelay $0x3  }
0x92: {  	_ =	strace s18  }
0x93: {  	s3 =	sld [smem:$0x3FFC];
	_ =	sdelay $0x3  }
0x94: {  	_ =	strace s3  }
0x95: {  	s3 =	sld [smem:$0x3FFD];
	_ =	sdelay $0x3  }
0x96: {  	_ =	strace s3  }
0x97: {  	_ =	strace $0x8FFFFFFF  }
0x98: {  	s19 =	sld [smem:$0x3FDB];
	_ =	sdelay $0x1  }
0x99: {  	s4 =	simm.s32 $_scs_section_size  }
0x9a: {  	s5 =	simm.s32 $_size__tile_overlayer_lowered;
	s6 =	simm.s32 $_tile_overlayer_lowered  }
0x9b: {  	s22 =	simm.s32 $0x1BFF;
	s21 =	sshll.u32 s6, $0x1;
	s3 =	sadd.s32 s4, s19  }
0x9c: {  	s7 =	simm.s32 $0x0;
	s20 =	sshll.u32 s5, $0x1;
	s5 =	sadd.s32 s21, s3  }
0x9d: {  	[timem:s7], [sflag:s22] =	dma.local [hbm:s5], s20  }
0x9e: {  	_ =	swait.ge [sflag:s22], s20  }
0x9f: {  	s4 =	ssub.s32 $0x0, s20;
	[sflag:s22] =	ssyncset.done $0x0  }
0xa0: {  	[sflag:s22] =	ssyncadd.s32 s4;
	_ =	sdelay $0x1  }
0xa1: {  	s23 =	simm.s32 $0x1B8B  }
0xa2: {  	_ =	swait.ge [sflag:s23], $0x1  }
0xa3: {  	[sflag:s23] =	ssyncset.done $0x0  }
0xa4: {  	s25 =	simm.s32 $0x1B8E;
	s24 =	sld [smem:$0x3FFE];
	[sflag:s23] =	ssyncadd.s32 $0xFFFFFFFF  }
0xa5: {  	s26 =	simm.s32 $execute0_lowered;
	[smem:$0x3FD2] =	sst s25  }
0xa6: {  	s5 =	sshll.u32 s26, $0x1;
	_ =	strace $0x80000046;
	[dreg:$0x1] =	wrdreg $0xFFFFFFFF  }
0xa7: {  	s28 =	simm.s32 $_size_execute0_lowered;
	s3 =	sadd.s32 s3, s5;
	[dreg:$0x0] =	wrdreg $0x0  }
0xa8: {  	s5 =	sshll.u32 s28, $0x1;
	[dreg:$0x2] =	wrdreg s3  }
0xa9: {  	[dreg:$0x3] =	wrdreg s5  }
0xaa: {  	[dreg:$0x4] =	wrdreg $0xC0  }
0xab: {  	_ =	task [dreg:s7], $0x5FFFF  }
0xac: {  	[dreg:$0x1] =	wrdreg $0xFFFFFFFF  }
0xad: {  	[dreg:$0x0] =	wrdreg $0x60  }
0xae: {  	[dreg:$0x2] =	wrdreg s24  }
0xaf: {  	[dreg:$0x3] =	wrdreg s2  }
0xb0: {  	[dreg:$0x4] =	wrdreg $0x9  }
0xb1: {  	_ =	task.clear_ibuf [dreg:s7], $0x5FFFF;
	_ =	strace $0x90000046  }
0xb2: {  	s29 =	simm.s32 $0x9;
	_ =	strace $0x80000048  }
0xb3: {  	_ =	swait.ge [sflag:s29], $0x1  }
0xb4: {  	[sflag:s29] =	ssyncadd.s32 $0xFFFFFFFF  }
0xb5: {  	_ =	strace $0x90000048  }
0xb6: {  	_ =	sfence  }
0xb7: {  	s30 =	sld [smem:$0x0];
	_ =	sdelay $0x2  }
0xb8: {  	s31 =	sshll.u32 s1, $0xD;
	s1 =	sshrl.u32 s1, $0x2  }
0xb9: {  	s3 =	sand.u32 $0x4000, s31;
	s1 =	sadd.s32 s1, s30  }
0xba: {  	s0 =	sor.u32 s3, s0;
	s1 =	sshll.u32 s1, $0x11  }
0xbb: {  	s0 =	sor.u32 s1, s0  }
0xbc: {  	s0 =	sadd.s32 $0x8F2B, s0  }
0xbd: {  	[sflag:s0] =	ssyncadd.remote.s32 $0x1  }
0xbe: {  	_ =	sfence.sel $0xFFFF  }
0xbf: {  	[dreg:$0x0] =	wrdreg $0xFFFFFFFF;
	(pc) =	sbr.abs _section_cstart, $3  }
0xc0: {  	[dreg:$0x1] =	wrdreg $0xFFFFFFFF  }
0xc1: {  	_ =	task.clear_ibuf [dreg:s7], $0x2FFFF;
	_ =	strace $0x9FFFFFFF  }
0xc2: {  	(tm) =	ssettm $0x7FFFFFFF  }
0xc3: {  	_ =	shalt  }
tec
execute0_lowered:
.L_overlay_start_1:
0x0: {  	(tag) =	ssettag $0x1  }
0x1: {  	s0 =	rddreg [dreg:$0x0]  }
0x2: {  	s2 =	rddreg [dreg:$0x1];
	s3 =	simm.s32 $0x0;
	s1 =	srdreg.scid  }
0x3: {  	s4 =	stileid.u32;
	s14 =	simm.s32 $0x10000;
	s16 =	simm.s32 $0x11000  }
0x4: {  	s17 =	simm.s32 $0x11800;
	s25 =	simm.s32 $0x1;
	s22 =	simm.s32 $0x14E80  }
0x5: {  	s23 =	simm.s32 $0x3;
	[smem:$0x7FF] =	sst s3;
	s1 =	sand.u32 $0x1, s1  }
0x6: {  	s4 =	sshll.u32 s4, $0x1;
	s9 =	sadd.s32 $0xC00, s0;
	s5 =	sadd.s32 $0x2C00, s0  }
0x7: {  	s10 =	sadd.s32 $0x100, s2;
	s11 =	sadd.s32 $0x200, s2;
	_ =	strace $0x80000047  }
0x8: {  	s4 =	sor.u32 s1, s4;
	s1 =	ssub.s32 $0x2, s1;
	[dreg:$0x3] =	wrdreg s9  }
0x9: {  	s6 =	sshll.u32 s4, $0x8;
	s4 =	sshll.u32 s4, $0x4;
	s8 =	sshrl.u32 s1, $0x1  }
0xa: {  	s7 =	sadd.s32 s6, s0;
	s0 =	sadd.s32 s4, s0;
	s29 =	sadd.s32 s9, s6  }
0xb: {  	s1 =	ssub.s32 s1, s8;
	[dreg:$0x4] =	wrdreg s29;
	s0 =	sadd.s32 $0xC2C00, s0  }
0xc: {  	v0 =	vlaneseq.u32;
	s4 =	simm.s32 $0x0;
	s30 =	sadd.s32 $0xC2E00, s7;
	[dreg:$0x5] =	wrdreg s0  }
0xd: {  	v2 =	vimm.s32 $0x0;
	vm0 =	vmmov $0xffff;
	v4 =	vshrl.u32 v0, $0x3;
	s8 =	simm.s32 $0x0;
	s31 =	smax.u32 s1, $0x1;
	[dreg:$0x6] =	wrdreg s30  }
0xe: {  	v3 =	vand.u32 $0x7, v0;
	v4 =	vmul.u32 $0x8, v4;
	v1 =	vmov s6;
	s7 =	simm.s32 $0x4;
	s1 =	simm.s32 $0x2;
	[dreg:$0x7] =	wrdreg s31  }
.LBB2_1:
0xf: {  	[dreg:$0x8] =	wrdreg s4  }
0x10: {  	s0 =	rddreg [dreg:$0x3]  }
0x11: {  	[tilespmem:s3], [sflag:$0x4] =	stream.linear.gather [hbm4b:s0+s3], $0x10000, $0x38;
	[tilespmem:$0x14F80] =	vst v63  }
0x12: {  	_ =	swait.ge [sflag:s7], $0x10000  }
0x13: {  	[sflag:s7] =	ssyncset.done $0x0  }
0x14: {  	s30 =	rddreg [dreg:$0x4];
	[sflag:s7] =	ssyncadd.s32 $0xFFFF0000  }
0x15: {  	[tilespmem:s14], [sflag:$0x4] =	stream.linear.gather [hbm4b:s30+s3], $0x800, $0x38;
	[tilespmem:$0x14F80] =	vst v63  }
0x16: {  	_ =	swait.ge [sflag:s7], $0x800  }
0x17: {  	[sflag:s7] =	ssyncset.done $0x0  }
0x18: {  	s31 =	simm.s32 $0x10800;
	[sflag:s7] =	ssyncadd.s32 $0xFFFFF800  }
0x19: {  	[tilespmem:s31], [sflag:$0x4] =	stream.linear.gather [hbm4b:s30+s3], $0x800, $0x38;
	[tilespmem:$0x14F80] =	vst v63  }
0x1a: {  	_ =	swait.ge [sflag:s7], $0x800  }
0x1b: {  	[sflag:s7] =	ssyncset.done $0x0  }
0x1c: {  	v5 =	vimm.f32 $0.0e+00;
	s4 =	simm.s32 $0x0;
	[sflag:s7] =	ssyncadd.s32 $0xFFFFF800  }
.LBB2_2:
0x1d: {  	v6 =	vor.u32 s4, v0  }
0x1e: {  	v8 =	vshll.u32 v6, $0x3;
	_ =	sdelay $0x4  }
0x1f: {  	v7 =	vld.idx.msk [tilespmem:v8+s14+$0x0], $0xffff;
	_ =	sdelay $0x4  }
0x20: {  	v7 =	vshll.u32 v7, $0x3  }
0x21: {  	v9 =	vor.u32 $0x1, v7  }
0x22: {  	v10 =	vor.u32 $0x2, v7  }
0x23: {  	v11 =	vor.u32 $0x3, v7  }
0x24: {  	v12 =	vor.u32 $0x4, v7  }
0x25: {  	v14 =	vor.u32 $0x5, v7;
	v13 =	vld.idx.msk [tilespmem:v7+s3+$0x0], $0xffff  }
0x26: {  	v15 =	vor.u32 $0x6, v7;
	v9 =	vld.idx.msk [tilespmem:v9+s3+$0x0], $0xffff  }
0x27: {  	v16 =	vor.u32 $0x7, v7;
	v10 =	vld.idx.msk [tilespmem:v10+s3+$0x0], $0xffff  }
0x28: {  	v11 =	vld.idx.msk [tilespmem:v11+s3+$0x0], $0xffff  }
0x29: {  	v12 =	vld.idx.msk [tilespmem:v12+s3+$0x0], $0xffff  }
0x2a: {  	v7 =	vor.u32 v1, v6;
	v14 =	vld.idx.msk [tilespmem:v14+s3+$0x0], $0xffff  }
0x2b: {  	v35 =	vld.idx.msk [tilespmem:v15+s3+$0x0], $0xffff;
	vm1 =	veq.s32 v13, v7;
	vm2 =	veq.s32 v9, v7  }
0x2c: {  	v36 =	vld.idx.msk [tilespmem:v16+s3+$0x0], $0xffff;
	vm1 =	vmor vm1, vm2;
	vm2 =	veq.s32 v10, v7  }
0x2d: {  	vm1 =	vmor vm1, vm2;
	vm2 =	veq.s32 v11, v7  }
0x2e: {  	vm1 =	vmor vm1, vm2;
	vm2 =	veq.s32 v12, v7  }
0x2f: {  	vm1 =	vmor vm1, vm2;
	vm2 =	veq.s32 v14, v7  }
0x30: {  	v37 =	vor.u32 $0x1, v8;
	vm1 =	vmor vm1, vm2;
	vm2 =	veq.s32 v35, v7  }
0x31: {  	vm1 =	vmor vm1, vm2;
	vm2 =	veq.s32 v36, v7  }
0x32: {  	vm1 =	vmor vm1, vm2  }
0x33: {  	v9 =	vsel vm1, $0x3F800000, v2  }
0x34: {  	[tilespmem:v8+s16+$0x0] =	vst.idx.msk $0xffff, v9  }
0x35: {  	v38 =	vld.idx.msk [tilespmem:v37+s14+$0x0], $0xffff;
	_ =	sdelay $0x4  }
0x36: {  	v10 =	vshll.u32 v38, $0x3  }
0x37: {  	v39 =	vor.u32 $0x1, v10  }
0x38: {  	v40 =	vor.u32 $0x2, v10  }
0x39: {  	v41 =	vor.u32 $0x3, v10  }
0x3a: {  	v42 =	vor.u32 $0x4, v10  }
0x3b: {  	v17 =	vor.u32 $0x5, v10;
	v43 =	vld.idx.msk [tilespmem:v10+s3+$0x0], $0xffff  }
0x3c: {  	v18 =	vor.u32 $0x6, v10;
	v12 =	vld.idx.msk [tilespmem:v39+s3+$0x0], $0xffff  }
0x3d: {  	v10 =	vor.u32 $0x7, v10;
	v13 =	vld.idx.msk [tilespmem:v40+s3+$0x0], $0xffff  }
0x3e: {  	v14 =	vld.idx.msk [tilespmem:v41+s3+$0x0], $0xffff  }
0x3f: {  	v15 =	vld.idx.msk [tilespmem:v42+s3+$0x0], $0xffff  }
0x40: {  	v17 =	vld.idx.msk [tilespmem:v17+s3+$0x0], $0xffff  }
0x41: {  	v44 =	vld.idx.msk [tilespmem:v18+s3+$0x0], $0xffff;
	vm1 =	veq.s32 v43, v7;
	vm2 =	veq.s32 v12, v7  }
0x42: {  	v10 =	vld.idx.msk [tilespmem:v10+s3+$0x0], $0xffff;
	vm1 =	vmor vm1, vm2;
	vm2 =	veq.s32 v13, v7  }
0x43: {  	vm1 =	vmor vm1, vm2;
	vm2 =	veq.s32 v14, v7  }
0x44: {  	vm1 =	vmor vm1, vm2;
	vm2 =	veq.s32 v15, v7  }
0x45: {  	vm1 =	vmor vm1, vm2;
	vm2 =	veq.s32 v17, v7  }
0x46: {  	v45 =	vor.u32 $0x2, v8;
	vm1 =	vmor vm1, vm2;
	vm2 =	veq.s32 v44, v7  }
0x47: {  	vm1 =	vmor vm1, vm2;
	vm2 =	veq.s32 v10, v7  }
0x48: {  	vm1 =	vmor vm1, vm2  }
0x49: {  	v10 =	vsel vm1, $0x3F800000, v2  }
0x4a: {  	[tilespmem:v37+s16+$0x0] =	vst.idx.msk $0xffff, v10  }
0x4b: {  	v11 =	vld.idx.msk [tilespmem:v45+s14+$0x0], $0xffff;
	_ =	sdelay $0x4  }
0x4c: {  	v11 =	vshll.u32 v11, $0x3  }
0x4d: {  	v46 =	vor.u32 $0x1, v11  }
0x4e: {  	v47 =	vor.u32 $0x2, v11  }
0x4f: {  	v48 =	vor.u32 $0x3, v11  }
0x50: {  	v49 =	vor.u32 $0x4, v11  }
0x51: {  	v51 =	vor.u32 $0x5, v11;
	v50 =	vld.idx.msk [tilespmem:v11+s3+$0x0], $0xffff  }
0x52: {  	v19 =	vor.u32 $0x6, v11;
	v13 =	vld.idx.msk [tilespmem:v46+s3+$0x0], $0xffff  }
0x53: {  	v11 =	vor.u32 $0x7, v11;
	v14 =	vld.idx.msk [tilespmem:v47+s3+$0x0], $0xffff  }
0x54: {  	v15 =	vld.idx.msk [tilespmem:v48+s3+$0x0], $0xffff  }
0x55: {  	v16 =	vld.idx.msk [tilespmem:v49+s3+$0x0], $0xffff  }
0x56: {  	v18 =	vld.idx.msk [tilespmem:v51+s3+$0x0], $0xffff  }
0x57: {  	v52 =	vld.idx.msk [tilespmem:v19+s3+$0x0], $0xffff;
	vm1 =	veq.s32 v50, v7;
	vm2 =	veq.s32 v13, v7  }
0x58: {  	v11 =	vld.idx.msk [tilespmem:v11+s3+$0x0], $0xffff;
	vm1 =	vmor vm1, vm2;
	vm2 =	veq.s32 v14, v7  }
0x59: {  	vm1 =	vmor vm1, vm2;
	vm2 =	veq.s32 v15, v7  }
0x5a: {  	vm1 =	vmor vm1, vm2;
	vm2 =	veq.s32 v16, v7  }
0x5b: {  	vm1 =	vmor vm1, vm2;
	vm2 =	veq.s32 v18, v7  }
0x5c: {  	v53 =	vor.u32 $0x3, v8;
	vm1 =	vmor vm1, vm2;
	vm2 =	veq.s32 v52, v7  }
0x5d: {  	vm1 =	vmor vm1, vm2;
	vm2 =	veq.s32 v11, v7  }
0x5e: {  	vm1 =	vmor vm1, vm2  }
0x5f: {  	v11 =	vsel vm1, $0x3F800000, v2  }
0x60: {  	[tilespmem:v45+s16+$0x0] =	vst.idx.msk $0xffff, v11  }
0x61: {  	v12 =	vld.idx.msk [tilespmem:v53+s14+$0x0], $0xffff;
	_ =	sdelay $0x4  }
0x62: {  	v12 =	vshll.u32 v12, $0x3  }
0x63: {  	v54 =	vor.u32 $0x1, v12  }
0x64: {  	v55 =	vor.u32 $0x2, v12  }
0x65: {  	v56 =	vor.u32 $0x3, v12  }
0x66: {  	v57 =	vor.u32 $0x4, v12  }
0x67: {  	v59 =	vor.u32 $0x5, v12;
	v58 =	vld.idx.msk [tilespmem:v12+s3+$0x0], $0xffff  }
0x68: {  	v20 =	vor.u32 $0x6, v12;
	v14 =	vld.idx.msk [tilespmem:v54+s3+$0x0], $0xffff  }
0x69: {  	v12 =	vor.u32 $0x7, v12;
	v15 =	vld.idx.msk [tilespmem:v55+s3+$0x0], $0xffff  }
0x6a: {  	v16 =	vld.idx.msk [tilespmem:v56+s3+$0x0], $0xffff  }
0x6b: {  	v17 =	vld.idx.msk [tilespmem:v57+s3+$0x0], $0xffff  }
0x6c: {  	v19 =	vld.idx.msk [tilespmem:v59+s3+$0x0], $0xffff  }
0x6d: {  	v60 =	vld.idx.msk [tilespmem:v20+s3+$0x0], $0xffff;
	vm1 =	veq.s32 v58, v7;
	vm2 =	veq.s32 v14, v7  }
0x6e: {  	v12 =	vld.idx.msk [tilespmem:v12+s3+$0x0], $0xffff;
	vm1 =	vmor vm1, vm2;
	vm2 =	veq.s32 v15, v7  }
0x6f: {  	vm1 =	vmor vm1, vm2;
	vm2 =	veq.s32 v16, v7  }
0x70: {  	vm1 =	vmor vm1, vm2;
	vm2 =	veq.s32 v17, v7  }
0x71: {  	vm1 =	vmor vm1, vm2;
	vm2 =	veq.s32 v19, v7  }
0x72: {  	v61 =	vor.u32 $0x4, v8;
	vm1 =	vmor vm1, vm2;
	vm2 =	veq.s32 v60, v7  }
0x73: {  	vm1 =	vmor vm1, vm2;
	vm2 =	veq.s32 v12, v7  }
0x74: {  	vm1 =	vmor vm1, vm2  }
0x75: {  	v62 =	vsel vm1, $0x3F800000, v2  }
0x76: {  	[tilespmem:v53+s16+$0x0] =	vst.idx.msk $0xffff, v62  }
0x77: {  	v13 =	vld.idx.msk [tilespmem:v61+s14+$0x0], $0xffff;
	_ =	sdelay $0x4  }
0x78: {  	v13 =	vshll.u32 v13, $0x3  }
0x79: {  	v63 =	vor.u32 $0x1, v13  }
0x7a: {  	v24 =	vor.u32 $0x2, v13  }
0x7b: {  	v25 =	vor.u32 $0x3, v13  }
0x7c: {  	v26 =	vor.u32 $0x4, v13  }
0x7d: {  	v28 =	vor.u32 $0x5, v13;
	v27 =	vld.idx.msk [tilespmem:v13+s3+$0x0], $0xffff  }
0x7e: {  	v21 =	vor.u32 $0x6, v13;
	v15 =	vld.idx.msk [tilespmem:v63+s3+$0x0], $0xffff  }
0x7f: {  	v13 =	vor.u32 $0x7, v13;
	v16 =	vld.idx.msk [tilespmem:v24+s3+$0x0], $0xffff  }
0x80: {  	v17 =	vld.idx.msk [tilespmem:v25+s3+$0x0], $0xffff  }
0x81: {  	v18 =	vld.idx.msk [tilespmem:v26+s3+$0x0], $0xffff  }
0x82: {  	v20 =	vld.idx.msk [tilespmem:v28+s3+$0x0], $0xffff  }
0x83: {  	v29 =	vld.idx.msk [tilespmem:v21+s3+$0x0], $0xffff;
	vm1 =	veq.s32 v27, v7;
	vm2 =	veq.s32 v15, v7  }
0x84: {  	v13 =	vld.idx.msk [tilespmem:v13+s3+$0x0], $0xffff;
	vm1 =	vmor vm1, vm2;
	vm2 =	veq.s32 v16, v7  }
0x85: {  	vm1 =	vmor vm1, vm2;
	vm2 =	veq.s32 v17, v7  }
0x86: {  	vm1 =	vmor vm1, vm2;
	vm2 =	veq.s32 v18, v7  }
0x87: {  	vm1 =	vmor vm1, vm2;
	vm2 =	veq.s32 v20, v7  }
0x88: {  	v30 =	vor.u32 $0x5, v8;
	vm1 =	vmor vm1, vm2;
	vm2 =	veq.s32 v29, v7  }
0x89: {  	vm1 =	vmor vm1, vm2;
	vm2 =	veq.s32 v13, v7  }
0x8a: {  	vm1 =	vmor vm1, vm2  }
0x8b: {  	v31 =	vsel vm1, $0x3F800000, v2  }
0x8c: {  	[tilespmem:v61+s16+$0x0] =	vst.idx.msk $0xffff, v31  }
0x8d: {  	v14 =	vld.idx.msk [tilespmem:v30+s14+$0x0], $0xffff;
	_ =	sdelay $0x4  }
0x8e: {  	v14 =	vshll.u32 v14, $0x3  }
0x8f: {  	v32 =	vor.u32 $0x1, v14  }
0x90: {  	v33 =	vor.u32 $0x2, v14  }
0x91: {  	v34 =	vor.u32 $0x3, v14  }
0x92: {  	v35 =	vor.u32 $0x4, v14  }
0x93: {  	v37 =	vor.u32 $0x5, v14;
	v36 =	vld.idx.msk [tilespmem:v14+s3+$0x0], $0xffff  }
0x94: {  	v22 =	vor.u32 $0x6, v14;
	v16 =	vld.idx.msk [tilespmem:v32+s3+$0x0], $0xffff  }
0x95: {  	v14 =	vor.u32 $0x7, v14;
	v17 =	vld.idx.msk [tilespmem:v33+s3+$0x0], $0xffff  }
0x96: {  	v18 =	vld.idx.msk [tilespmem:v34+s3+$0x0], $0xffff  }
0x97: {  	v19 =	vld.idx.msk [tilespmem:v35+s3+$0x0], $0xffff  }
0x98: {  	v21 =	vld.idx.msk [tilespmem:v37+s3+$0x0], $0xffff  }
0x99: {  	v38 =	vld.idx.msk [tilespmem:v22+s3+$0x0], $0xffff;
	vm1 =	veq.s32 v36, v7;
	vm2 =	veq.s32 v16, v7  }
0x9a: {  	v14 =	vld.idx.msk [tilespmem:v14+s3+$0x0], $0xffff;
	vm1 =	vmor vm1, vm2;
	vm2 =	veq.s32 v17, v7  }
0x9b: {  	vm1 =	vmor vm1, vm2;
	vm2 =	veq.s32 v18, v7  }
0x9c: {  	vm1 =	vmor vm1, vm2;
	vm2 =	veq.s32 v19, v7  }
0x9d: {  	vm1 =	vmor vm1, vm2;
	vm2 =	veq.s32 v21, v7  }
0x9e: {  	v39 =	vor.u32 $0x6, v8;
	vm1 =	vmor vm1, vm2;
	vm2 =	veq.s32 v38, v7  }
0x9f: {  	vm1 =	vmor vm1, vm2;
	vm2 =	veq.s32 v14, v7  }
0xa0: {  	vm1 =	vmor vm1, vm2  }
0xa1: {  	v40 =	vsel vm1, $0x3F800000, v2  }
0xa2: {  	[tilespmem:v30+s16+$0x0] =	vst.idx.msk $0xffff, v40  }
0xa3: {  	v15 =	vld.idx.msk [tilespmem:v39+s14+$0x0], $0xffff;
	_ =	sdelay $0x4  }
0xa4: {  	v15 =	vshll.u32 v15, $0x3  }
0xa5: {  	v41 =	vor.u32 $0x1, v15  }
0xa6: {  	v42 =	vor.u32 $0x2, v15  }
0xa7: {  	v43 =	vor.u32 $0x3, v15  }
0xa8: {  	v44 =	vor.u32 $0x4, v15  }
0xa9: {  	v46 =	vor.u32 $0x5, v15;
	v45 =	vld.idx.msk [tilespmem:v15+s3+$0x0], $0xffff  }
0xaa: {  	v23 =	vor.u32 $0x6, v15;
	v17 =	vld.idx.msk [tilespmem:v41+s3+$0x0], $0xffff  }
0xab: {  	v15 =	vor.u32 $0x7, v15;
	v18 =	vld.idx.msk [tilespmem:v42+s3+$0x0], $0xffff  }
0xac: {  	v19 =	vld.idx.msk [tilespmem:v43+s3+$0x0], $0xffff  }
0xad: {  	v20 =	vld.idx.msk [tilespmem:v44+s3+$0x0], $0xffff  }
0xae: {  	v22 =	vld.idx.msk [tilespmem:v46+s3+$0x0], $0xffff  }
0xaf: {  	v47 =	vld.idx.msk [tilespmem:v23+s3+$0x0], $0xffff;
	vm1 =	veq.s32 v45, v7;
	vm2 =	veq.s32 v17, v7  }
0xb0: {  	v15 =	vld.idx.msk [tilespmem:v15+s3+$0x0], $0xffff;
	vm1 =	vmor vm1, vm2;
	vm2 =	veq.s32 v18, v7  }
0xb1: {  	vm1 =	vmor vm1, vm2;
	vm2 =	veq.s32 v19, v7  }
0xb2: {  	vm1 =	vmor vm1, vm2;
	vm2 =	veq.s32 v20, v7  }
0xb3: {  	vm1 =	vmor vm1, vm2;
	vm2 =	veq.s32 v22, v7  }
0xb4: {  	v8 =	vor.u32 $0x7, v8;
	vm1 =	vmor vm1, vm2;
	vm2 =	veq.s32 v47, v7  }
0xb5: {  	vm1 =	vmor vm1, vm2;
	vm2 =	veq.s32 v15, v7  }
0xb6: {  	vm1 =	vmor vm1, vm2  }
0xb7: {  	v48 =	vsel vm1, $0x3F800000, v2  }
0xb8: {  	[tilespmem:v39+s16+$0x0] =	vst.idx.msk $0xffff, v48  }
0xb9: {  	v16 =	vld.idx.msk [tilespmem:v8+s14+$0x0], $0xffff;
	_ =	sdelay $0x4  }
0xba: {  	v16 =	vshll.u32 v16, $0x3  }
0xbb: {  	v49 =	vor.u32 $0x1, v16  }
0xbc: {  	v50 =	vor.u32 $0x2, v16  }
0xbd: {  	v51 =	vor.u32 $0x3, v16  }
0xbe: {  	v52 =	vor.u32 $0x4, v16  }
0xbf: {  	v54 =	vor.u32 $0x5, v16;
	v53 =	vld.idx.msk [tilespmem:v16+s3+$0x0], $0xffff  }
0xc0: {  	v55 =	vor.u32 $0x6, v16;
	v17 =	vld.idx.msk [tilespmem:v49+s3+$0x0], $0xffff  }
0xc1: {  	v16 =	vor.u32 $0x7, v16;
	v18 =	vld.idx.msk [tilespmem:v50+s3+$0x0], $0xffff  }
0xc2: {  	v9 =	vadd.f32 v10, v9;
	v56 =	vld.idx.msk [tilespmem:v51+s3+$0x0], $0xffff  }
0xc3: {  	v57 =	vld.idx.msk [tilespmem:v52+s3+$0x0], $0xffff  }
0xc4: {  	v9 =	vadd.f32 v11, v9;
	v58 =	vld.idx.msk [tilespmem:v54+s3+$0x0], $0xffff  }
0xc5: {  	v59 =	vld.idx.msk [tilespmem:v55+s3+$0x0], $0xffff;
	vm1 =	veq.s32 v53, v7;
	vm2 =	veq.s32 v17, v7  }
0xc6: {  	v9 =	vadd.f32 v62, v9;
	v60 =	vld.idx.msk [tilespmem:v16+s3+$0x0], $0xffff;
	vm1 =	vmor vm1, vm2;
	vm2 =	veq.s32 v18, v7  }
0xc7: {  	vm1 =	vmor vm1, vm2;
	vm2 =	veq.s32 v56, v7  }
0xc8: {  	v9 =	vadd.f32 v31, v9;
	vm1 =	vmor vm1, vm2;
	vm2 =	veq.s32 v57, v7  }
0xc9: {  	vm1 =	vmor vm1, vm2;
	vm2 =	veq.s32 v58, v7  }
0xca: {  	v9 =	vadd.f32 v40, v9;
	vm1 =	vmor vm1, vm2;
	vm2 =	veq.s32 v59, v7  }
0xcb: {  	vm1 =	vmor vm1, vm2;
	vm2 =	veq.s32 v60, v7  }
0xcc: {  	v7 =	vadd.f32 v48, v9;
	vm1 =	vmor vm1, vm2  }
0xcd: {  	v61 =	vsel vm1, $0x3F800000, v2  }
0xce: {  	v7 =	vadd.f32 v61, v7;
	_ =	sdelay $0x1  }
0xcf: {  	v62 =	vmax.f32 v7, $1.000000000e+00  }
0xd0: {  	(erf) = vrcp.f32 v62;
	_ =	sdelay $0x4  }
0xd1: {  	p0 =	sne.s32 s4, $0xF0  }
.Ltmp0:
0xd2: {  	_ = 	snop;
	(pc) =	sbr.rel @p0 .LBB2_2-.Ltmp0, $3  }
0xd3: {  	_ =	sdelay $0x1  }
0xd4: {  	[tilespmem:v8+s16+$0x0] =	vst.idx.msk $0xffff, v61;
	v63 =	vpop (erf)  }
0xd5: {  	s4 =	sadd.s32 $0x10, s4;
	v5 =	vadd.f32 v7, v5;
	[tilespmem:v6+s17+$0x0] =	vst.idx.msk $0xffff, v63  }
0xd6: {  	_ = 	snop  }
0xd7: {  	s0 =	rddreg [dreg:$0x5];
	s4 =	simm.s32 $0x14F00;
	[tilespmem:$0x14F00] =	vst v5  }
0xd8: {  	[hbm4b:s0+s8] =	stream.linear.scatter [tilespmem:s4], [sflag:$0x4], $0x80, $0x38;
	[tilespmem:$0x14F80] =	vst v63  }
0xd9: {  	_ =	swait.ge [sflag:s7], $0x80  }
0xda: {  	[sflag:s7] =	ssyncset.done $0x0  }
0xdb: {  	s21 =	rddreg [dreg:$0x6];
	[sflag:s7] =	ssyncadd.s32 $0xFFFFFF80  }
0xdc: {  	[hbm4b:s21+s8] =	stream.linear.scatter [tilespmem:s16], [sflag:$0x4], $0x800, $0x38;
	[tilespmem:$0x14F80] =	vst v63  }
0xdd: {  	_ =	swait.ge [sflag:s7], $0x800  }
0xde: {  	[sflag:s7] =	ssyncset.done $0x0  }
0xdf: {  	[sflag:s7] =	ssyncadd.s32 $0xFFFFF800  }
0xe0: {  	v5 =	vld.msk [tilespmem:$0x10800], $0xff;
	_ =	sdelay $0x4  }
0xe1: {  	v6 =	vshrl.u32 v5, $0x3  }
0xe2: {  	v6 =	vmul.u32 $0x30, v6  }
0xe3: {  	v5 =	vand.u32 $0x7, v5  }
0xe4: {  	v5 =	vor.u32 v5, v6  }
0xe5: {  	v5 =	vperm.xlane v5, v3;
	_ =	sdelay $0x1  }
0xe6: {  	v5 =	vadd.s32 v4, v5;
	_ =	sdelay $0x3  }
0xe7: {  	s24 =	simm.s32 $0x11900  }
0xe8: {  	[tilespmem:s24], [sflag:$0x1] =	stream.indirect_vreg.gather [hbm4b:s2+s8], $0x80, v5, vm0, $0xb8;
	[tilespmem:$0x14F80] =	vst v63  }
0xe9: {  	s26 =	simm.s32 $0x12100  }
0xea: {  	[tilespmem:s26], [sflag:$0x1] =	stream.indirect_vreg.gather [hbm4b:s10+s8], $0x80, v5, vm0, $0xb8;
	[tilespmem:$0x14F80] =	vst v63  }
0xeb: {  	s28 =	simm.s32 $0x12900  }
0xec: {  	[tilespmem:s28], [sflag:$0x1] =	stream.indirect_vreg.gather [hbm4b:s11+s8], $0x80, v5, vm0, $0xb8;
	[tilespmem:$0x14F80] =	vst v63  }
0xed: {  	v5 =	vld.msk [tilespmem:$0x10808], $0xff;
	_ =	sdelay $0x4  }
0xee: {  	v6 =	vshrl.u32 v5, $0x3  }
0xef: {  	v6 =	vmul.u32 $0x30, v6  }
0xf0: {  	v5 =	vand.u32 $0x7, v5  }
0xf1: {  	v5 =	vor.u32 v5, v6  }
0xf2: {  	v5 =	vperm.xlane v5, v3;
	_ =	sdelay $0x1  }
0xf3: {  	v5 =	vadd.s32 v4, v5;
	_ =	sdelay $0x3  }
0xf4: {  	s29 =	simm.s32 $0x13100  }
0xf5: {  	[tilespmem:s29], [sflag:$0x2] =	stream.indirect_vreg.gather [hbm4b:s2+s8], $0x80, v5, vm0, $0xb8;
	[tilespmem:$0x14F80] =	vst v63  }
0xf6: {  	s30 =	simm.s32 $0x13900  }
0xf7: {  	[tilespmem:s30], [sflag:$0x2] =	stream.indirect_vreg.gather [hbm4b:s10+s8], $0x80, v5, vm0, $0xb8;
	[tilespmem:$0x14F80] =	vst v63  }
0xf8: {  	s31 =	simm.s32 $0x14100;
	s9 =	simm.s32 $0x0  }
0xf9: {  	[tilespmem:s31], [sflag:$0x2] =	stream.indirect_vreg.gather [hbm4b:s11+s8], $0x80, v5, vm0, $0xb8;
	[tilespmem:$0x14F80] =	vst v63  }
.LBB2_4:
0xfa: {  	s0 =	sshll.u32 s9, $0x4  }
0xfb: {  	v5 =	vmov s0;
	s4 =	sor.u32 $0x1, s0  }
0xfc: {  	s13 =	sor.u32 $0x3, s0;
	v5 =	vbroadcast v5, $0x0;
	v6 =	vmov s4  }
0xfd: {  	_ =	swait.ge [sflag:s25], $0x1800;
	s12 =	sor.u32 $0x2, s0;
	v8 =	vmov s13;
	s13 =	sand.u32 $0x1C00, s8;
	v6 =	vbroadcast v6, $0x0  }
0xfe: {  	[sflag:s25] =	ssyncset.done $0x0;
	v7 =	vmov s12;
	s12 =	sand.u32 $0x40, s8;
	s15 =	sadd.s32 $0x11900, s13  }
0xff: {  	[sflag:s25] =	ssyncadd.s32 $0xFFFFE800;
	v7 =	vbroadcast v7, $0x0;
	s24 =	sor.u32 s12, s15  }
0x100: {  	v10 =	vld [tilespmem:s24+$0x0]  }
0x101: {  	s7 =	sor.u32 $0x4, s0;
	v8 =	vbroadcast v8, $0x0;
	v12 =	vld [tilespmem:s24+$0x80]  }
0x102: {  	s18 =	sor.u32 $0x5, s0;
	v9 =	vmov s7;
	v5 =	vld.idx.msk [tilespmem:v5+s16+$0x0], $0xffff  }
0x103: {  	v11 =	vmov s18;
	v9 =	vbroadcast v9, $0x0;
	v6 =	vld.idx.msk [tilespmem:v6+s16+$0x0], $0xffff  }
0x104: {  	s19 =	sor.u32 $0x6, s0;
	v11 =	vbroadcast v11, $0x0;
	v14 =	vld [tilespmem:s24+$0x100]  }
0x105: {  	s0 =	sor.u32 $0x7, s0;
	v13 =	vmov s19;
	v7 =	vld.idx.msk [tilespmem:v7+s16+$0x0], $0xffff  }
0x106: {  	v15 =	vmov s0;
	v13 =	vbroadcast v13, $0x0;
	v16 =	vld [tilespmem:s24+$0x180]  }
0x107: {  	v15 =	vbroadcast v15, $0x0;
	v8 =	vld.idx.msk [tilespmem:v8+s16+$0x0], $0xffff  }
0x108: {  	v18 =	vld [tilespmem:s24+$0x200];
	v17 =	vmul.f32 v10, v5;
	v12 =	vmul.f32 v12, v6  }
0x109: {  	v9 =	vld.idx.msk [tilespmem:v9+s16+$0x0], $0xffff  }
0x10a: {  	v10 =	vld.idx.msk [tilespmem:v11+s16+$0x0], $0xffff;
	v14 =	vmul.f32 v14, v7;
	v12 =	vadd.f32 v12, v17  }
0x10b: {  	s7 =	sshll.u32 s9, $0x1;
	v17 =	vld [tilespmem:s24+$0x280]  }
0x10c: {  	v11 =	vld.idx.msk [tilespmem:v13+s16+$0x0], $0xffff;
	v13 =	vmov s7;
	v16 =	vmul.f32 v16, v8;
	v14 =	vadd.f32 v14, v12  }
0x10d: {  	v19 =	vld [tilespmem:s24+$0x300];
	v13 =	vbroadcast v13, $0x0  }
0x10e: {  	v12 =	vld.idx.msk [tilespmem:v15+s16+$0x0], $0xffff;
	v15 =	vmul.f32 v18, v9;
	v14 =	vadd.f32 v16, v14  }
0x10f: {  	v16 =	vld [tilespmem:s24+$0x380]  }
0x110: {  	v14 =	vadd.f32 v15, v14;
	v15 =	vmul.f32 v17, v10;
	_ =	sdelay $0x1  }
0x111: {  	v14 =	vadd.f32 v15, v14;
	v15 =	vmul.f32 v19, v11  }
0x112: {  	v13 =	vld.idx.msk [tilespmem:v13+s17+$0x0], $0xffff  }
0x113: {  	v14 =	vadd.f32 v15, v14;
	v15 =	vmul.f32 v16, v12;
	_ =	sdelay $0x1  }
0x114: {  	v14 =	vadd.f32 v15, v14  }
0x115: {  	s20 =	sshrl.u32 s13, $0x2  }
0x116: {  	s0 =	sadd.s32 $0x14900, s20;
	v14 =	vmul.f32 v14, v13  }
0x117: {  	s21 =	sor.u32 $0x10, s12;
	s26 =	sor.u32 s12, s0  }
0x118: {  	s28 =	sor.u32 s21, s15;
	[tilespmem:s26+$0x0] =	vst v14  }
0x119: {  	v14 =	vld [tilespmem:s28+$0x0]  }
0x11a: {  	v15 =	vld [tilespmem:s28+$0x80];
	_ =	sdelay $0x1  }
0x11b: {  	v16 =	vld [tilespmem:s28+$0x100];
	_ =	sdelay $0x1  }
0x11c: {  	v17 =	vld [tilespmem:s28+$0x180]  }
0x11d: {  	v14 =	vmul.f32 v14, v5;
	v15 =	vmul.f32 v15, v6  }
0x11e: {  	v59 =	vld [tilespmem:s28+$0x200]  }
0x11f: {  	v14 =	vadd.f32 v15, v14;
	v15 =	vmul.f32 v16, v7  }
0x120: {  	v16 =	vld [tilespmem:s28+$0x280]  }
0x121: {  	v14 =	vadd.f32 v15, v14;
	v15 =	vmul.f32 v17, v8  }
0x122: {  	v17 =	vld [tilespmem:s28+$0x300]  }
0x123: {  	v14 =	vadd.f32 v15, v14;
	v15 =	vmul.f32 v59, v9  }
0x124: {  	v60 =	vld [tilespmem:s28+$0x380]  }
0x125: {  	v14 =	vadd.f32 v15, v14;
	v15 =	vmul.f32 v16, v10;
	_ =	sdelay $0x1  }
0x126: {  	v14 =	vadd.f32 v15, v14;
	v15 =	vmul.f32 v17, v11;
	_ =	sdelay $0x1  }
0x127: {  	v14 =	vadd.f32 v15, v14;
	v15 =	vmul.f32 v60, v12;
	_ =	sdelay $0x1  }
0x128: {  	v14 =	vadd.f32 v15, v14;
	_ =	sdelay $0x1  }
0x129: {  	v14 =	vmul.f32 v14, v13  }
0x12a: {  	s29 =	sor.u32 $0x20, s12;
	s13 =	sor.u32 s21, s0  }
0x12b: {  	s30 =	sor.u32 s29, s15;
	[tilespmem:s13+$0x0] =	vst v14  }
0x12c: {  	v14 =	vld [tilespmem:s30+$0x0]  }
0x12d: {  	v15 =	vld [tilespmem:s30+$0x80];
	_ =	sdelay $0x1  }
0x12e: {  	v16 =	vld [tilespmem:s30+$0x100];
	_ =	sdelay $0x1  }
0x12f: {  	v17 =	vld [tilespmem:s30+$0x180]  }
0x130: {  	v14 =	vmul.f32 v14, v5;
	v15 =	vmul.f32 v15, v6  }
0x131: {  	v61 =	vld [tilespmem:s30+$0x200]  }
0x132: {  	v14 =	vadd.f32 v15, v14;
	v15 =	vmul.f32 v16, v7  }
0x133: {  	v16 =	vld [tilespmem:s30+$0x280]  }
0x134: {  	v14 =	vadd.f32 v15, v14;
	v15 =	vmul.f32 v17, v8  }
0x135: {  	v17 =	vld [tilespmem:s30+$0x300]  }
0x136: {  	v14 =	vadd.f32 v15, v14;
	v15 =	vmul.f32 v61, v9  }
0x137: {  	v62 =	vld [tilespmem:s30+$0x380]  }
0x138: {  	v14 =	vadd.f32 v15, v14;
	v15 =	vmul.f32 v16, v10;
	_ =	sdelay $0x1  }
0x139: {  	v14 =	vadd.f32 v15, v14;
	v15 =	vmul.f32 v17, v11;
	_ =	sdelay $0x1  }
0x13a: {  	v14 =	vadd.f32 v15, v14;
	v15 =	vmul.f32 v62, v12;
	_ =	sdelay $0x1  }
0x13b: {  	v14 =	vadd.f32 v15, v14;
	_ =	sdelay $0x1  }
0x13c: {  	v14 =	vmul.f32 v14, v13  }
0x13d: {  	s31 =	sor.u32 s29, s0;
	s12 =	sor.u32 $0x30, s12  }
0x13e: {  	s4 =	sor.u32 s12, s15;
	[tilespmem:s31+$0x0] =	vst v14  }
0x13f: {  	v14 =	vld [tilespmem:s4+$0x0]  }
0x140: {  	v15 =	vld [tilespmem:s4+$0x80];
	_ =	sdelay $0x1  }
0x141: {  	v16 =	vld [tilespmem:s4+$0x100];
	_ =	sdelay $0x1  }
0x142: {  	v17 =	vld [tilespmem:s4+$0x180]  }
0x143: {  	v14 =	vmul.f32 v14, v5;
	v15 =	vmul.f32 v15, v6  }
0x144: {  	v63 =	vld [tilespmem:s4+$0x200]  }
0x145: {  	v16 =	vmul.f32 v16, v7;
	v14 =	vadd.f32 v15, v14  }
0x146: {  	v15 =	vld [tilespmem:s4+$0x280]  }
0x147: {  	v17 =	vmul.f32 v17, v8;
	v14 =	vadd.f32 v16, v14  }
0x148: {  	v16 =	vld [tilespmem:s4+$0x300]  }
0x149: {  	v18 =	vmul.f32 v63, v9;
	v14 =	vadd.f32 v17, v14  }
0x14a: {  	v17 =	vld [tilespmem:s4+$0x380]  }
0x14b: {  	v15 =	vmul.f32 v15, v10;
	v14 =	vadd.f32 v18, v14;
	_ =	sdelay $0x1  }
0x14c: {  	v16 =	vmul.f32 v16, v11;
	v15 =	vadd.f32 v15, v14;
	_ =	sdelay $0x1  }
0x14d: {  	s12 =	sor.u32 s12, s0;
	s13 =	simm.s32 $0x0;
	s4 =	simm.s32 $0x200;
	v14 =	vmul.f32 v17, v12;
	v15 =	vadd.f32 v16, v15  }
.LBB2_5:
0x14e: {  	p0 =	sne.s32 s4, $0x1600  }
0x14f: {  	s13 =	sadd.s32 $0x40, s13;
	s0 =	smov.u32 s4;
	s4 =	sadd.s32 $0x200, s4  }
0x150: {  	v14 =	vadd.f32 v14, v15  }
0x151: {  	s0 =	sand.u32 $0x1C00, s0  }
0x152: {  	s28 =	sand.u32 $0x40, s13;
	s24 =	sadd.s32 $0x11900, s0;
	s0 =	sshrl.u32 s0, $0x2;
	v14 =	vmul.f32 v14, v13  }
0x153: {  	s15 =	sor.u32 $0x10, s28;
	s31 =	sor.u32 s28, s24;
	s0 =	sadd.s32 $0x14900, s0  }
0x154: {  	s30 =	sor.u32 $0x20, s28;
	s18 =	sor.u32 s28, s0;
	s29 =	sor.u32 s15, s0;
	[tilespmem:s12+$0x0] =	vst v14  }
0x155: {  	s26 =	sor.u32 s30, s0;
	s28 =	sor.u32 $0x30, s28;
	v14 =	vld [tilespmem:s31+$0x0]  }
0x156: {  	s12 =	sor.u32 s28, s0;
	v15 =	vld [tilespmem:s31+$0x80];
	_ =	sdelay $0x1  }
0x157: {  	v16 =	vld [tilespmem:s31+$0x100];
	_ =	sdelay $0x1  }
0x158: {  	v17 =	vld [tilespmem:s31+$0x180]  }
0x159: {  	v14 =	vmul.f32 v14, v5;
	v15 =	vmul.f32 v15, v6  }
0x15a: {  	v18 =	vld [tilespmem:s31+$0x200]  }
0x15b: {  	v14 =	vadd.f32 v15, v14;
	v15 =	vmul.f32 v16, v7  }
0x15c: {  	v16 =	vld [tilespmem:s31+$0x280]  }
0x15d: {  	v14 =	vadd.f32 v15, v14;
	v15 =	vmul.f32 v17, v8  }
0x15e: {  	v17 =	vld [tilespmem:s31+$0x300]  }
0x15f: {  	v14 =	vadd.f32 v15, v14;
	v15 =	vmul.f32 v18, v9  }
0x160: {  	v18 =	vld [tilespmem:s31+$0x380]  }
0x161: {  	v14 =	vadd.f32 v15, v14;
	v15 =	vmul.f32 v16, v10;
	_ =	sdelay $0x1  }
0x162: {  	v14 =	vadd.f32 v15, v14;
	v15 =	vmul.f32 v17, v11;
	_ =	sdelay $0x1  }
0x163: {  	v14 =	vadd.f32 v15, v14;
	v15 =	vmul.f32 v18, v12;
	_ =	sdelay $0x1  }
0x164: {  	v14 =	vadd.f32 v15, v14;
	_ =	sdelay $0x1  }
0x165: {  	v14 =	vmul.f32 v14, v13;
	_ =	sdelay $0x1  }
0x166: {  	s0 =	sor.u32 s15, s24;
	[tilespmem:s18+$0x0] =	vst v14  }
0x167: {  	v14 =	vld [tilespmem:s0+$0x0]  }
0x168: {  	v15 =	vld [tilespmem:s0+$0x80];
	_ =	sdelay $0x1  }
0x169: {  	v16 =	vld [tilespmem:s0+$0x100];
	_ =	sdelay $0x1  }
0x16a: {  	v17 =	vld [tilespmem:s0+$0x180]  }
0x16b: {  	v14 =	vmul.f32 v14, v5;
	v15 =	vmul.f32 v15, v6  }
0x16c: {  	v18 =	vld [tilespmem:s0+$0x200]  }
0x16d: {  	v14 =	vadd.f32 v15, v14;
	v15 =	vmul.f32 v16, v7  }
0x16e: {  	v16 =	vld [tilespmem:s0+$0x280]  }
0x16f: {  	v14 =	vadd.f32 v15, v14;
	v15 =	vmul.f32 v17, v8  }
0x170: {  	v17 =	vld [tilespmem:s0+$0x300]  }
0x171: {  	v14 =	vadd.f32 v15, v14;
	v15 =	vmul.f32 v18, v9  }
0x172: {  	v18 =	vld [tilespmem:s0+$0x380]  }
0x173: {  	v14 =	vadd.f32 v15, v14;
	v15 =	vmul.f32 v16, v10;
	_ =	sdelay $0x1  }
0x174: {  	v14 =	vadd.f32 v15, v14;
	v15 =	vmul.f32 v17, v11;
	_ =	sdelay $0x1  }
0x175: {  	v14 =	vadd.f32 v15, v14;
	v15 =	vmul.f32 v18, v12;
	_ =	sdelay $0x1  }
0x176: {  	v14 =	vadd.f32 v15, v14;
	_ =	sdelay $0x1  }
0x177: {  	v14 =	vmul.f32 v14, v13;
	_ =	sdelay $0x1  }
0x178: {  	s0 =	sor.u32 s30, s24;
	[tilespmem:s29+$0x0] =	vst v14  }
0x179: {  	v14 =	vld [tilespmem:s0+$0x0]  }
0x17a: {  	v15 =	vld [tilespmem:s0+$0x80];
	_ =	sdelay $0x1  }
0x17b: {  	v16 =	vld [tilespmem:s0+$0x100];
	_ =	sdelay $0x1  }
0x17c: {  	v17 =	vld [tilespmem:s0+$0x180]  }
0x17d: {  	v14 =	vmul.f32 v14, v5;
	v15 =	vmul.f32 v15, v6  }
0x17e: {  	v18 =	vld [tilespmem:s0+$0x200]  }
0x17f: {  	v14 =	vadd.f32 v15, v14;
	v15 =	vmul.f32 v16, v7  }
0x180: {  	v16 =	vld [tilespmem:s0+$0x280]  }
0x181: {  	v14 =	vadd.f32 v15, v14;
	v15 =	vmul.f32 v17, v8  }
0x182: {  	v17 =	vld [tilespmem:s0+$0x300]  }
0x183: {  	v14 =	vadd.f32 v15, v14;
	v15 =	vmul.f32 v18, v9  }
0x184: {  	v18 =	vld [tilespmem:s0+$0x380]  }
0x185: {  	v14 =	vadd.f32 v15, v14;
	v15 =	vmul.f32 v16, v10;
	_ =	sdelay $0x1  }
0x186: {  	v14 =	vadd.f32 v15, v14;
	v15 =	vmul.f32 v17, v11;
	_ =	sdelay $0x1  }
0x187: {  	v14 =	vadd.f32 v15, v14;
	v15 =	vmul.f32 v18, v12;
	_ =	sdelay $0x1  }
0x188: {  	v14 =	vadd.f32 v15, v14;
	_ =	sdelay $0x1  }
0x189: {  	v14 =	vmul.f32 v14, v13;
	_ =	sdelay $0x1  }
0x18a: {  	s0 =	sor.u32 s28, s24;
	[tilespmem:s26+$0x0] =	vst v14  }
0x18b: {  	v14 =	vld [tilespmem:s0+$0x0]  }
0x18c: {  	v15 =	vld [tilespmem:s0+$0x80]  }
0x18d: {  	v16 =	vld [tilespmem:s0+$0x100]  }
0x18e: {  	v17 =	vld [tilespmem:s0+$0x180]  }
0x18f: {  	v18 =	vld [tilespmem:s0+$0x200]  }
0x190: {  	v14 =	vmul.f32 v14, v5;
	v19 =	vld [tilespmem:s0+$0x280]  }
0x191: {  	v15 =	vmul.f32 v15, v6;
	v20 =	vld [tilespmem:s0+$0x300]  }
0x192: {  	v16 =	vmul.f32 v16, v7;
	v21 =	vld [tilespmem:s0+$0x380]  }
0x193: {  	v14 =	vadd.f32 v15, v14  }
0x194: {  	v15 =	vmul.f32 v17, v8  }
0x195: {  	v14 =	vadd.f32 v16, v14  }
0x196: {  	v16 =	vmul.f32 v18, v9  }
0x197: {  	v14 =	vadd.f32 v15, v14  }
0x198: {  	v15 =	vmul.f32 v19, v10  }
.Ltmp1:
0x199: {  	v14 =	vadd.f32 v16, v14;
	(pc) =	sbr.rel @p0 .LBB2_5-.Ltmp1, $4  }
0x19a: {  	v16 =	vmul.f32 v20, v11  }
0x19b: {  	v15 =	vadd.f32 v15, v14  }
0x19c: {  	v14 =	vmul.f32 v21, v12  }
0x19d: {  	v15 =	vadd.f32 v16, v15  }
0x19e: {  	_ = 	snop  }
0x19f: {  	v5 =	vadd.f32 v14, v15;
	_ =	sdelay $0x1  }
0x1a0: {  	p0 =	seq.s32 s9, $0x7F;
	v5 =	vmul.f32 v5, v13  }
0x1a1: {  	s0 =	sshll.u32 @!p0 s9, $0x4  }
0x1a2: {  	[tilespmem:s12+$0x0] =	vst v5;
	s12 =	sand.u32 @!p0 $0x3FFFFFF0, s0  }
0x1a3: {  	v5 =	vld.msk @!p0 [tilespmem:s12+$0x10810], $0xff;
	_ =	sdelay $0x4  }
0x1a4: {  	v6 =	vshrl.u32 @!p0 v5, $0x3  }
0x1a5: {  	v6 =	vmul.u32 @!p0 $0x30, v6  }
0x1a6: {  	v7 =	vlaneseq.u32 @!p0;
	v5 =	vand.u32 @!p0 $0x7, v5  }
0x1a7: {  	v5 =	vor.u32 @!p0 v5, v6;
	v6 =	vand.u32 @!p0 $0x7, v7;
	v7 =	vshrl.u32 @!p0 v7, $0x3  }
0x1a8: {  	v5 =	vperm.xlane @!p0 v5, v6;
	v6 =	vmul.u32 @!p0 $0x8, v7;
	_ =	sdelay $0x1  }
0x1a9: {  	v5 =	vadd.s32 @!p0 v6, v5;
	_ =	sdelay $0x3  }
0x1aa: {  	vm1 =	vmmov @!p0 $0xffff;
	s4 =	simm.s32 @!p0 $0x11900;
	s0 =	simm.s32 @!p0 $0x0  }
0x1ab: {  	[tilespmem:s4], [sflag:$0x1] =	stream.indirect_vreg.gather @!p0 [hbm4b:s2+s0], $0x80, v5, vm1, $0xb8;
	[tilespmem:$0x14F80] =	vst v63  }
0x1ac: {  	s4 =	simm.s32 @!p0 $0x12100  }
0x1ad: {  	[tilespmem:s4], [sflag:$0x1] =	stream.indirect_vreg.gather @!p0 [hbm4b:s10+s0], $0x80, v5, vm1, $0xb8;
	[tilespmem:$0x14F80] =	vst v63  }
0x1ae: {  	s21 =	sor.u32 s6, s7;
	s4 =	simm.s32 @!p0 $0x12900  }
0x1af: {  	[tilespmem:s4], [sflag:$0x1] =	stream.indirect_vreg.gather @!p0 [hbm4b:s11+s0], $0x80, v5, vm1, $0xb8;
	[tilespmem:$0x14F80] =	vst v63  }
0x1b0: {  	s0 =	sshrl.u32 s21, $0x3  }
0x1b1: {  	s24 =	sshll.u32 s9, $0x8;
	s4 =	smul.u32 $0x1800, s0  }
0x1b2: {  	s0 =	sand.u32 $0x300, s24  }
0x1b3: {  	s0 =	sor.u32 s0, s4  }
0x1b4: {  	s0 =	sshrl.u32 s0, $0x3  }
0x1b5: {  	s13 =	simm.s32 $0x14900;
	s24 =	simm.s32 $0x0;
	s0 =	sadd.s32 s5, s0  }
0x1b6: {  	[hbm4b:s0+s24] =	stream.linear.scatter [tilespmem:s13], [sflag:$0x3], $0x80, $0x38;
	[tilespmem:$0x14F80] =	vst v63  }
0x1b7: {  	s15 =	simm.s32 $0x14A00;
	s26 =	sadd.s32 $0x80, s0  }
0x1b8: {  	[hbm4b:s26+s24] =	stream.linear.scatter [tilespmem:s15], [sflag:$0x3], $0x80, $0x38;
	[tilespmem:$0x14F80] =	vst v63  }
0x1b9: {  	s29 =	simm.s32 $0x14B00;
	s7 =	sor.u32 $0x1, s7;
	s28 =	sadd.s32 $0x100, s0  }
0x1ba: {  	[hbm4b:s28+s24] =	stream.linear.scatter [tilespmem:s29], [sflag:$0x3], $0x80, $0x38;
	[tilespmem:$0x14F80] =	vst v63  }
0x1bb: {  	s31 =	simm.s32 $0x14C00;
	s20 =	sshll.u32 s7, $0x3;
	s30 =	sadd.s32 $0x180, s0  }
0x1bc: {  	[hbm4b:s30+s24] =	stream.linear.scatter [tilespmem:s31], [sflag:$0x3], $0x80, $0x38;
	[tilespmem:$0x14F80] =	vst v63  }
0x1bd: {  	s19 =	simm.s32 $0x14D00;
	v5 =	vmov s20;
	s21 =	sor.u32 $0x1, s20;
	s18 =	sadd.s32 $0x200, s0  }
0x1be: {  	v5 =	vbroadcast v5, $0x0;
	v6 =	vmov s21;
	[hbm4b:s18+s24] =	stream.linear.scatter [tilespmem:s19], [sflag:$0x3], $0x80, $0x38;
	[tilespmem:$0x14F80] =	vst v63  }
0x1bf: {  	v6 =	vbroadcast v6, $0x0;
	s0 =	sadd.s32 $0x280, s0;
	s26 =	simm.s32 $0x14E00;
	s28 =	sor.u32 $0x2, s20  }
0x1c0: {  	[hbm4b:s0+s24] =	stream.linear.scatter [tilespmem:s26], [sflag:$0x3], $0x80, $0x38;
	[tilespmem:$0x14F80] =	vst v63  }
0x1c1: {  	v7 =	vmov s28;
	_ =	swait.ge [sflag:s1], $0x1800  }
0x1c2: {  	s29 =	sor.u32 $0x3, s20;
	v7 =	vbroadcast v7, $0x0;
	[sflag:s1] =	ssyncset.done $0x0  }
0x1c3: {  	v8 =	vmov s29;
	s18 =	sand.u32 $0x1C00, s24;
	[sflag:s1] =	ssyncadd.s32 $0xFFFFE800  }
0x1c4: {  	s13 =	sand.u32 $0x40, s24;
	v8 =	vbroadcast v8, $0x0;
	s0 =	sadd.s32 $0x13100, s18;
	v5 =	vld.idx.msk [tilespmem:v5+s16+$0x0], $0xffff  }
0x1c5: {  	s26 =	sor.u32 $0x4, s20;
	s30 =	sor.u32 s13, s0;
	v6 =	vld.idx.msk [tilespmem:v6+s16+$0x0], $0xffff  }
0x1c6: {  	s28 =	sor.u32 $0x5, s20;
	v9 =	vmov s26;
	v10 =	vld [tilespmem:s30+$0x0]  }
0x1c7: {  	v11 =	vmov s28;
	v9 =	vbroadcast v9, $0x0;
	v12 =	vld [tilespmem:s30+$0x80]  }
0x1c8: {  	s15 =	sor.u32 $0x6, s20;
	v11 =	vbroadcast v11, $0x0;
	v7 =	vld.idx.msk [tilespmem:v7+s16+$0x0], $0xffff  }
0x1c9: {  	v13 =	vmov s15;
	v14 =	vld [tilespmem:s30+$0x100]  }
0x1ca: {  	v13 =	vbroadcast v13, $0x0;
	v8 =	vld.idx.msk [tilespmem:v8+s16+$0x0], $0xffff  }
0x1cb: {  	v15 =	vld [tilespmem:s30+$0x180]  }
0x1cc: {  	s31 =	sshllo.u32 s7, $0x3;
	v18 =	vld [tilespmem:s30+$0x200];
	v16 =	vmul.f32 v10, v5;
	v12 =	vmul.f32 v12, v6  }
0x1cd: {  	v17 =	vmov s31;
	v9 =	vld.idx.msk [tilespmem:v9+s16+$0x0], $0xffff  }
0x1ce: {  	v10 =	vld.idx.msk [tilespmem:v11+s16+$0x0], $0xffff;
	v14 =	vmul.f32 v14, v7;
	v12 =	vadd.f32 v12, v16  }
0x1cf: {  	v16 =	vld [tilespmem:s30+$0x280]  }
0x1d0: {  	v11 =	vld.idx.msk [tilespmem:v13+s16+$0x0], $0xffff;
	v13 =	vadd.f32 v14, v12;
	v14 =	vmul.f32 v15, v8  }
0x1d1: {  	v15 =	vld [tilespmem:s30+$0x300]  }
0x1d2: {  	v12 =	vld.idx.msk [tilespmem:v17+s16+$0x0], $0xffff;
	v17 =	vmov s7;
	v13 =	vadd.f32 v14, v13;
	v14 =	vmul.f32 v18, v9  }
0x1d3: {  	v58 =	vld [tilespmem:s30+$0x380]  }
0x1d4: {  	v13 =	vadd.f32 v14, v13;
	v14 =	vmul.f32 v16, v10;
	_ =	sdelay $0x1  }
0x1d5: {  	v15 =	vmul.f32 v15, v11;
	v14 =	vadd.f32 v14, v13  }
0x1d6: {  	v13 =	vld.idx.msk [tilespmem:v17+s17+$0x0], $0xffff  }
0x1d7: {  	v14 =	vadd.f32 v15, v14;
	v15 =	vmul.f32 v58, v12;
	_ =	sdelay $0x1  }
0x1d8: {  	v14 =	vadd.f32 v15, v14  }
0x1d9: {  	s18 =	sshrl.u32 s18, $0x2  }
0x1da: {  	s19 =	sadd.s32 $0x14900, s18;
	v14 =	vmul.f32 v14, v13  }
0x1db: {  	s20 =	sor.u32 $0x10, s13;
	s21 =	sor.u32 s13, s19  }
0x1dc: {  	s28 =	sor.u32 s20, s0;
	[tilespmem:s21+$0x80] =	vst v14  }
0x1dd: {  	v14 =	vld [tilespmem:s28+$0x0]  }
0x1de: {  	v15 =	vld [tilespmem:s28+$0x80];
	_ =	sdelay $0x1  }
0x1df: {  	v16 =	vld [tilespmem:s28+$0x100];
	_ =	sdelay $0x1  }
0x1e0: {  	v17 =	vld [tilespmem:s28+$0x180]  }
0x1e1: {  	v14 =	vmul.f32 v14, v5;
	v15 =	vmul.f32 v15, v6  }
0x1e2: {  	v59 =	vld [tilespmem:s28+$0x200]  }
0x1e3: {  	v14 =	vadd.f32 v15, v14;
	v15 =	vmul.f32 v16, v7  }
0x1e4: {  	v16 =	vld [tilespmem:s28+$0x280]  }
0x1e5: {  	v14 =	vadd.f32 v15, v14;
	v15 =	vmul.f32 v17, v8  }
0x1e6: {  	v17 =	vld [tilespmem:s28+$0x300]  }
0x1e7: {  	v14 =	vadd.f32 v15, v14;
	v15 =	vmul.f32 v59, v9  }
0x1e8: {  	v60 =	vld [tilespmem:s28+$0x380]  }
0x1e9: {  	v14 =	vadd.f32 v15, v14;
	v15 =	vmul.f32 v16, v10;
	_ =	sdelay $0x1  }
0x1ea: {  	v14 =	vadd.f32 v15, v14;
	v15 =	vmul.f32 v17, v11;
	_ =	sdelay $0x1  }
0x1eb: {  	v14 =	vadd.f32 v15, v14;
	v15 =	vmul.f32 v60, v12;
	_ =	sdelay $0x1  }
0x1ec: {  	v14 =	vadd.f32 v15, v14;
	_ =	sdelay $0x1  }
0x1ed: {  	v14 =	vmul.f32 v14, v13  }
0x1ee: {  	s29 =	sor.u32 $0x20, s13;
	s15 =	sor.u32 s20, s19  }
0x1ef: {  	s30 =	sor.u32 s29, s0;
	[tilespmem:s15+$0x80] =	vst v14  }
0x1f0: {  	v14 =	vld [tilespmem:s30+$0x0]  }
0x1f1: {  	v15 =	vld [tilespmem:s30+$0x80];
	_ =	sdelay $0x1  }
0x1f2: {  	v16 =	vld [tilespmem:s30+$0x100];
	_ =	sdelay $0x1  }
0x1f3: {  	v17 =	vld [tilespmem:s30+$0x180]  }
0x1f4: {  	v14 =	vmul.f32 v14, v5;
	v15 =	vmul.f32 v15, v6  }
0x1f5: {  	v61 =	vld [tilespmem:s30+$0x200]  }
0x1f6: {  	v14 =	vadd.f32 v15, v14;
	v15 =	vmul.f32 v16, v7  }
0x1f7: {  	v16 =	vld [tilespmem:s30+$0x280]  }
0x1f8: {  	v14 =	vadd.f32 v15, v14;
	v15 =	vmul.f32 v17, v8  }
0x1f9: {  	v17 =	vld [tilespmem:s30+$0x300]  }
0x1fa: {  	v14 =	vadd.f32 v15, v14;
	v15 =	vmul.f32 v61, v9  }
0x1fb: {  	v62 =	vld [tilespmem:s30+$0x380]  }
0x1fc: {  	v14 =	vadd.f32 v15, v14;
	v15 =	vmul.f32 v16, v10;
	_ =	sdelay $0x1  }
0x1fd: {  	v14 =	vadd.f32 v15, v14;
	v15 =	vmul.f32 v17, v11;
	_ =	sdelay $0x1  }
0x1fe: {  	v14 =	vadd.f32 v15, v14;
	v15 =	vmul.f32 v62, v12;
	_ =	sdelay $0x1  }
0x1ff: {  	v14 =	vadd.f32 v15, v14;
	_ =	sdelay $0x1  }
0x200: {  	v14 =	vmul.f32 v14, v13  }
0x201: {  	s31 =	sor.u32 s29, s19;
	s13 =	sor.u32 $0x30, s13  }
0x202: {  	s0 =	sor.u32 s13, s0;
	[tilespmem:s31+$0x80] =	vst v14  }
0x203: {  	v14 =	vld [tilespmem:s0+$0x0]  }
0x204: {  	v15 =	vld [tilespmem:s0+$0x80];
	_ =	sdelay $0x1  }
0x205: {  	v16 =	vld [tilespmem:s0+$0x100];
	_ =	sdelay $0x1  }
0x206: {  	v17 =	vld [tilespmem:s0+$0x180]  }
0x207: {  	v14 =	vmul.f32 v14, v5;
	v15 =	vmul.f32 v15, v6  }
0x208: {  	v63 =	vld [tilespmem:s0+$0x200]  }
0x209: {  	v16 =	vmul.f32 v16, v7;
	v14 =	vadd.f32 v15, v14  }
0x20a: {  	v15 =	vld [tilespmem:s0+$0x280]  }
0x20b: {  	v17 =	vmul.f32 v17, v8;
	v14 =	vadd.f32 v16, v14  }
0x20c: {  	v16 =	vld [tilespmem:s0+$0x300]  }
0x20d: {  	v18 =	vmul.f32 v63, v9;
	v14 =	vadd.f32 v17, v14  }
0x20e: {  	v17 =	vld [tilespmem:s0+$0x380]  }
0x20f: {  	v15 =	vmul.f32 v15, v10;
	v14 =	vadd.f32 v18, v14;
	_ =	sdelay $0x1  }
0x210: {  	v16 =	vmul.f32 v16, v11;
	v15 =	vadd.f32 v15, v14;
	_ =	sdelay $0x1  }
0x211: {  	s26 =	sor.u32 s13, s19;
	s13 =	simm.s32 $0x200;
	v14 =	vmul.f32 v17, v12;
	v15 =	vadd.f32 v16, v15  }
.LBB2_7:
0x212: {  	p1 =	sne.s32 s13, $0x1600  }
0x213: {  	s24 =	sadd.s32 $0x40, s24;
	s0 =	smov.u32 s13;
	s13 =	sadd.s32 $0x200, s13  }
0x214: {  	v14 =	vadd.f32 v14, v15  }
0x215: {  	s0 =	sand.u32 $0x1C00, s0  }
0x216: {  	s15 =	sand.u32 $0x40, s24;
	s28 =	sadd.s32 $0x13100, s0;
	s0 =	sshrl.u32 s0, $0x2;
	v14 =	vmul.f32 v14, v13  }
0x217: {  	s20 =	sor.u32 $0x10, s15;
	s18 =	sor.u32 s15, s28;
	s19 =	sadd.s32 $0x14900, s0  }
0x218: {  	s0 =	sor.u32 $0x20, s15;
	s21 =	sor.u32 s15, s19;
	s31 =	sor.u32 s20, s19;
	[tilespmem:s26+$0x80] =	vst v14  }
0x219: {  	s30 =	sor.u32 $0x30, s15;
	s29 =	sor.u32 s0, s19;
	v14 =	vld [tilespmem:s18+$0x0]  }
0x21a: {  	s26 =	sor.u32 s30, s19;
	v15 =	vld [tilespmem:s18+$0x80];
	_ =	sdelay $0x1  }
0x21b: {  	v16 =	vld [tilespmem:s18+$0x100];
	_ =	sdelay $0x1  }
0x21c: {  	v17 =	vld [tilespmem:s18+$0x180]  }
0x21d: {  	v14 =	vmul.f32 v14, v5;
	v15 =	vmul.f32 v15, v6  }
0x21e: {  	v18 =	vld [tilespmem:s18+$0x200]  }
0x21f: {  	v14 =	vadd.f32 v15, v14;
	v15 =	vmul.f32 v16, v7  }
0x220: {  	v16 =	vld [tilespmem:s18+$0x280]  }
0x221: {  	v14 =	vadd.f32 v15, v14;
	v15 =	vmul.f32 v17, v8  }
0x222: {  	v17 =	vld [tilespmem:s18+$0x300]  }
0x223: {  	v14 =	vadd.f32 v15, v14;
	v15 =	vmul.f32 v18, v9  }
0x224: {  	v18 =	vld [tilespmem:s18+$0x380]  }
0x225: {  	v14 =	vadd.f32 v15, v14;
	v15 =	vmul.f32 v16, v10;
	_ =	sdelay $0x1  }
0x226: {  	v14 =	vadd.f32 v15, v14;
	v15 =	vmul.f32 v17, v11;
	_ =	sdelay $0x1  }
0x227: {  	v14 =	vadd.f32 v15, v14;
	v15 =	vmul.f32 v18, v12;
	_ =	sdelay $0x1  }
0x228: {  	v14 =	vadd.f32 v15, v14;
	_ =	sdelay $0x1  }
0x229: {  	v14 =	vmul.f32 v14, v13;
	_ =	sdelay $0x1  }
0x22a: {  	s15 =	sor.u32 s20, s28;
	[tilespmem:s21+$0x80] =	vst v14  }
0x22b: {  	v14 =	vld [tilespmem:s15+$0x0]  }
0x22c: {  	v15 =	vld [tilespmem:s15+$0x80];
	_ =	sdelay $0x1  }
0x22d: {  	v16 =	vld [tilespmem:s15+$0x100];
	_ =	sdelay $0x1  }
0x22e: {  	v17 =	vld [tilespmem:s15+$0x180]  }
0x22f: {  	v14 =	vmul.f32 v14, v5;
	v15 =	vmul.f32 v15, v6  }
0x230: {  	v18 =	vld [tilespmem:s15+$0x200]  }
0x231: {  	v14 =	vadd.f32 v15, v14;
	v15 =	vmul.f32 v16, v7  }
0x232: {  	v16 =	vld [tilespmem:s15+$0x280]  }
0x233: {  	v14 =	vadd.f32 v15, v14;
	v15 =	vmul.f32 v17, v8  }
0x234: {  	v17 =	vld [tilespmem:s15+$0x300]  }
0x235: {  	v14 =	vadd.f32 v15, v14;
	v15 =	vmul.f32 v18, v9  }
0x236: {  	v18 =	vld [tilespmem:s15+$0x380]  }
0x237: {  	v14 =	vadd.f32 v15, v14;
	v15 =	vmul.f32 v16, v10;
	_ =	sdelay $0x1  }
0x238: {  	v14 =	vadd.f32 v15, v14;
	v15 =	vmul.f32 v17, v11;
	_ =	sdelay $0x1  }
0x239: {  	v14 =	vadd.f32 v15, v14;
	v15 =	vmul.f32 v18, v12;
	_ =	sdelay $0x1  }
0x23a: {  	v14 =	vadd.f32 v15, v14;
	_ =	sdelay $0x1  }
0x23b: {  	v14 =	vmul.f32 v14, v13;
	_ =	sdelay $0x1  }
0x23c: {  	s0 =	sor.u32 s0, s28;
	[tilespmem:s31+$0x80] =	vst v14  }
0x23d: {  	v14 =	vld [tilespmem:s0+$0x0]  }
0x23e: {  	v15 =	vld [tilespmem:s0+$0x80];
	_ =	sdelay $0x1  }
0x23f: {  	v16 =	vld [tilespmem:s0+$0x100];
	_ =	sdelay $0x1  }
0x240: {  	v17 =	vld [tilespmem:s0+$0x180]  }
0x241: {  	v14 =	vmul.f32 v14, v5;
	v15 =	vmul.f32 v15, v6  }
0x242: {  	v18 =	vld [tilespmem:s0+$0x200]  }
0x243: {  	v14 =	vadd.f32 v15, v14;
	v15 =	vmul.f32 v16, v7  }
0x244: {  	v16 =	vld [tilespmem:s0+$0x280]  }
0x245: {  	v14 =	vadd.f32 v15, v14;
	v15 =	vmul.f32 v17, v8  }
0x246: {  	v17 =	vld [tilespmem:s0+$0x300]  }
0x247: {  	v14 =	vadd.f32 v15, v14;
	v15 =	vmul.f32 v18, v9  }
0x248: {  	v18 =	vld [tilespmem:s0+$0x380]  }
0x249: {  	v14 =	vadd.f32 v15, v14;
	v15 =	vmul.f32 v16, v10;
	_ =	sdelay $0x1  }
0x24a: {  	v14 =	vadd.f32 v15, v14;
	v15 =	vmul.f32 v17, v11;
	_ =	sdelay $0x1  }
0x24b: {  	v14 =	vadd.f32 v15, v14;
	v15 =	vmul.f32 v18, v12;
	_ =	sdelay $0x1  }
0x24c: {  	v14 =	vadd.f32 v15, v14;
	_ =	sdelay $0x1  }
0x24d: {  	v14 =	vmul.f32 v14, v13;
	_ =	sdelay $0x1  }
0x24e: {  	s0 =	sor.u32 s30, s28;
	[tilespmem:s29+$0x80] =	vst v14  }
0x24f: {  	v14 =	vld [tilespmem:s0+$0x0]  }
0x250: {  	v15 =	vld [tilespmem:s0+$0x80]  }
0x251: {  	v16 =	vld [tilespmem:s0+$0x100]  }
0x252: {  	v17 =	vld [tilespmem:s0+$0x180]  }
0x253: {  	v18 =	vld [tilespmem:s0+$0x200]  }
0x254: {  	v14 =	vmul.f32 v14, v5;
	v19 =	vld [tilespmem:s0+$0x280]  }
0x255: {  	v15 =	vmul.f32 v15, v6;
	v20 =	vld [tilespmem:s0+$0x300]  }
0x256: {  	v16 =	vmul.f32 v16, v7;
	v21 =	vld [tilespmem:s0+$0x380]  }
0x257: {  	v14 =	vadd.f32 v15, v14  }
0x258: {  	v15 =	vmul.f32 v17, v8  }
0x259: {  	v14 =	vadd.f32 v16, v14  }
0x25a: {  	v16 =	vmul.f32 v18, v9  }
0x25b: {  	v14 =	vadd.f32 v15, v14  }
0x25c: {  	v15 =	vmul.f32 v19, v10  }
.Ltmp2:
0x25d: {  	v14 =	vadd.f32 v16, v14;
	(pc) =	sbr.rel @p1 .LBB2_7-.Ltmp2, $4  }
0x25e: {  	v16 =	vmul.f32 v20, v11  }
0x25f: {  	v15 =	vadd.f32 v15, v14  }
0x260: {  	v14 =	vmul.f32 v21, v12  }
0x261: {  	v15 =	vadd.f32 v16, v15  }
0x262: {  	_ = 	snop  }
0x263: {  	v5 =	vadd.f32 v14, v15;
	_ =	sdelay $0x1  }
0x264: {  	v5 =	vmul.f32 v5, v13;
	_ =	sdelay $0x1  }
0x265: {  	[tilespmem:s26+$0x80] =	vst v5  }
0x266: {  	v5 =	vld.msk @!p0 [tilespmem:s12+$0x10818], $0xff;
	_ =	sdelay $0x4  }
0x267: {  	v6 =	vshrl.u32 @!p0 v5, $0x3  }
0x268: {  	v6 =	vmul.u32 @!p0 $0x30, v6  }
0x269: {  	v7 =	vlaneseq.u32 @!p0;
	v5 =	vand.u32 @!p0 $0x7, v5  }
0x26a: {  	v5 =	vor.u32 @!p0 v5, v6;
	v6 =	vand.u32 @!p0 $0x7, v7;
	v7 =	vshrl.u32 @!p0 v7, $0x3  }
0x26b: {  	v5 =	vperm.xlane @!p0 v5, v6;
	v6 =	vmul.u32 @!p0 $0x8, v7;
	_ =	sdelay $0x1  }
0x26c: {  	v5 =	vadd.s32 @!p0 v6, v5;
	_ =	sdelay $0x3  }
0x26d: {  	s0 =	simm.s32 @!p0 $0x0;
	s12 =	simm.s32 @!p0 $0x13100  }
0x26e: {  	[tilespmem:s12], [sflag:$0x2] =	stream.indirect_vreg.gather @!p0 [hbm4b:s2+s0], $0x80, v5, vm1, $0xb8;
	[tilespmem:$0x14F80] =	vst v63  }
0x26f: {  	s12 =	simm.s32 @!p0 $0x13900  }
0x270: {  	[tilespmem:s12], [sflag:$0x2] =	stream.indirect_vreg.gather @!p0 [hbm4b:s10+s0], $0x80, v5, vm1, $0xb8;
	[tilespmem:$0x14F80] =	vst v63  }
0x271: {  	s18 =	sshll.u32 s7, $0x7;
	s12 =	simm.s32 @!p0 $0x14100  }
0x272: {  	[tilespmem:s12], [sflag:$0x2] =	stream.indirect_vreg.gather @!p0 [hbm4b:s11+s0], $0x80, v5, vm1, $0xb8;
	[tilespmem:$0x14F80] =	vst v63  }
0x273: {  	s0 =	sand.u32 $0x380, s18  }
0x274: {  	s0 =	sor.u32 s0, s4  }
0x275: {  	s0 =	sshrl.u32 s0, $0x3  }
0x276: {  	s19 =	simm.s32 $0x14980;
	s0 =	sadd.s32 s5, s0  }
0x277: {  	[hbm4b:s0+s3] =	stream.linear.scatter [tilespmem:s19], [sflag:$0x3], $0x80, $0x38;
	[tilespmem:$0x14F80] =	vst v63  }
0x278: {  	s21 =	simm.s32 $0x14A80;
	s20 =	sadd.s32 $0x80, s0  }
0x279: {  	[hbm4b:s20+s3] =	stream.linear.scatter [tilespmem:s21], [sflag:$0x3], $0x80, $0x38;
	[tilespmem:$0x14F80] =	vst v63  }
0x27a: {  	s26 =	simm.s32 $0x14B80;
	s24 =	sadd.s32 $0x100, s0  }
0x27b: {  	[hbm4b:s24+s3] =	stream.linear.scatter [tilespmem:s26], [sflag:$0x3], $0x80, $0x38;
	[tilespmem:$0x14F80] =	vst v63  }
0x27c: {  	s29 =	simm.s32 $0x14C80;
	s28 =	sadd.s32 $0x180, s0  }
0x27d: {  	[hbm4b:s28+s3] =	stream.linear.scatter [tilespmem:s29], [sflag:$0x3], $0x80, $0x38;
	[tilespmem:$0x14F80] =	vst v63  }
0x27e: {  	s31 =	simm.s32 $0x14D80;
	s30 =	sadd.s32 $0x200, s0  }
0x27f: {  	[hbm4b:s30+s3] =	stream.linear.scatter [tilespmem:s31], [sflag:$0x3], $0x80, $0x38;
	[tilespmem:$0x14F80] =	vst v63  }
0x280: {  	s9 =	sadd.s32 $0x1, s9;
	s0 =	sadd.s32 $0x280, s0  }
0x281: {  	[hbm4b:s0+s3] =	stream.linear.scatter [tilespmem:s22], [sflag:$0x3], $0x80, $0x38;
	[tilespmem:$0x14F80] =	vst v63  }
0x282: {  	p0 =	sne.s32 s9, $0x80;
	_ =	swait.ge [sflag:s23], $0x300  }
.Ltmp3:
0x283: {  	[sflag:s23] =	ssyncset.done $0x0;
	(pc) =	sbr.rel @p0 .LBB2_4-.Ltmp3, $4  }
0x284: {  	[sflag:s23] =	ssyncadd.s32 $0xFFFFFD00  }
0x285: {  	_ =	swait.ge [sflag:s23], $0x300  }
0x286: {  	[sflag:s23] =	ssyncset.done $0x0  }
0x287: {  	[sflag:s23] =	ssyncadd.s32 $0xFFFFFD00  }
0x288: {  	s4 =	rddreg [dreg:$0x8]  }
0x289: {  	s0 =	rddreg [dreg:$0x7];
	s4 =	sadd.s32 $0x1, s4  }
0x28a: {  	p0 =	sne.s32 s4, s0  }
.Ltmp4:
0x28b: {  	_ = 	snop;
	(pc) =	sbr.rel @p0 .LBB2_1-.Ltmp4, $2  }
0x28c: {  	_ =	sdelay $0x2  }
0x28d: {  	s7 =	simm.s32 $0x4  }
0x28e: {  	_ =	sfence.sel $0x180000  }
0x28f: {  	[bflag:$0x0] =	sbarrier.arrive $0xFFFF  }
0x290: {  	_ =	strace $0x90000047  }
0x291: {  	s0 =	stileid.u32;
	[bflag:$0x2] =	sbarrier.arrive $0xFFFF  }
0x292: {  	p0 =	sne.s32 s0, $0x0;
	s0 =	rddreg [dreg:$0x2]  }
0x293: {  	s0 =	sadd.s32 @!p0 $0x100000, s0  }
0x294: {  	[sflag:s0] =	ssyncadd.tile.s32 @!p0 $0x1;
	_ =	shalt  }
.Lfunc_end2:
_tile_overlayer_lowered:
.L_overlay_start_2:
0x295: {  	(tag) =	ssettag $0x2  }
0x296: {  	s0 =	rddreg [dreg:$0x0];
	s2 =	stileid.u32  }
0x297: {  	s1 =	rddreg [dreg:$0x1];
	p0 =	sne.s32 s2, $0x0  }
0x298: {  	s3 =	rddreg [dreg:$0x2];
	[bflag:$0x3] =	sbarrier.arrive $0xFFFF;
	s2 =	simm.s32 @!p0 $0x1C04  }
0x299: {  	[timem:s3], [sflag:s2] =	dma.local @!p0 [hbm:s0], s1  }
0x29a: {  	s0 =	simm.s32 @!p0 $0x4  }
0x29b: {  	_ =	swait.ge @!p0 [sflag:s0], s1  }
0x29c: {  	s1 =	ssub.s32 @!p0 $0x0, s1;
	[sflag:s0] =	ssyncset.done @!p0 $0x0  }
0x29d: {  	[sflag:s0] =	ssyncadd.s32 @!p0 s1  }
0x29e: {  	[bflag:$0x3] =	sbarrier.arrive $0xFFFF  }
0x29f: {  	_ =	shalt  }

</sc_bundles>
